<compile_context>
chip_gen: v7x
topology: tpu7x:2x2x1
jax: 0.10.2.dev20260603
libtpu: 0.0.44.dev20260713+nightly
codegen_flags: <defaults>
</compile_context>

<pallas_src>
import functools

import jax
import jax.numpy as jnp
from jax import lax
from jax.experimental import pallas as pl
from jax.experimental.pallas import tpu as pltpu
from jax.experimental.pallas import tpu_sc as plsc

NC = 2
NS = 16
L = 16
NW = NC * NS

BATCH = 4096
SEQ = 200
VOCAB = 1000000
FEAT = 64
N = BATCH * SEQ
R_PER_W = N // NW
U = 128
UNITS = R_PER_W // U
NPAIR = UNITS // 2
IDX_BLK = 8
U_PER_BLK = IDX_BLK * 128 // U
PREP_BLK = 16384


def _prep_body(x_ref, o_ref):
    eye = jnp.eye(FEAT, dtype=jnp.float32)
    o_ref[:, :FEAT] = jax.lax.dot_general(
        x_ref[...], eye, (((0,), (0,)), ((), ())),
        preferred_element_type=jnp.float32)


def _prep(tabt):
    return pl.pallas_call(
        _prep_body,
        grid=(pl.cdiv(VOCAB, PREP_BLK),),
        in_specs=[pl.BlockSpec((FEAT, PREP_BLK), lambda i: (0, i))],
        out_specs=pl.BlockSpec((PREP_BLK, 128), lambda i: (i, 0)),
        out_shape=jax.ShapeDtypeStruct((VOCAB, 128), jnp.float32),
    )(tabt)


def _body(tab, toks, pos, out, idx_v, pos_v, g0, g1, o0, o1,
          gs0, gs1, ws0, ws1):
    wid = lax.axis_index("s") * NC + lax.axis_index("c")
    row0 = pl.multiple_of(wid * R_PER_W, R_PER_W)
    pltpu.sync_copy(pos, pos_v)

    def stage_idx(blk):
        off = pl.multiple_of(row0 // 128 + blk * IDX_BLK, 8)
        pltpu.sync_copy(toks.at[pl.ds(off, IDX_BLK)], idx_v.at[lax.rem(blk, 2)])

    def _idx_row(u):
        return idx_v.at[lax.rem(u // U_PER_BLK, 2), lax.rem(u, IDX_BLK)]

    def issue_gather(u, buf, sem):
        pltpu.async_copy(tab.at[_idx_row(u)], buf, sem)

    def wait_gather(u, buf, sem):
        pltpu.make_async_copy(tab.at[_idx_row(u)], buf, sem).wait()

    def issue_write(u, buf, sem):
        pltpu.async_copy(buf, out.at[pl.ds(row0 + u * U, U)], sem)

    def wait_write(buf, sem):
        pltpu.make_async_copy(buf, out.at[pl.ds(row0, U)], sem).wait()

    def add_pos(u, gbuf, obuf):
        def row(r, p):
            for j in range(FEAT // L):
                sl = pl.ds(j * L, L)
                obuf[r, sl] = gbuf[r, sl] + pos_v[p, sl]
            return lax.select(p + 1 == SEQ, 0, p + 1)
        lax.fori_loop(0, U, row, lax.rem(u * U, SEQ), unroll=8)

    stage_idx(0)
    issue_gather(0, g0, gs0)

    def step(i, _):
        a = 2 * i
        issue_gather(a + 1, g1, gs1)
        wait_gather(a, g0, gs0)

        @pl.when(i > 0)
        def _w0():
            wait_write(o0, ws0)

        add_pos(a, g0, o0)

        @pl.when(lax.rem(a + 2, U_PER_BLK) == 0)
        def _stage():
            stage_idx((a + 2) // U_PER_BLK)

        issue_gather(a + 2, g0, gs0)
        issue_write(a, o0, ws0)
        wait_gather(a + 1, g1, gs1)

        @pl.when(i > 0)
        def _w1():
            wait_write(o1, ws1)

        add_pos(a + 1, g1, o1)
        issue_write(a + 1, o1, ws1)
        return _

    lax.fori_loop(0, NPAIR - 1, step, 0, unroll=False)
    a = 2 * (NPAIR - 1)
    issue_gather(a + 1, g1, gs1)
    wait_gather(a, g0, gs0)
    wait_write(o0, ws0)
    add_pos(a, g0, o0)
    issue_write(a, o0, ws0)
    wait_gather(a + 1, g1, gs1)
    wait_write(o1, ws1)
    add_pos(a + 1, g1, o1)
    issue_write(a + 1, o1, ws1)
    wait_write(o0, ws0)
    wait_write(o1, ws1)


@jax.jit
def _encode(tab128, toks2d, pos2d):
    kern = functools.partial(
        pl.kernel,
        out_type=jax.ShapeDtypeStruct((N, 128), jnp.float32),
        mesh=plsc.VectorSubcoreMesh(core_axis_name="c", subcore_axis_name="s"),
        scratch_types=[
            pltpu.VMEM((2, IDX_BLK, 128), jnp.int32),
            pltpu.VMEM((SEQ, FEAT), jnp.float32),
            pltpu.VMEM((U, 128), jnp.float32),
            pltpu.VMEM((U, 128), jnp.float32),
            pltpu.VMEM((U, 128), jnp.float32),
            pltpu.VMEM((U, 128), jnp.float32),
            pltpu.SemaphoreType.DMA,
            pltpu.SemaphoreType.DMA,
            pltpu.SemaphoreType.DMA,
            pltpu.SemaphoreType.DMA,
        ],
        compiler_params=pltpu.CompilerParams(use_tc_tiling_on_sc=True),
    )(_body)
    return kern(tab128, toks2d, pos2d)


def kernel(tokens, embed_table, pos_embedding):
    tab128 = _prep(embed_table.T)
    toks2d = tokens.astype(jnp.int32).reshape(N // 128, 128)
    out128 = _encode(tab128, toks2d, pos_embedding[0, :SEQ])
    return out128.reshape(BATCH, SEQ, 128)[:, :, :FEAT]

# --- scband reference (transcript-rebuilt; emitter-appended) ---
"""Pipeline reference for scband-token-encoder-21208548508033 (READ-ONLY COPY).

The authoritative reference and input builder live on the scoring server;
editing this copy changes nothing except your own understanding.
"""

import jax, jax.numpy as jnp
import numpy as np

BATCH = 4096
SEQ_LEN = 200
VOCAB = 1000000
FEATURES = 64
MAX_LEN = 256


def setup_inputs(seed: int = 0) -> dict:
    key = jax.random.key(seed)
    k1, k2, k3 = jax.random.split(key, 3)
    tokens = jax.random.randint(k1, (BATCH, SEQ_LEN), 0, VOCAB, dtype=jnp.int32)
    # nn.Embed with normal(stddev=1.0) init
    embed_table = jax.random.normal(k2, (VOCAB, FEATURES), dtype=jnp.float32)
    # AddPositionEmbs learned positional embedding [1, max_len, features]
    pos_embedding = jax.random.normal(k3, (1, MAX_LEN, FEATURES), dtype=jnp.float32) * 0.02
    return {"tokens": tokens, "embed_table": embed_table, "pos_embedding": pos_embedding}


def reference(tokens, embed_table, pos_embedding):
    # x = tokens.astype('int32'); x = self.embed(x)
    x = tokens.astype(jnp.int32)
    x = jnp.take(embed_table, x, axis=0)  # [B, L, F]
    # AddPositionEmbs (decode=False): add learned pos embeds sliced to seq len
    L = x.shape[1]
    x = x + pos_embedding[:, :L, :]
    return x

if __name__ == "__main__":
    import jax
    _d = setup_inputs()
    print(jax.jit(kernel)(*tuple(_d.values())))

</pallas_src>

<mosaic_0001>
#map = affine_map<(d0, d1) -> (0, 0)>
module attributes {stable_mosaic.version = 14 : i64} {
  func.func @_body(%arg0: i32, %arg1: i32, %arg2: memref<1000000x128xf32, #tpu.memory_space<hbm>>, %arg3: memref<6400x128xi32, #tpu.memory_space<hbm>>, %arg4: memref<200x64xf32, #tpu.memory_space<hbm>>, %arg5: memref<819200x128xf32, #tpu.memory_space<hbm>>, %arg6: memref<2x8x128xi32, #tpu.memory_space<vmem>>, %arg7: memref<200x64xf32, #tpu.memory_space<vmem>>, %arg8: memref<128x128xf32, #tpu.memory_space<vmem>>, %arg9: memref<128x128xf32, #tpu.memory_space<vmem>>, %arg10: memref<128x128xf32, #tpu.memory_space<vmem>>, %arg11: memref<128x128xf32, #tpu.memory_space<vmem>>, %arg12: memref<!tpu.dma_semaphore, #tpu.memory_space<semaphore_mem>>, %arg13: memref<!tpu.dma_semaphore, #tpu.memory_space<semaphore_mem>>, %arg14: memref<!tpu.dma_semaphore, #tpu.memory_space<semaphore_mem>>, %arg15: memref<!tpu.dma_semaphore, #tpu.memory_space<semaphore_mem>>) attributes {dimension_semantics = [#tpu.dimension_semantics<core_parallel>, #tpu.dimension_semantics<subcore_parallel>], iteration_bounds = array<i64: 2, 16>, scalar_prefetch = 0 : i64, scratch_operands = 10 : i64, tpu.core_type = #tpu.core_type<sc_vector_subcore>, window_params = [{transform_indices = #map}, {transform_indices = #map}, {transform_indices = #map}, {transform_indices = #map}]} {
    %mul3A = arith.constant 2 : i32
    %mul3A_0 = arith.muli %arg1, %mul3A : i32
    %add3A = arith.addi %mul3A_0, %arg0 : i32
    %mul3A_1 = arith.constant 25600 : i32
    %mul3A_2 = arith.muli %add3A, %mul3A_1 : i32
    %multiple_of3A = tpu.assume_multiple %mul3A_2, 25600 : i32
    "tpu.region"() ({
      %run_scoped3A = tpu.sem_alloc : memref<!tpu.dma_semaphore, #tpu.memory_space<semaphore_mem>>
      tpu.enqueue_dma source(%arg4 : memref<200x64xf32, #tpu.memory_space<hbm>>) target(%arg7 : memref<200x64xf32, #tpu.memory_space<vmem>>) target_semaphore(%run_scoped3A : memref<!tpu.dma_semaphore, #tpu.memory_space<semaphore_mem>>)
      tpu.wait_dma2 semaphore(%run_scoped3A : memref<!tpu.dma_semaphore, #tpu.memory_space<semaphore_mem>>) src(%arg4 : memref<200x64xf32, #tpu.memory_space<hbm>>) dst(%arg7 : memref<200x64xf32, #tpu.memory_space<vmem>>)
      tpu.yield
    }) : () -> ()
    %jit3A = arith.constant 128 : i32
    %div3A = arith.divsi %multiple_of3A, %jit3A : i32
    %sign3A = arith.constant 0 : i32
    %sign3A_3 = arith.cmpi sgt, %multiple_of3A, %sign3A : i32
    %sign3A_4 = arith.extui %sign3A_3 : i1 to i32
    %sign3A_5 = arith.constant 0 : i32
    %sign3A_6 = arith.cmpi slt, %multiple_of3A, %sign3A_5 : i32
    %sign3A_7 = arith.extui %sign3A_6 : i1 to i32
    %sign3A_8 = arith.subi %sign3A_4, %sign3A_7 : i32
    %sign3A_9 = arith.constant 0 : i32
    %sign3A_10 = arith.cmpi sgt, %jit3A, %sign3A_9 : i32
    %sign3A_11 = arith.extui %sign3A_10 : i1 to i32
    %sign3A_12 = arith.constant 0 : i32
    %sign3A_13 = arith.cmpi slt, %jit3A, %sign3A_12 : i32
    %sign3A_14 = arith.extui %sign3A_13 : i1 to i32
    %sign3A_15 = arith.subi %sign3A_11, %sign3A_14 : i32
    %ne3A = arith.cmpi ne, %sign3A_8, %sign3A_15 : i32
    %rem3A = arith.remsi %multiple_of3A, %jit3A : i32
    %ne3A_16 = arith.constant 0 : i32
    %ne3A_17 = arith.cmpi ne, %rem3A, %ne3A_16 : i32
    %and3A = arith.andi %ne3A, %ne3A_17 : i1
    %sub3A = arith.constant 1 : i32
    %sub3A_18 = arith.subi %div3A, %sub3A : i32
    %select_n3A = arith.select %and3A, %sub3A_18, %div3A : i32
    %add3A_19 = arith.constant 0 : i32
    %add3A_20 = arith.addi %select_n3A, %add3A_19 : i32
    %multiple_of3A_21 = tpu.assume_multiple %add3A_20, 8 : i32
    %rem3A_22 = arith.constant 0 : i32
    %rem3A_23 = arith.constant 2 : i32
    %rem3A_24 = arith.remsi %rem3A_22, %rem3A_23 : i32
    "tpu.region"() ({
      %run_scoped3A = tpu.sem_alloc : memref<!tpu.dma_semaphore, #tpu.memory_space<semaphore_mem>>
      %dma_start3A_122 = arith.constant 0 : i32
      %dma_start3A_123 = arith.constant 0 : i32
      %dma_start3A_124 = tpu.memref_slice %arg6[%rem3A_24, %dma_start3A_122, %dma_start3A_123] : memref<2x8x128xi32, #tpu.memory_space<vmem>> -> memref<1x8x128xi32, #tpu.memory_space<vmem>>
      %dma_start3A_125 = tpu.memref_squeeze %dma_start3A_124 : memref<1x8x128xi32, #tpu.memory_space<vmem>> -> memref<8x128xi32, #tpu.memory_space<vmem>>
      %dma_start3A_126 = arith.constant 0 : i32
      %dma_start3A_127 = tpu.memref_slice %arg3[%multiple_of3A_21, %dma_start3A_126] : memref<6400x128xi32, #tpu.memory_space<hbm>> -> memref<8x128xi32, #tpu.memory_space<hbm>>
      %dma_start3A_128 = arith.constant 0 : i32
      %dma_start3A_129 = arith.constant 0 : i32
      %dma_start3A_130 = tpu.memref_slice %arg6[%rem3A_24, %dma_start3A_128, %dma_start3A_129] : memref<2x8x128xi32, #tpu.memory_space<vmem>> -> memref<1x8x128xi32, #tpu.memory_space<vmem>>
      %dma_start3A_131 = tpu.memref_squeeze %dma_start3A_130 : memref<1x8x128xi32, #tpu.memory_space<vmem>> -> memref<8x128xi32, #tpu.memory_space<vmem>>
      %dma_start3A_132 = arith.constant 0 : i32
      %dma_start3A_133 = tpu.memref_slice %arg3[%multiple_of3A_21, %dma_start3A_132] : memref<6400x128xi32, #tpu.memory_space<hbm>> -> memref<8x128xi32, #tpu.memory_space<hbm>>
      tpu.enqueue_dma source(%dma_start3A_133 : memref<8x128xi32, #tpu.memory_space<hbm>>) target(%dma_start3A_131 : memref<8x128xi32, #tpu.memory_space<vmem>>) target_semaphore(%run_scoped3A : memref<!tpu.dma_semaphore, #tpu.memory_space<semaphore_mem>>)
      %dma_wait3A_134 = arith.constant 0 : i32
      %dma_wait3A_135 = arith.constant 0 : i32
      %dma_wait3A_136 = tpu.memref_slice %arg6[%rem3A_24, %dma_wait3A_134, %dma_wait3A_135] : memref<2x8x128xi32, #tpu.memory_space<vmem>> -> memref<1x8x128xi32, #tpu.memory_space<vmem>>
      %dma_wait3A_137 = tpu.memref_squeeze %dma_wait3A_136 : memref<1x8x128xi32, #tpu.memory_space<vmem>> -> memref<8x128xi32, #tpu.memory_space<vmem>>
      %dma_wait3A_138 = arith.constant 0 : i32
      %dma_wait3A_139 = tpu.memref_slice %arg3[%multiple_of3A_21, %dma_wait3A_138] : memref<6400x128xi32, #tpu.memory_space<hbm>> -> memref<8x128xi32, #tpu.memory_space<hbm>>
      %dma_wait3A_140 = arith.constant 0 : i32
      %dma_wait3A_141 = arith.constant 0 : i32
      %dma_wait3A_142 = tpu.memref_slice %arg6[%rem3A_24, %dma_wait3A_140, %dma_wait3A_141] : memref<2x8x128xi32, #tpu.memory_space<vmem>> -> memref<1x8x128xi32, #tpu.memory_space<vmem>>
      %dma_wait3A_143 = tpu.memref_squeeze %dma_wait3A_142 : memref<1x8x128xi32, #tpu.memory_space<vmem>> -> memref<8x128xi32, #tpu.memory_space<vmem>>
      %dma_wait3A_144 = arith.constant 0 : i32
      %dma_wait3A_145 = tpu.memref_slice %arg3[%multiple_of3A_21, %dma_wait3A_144] : memref<6400x128xi32, #tpu.memory_space<hbm>> -> memref<8x128xi32, #tpu.memory_space<hbm>>
      tpu.wait_dma2 semaphore(%run_scoped3A : memref<!tpu.dma_semaphore, #tpu.memory_space<semaphore_mem>>) src(%dma_wait3A_145 : memref<8x128xi32, #tpu.memory_space<hbm>>) dst(%dma_wait3A_143 : memref<8x128xi32, #tpu.memory_space<vmem>>)
      tpu.yield
    }) : () -> ()
    %rem3A_25 = arith.constant 0 : i32
    %rem3A_26 = arith.constant 2 : i32
    %rem3A_27 = arith.remsi %rem3A_25, %rem3A_26 : i32
    %rem3A_28 = arith.constant 0 : i32
    %rem3A_29 = arith.constant 8 : i32
    %rem3A_30 = arith.remsi %rem3A_28, %rem3A_29 : i32
    %dma_start3A = arith.constant 0 : i32
    %dma_start3A_31 = tpu.memref_slice %arg6[%rem3A_27, %rem3A_30, %dma_start3A] : memref<2x8x128xi32, #tpu.memory_space<vmem>> -> memref<1x1x128xi32, #tpu.memory_space<vmem>>
    %dma_start3A_32 = tpu.memref_squeeze %dma_start3A_31 : memref<1x1x128xi32, #tpu.memory_space<vmem>> -> memref<128xi32, #tpu.memory_space<vmem>>
    %dma_start3A_33 = arith.constant 0 : i32
    %dma_start3A_34 = arith.constant 0 : i32
    %dma_start3A_35 = tpu.memref_slice %arg2[%dma_start3A_33, %dma_start3A_34] : memref<1000000x128xf32, #tpu.memory_space<hbm>> -> memref<1000000x128xf32, #tpu.memory_space<hbm>>
    tpu.enqueue_indirect_dma source(%dma_start3A_35 : memref<1000000x128xf32, #tpu.memory_space<hbm>>) target(%arg8 : memref<128x128xf32, #tpu.memory_space<vmem>>) offsets(%dma_start3A_32 : memref<128xi32, #tpu.memory_space<vmem>>) semaphore(%arg12 : memref<!tpu.dma_semaphore, #tpu.memory_space<semaphore_mem>>)
    %scan3A = arith.constant 0 : i32
    %scan3A_36 = arith.constant 0 : i32
    %scan3A_37 = arith.constant 99 : i32
    %scan3A_38 = arith.addi %scan3A_36, %scan3A_37 : i32
    %scan3A_39 = arith.constant 1 : i32
    scf.for %scan3A_122 = %scan3A_36 to %scan3A_38 step %scan3A_39  : i32 {
      %mul3A_123 = arith.constant 2 : i32
      %mul3A_124 = arith.muli %mul3A_123, %scan3A_122 : i32
      %add3A_125 = arith.constant 1 : i32
      %add3A_126 = arith.addi %mul3A_124, %add3A_125 : i32
      %jit3A_127 = arith.constant 8 : i32
      %div3A_128 = arith.divsi %add3A_126, %jit3A_127 : i32
      %sign3A_129 = arith.constant 0 : i32
      %sign3A_130 = arith.cmpi sgt, %add3A_126, %sign3A_129 : i32
      %sign3A_131 = arith.extui %sign3A_130 : i1 to i32
      %sign3A_132 = arith.constant 0 : i32
      %sign3A_133 = arith.cmpi slt, %add3A_126, %sign3A_132 : i32
      %sign3A_134 = arith.extui %sign3A_133 : i1 to i32
      %sign3A_135 = arith.subi %sign3A_131, %sign3A_134 : i32
      %sign3A_136 = arith.constant 0 : i32
      %sign3A_137 = arith.cmpi sgt, %jit3A_127, %sign3A_136 : i32
      %sign3A_138 = arith.extui %sign3A_137 : i1 to i32
      %sign3A_139 = arith.constant 0 : i32
      %sign3A_140 = arith.cmpi slt, %jit3A_127, %sign3A_139 : i32
      %sign3A_141 = arith.extui %sign3A_140 : i1 to i32
      %sign3A_142 = arith.subi %sign3A_138, %sign3A_141 : i32
      %ne3A_143 = arith.cmpi ne, %sign3A_135, %sign3A_142 : i32
      %rem3A_144 = arith.remsi %add3A_126, %jit3A_127 : i32
      %ne3A_145 = arith.constant 0 : i32
      %ne3A_146 = arith.cmpi ne, %rem3A_144, %ne3A_145 : i32
      %and3A_147 = arith.andi %ne3A_143, %ne3A_146 : i1
      %sub3A_148 = arith.constant 1 : i32
      %sub3A_149 = arith.subi %div3A_128, %sub3A_148 : i32
      %select_n3A_150 = arith.select %and3A_147, %sub3A_149, %div3A_128 : i32
      %rem3A_151 = arith.constant 2 : i32
      %rem3A_152 = arith.remsi %select_n3A_150, %rem3A_151 : i32
      %rem3A_153 = arith.constant 8 : i32
      %rem3A_154 = arith.remsi %add3A_126, %rem3A_153 : i32
      %dma_start3A_155 = arith.constant 0 : i32
      %dma_start3A_156 = tpu.memref_slice %arg6[%rem3A_152, %rem3A_154, %dma_start3A_155] : memref<2x8x128xi32, #tpu.memory_space<vmem>> -> memref<1x1x128xi32, #tpu.memory_space<vmem>>
      %dma_start3A_157 = tpu.memref_squeeze %dma_start3A_156 : memref<1x1x128xi32, #tpu.memory_space<vmem>> -> memref<128xi32, #tpu.memory_space<vmem>>
      %dma_start3A_158 = arith.constant 0 : i32
      %dma_start3A_159 = arith.constant 0 : i32
      %dma_start3A_160 = tpu.memref_slice %arg2[%dma_start3A_158, %dma_start3A_159] : memref<1000000x128xf32, #tpu.memory_space<hbm>> -> memref<1000000x128xf32, #tpu.memory_space<hbm>>
      tpu.enqueue_indirect_dma source(%dma_start3A_160 : memref<1000000x128xf32, #tpu.memory_space<hbm>>) target(%arg9 : memref<128x128xf32, #tpu.memory_space<vmem>>) offsets(%dma_start3A_157 : memref<128xi32, #tpu.memory_space<vmem>>) semaphore(%arg13 : memref<!tpu.dma_semaphore, #tpu.memory_space<semaphore_mem>>)
      %jit3A_161 = arith.constant 8 : i32
      %div3A_162 = arith.divsi %mul3A_124, %jit3A_161 : i32
      %sign3A_163 = arith.constant 0 : i32
      %sign3A_164 = arith.cmpi sgt, %mul3A_124, %sign3A_163 : i32
      %sign3A_165 = arith.extui %sign3A_164 : i1 to i32
      %sign3A_166 = arith.constant 0 : i32
      %sign3A_167 = arith.cmpi slt, %mul3A_124, %sign3A_166 : i32
      %sign3A_168 = arith.extui %sign3A_167 : i1 to i32
      %sign3A_169 = arith.subi %sign3A_165, %sign3A_168 : i32
      %sign3A_170 = arith.constant 0 : i32
      %sign3A_171 = arith.cmpi sgt, %jit3A_161, %sign3A_170 : i32
      %sign3A_172 = arith.extui %sign3A_171 : i1 to i32
      %sign3A_173 = arith.constant 0 : i32
      %sign3A_174 = arith.cmpi slt, %jit3A_161, %sign3A_173 : i32
      %sign3A_175 = arith.extui %sign3A_174 : i1 to i32
      %sign3A_176 = arith.subi %sign3A_172, %sign3A_175 : i32
      %ne3A_177 = arith.cmpi ne, %sign3A_169, %sign3A_176 : i32
      %rem3A_178 = arith.remsi %mul3A_124, %jit3A_161 : i32
      %ne3A_179 = arith.constant 0 : i32
      %ne3A_180 = arith.cmpi ne, %rem3A_178, %ne3A_179 : i32
      %and3A_181 = arith.andi %ne3A_177, %ne3A_180 : i1
      %sub3A_182 = arith.constant 1 : i32
      %sub3A_183 = arith.subi %div3A_162, %sub3A_182 : i32
      %select_n3A_184 = arith.select %and3A_181, %sub3A_183, %div3A_162 : i32
      %rem3A_185 = arith.constant 2 : i32
      %rem3A_186 = arith.remsi %select_n3A_184, %rem3A_185 : i32
      %rem3A_187 = arith.constant 8 : i32
      %rem3A_188 = arith.remsi %mul3A_124, %rem3A_187 : i32
      %dma_wait3A_189 = arith.constant 0 : i32
      %dma_wait3A_190 = tpu.memref_slice %arg6[%rem3A_186, %rem3A_188, %dma_wait3A_189] : memref<2x8x128xi32, #tpu.memory_space<vmem>> -> memref<1x1x128xi32, #tpu.memory_space<vmem>>
      %dma_wait3A_191 = tpu.memref_squeeze %dma_wait3A_190 : memref<1x1x128xi32, #tpu.memory_space<vmem>> -> memref<128xi32, #tpu.memory_space<vmem>>
      %dma_wait3A_192 = arith.constant 0 : i32
      %dma_wait3A_193 = arith.constant 0 : i32
      %dma_wait3A_194 = tpu.memref_slice %arg2[%dma_wait3A_192, %dma_wait3A_193] : memref<1000000x128xf32, #tpu.memory_space<hbm>> -> memref<1000000x128xf32, #tpu.memory_space<hbm>>
      tpu.wait_indirect_dma semaphore(%arg12 : memref<!tpu.dma_semaphore, #tpu.memory_space<semaphore_mem>>) src(%dma_wait3A_194 : memref<1000000x128xf32, #tpu.memory_space<hbm>>) dst(%arg8 : memref<128x128xf32, #tpu.memory_space<vmem>>)
      %gt3A = arith.constant 0 : i32
      %gt3A_195 = arith.cmpi sgt, %scan3A_122, %gt3A : i32
      %convert_element_type3A = arith.extui %gt3A_195 : i1 to i32
      %cond3A = arith.constant 0 : i32
      %cond3A_196 = arith.cmpi ne, %convert_element_type3A, %cond3A : i32
      scf.if %cond3A_196 {
        %dma_wait3A_320 = arith.constant 0 : i32
        %dma_wait3A_321 = tpu.memref_slice %arg5[%multiple_of3A, %dma_wait3A_320] : memref<819200x128xf32, #tpu.memory_space<hbm>> -> memref<128x128xf32, #tpu.memory_space<hbm>>
        %dma_wait3A_322 = arith.constant 0 : i32
        %dma_wait3A_323 = tpu.memref_slice %arg5[%multiple_of3A, %dma_wait3A_322] : memref<819200x128xf32, #tpu.memory_space<hbm>> -> memref<128x128xf32, #tpu.memory_space<hbm>>
        tpu.wait_dma2 semaphore(%arg14 : memref<!tpu.dma_semaphore, #tpu.memory_space<semaphore_mem>>) src(%arg10 : memref<128x128xf32, #tpu.memory_space<vmem>>) dst(%dma_wait3A_323 : memref<128x128xf32, #tpu.memory_space<hbm>>)
      } else {
      }
      %mul3A_197 = arith.constant 128 : i32
      %mul3A_198 = arith.muli %mul3A_124, %mul3A_197 : i32
      %rem3A_199 = arith.constant 200 : i32
      %rem3A_200 = arith.remsi %mul3A_198, %rem3A_199 : i32
      %scan3A_201 = arith.constant 0 : i32
      %scan3A_202 = arith.constant 128 : i32
      %scan3A_203 = arith.addi %scan3A_201, %scan3A_202 : i32
      %scan3A_204 = arith.constant 8 : i32
      %scan3A_205 = scf.for %scan3A_320 = %scan3A_201 to %scan3A_203 step %scan3A_204 iter_args(%scan3A_321 = %rem3A_200) -> (i32)  : i32 {
        %get3A = arith.index_cast %scan3A_320 : i32 to index
        %get3A_322 = arith.constant 0 : index
        %get3A_323 = tpu.vector_load %arg8[%get3A, %get3A_322] {strides = array<i32>} : memref<128x128xf32, #tpu.memory_space<vmem>>, vector<1x16xf32>,
        %get3A_324 = vector.shape_cast %get3A_323 : vector<1x16xf32> to vector<16xf32>
        %get3A_325 = arith.index_cast %scan3A_321 : i32 to index
        %get3A_326 = arith.constant 0 : index
        %get3A_327 = tpu.vector_load %arg7[%get3A_325, %get3A_326] {strides = array<i32>} : memref<200x64xf32, #tpu.memory_space<vmem>>, vector<1x16xf32>,
        %get3A_328 = vector.shape_cast %get3A_327 : vector<1x16xf32> to vector<16xf32>
        %add3A_329 = arith.addf %get3A_324, %get3A_328 : vector<16xf32>
        %swap3A = arith.index_cast %scan3A_320 : i32 to index
        %swap3A_330 = arith.constant 0 : index
        %swap3A_331 = tpu.vector_load %arg10[%swap3A, %swap3A_330] {strides = array<i32>} : memref<128x128xf32, #tpu.memory_space<vmem>>, vector<1x16xf32>,
        %swap3A_332 = vector.shape_cast %swap3A_331 : vector<1x16xf32> to vector<16xf32>
        %swap3A_333 = vector.shape_cast %add3A_329 : vector<16xf32> to vector<1x16xf32>
        tpu.vector_store %arg10[%swap3A, %swap3A_330], %swap3A_333 {strides = array<i32>} : memref<128x128xf32, #tpu.memory_space<vmem>>, vector<1x16xf32>,
        %get3A_334 = arith.index_cast %scan3A_320 : i32 to index
        %get3A_335 = arith.constant 16 : index
        %get3A_336 = tpu.vector_load %arg8[%get3A_334, %get3A_335] {strides = array<i32>} : memref<128x128xf32, #tpu.memory_space<vmem>>, vector<1x16xf32>,
        %get3A_337 = vector.shape_cast %get3A_336 : vector<1x16xf32> to vector<16xf32>
        %get3A_338 = arith.index_cast %scan3A_321 : i32 to index
        %get3A_339 = arith.constant 16 : index
        %get3A_340 = tpu.vector_load %arg7[%get3A_338, %get3A_339] {strides = array<i32>} : memref<200x64xf32, #tpu.memory_space<vmem>>, vector<1x16xf32>,
        %get3A_341 = vector.shape_cast %get3A_340 : vector<1x16xf32> to vector<16xf32>
        %add3A_342 = arith.addf %get3A_337, %get3A_341 : vector<16xf32>
        %swap3A_343 = arith.index_cast %scan3A_320 : i32 to index
        %swap3A_344 = arith.constant 16 : index
        %swap3A_345 = tpu.vector_load %arg10[%swap3A_343, %swap3A_344] {strides = array<i32>} : memref<128x128xf32, #tpu.memory_space<vmem>>, vector<1x16xf32>,
        %swap3A_346 = vector.shape_cast %swap3A_345 : vector<1x16xf32> to vector<16xf32>
        %swap3A_347 = vector.shape_cast %add3A_342 : vector<16xf32> to vector<1x16xf32>
        tpu.vector_store %arg10[%swap3A_343, %swap3A_344], %swap3A_347 {strides = array<i32>} : memref<128x128xf32, #tpu.memory_space<vmem>>, vector<1x16xf32>,
        %get3A_348 = arith.index_cast %scan3A_320 : i32 to index
        %get3A_349 = arith.constant 32 : index
        %get3A_350 = tpu.vector_load %arg8[%get3A_348, %get3A_349] {strides = array<i32>} : memref<128x128xf32, #tpu.memory_space<vmem>>, vector<1x16xf32>,
        %get3A_351 = vector.shape_cast %get3A_350 : vector<1x16xf32> to vector<16xf32>
        %get3A_352 = arith.index_cast %scan3A_321 : i32 to index
        %get3A_353 = arith.constant 32 : index
        %get3A_354 = tpu.vector_load %arg7[%get3A_352, %get3A_353] {strides = array<i32>} : memref<200x64xf32, #tpu.memory_space<vmem>>, vector<1x16xf32>,
        %get3A_355 = vector.shape_cast %get3A_354 : vector<1x16xf32> to vector<16xf32>
        %add3A_356 = arith.addf %get3A_351, %get3A_355 : vector<16xf32>
        %swap3A_357 = arith.index_cast %scan3A_320 : i32 to index
        %swap3A_358 = arith.constant 32 : index
        %swap3A_359 = tpu.vector_load %arg10[%swap3A_357, %swap3A_358] {strides = array<i32>} : memref<128x128xf32, #tpu.memory_space<vmem>>, vector<1x16xf32>,
        %swap3A_360 = vector.shape_cast %swap3A_359 : vector<1x16xf32> to vector<16xf32>
        %swap3A_361 = vector.shape_cast %add3A_356 : vector<16xf32> to vector<1x16xf32>
        tpu.vector_store %arg10[%swap3A_357, %swap3A_358], %swap3A_361 {strides = array<i32>} : memref<128x128xf32, #tpu.memory_space<vmem>>, vector<1x16xf32>,
        %get3A_362 = arith.index_cast %scan3A_320 : i32 to index
        %get3A_363 = arith.constant 48 : index
        %get3A_364 = tpu.vector_load %arg8[%get3A_362, %get3A_363] {strides = array<i32>} : memref<128x128xf32, #tpu.memory_space<vmem>>, vector<1x16xf32>,
        %get3A_365 = vector.shape_cast %get3A_364 : vector<1x16xf32> to vector<16xf32>
        %get3A_366 = arith.index_cast %scan3A_321 : i32 to index
        %get3A_367 = arith.constant 48 : index
        %get3A_368 = tpu.vector_load %arg7[%get3A_366, %get3A_367] {strides = array<i32>} : memref<200x64xf32, #tpu.memory_space<vmem>>, vector<1x16xf32>,
        %get3A_369 = vector.shape_cast %get3A_368 : vector<1x16xf32> to vector<16xf32>
        %add3A_370 = arith.addf %get3A_365, %get3A_369 : vector<16xf32>
        %swap3A_371 = arith.index_cast %scan3A_320 : i32 to index
        %swap3A_372 = arith.constant 48 : index
        %swap3A_373 = tpu.vector_load %arg10[%swap3A_371, %swap3A_372] {strides = array<i32>} : memref<128x128xf32, #tpu.memory_space<vmem>>, vector<1x16xf32>,
        %swap3A_374 = vector.shape_cast %swap3A_373 : vector<1x16xf32> to vector<16xf32>
        %swap3A_375 = vector.shape_cast %add3A_370 : vector<16xf32> to vector<1x16xf32>
        tpu.vector_store %arg10[%swap3A_371, %swap3A_372], %swap3A_375 {strides = array<i32>} : memref<128x128xf32, #tpu.memory_space<vmem>>, vector<1x16xf32>,
        %add3A_376 = arith.constant 1 : i32
        %add3A_377 = arith.addi %scan3A_321, %add3A_376 : i32
        %eq3A_378 = arith.constant 200 : i32
        %eq3A_379 = arith.cmpi eq, %add3A_377, %eq3A_378 : i32
        %add3A_380 = arith.constant 1 : i32
        %add3A_381 = arith.addi %scan3A_321, %add3A_380 : i32
        %select_n3A_382 = arith.constant 0 : i32
        %select_n3A_383 = arith.select %eq3A_379, %select_n3A_382, %add3A_381 : i32
        %scan3A_384 = arith.constant 1 : i32
        %scan3A_385 = arith.addi %scan3A_320, %scan3A_384 : i32
        %get3A_386 = arith.index_cast %scan3A_385 : i32 to index
        %get3A_387 = arith.constant 0 : index
        %get3A_388 = tpu.vector_load %arg8[%get3A_386, %get3A_387] {strides = array<i32>} : memref<128x128xf32, #tpu.memory_space<vmem>>, vector<1x16xf32>,
        %get3A_389 = vector.shape_cast %get3A_388 : vector<1x16xf32> to vector<16xf32>
        %get3A_390 = arith.index_cast %select_n3A_383 : i32 to index
        %get3A_391 = arith.constant 0 : index
        %get3A_392 = tpu.vector_load %arg7[%get3A_390, %get3A_391] {strides = array<i32>} : memref<200x64xf32, #tpu.memory_space<vmem>>, vector<1x16xf32>,
        %get3A_393 = vector.shape_cast %get3A_392 : vector<1x16xf32> to vector<16xf32>
        %add3A_394 = arith.addf %get3A_389, %get3A_393 : vector<16xf32>
        %swap3A_395 = arith.index_cast %scan3A_385 : i32 to index
        %swap3A_396 = arith.constant 0 : index
        %swap3A_397 = tpu.vector_load %arg10[%swap3A_395, %swap3A_396] {strides = array<i32>} : memref<128x128xf32, #tpu.memory_space<vmem>>, vector<1x16xf32>,
        %swap3A_398 = vector.shape_cast %swap3A_397 : vector<1x16xf32> to vector<16xf32>
        %swap3A_399 = vector.shape_cast %add3A_394 : vector<16xf32> to vector<1x16xf32>
        tpu.vector_store %arg10[%swap3A_395, %swap3A_396], %swap3A_399 {strides = array<i32>} : memref<128x128xf32, #tpu.memory_space<vmem>>, vector<1x16xf32>,
        %get3A_400 = arith.index_cast %scan3A_385 : i32 to index
        %get3A_401 = arith.constant 16 : index
        %get3A_402 = tpu.vector_load %arg8[%get3A_400, %get3A_401] {strides = array<i32>} : memref<128x128xf32, #tpu.memory_space<vmem>>, vector<1x16xf32>,
        %get3A_403 = vector.shape_cast %get3A_402 : vector<1x16xf32> to vector<16xf32>
        %get3A_404 = arith.index_cast %select_n3A_383 : i32 to index
        %get3A_405 = arith.constant 16 : index
        %get3A_406 = tpu.vector_load %arg7[%get3A_404, %get3A_405] {strides = array<i32>} : memref<200x64xf32, #tpu.memory_space<vmem>>, vector<1x16xf32>,
        %get3A_407 = vector.shape_cast %get3A_406 : vector<1x16xf32> to vector<16xf32>
        %add3A_408 = arith.addf %get3A_403, %get3A_407 : vector<16xf32>
        %swap3A_409 = arith.index_cast %scan3A_385 : i32 to index
        %swap3A_410 = arith.constant 16 : index
        %swap3A_411 = tpu.vector_load %arg10[%swap3A_409, %swap3A_410] {strides = array<i32>} : memref<128x128xf32, #tpu.memory_space<vmem>>, vector<1x16xf32>,
        %swap3A_412 = vector.shape_cast %swap3A_411 : vector<1x16xf32> to vector<16xf32>
        %swap3A_413 = vector.shape_cast %add3A_408 : vector<16xf32> to vector<1x16xf32>
        tpu.vector_store %arg10[%swap3A_409, %swap3A_410], %swap3A_413 {strides = array<i32>} : memref<128x128xf32, #tpu.memory_space<vmem>>, vector<1x16xf32>,
        %get3A_414 = arith.index_cast %scan3A_385 : i32 to index
        %get3A_415 = arith.constant 32 : index
        %get3A_416 = tpu.vector_load %arg8[%get3A_414, %get3A_415] {strides = array<i32>} : memref<128x128xf32, #tpu.memory_space<vmem>>, vector<1x16xf32>,
        %get3A_417 = vector.shape_cast %get3A_416 : vector<1x16xf32> to vector<16xf32>
        %get3A_418 = arith.index_cast %select_n3A_383 : i32 to index
        %get3A_419 = arith.constant 32 : index
        %get3A_420 = tpu.vector_load %arg7[%get3A_418, %get3A_419] {strides = array<i32>} : memref<200x64xf32, #tpu.memory_space<vmem>>, vector<1x16xf32>,
        %get3A_421 = vector.shape_cast %get3A_420 : vector<1x16xf32> to vector<16xf32>
        %add3A_422 = arith.addf %get3A_417, %get3A_421 : vector<16xf32>
        %swap3A_423 = arith.index_cast %scan3A_385 : i32 to index
        %swap3A_424 = arith.constant 32 : index
        %swap3A_425 = tpu.vector_load %arg10[%swap3A_423, %swap3A_424] {strides = array<i32>} : memref<128x128xf32, #tpu.memory_space<vmem>>, vector<1x16xf32>,
        %swap3A_426 = vector.shape_cast %swap3A_425 : vector<1x16xf32> to vector<16xf32>
        %swap3A_427 = vector.shape_cast %add3A_422 : vector<16xf32> to vector<1x16xf32>
        tpu.vector_store %arg10[%swap3A_423, %swap3A_424], %swap3A_427 {strides = array<i32>} : memref<128x128xf32, #tpu.memory_space<vmem>>, vector<1x16xf32>,
        %get3A_428 = arith.index_cast %scan3A_385 : i32 to index
        %get3A_429 = arith.constant 48 : index
        %get3A_430 = tpu.vector_load %arg8[%get3A_428, %get3A_429] {strides = array<i32>} : memref<128x128xf32, #tpu.memory_space<vmem>>, vector<1x16xf32>,
        %get3A_431 = vector.shape_cast %get3A_430 : vector<1x16xf32> to vector<16xf32>
        %get3A_432 = arith.index_cast %select_n3A_383 : i32 to index
        %get3A_433 = arith.constant 48 : index
        %get3A_434 = tpu.vector_load %arg7[%get3A_432, %get3A_433] {strides = array<i32>} : memref<200x64xf32, #tpu.memory_space<vmem>>, vector<1x16xf32>,
        %get3A_435 = vector.shape_cast %get3A_434 : vector<1x16xf32> to vector<16xf32>
        %add3A_436 = arith.addf %get3A_431, %get3A_435 : vector<16xf32>
        %swap3A_437 = arith.index_cast %scan3A_385 : i32 to index
        %swap3A_438 = arith.constant 48 : index
        %swap3A_439 = tpu.vector_load %arg10[%swap3A_437, %swap3A_438] {strides = array<i32>} : memref<128x128xf32, #tpu.memory_space<vmem>>, vector<1x16xf32>,
        %swap3A_440 = vector.shape_cast %swap3A_439 : vector<1x16xf32> to vector<16xf32>
        %swap3A_441 = vector.shape_cast %add3A_436 : vector<16xf32> to vector<1x16xf32>
        tpu.vector_store %arg10[%swap3A_437, %swap3A_438], %swap3A_441 {strides = array<i32>} : memref<128x128xf32, #tpu.memory_space<vmem>>, vector<1x16xf32>,
        %add3A_442 = arith.constant 1 : i32
        %add3A_443 = arith.addi %select_n3A_383, %add3A_442 : i32
        %eq3A_444 = arith.constant 200 : i32
        %eq3A_445 = arith.cmpi eq, %add3A_443, %eq3A_444 : i32
        %add3A_446 = arith.constant 1 : i32
        %add3A_447 = arith.addi %select_n3A_383, %add3A_446 : i32
        %select_n3A_448 = arith.constant 0 : i32
        %select_n3A_449 = arith.select %eq3A_445, %select_n3A_448, %add3A_447 : i32
        %scan3A_450 = arith.constant 2 : i32
        %scan3A_451 = arith.addi %scan3A_320, %scan3A_450 : i32
        %get3A_452 = arith.index_cast %scan3A_451 : i32 to index
        %get3A_453 = arith.constant 0 : index
        %get3A_454 = tpu.vector_load %arg8[%get3A_452, %get3A_453] {strides = array<i32>} : memref<128x128xf32, #tpu.memory_space<vmem>>, vector<1x16xf32>,
        %get3A_455 = vector.shape_cast %get3A_454 : vector<1x16xf32> to vector<16xf32>
        %get3A_456 = arith.index_cast %select_n3A_449 : i32 to index
        %get3A_457 = arith.constant 0 : index
        %get3A_458 = tpu.vector_load %arg7[%get3A_456, %get3A_457] {strides = array<i32>} : memref<200x64xf32, #tpu.memory_space<vmem>>, vector<1x16xf32>,
        %get3A_459 = vector.shape_cast %get3A_458 : vector<1x16xf32> to vector<16xf32>
        %add3A_460 = arith.addf %get3A_455, %get3A_459 : vector<16xf32>
        %swap3A_461 = arith.index_cast %scan3A_451 : i32 to index
        %swap3A_462 = arith.constant 0 : index
        %swap3A_463 = tpu.vector_load %arg10[%swap3A_461, %swap3A_462] {strides = array<i32>} : memref<128x128xf32, #tpu.memory_space<vmem>>, vector<1x16xf32>,
        %swap3A_464 = vector.shape_cast %swap3A_463 : vector<1x16xf32> to vector<16xf32>
        %swap3A_465 = vector.shape_cast %add3A_460 : vector<16xf32> to vector<1x16xf32>
        tpu.vector_store %arg10[%swap3A_461, %swap3A_462], %swap3A_465 {strides = array<i32>} : memref<128x128xf32, #tpu.memory_space<vmem>>, vector<1x16xf32>,
        %get3A_466 = arith.index_cast %scan3A_451 : i32 to index
        %get3A_467 = arith.constant 16 : index
        %get3A_468 = tpu.vector_load %arg8[%get3A_466, %get3A_467] {strides = array<i32>} : memref<128x128xf32, #tpu.memory_space<vmem>>, vector<1x16xf32>,
        %get3A_469 = vector.shape_cast %get3A_468 : vector<1x16xf32> to vector<16xf32>
        %get3A_470 = arith.index_cast %select_n3A_449 : i32 to index
        %get3A_471 = arith.constant 16 : index
        %get3A_472 = tpu.vector_load %arg7[%get3A_470, %get3A_471] {strides = array<i32>} : memref<200x64xf32, #tpu.memory_space<vmem>>, vector<1x16xf32>,
        %get3A_473 = vector.shape_cast %get3A_472 : vector<1x16xf32> to vector<16xf32>
        %add3A_474 = arith.addf %get3A_469, %get3A_473 : vector<16xf32>
        %swap3A_475 = arith.index_cast %scan3A_451 : i32 to index
        %swap3A_476 = arith.constant 16 : index
        %swap3A_477 = tpu.vector_load %arg10[%swap3A_475, %swap3A_476] {strides = array<i32>} : memref<128x128xf32, #tpu.memory_space<vmem>>, vector<1x16xf32>,
        %swap3A_478 = vector.shape_cast %swap3A_477 : vector<1x16xf32> to vector<16xf32>
        %swap3A_479 = vector.shape_cast %add3A_474 : vector<16xf32> to vector<1x16xf32>
        tpu.vector_store %arg10[%swap3A_475, %swap3A_476], %swap3A_479 {strides = array<i32>} : memref<128x128xf32, #tpu.memory_space<vmem>>, vector<1x16xf32>,
        %get3A_480 = arith.index_cast %scan3A_451 : i32 to index
        %get3A_481 = arith.constant 32 : index
        %get3A_482 = tpu.vector_load %arg8[%get3A_480, %get3A_481] {strides = array<i32>} : memref<128x128xf32, #tpu.memory_space<vmem>>, vector<1x16xf32>,
        %get3A_483 = vector.shape_cast %get3A_482 : vector<1x16xf32> to vector<16xf32>
        %get3A_484 = arith.index_cast %select_n3A_449 : i32 to index
        %get3A_485 = arith.constant 32 : index
        %get3A_486 = tpu.vector_load %arg7[%get3A_484, %get3A_485] {strides = array<i32>} : memref<200x64xf32, #tpu.memory_space<vmem>>, vector<1x16xf32>,
        %get3A_487 = vector.shape_cast %get3A_486 : vector<1x16xf32> to vector<16xf32>
        %add3A_488 = arith.addf %get3A_483, %get3A_487 : vector<16xf32>
        %swap3A_489 = arith.index_cast %scan3A_451 : i32 to index
        %swap3A_490 = arith.constant 32 : index
        %swap3A_491 = tpu.vector_load %arg10[%swap3A_489, %swap3A_490] {strides = array<i32>} : memref<128x128xf32, #tpu.memory_space<vmem>>, vector<1x16xf32>,
        %swap3A_492 = vector.shape_cast %swap3A_491 : vector<1x16xf32> to vector<16xf32>
        %swap3A_493 = vector.shape_cast %add3A_488 : vector<16xf32> to vector<1x16xf32>
        tpu.vector_store %arg10[%swap3A_489, %swap3A_490], %swap3A_493 {strides = array<i32>} : memref<128x128xf32, #tpu.memory_space<vmem>>, vector<1x16xf32>,
        %get3A_494 = arith.index_cast %scan3A_451 : i32 to index
        %get3A_495 = arith.constant 48 : index
        %get3A_496 = tpu.vector_load %arg8[%get3A_494, %get3A_495] {strides = array<i32>} : memref<128x128xf32, #tpu.memory_space<vmem>>, vector<1x16xf32>,
        %get3A_497 = vector.shape_cast %get3A_496 : vector<1x16xf32> to vector<16xf32>
        %get3A_498 = arith.index_cast %select_n3A_449 : i32 to index
        %get3A_499 = arith.constant 48 : index
        %get3A_500 = tpu.vector_load %arg7[%get3A_498, %get3A_499] {strides = array<i32>} : memref<200x64xf32, #tpu.memory_space<vmem>>, vector<1x16xf32>,
        %get3A_501 = vector.shape_cast %get3A_500 : vector<1x16xf32> to vector<16xf32>
        %add3A_502 = arith.addf %get3A_497, %get3A_501 : vector<16xf32>
        %swap3A_503 = arith.index_cast %scan3A_451 : i32 to index
        %swap3A_504 = arith.constant 48 : index
        %swap3A_505 = tpu.vector_load %arg10[%swap3A_503, %swap3A_504] {strides = array<i32>} : memref<128x128xf32, #tpu.memory_space<vmem>>, vector<1x16xf32>,
        %swap3A_506 = vector.shape_cast %swap3A_505 : vector<1x16xf32> to vector<16xf32>
        %swap3A_507 = vector.shape_cast %add3A_502 : vector<16xf32> to vector<1x16xf32>
        tpu.vector_store %arg10[%swap3A_503, %swap3A_504], %swap3A_507 {strides = array<i32>} : memref<128x128xf32, #tpu.memory_space<vmem>>, vector<1x16xf32>,
        %add3A_508 = arith.constant 1 : i32
        %add3A_509 = arith.addi %select_n3A_449, %add3A_508 : i32
        %eq3A_510 = arith.constant 200 : i32
        %eq3A_511 = arith.cmpi eq, %add3A_509, %eq3A_510 : i32
        %add3A_512 = arith.constant 1 : i32
        %add3A_513 = arith.addi %select_n3A_449, %add3A_512 : i32
        %select_n3A_514 = arith.constant 0 : i32
        %select_n3A_515 = arith.select %eq3A_511, %select_n3A_514, %add3A_513 : i32
        %scan3A_516 = arith.constant 3 : i32
        %scan3A_517 = arith.addi %scan3A_320, %scan3A_516 : i32
        %get3A_518 = arith.index_cast %scan3A_517 : i32 to index
        %get3A_519 = arith.constant 0 : index
        %get3A_520 = tpu.vector_load %arg8[%get3A_518, %get3A_519] {strides = array<i32>} : memref<128x128xf32, #tpu.memory_space<vmem>>, vector<1x16xf32>,
        %get3A_521 = vector.shape_cast %get3A_520 : vector<1x16xf32> to vector<16xf32>
        %get3A_522 = arith.index_cast %select_n3A_515 : i32 to index
        %get3A_523 = arith.constant 0 : index
        %get3A_524 = tpu.vector_load %arg7[%get3A_522, %get3A_523] {strides = array<i32>} : memref<200x64xf32, #tpu.memory_space<vmem>>, vector<1x16xf32>,
        %get3A_525 = vector.shape_cast %get3A_524 : vector<1x16xf32> to vector<16xf32>
        %add3A_526 = arith.addf %get3A_521, %get3A_525 : vector<16xf32>
        %swap3A_527 = arith.index_cast %scan3A_517 : i32 to index
        %swap3A_528 = arith.constant 0 : index
        %swap3A_529 = tpu.vector_load %arg10[%swap3A_527, %swap3A_528] {strides = array<i32>} : memref<128x128xf32, #tpu.memory_space<vmem>>, vector<1x16xf32>,
        %swap3A_530 = vector.shape_cast %swap3A_529 : vector<1x16xf32> to vector<16xf32>
        %swap3A_531 = vector.shape_cast %add3A_526 : vector<16xf32> to vector<1x16xf32>
        tpu.vector_store %arg10[%swap3A_527, %swap3A_528], %swap3A_531 {strides = array<i32>} : memref<128x128xf32, #tpu.memory_space<vmem>>, vector<1x16xf32>,
        %get3A_532 = arith.index_cast %scan3A_517 : i32 to index
        %get3A_533 = arith.constant 16 : index
        %get3A_534 = tpu.vector_load %arg8[%get3A_532, %get3A_533] {strides = array<i32>} : memref<128x128xf32, #tpu.memory_space<vmem>>, vector<1x16xf32>,
        %get3A_535 = vector.shape_cast %get3A_534 : vector<1x16xf32> to vector<16xf32>
        %get3A_536 = arith.index_cast %select_n3A_515 : i32 to index
        %get3A_537 = arith.constant 16 : index
        %get3A_538 = tpu.vector_load %arg7[%get3A_536, %get3A_537] {strides = array<i32>} : memref<200x64xf32, #tpu.memory_space<vmem>>, vector<1x16xf32>,
        %get3A_539 = vector.shape_cast %get3A_538 : vector<1x16xf32> to vector<16xf32>
        %add3A_540 = arith.addf %get3A_535, %get3A_539 : vector<16xf32>
        %swap3A_541 = arith.index_cast %scan3A_517 : i32 to index
        %swap3A_542 = arith.constant 16 : index
        %swap3A_543 = tpu.vector_load %arg10[%swap3A_541, %swap3A_542] {strides = array<i32>} : memref<128x128xf32, #tpu.memory_space<vmem>>, vector<1x16xf32>,
        %swap3A_544 = vector.shape_cast %swap3A_543 : vector<1x16xf32> to vector<16xf32>
        %swap3A_545 = vector.shape_cast %add3A_540 : vector<16xf32> to vector<1x16xf32>
        tpu.vector_store %arg10[%swap3A_541, %swap3A_542], %swap3A_545 {strides = array<i32>} : memref<128x128xf32, #tpu.memory_space<vmem>>, vector<1x16xf32>,
        %get3A_546 = arith.index_cast %scan3A_517 : i32 to index
        %get3A_547 = arith.constant 32 : index
        %get3A_548 = tpu.vector_load %arg8[%get3A_546, %get3A_547] {strides = array<i32>} : memref<128x128xf32, #tpu.memory_space<vmem>>, vector<1x16xf32>,
        %get3A_549 = vector.shape_cast %get3A_548 : vector<1x16xf32> to vector<16xf32>
        %get3A_550 = arith.index_cast %select_n3A_515 : i32 to index
        %get3A_551 = arith.constant 32 : index
        %get3A_552 = tpu.vector_load %arg7[%get3A_550, %get3A_551] {strides = array<i32>} : memref<200x64xf32, #tpu.memory_space<vmem>>, vector<1x16xf32>,
        %get3A_553 = vector.shape_cast %get3A_552 : vector<1x16xf32> to vector<16xf32>
        %add3A_554 = arith.addf %get3A_549, %get3A_553 : vector<16xf32>
        %swap3A_555 = arith.index_cast %scan3A_517 : i32 to index
        %swap3A_556 = arith.constant 32 : index
        %swap3A_557 = tpu.vector_load %arg10[%swap3A_555, %swap3A_556] {strides = array<i32>} : memref<128x128xf32, #tpu.memory_space<vmem>>, vector<1x16xf32>,
        %swap3A_558 = vector.shape_cast %swap3A_557 : vector<1x16xf32> to vector<16xf32>
        %swap3A_559 = vector.shape_cast %add3A_554 : vector<16xf32> to vector<1x16xf32>
        tpu.vector_store %arg10[%swap3A_555, %swap3A_556], %swap3A_559 {strides = array<i32>} : memref<128x128xf32, #tpu.memory_space<vmem>>, vector<1x16xf32>,
        %get3A_560 = arith.index_cast %scan3A_517 : i32 to index
        %get3A_561 = arith.constant 48 : index
        %get3A_562 = tpu.vector_load %arg8[%get3A_560, %get3A_561] {strides = array<i32>} : memref<128x128xf32, #tpu.memory_space<vmem>>, vector<1x16xf32>,
        %get3A_563 = vector.shape_cast %get3A_562 : vector<1x16xf32> to vector<16xf32>
        %get3A_564 = arith.index_cast %select_n3A_515 : i32 to index
        %get3A_565 = arith.constant 48 : index
        %get3A_566 = tpu.vector_load %arg7[%get3A_564, %get3A_565] {strides = array<i32>} : memref<200x64xf32, #tpu.memory_space<vmem>>, vector<1x16xf32>,
        %get3A_567 = vector.shape_cast %get3A_566 : vector<1x16xf32> to vector<16xf32>
        %add3A_568 = arith.addf %get3A_563, %get3A_567 : vector<16xf32>
        %swap3A_569 = arith.index_cast %scan3A_517 : i32 to index
        %swap3A_570 = arith.constant 48 : index
        %swap3A_571 = tpu.vector_load %arg10[%swap3A_569, %swap3A_570] {strides = array<i32>} : memref<128x128xf32, #tpu.memory_space<vmem>>, vector<1x16xf32>,
        %swap3A_572 = vector.shape_cast %swap3A_571 : vector<1x16xf32> to vector<16xf32>
        %swap3A_573 = vector.shape_cast %add3A_568 : vector<16xf32> to vector<1x16xf32>
        tpu.vector_store %arg10[%swap3A_569, %swap3A_570], %swap3A_573 {strides = array<i32>} : memref<128x128xf32, #tpu.memory_space<vmem>>, vector<1x16xf32>,
        %add3A_574 = arith.constant 1 : i32
        %add3A_575 = arith.addi %select_n3A_515, %add3A_574 : i32
        %eq3A_576 = arith.constant 200 : i32
        %eq3A_577 = arith.cmpi eq, %add3A_575, %eq3A_576 : i32
        %add3A_578 = arith.constant 1 : i32
        %add3A_579 = arith.addi %select_n3A_515, %add3A_578 : i32
        %select_n3A_580 = arith.constant 0 : i32
        %select_n3A_581 = arith.select %eq3A_577, %select_n3A_580, %add3A_579 : i32
        %scan3A_582 = arith.constant 4 : i32
        %scan3A_583 = arith.addi %scan3A_320, %scan3A_582 : i32
        %get3A_584 = arith.index_cast %scan3A_583 : i32 to index
        %get3A_585 = arith.constant 0 : index
        %get3A_586 = tpu.vector_load %arg8[%get3A_584, %get3A_585] {strides = array<i32>} : memref<128x128xf32, #tpu.memory_space<vmem>>, vector<1x16xf32>,
        %get3A_587 = vector.shape_cast %get3A_586 : vector<1x16xf32> to vector<16xf32>
        %get3A_588 = arith.index_cast %select_n3A_581 : i32 to index
        %get3A_589 = arith.constant 0 : index
        %get3A_590 = tpu.vector_load %arg7[%get3A_588, %get3A_589] {strides = array<i32>} : memref<200x64xf32, #tpu.memory_space<vmem>>, vector<1x16xf32>,
        %get3A_591 = vector.shape_cast %get3A_590 : vector<1x16xf32> to vector<16xf32>
        %add3A_592 = arith.addf %get3A_587, %get3A_591 : vector<16xf32>
        %swap3A_593 = arith.index_cast %scan3A_583 : i32 to index
        %swap3A_594 = arith.constant 0 : index
        %swap3A_595 = tpu.vector_load %arg10[%swap3A_593, %swap3A_594] {strides = array<i32>} : memref<128x128xf32, #tpu.memory_space<vmem>>, vector<1x16xf32>,
        %swap3A_596 = vector.shape_cast %swap3A_595 : vector<1x16xf32> to vector<16xf32>
        %swap3A_597 = vector.shape_cast %add3A_592 : vector<16xf32> to vector<1x16xf32>
        tpu.vector_store %arg10[%swap3A_593, %swap3A_594], %swap3A_597 {strides = array<i32>} : memref<128x128xf32, #tpu.memory_space<vmem>>, vector<1x16xf32>,
        %get3A_598 = arith.index_cast %scan3A_583 : i32 to index
        %get3A_599 = arith.constant 16 : index
        %get3A_600 = tpu.vector_load %arg8[%get3A_598, %get3A_599] {strides = array<i32>} : memref<128x128xf32, #tpu.memory_space<vmem>>, vector<1x16xf32>,
        %get3A_601 = vector.shape_cast %get3A_600 : vector<1x16xf32> to vector<16xf32>
        %get3A_602 = arith.index_cast %select_n3A_581 : i32 to index
        %get3A_603 = arith.constant 16 : index
        %get3A_604 = tpu.vector_load %arg7[%get3A_602, %get3A_603] {strides = array<i32>} : memref<200x64xf32, #tpu.memory_space<vmem>>, vector<1x16xf32>,
        %get3A_605 = vector.shape_cast %get3A_604 : vector<1x16xf32> to vector<16xf32>
        %add3A_606 = arith.addf %get3A_601, %get3A_605 : vector<16xf32>
        %swap3A_607 = arith.index_cast %scan3A_583 : i32 to index
        %swap3A_608 = arith.constant 16 : index
        %swap3A_609 = tpu.vector_load %arg10[%swap3A_607, %swap3A_608] {strides = array<i32>} : memref<128x128xf32, #tpu.memory_space<vmem>>, vector<1x16xf32>,
        %swap3A_610 = vector.shape_cast %swap3A_609 : vector<1x16xf32> to vector<16xf32>
        %swap3A_611 = vector.shape_cast %add3A_606 : vector<16xf32> to vector<1x16xf32>
        tpu.vector_store %arg10[%swap3A_607, %swap3A_608], %swap3A_611 {strides = array<i32>} : memref<128x128xf32, #tpu.memory_space<vmem>>, vector<1x16xf32>,
        %get3A_612 = arith.index_cast %scan3A_583 : i32 to index
        %get3A_613 = arith.constant 32 : index
        %get3A_614 = tpu.vector_load %arg8[%get3A_612, %get3A_613] {strides = array<i32>} : memref<128x128xf32, #tpu.memory_space<vmem>>, vector<1x16xf32>,
        %get3A_615 = vector.shape_cast %get3A_614 : vector<1x16xf32> to vector<16xf32>
        %get3A_616 = arith.index_cast %select_n3A_581 : i32 to index
        %get3A_617 = arith.constant 32 : index
        %get3A_618 = tpu.vector_load %arg7[%get3A_616, %get3A_617] {strides = array<i32>} : memref<200x64xf32, #tpu.memory_space<vmem>>, vector<1x16xf32>,
        %get3A_619 = vector.shape_cast %get3A_618 : vector<1x16xf32> to vector<16xf32>
        %add3A_620 = arith.addf %get3A_615, %get3A_619 : vector<16xf32>
        %swap3A_621 = arith.index_cast %scan3A_583 : i32 to index
        %swap3A_622 = arith.constant 32 : index
        %swap3A_623 = tpu.vector_load %arg10[%swap3A_621, %swap3A_622] {strides = array<i32>} : memref<128x128xf32, #tpu.memory_space<vmem>>, vector<1x16xf32>,
        %swap3A_624 = vector.shape_cast %swap3A_623 : vector<1x16xf32> to vector<16xf32>
        %swap3A_625 = vector.shape_cast %add3A_620 : vector<16xf32> to vector<1x16xf32>
        tpu.vector_store %arg10[%swap3A_621, %swap3A_622], %swap3A_625 {strides = array<i32>} : memref<128x128xf32, #tpu.memory_space<vmem>>, vector<1x16xf32>,
        %get3A_626 = arith.index_cast %scan3A_583 : i32 to index
        %get3A_627 = arith.constant 48 : index
        %get3A_628 = tpu.vector_load %arg8[%get3A_626, %get3A_627] {strides = array<i32>} : memref<128x128xf32, #tpu.memory_space<vmem>>, vector<1x16xf32>,
        %get3A_629 = vector.shape_cast %get3A_628 : vector<1x16xf32> to vector<16xf32>
        %get3A_630 = arith.index_cast %select_n3A_581 : i32 to index
        %get3A_631 = arith.constant 48 : index
        %get3A_632 = tpu.vector_load %arg7[%get3A_630, %get3A_631] {strides = array<i32>} : memref<200x64xf32, #tpu.memory_space<vmem>>, vector<1x16xf32>,
        %get3A_633 = vector.shape_cast %get3A_632 : vector<1x16xf32> to vector<16xf32>
        %add3A_634 = arith.addf %get3A_629, %get3A_633 : vector<16xf32>
        %swap3A_635 = arith.index_cast %scan3A_583 : i32 to index
        %swap3A_636 = arith.constant 48 : index
        %swap3A_637 = tpu.vector_load %arg10[%swap3A_635, %swap3A_636] {strides = array<i32>} : memref<128x128xf32, #tpu.memory_space<vmem>>, vector<1x16xf32>,
        %swap3A_638 = vector.shape_cast %swap3A_637 : vector<1x16xf32> to vector<16xf32>
        %swap3A_639 = vector.shape_cast %add3A_634 : vector<16xf32> to vector<1x16xf32>
        tpu.vector_store %arg10[%swap3A_635, %swap3A_636], %swap3A_639 {strides = array<i32>} : memref<128x128xf32, #tpu.memory_space<vmem>>, vector<1x16xf32>,
        %add3A_640 = arith.constant 1 : i32
        %add3A_641 = arith.addi %select_n3A_581, %add3A_640 : i32
        %eq3A_642 = arith.constant 200 : i32
        %eq3A_643 = arith.cmpi eq, %add3A_641, %eq3A_642 : i32
        %add3A_644 = arith.constant 1 : i32
        %add3A_645 = arith.addi %select_n3A_581, %add3A_644 : i32
        %select_n3A_646 = arith.constant 0 : i32
        %select_n3A_647 = arith.select %eq3A_643, %select_n3A_646, %add3A_645 : i32
        %scan3A_648 = arith.constant 5 : i32
        %scan3A_649 = arith.addi %scan3A_320, %scan3A_648 : i32
        %get3A_650 = arith.index_cast %scan3A_649 : i32 to index
        %get3A_651 = arith.constant 0 : index
        %get3A_652 = tpu.vector_load %arg8[%get3A_650, %get3A_651] {strides = array<i32>} : memref<128x128xf32, #tpu.memory_space<vmem>>, vector<1x16xf32>,
        %get3A_653 = vector.shape_cast %get3A_652 : vector<1x16xf32> to vector<16xf32>
        %get3A_654 = arith.index_cast %select_n3A_647 : i32 to index
        %get3A_655 = arith.constant 0 : index
        %get3A_656 = tpu.vector_load %arg7[%get3A_654, %get3A_655] {strides = array<i32>} : memref<200x64xf32, #tpu.memory_space<vmem>>, vector<1x16xf32>,
        %get3A_657 = vector.shape_cast %get3A_656 : vector<1x16xf32> to vector<16xf32>
        %add3A_658 = arith.addf %get3A_653, %get3A_657 : vector<16xf32>
        %swap3A_659 = arith.index_cast %scan3A_649 : i32 to index
        %swap3A_660 = arith.constant 0 : index
        %swap3A_661 = tpu.vector_load %arg10[%swap3A_659, %swap3A_660] {strides = array<i32>} : memref<128x128xf32, #tpu.memory_space<vmem>>, vector<1x16xf32>,
        %swap3A_662 = vector.shape_cast %swap3A_661 : vector<1x16xf32> to vector<16xf32>
        %swap3A_663 = vector.shape_cast %add3A_658 : vector<16xf32> to vector<1x16xf32>
        tpu.vector_store %arg10[%swap3A_659, %swap3A_660], %swap3A_663 {strides = array<i32>} : memref<128x128xf32, #tpu.memory_space<vmem>>, vector<1x16xf32>,
        %get3A_664 = arith.index_cast %scan3A_649 : i32 to index
        %get3A_665 = arith.constant 16 : index
        %get3A_666 = tpu.vector_load %arg8[%get3A_664, %get3A_665] {strides = array<i32>} : memref<128x128xf32, #tpu.memory_space<vmem>>, vector<1x16xf32>,
        %get3A_667 = vector.shape_cast %get3A_666 : vector<1x16xf32> to vector<16xf32>
        %get3A_668 = arith.index_cast %select_n3A_647 : i32 to index
        %get3A_669 = arith.constant 16 : index
        %get3A_670 = tpu.vector_load %arg7[%get3A_668, %get3A_669] {strides = array<i32>} : memref<200x64xf32, #tpu.memory_space<vmem>>, vector<1x16xf32>,
        %get3A_671 = vector.shape_cast %get3A_670 : vector<1x16xf32> to vector<16xf32>
        %add3A_672 = arith.addf %get3A_667, %get3A_671 : vector<16xf32>
        %swap3A_673 = arith.index_cast %scan3A_649 : i32 to index
        %swap3A_674 = arith.constant 16 : index
        %swap3A_675 = tpu.vector_load %arg10[%swap3A_673, %swap3A_674] {strides = array<i32>} : memref<128x128xf32, #tpu.memory_space<vmem>>, vector<1x16xf32>,
        %swap3A_676 = vector.shape_cast %swap3A_675 : vector<1x16xf32> to vector<16xf32>
        %swap3A_677 = vector.shape_cast %add3A_672 : vector<16xf32> to vector<1x16xf32>
        tpu.vector_store %arg10[%swap3A_673, %swap3A_674], %swap3A_677 {strides = array<i32>} : memref<128x128xf32, #tpu.memory_space<vmem>>, vector<1x16xf32>,
        %get3A_678 = arith.index_cast %scan3A_649 : i32 to index
        %get3A_679 = arith.constant 32 : index
        %get3A_680 = tpu.vector_load %arg8[%get3A_678, %get3A_679] {strides = array<i32>} : memref<128x128xf32, #tpu.memory_space<vmem>>, vector<1x16xf32>,
        %get3A_681 = vector.shape_cast %get3A_680 : vector<1x16xf32> to vector<16xf32>
        %get3A_682 = arith.index_cast %select_n3A_647 : i32 to index
        %get3A_683 = arith.constant 32 : index
        %get3A_684 = tpu.vector_load %arg7[%get3A_682, %get3A_683] {strides = array<i32>} : memref<200x64xf32, #tpu.memory_space<vmem>>, vector<1x16xf32>,
        %get3A_685 = vector.shape_cast %get3A_684 : vector<1x16xf32> to vector<16xf32>
        %add3A_686 = arith.addf %get3A_681, %get3A_685 : vector<16xf32>
        %swap3A_687 = arith.index_cast %scan3A_649 : i32 to index
        %swap3A_688 = arith.constant 32 : index
        %swap3A_689 = tpu.vector_load %arg10[%swap3A_687, %swap3A_688] {strides = array<i32>} : memref<128x128xf32, #tpu.memory_space<vmem>>, vector<1x16xf32>,
        %swap3A_690 = vector.shape_cast %swap3A_689 : vector<1x16xf32> to vector<16xf32>
        %swap3A_691 = vector.shape_cast %add3A_686 : vector<16xf32> to vector<1x16xf32>
        tpu.vector_store %arg10[%swap3A_687, %swap3A_688], %swap3A_691 {strides = array<i32>} : memref<128x128xf32, #tpu.memory_space<vmem>>, vector<1x16xf32>,
        %get3A_692 = arith.index_cast %scan3A_649 : i32 to index
        %get3A_693 = arith.constant 48 : index
        %get3A_694 = tpu.vector_load %arg8[%get3A_692, %get3A_693] {strides = array<i32>} : memref<128x128xf32, #tpu.memory_space<vmem>>, vector<1x16xf32>,
        %get3A_695 = vector.shape_cast %get3A_694 : vector<1x16xf32> to vector<16xf32>
        %get3A_696 = arith.index_cast %select_n3A_647 : i32 to index
        %get3A_697 = arith.constant 48 : index
        %get3A_698 = tpu.vector_load %arg7[%get3A_696, %get3A_697] {strides = array<i32>} : memref<200x64xf32, #tpu.memory_space<vmem>>, vector<1x16xf32>,
        %get3A_699 = vector.shape_cast %get3A_698 : vector<1x16xf32> to vector<16xf32>
        %add3A_700 = arith.addf %get3A_695, %get3A_699 : vector<16xf32>
        %swap3A_701 = arith.index_cast %scan3A_649 : i32 to index
        %swap3A_702 = arith.constant 48 : index
        %swap3A_703 = tpu.vector_load %arg10[%swap3A_701, %swap3A_702] {strides = array<i32>} : memref<128x128xf32, #tpu.memory_space<vmem>>, vector<1x16xf32>,
        %swap3A_704 = vector.shape_cast %swap3A_703 : vector<1x16xf32> to vector<16xf32>
        %swap3A_705 = vector.shape_cast %add3A_700 : vector<16xf32> to vector<1x16xf32>
        tpu.vector_store %arg10[%swap3A_701, %swap3A_702], %swap3A_705 {strides = array<i32>} : memref<128x128xf32, #tpu.memory_space<vmem>>, vector<1x16xf32>,
        %add3A_706 = arith.constant 1 : i32
        %add3A_707 = arith.addi %select_n3A_647, %add3A_706 : i32
        %eq3A_708 = arith.constant 200 : i32
        %eq3A_709 = arith.cmpi eq, %add3A_707, %eq3A_708 : i32
        %add3A_710 = arith.constant 1 : i32
        %add3A_711 = arith.addi %select_n3A_647, %add3A_710 : i32
        %select_n3A_712 = arith.constant 0 : i32
        %select_n3A_713 = arith.select %eq3A_709, %select_n3A_712, %add3A_711 : i32
        %scan3A_714 = arith.constant 6 : i32
        %scan3A_715 = arith.addi %scan3A_320, %scan3A_714 : i32
        %get3A_716 = arith.index_cast %scan3A_715 : i32 to index
        %get3A_717 = arith.constant 0 : index
        %get3A_718 = tpu.vector_load %arg8[%get3A_716, %get3A_717] {strides = array<i32>} : memref<128x128xf32, #tpu.memory_space<vmem>>, vector<1x16xf32>,
        %get3A_719 = vector.shape_cast %get3A_718 : vector<1x16xf32> to vector<16xf32>
        %get3A_720 = arith.index_cast %select_n3A_713 : i32 to index
        %get3A_721 = arith.constant 0 : index
        %get3A_722 = tpu.vector_load %arg7[%get3A_720, %get3A_721] {strides = array<i32>} : memref<200x64xf32, #tpu.memory_space<vmem>>, vector<1x16xf32>,
        %get3A_723 = vector.shape_cast %get3A_722 : vector<1x16xf32> to vector<16xf32>
        %add3A_724 = arith.addf %get3A_719, %get3A_723 : vector<16xf32>
        %swap3A_725 = arith.index_cast %scan3A_715 : i32 to index
        %swap3A_726 = arith.constant 0 : index
        %swap3A_727 = tpu.vector_load %arg10[%swap3A_725, %swap3A_726] {strides = array<i32>} : memref<128x128xf32, #tpu.memory_space<vmem>>, vector<1x16xf32>,
        %swap3A_728 = vector.shape_cast %swap3A_727 : vector<1x16xf32> to vector<16xf32>
        %swap3A_729 = vector.shape_cast %add3A_724 : vector<16xf32> to vector<1x16xf32>
        tpu.vector_store %arg10[%swap3A_725, %swap3A_726], %swap3A_729 {strides = array<i32>} : memref<128x128xf32, #tpu.memory_space<vmem>>, vector<1x16xf32>,
        %get3A_730 = arith.index_cast %scan3A_715 : i32 to index
        %get3A_731 = arith.constant 16 : index
        %get3A_732 = tpu.vector_load %arg8[%get3A_730, %get3A_731] {strides = array<i32>} : memref<128x128xf32, #tpu.memory_space<vmem>>, vector<1x16xf32>,
        %get3A_733 = vector.shape_cast %get3A_732 : vector<1x16xf32> to vector<16xf32>
        %get3A_734 = arith.index_cast %select_n3A_713 : i32 to index
        %get3A_735 = arith.constant 16 : index
        %get3A_736 = tpu.vector_load %arg7[%get3A_734, %get3A_735] {strides = array<i32>} : memref<200x64xf32, #tpu.memory_space<vmem>>, vector<1x16xf32>,
        %get3A_737 = vector.shape_cast %get3A_736 : vector<1x16xf32> to vector<16xf32>
        %add3A_738 = arith.addf %get3A_733, %get3A_737 : vector<16xf32>
        %swap3A_739 = arith.index_cast %scan3A_715 : i32 to index
        %swap3A_740 = arith.constant 16 : index
        %swap3A_741 = tpu.vector_load %arg10[%swap3A_739, %swap3A_740] {strides = array<i32>} : memref<128x128xf32, #tpu.memory_space<vmem>>, vector<1x16xf32>,
        %swap3A_742 = vector.shape_cast %swap3A_741 : vector<1x16xf32> to vector<16xf32>
        %swap3A_743 = vector.shape_cast %add3A_738 : vector<16xf32> to vector<1x16xf32>
        tpu.vector_store %arg10[%swap3A_739, %swap3A_740], %swap3A_743 {strides = array<i32>} : memref<128x128xf32, #tpu.memory_space<vmem>>, vector<1x16xf32>,
        %get3A_744 = arith.index_cast %scan3A_715 : i32 to index
        %get3A_745 = arith.constant 32 : index
        %get3A_746 = tpu.vector_load %arg8[%get3A_744, %get3A_745] {strides = array<i32>} : memref<128x128xf32, #tpu.memory_space<vmem>>, vector<1x16xf32>,
        %get3A_747 = vector.shape_cast %get3A_746 : vector<1x16xf32> to vector<16xf32>
        %get3A_748 = arith.index_cast %select_n3A_713 : i32 to index
        %get3A_749 = arith.constant 32 : index
        %get3A_750 = tpu.vector_load %arg7[%get3A_748, %get3A_749] {strides = array<i32>} : memref<200x64xf32, #tpu.memory_space<vmem>>, vector<1x16xf32>,
        %get3A_751 = vector.shape_cast %get3A_750 : vector<1x16xf32> to vector<16xf32>
        %add3A_752 = arith.addf %get3A_747, %get3A_751 : vector<16xf32>
        %swap3A_753 = arith.index_cast %scan3A_715 : i32 to index
        %swap3A_754 = arith.constant 32 : index
        %swap3A_755 = tpu.vector_load %arg10[%swap3A_753, %swap3A_754] {strides = array<i32>} : memref<128x128xf32, #tpu.memory_space<vmem>>, vector<1x16xf32>,
        %swap3A_756 = vector.shape_cast %swap3A_755 : vector<1x16xf32> to vector<16xf32>
        %swap3A_757 = vector.shape_cast %add3A_752 : vector<16xf32> to vector<1x16xf32>
        tpu.vector_store %arg10[%swap3A_753, %swap3A_754], %swap3A_757 {strides = array<i32>} : memref<128x128xf32, #tpu.memory_space<vmem>>, vector<1x16xf32>,
        %get3A_758 = arith.index_cast %scan3A_715 : i32 to index
        %get3A_759 = arith.constant 48 : index
        %get3A_760 = tpu.vector_load %arg8[%get3A_758, %get3A_759] {strides = array<i32>} : memref<128x128xf32, #tpu.memory_space<vmem>>, vector<1x16xf32>,
        %get3A_761 = vector.shape_cast %get3A_760 : vector<1x16xf32> to vector<16xf32>
        %get3A_762 = arith.index_cast %select_n3A_713 : i32 to index
        %get3A_763 = arith.constant 48 : index
        %get3A_764 = tpu.vector_load %arg7[%get3A_762, %get3A_763] {strides = array<i32>} : memref<200x64xf32, #tpu.memory_space<vmem>>, vector<1x16xf32>,
        %get3A_765 = vector.shape_cast %get3A_764 : vector<1x16xf32> to vector<16xf32>
        %add3A_766 = arith.addf %get3A_761, %get3A_765 : vector<16xf32>
        %swap3A_767 = arith.index_cast %scan3A_715 : i32 to index
        %swap3A_768 = arith.constant 48 : index
        %swap3A_769 = tpu.vector_load %arg10[%swap3A_767, %swap3A_768] {strides = array<i32>} : memref<128x128xf32, #tpu.memory_space<vmem>>, vector<1x16xf32>,
        %swap3A_770 = vector.shape_cast %swap3A_769 : vector<1x16xf32> to vector<16xf32>
        %swap3A_771 = vector.shape_cast %add3A_766 : vector<16xf32> to vector<1x16xf32>
        tpu.vector_store %arg10[%swap3A_767, %swap3A_768], %swap3A_771 {strides = array<i32>} : memref<128x128xf32, #tpu.memory_space<vmem>>, vector<1x16xf32>,
        %add3A_772 = arith.constant 1 : i32
        %add3A_773 = arith.addi %select_n3A_713, %add3A_772 : i32
        %eq3A_774 = arith.constant 200 : i32
        %eq3A_775 = arith.cmpi eq, %add3A_773, %eq3A_774 : i32
        %add3A_776 = arith.constant 1 : i32
        %add3A_777 = arith.addi %select_n3A_713, %add3A_776 : i32
        %select_n3A_778 = arith.constant 0 : i32
        %select_n3A_779 = arith.select %eq3A_775, %select_n3A_778, %add3A_777 : i32
        %scan3A_780 = arith.constant 7 : i32
        %scan3A_781 = arith.addi %scan3A_320, %scan3A_780 : i32
        %get3A_782 = arith.index_cast %scan3A_781 : i32 to index
        %get3A_783 = arith.constant 0 : index
        %get3A_784 = tpu.vector_load %arg8[%get3A_782, %get3A_783] {strides = array<i32>} : memref<128x128xf32, #tpu.memory_space<vmem>>, vector<1x16xf32>,
        %get3A_785 = vector.shape_cast %get3A_784 : vector<1x16xf32> to vector<16xf32>
        %get3A_786 = arith.index_cast %select_n3A_779 : i32 to index
        %get3A_787 = arith.constant 0 : index
        %get3A_788 = tpu.vector_load %arg7[%get3A_786, %get3A_787] {strides = array<i32>} : memref<200x64xf32, #tpu.memory_space<vmem>>, vector<1x16xf32>,
        %get3A_789 = vector.shape_cast %get3A_788 : vector<1x16xf32> to vector<16xf32>
        %add3A_790 = arith.addf %get3A_785, %get3A_789 : vector<16xf32>
        %swap3A_791 = arith.index_cast %scan3A_781 : i32 to index
        %swap3A_792 = arith.constant 0 : index
        %swap3A_793 = tpu.vector_load %arg10[%swap3A_791, %swap3A_792] {strides = array<i32>} : memref<128x128xf32, #tpu.memory_space<vmem>>, vector<1x16xf32>,
        %swap3A_794 = vector.shape_cast %swap3A_793 : vector<1x16xf32> to vector<16xf32>
        %swap3A_795 = vector.shape_cast %add3A_790 : vector<16xf32> to vector<1x16xf32>
        tpu.vector_store %arg10[%swap3A_791, %swap3A_792], %swap3A_795 {strides = array<i32>} : memref<128x128xf32, #tpu.memory_space<vmem>>, vector<1x16xf32>,
        %get3A_796 = arith.index_cast %scan3A_781 : i32 to index
        %get3A_797 = arith.constant 16 : index
        %get3A_798 = tpu.vector_load %arg8[%get3A_796, %get3A_797] {strides = array<i32>} : memref<128x128xf32, #tpu.memory_space<vmem>>, vector<1x16xf32>,
        %get3A_799 = vector.shape_cast %get3A_798 : vector<1x16xf32> to vector<16xf32>
        %get3A_800 = arith.index_cast %select_n3A_779 : i32 to index
        %get3A_801 = arith.constant 16 : index
        %get3A_802 = tpu.vector_load %arg7[%get3A_800, %get3A_801] {strides = array<i32>} : memref<200x64xf32, #tpu.memory_space<vmem>>, vector<1x16xf32>,
        %get3A_803 = vector.shape_cast %get3A_802 : vector<1x16xf32> to vector<16xf32>
        %add3A_804 = arith.addf %get3A_799, %get3A_803 : vector<16xf32>
        %swap3A_805 = arith.index_cast %scan3A_781 : i32 to index
        %swap3A_806 = arith.constant 16 : index
        %swap3A_807 = tpu.vector_load %arg10[%swap3A_805, %swap3A_806] {strides = array<i32>} : memref<128x128xf32, #tpu.memory_space<vmem>>, vector<1x16xf32>,
        %swap3A_808 = vector.shape_cast %swap3A_807 : vector<1x16xf32> to vector<16xf32>
        %swap3A_809 = vector.shape_cast %add3A_804 : vector<16xf32> to vector<1x16xf32>
        tpu.vector_store %arg10[%swap3A_805, %swap3A_806], %swap3A_809 {strides = array<i32>} : memref<128x128xf32, #tpu.memory_space<vmem>>, vector<1x16xf32>,
        %get3A_810 = arith.index_cast %scan3A_781 : i32 to index
        %get3A_811 = arith.constant 32 : index
        %get3A_812 = tpu.vector_load %arg8[%get3A_810, %get3A_811] {strides = array<i32>} : memref<128x128xf32, #tpu.memory_space<vmem>>, vector<1x16xf32>,
        %get3A_813 = vector.shape_cast %get3A_812 : vector<1x16xf32> to vector<16xf32>
        %get3A_814 = arith.index_cast %select_n3A_779 : i32 to index
        %get3A_815 = arith.constant 32 : index
        %get3A_816 = tpu.vector_load %arg7[%get3A_814, %get3A_815] {strides = array<i32>} : memref<200x64xf32, #tpu.memory_space<vmem>>, vector<1x16xf32>,
        %get3A_817 = vector.shape_cast %get3A_816 : vector<1x16xf32> to vector<16xf32>
        %add3A_818 = arith.addf %get3A_813, %get3A_817 : vector<16xf32>
        %swap3A_819 = arith.index_cast %scan3A_781 : i32 to index
        %swap3A_820 = arith.constant 32 : index
        %swap3A_821 = tpu.vector_load %arg10[%swap3A_819, %swap3A_820] {strides = array<i32>} : memref<128x128xf32, #tpu.memory_space<vmem>>, vector<1x16xf32>,
        %swap3A_822 = vector.shape_cast %swap3A_821 : vector<1x16xf32> to vector<16xf32>
        %swap3A_823 = vector.shape_cast %add3A_818 : vector<16xf32> to vector<1x16xf32>
        tpu.vector_store %arg10[%swap3A_819, %swap3A_820], %swap3A_823 {strides = array<i32>} : memref<128x128xf32, #tpu.memory_space<vmem>>, vector<1x16xf32>,
        %get3A_824 = arith.index_cast %scan3A_781 : i32 to index
        %get3A_825 = arith.constant 48 : index
        %get3A_826 = tpu.vector_load %arg8[%get3A_824, %get3A_825] {strides = array<i32>} : memref<128x128xf32, #tpu.memory_space<vmem>>, vector<1x16xf32>,
        %get3A_827 = vector.shape_cast %get3A_826 : vector<1x16xf32> to vector<16xf32>
        %get3A_828 = arith.index_cast %select_n3A_779 : i32 to index
        %get3A_829 = arith.constant 48 : index
        %get3A_830 = tpu.vector_load %arg7[%get3A_828, %get3A_829] {strides = array<i32>} : memref<200x64xf32, #tpu.memory_space<vmem>>, vector<1x16xf32>,
        %get3A_831 = vector.shape_cast %get3A_830 : vector<1x16xf32> to vector<16xf32>
        %add3A_832 = arith.addf %get3A_827, %get3A_831 : vector<16xf32>
        %swap3A_833 = arith.index_cast %scan3A_781 : i32 to index
        %swap3A_834 = arith.constant 48 : index
        %swap3A_835 = tpu.vector_load %arg10[%swap3A_833, %swap3A_834] {strides = array<i32>} : memref<128x128xf32, #tpu.memory_space<vmem>>, vector<1x16xf32>,
        %swap3A_836 = vector.shape_cast %swap3A_835 : vector<1x16xf32> to vector<16xf32>
        %swap3A_837 = vector.shape_cast %add3A_832 : vector<16xf32> to vector<1x16xf32>
        tpu.vector_store %arg10[%swap3A_833, %swap3A_834], %swap3A_837 {strides = array<i32>} : memref<128x128xf32, #tpu.memory_space<vmem>>, vector<1x16xf32>,
        %add3A_838 = arith.constant 1 : i32
        %add3A_839 = arith.addi %select_n3A_779, %add3A_838 : i32
        %eq3A_840 = arith.constant 200 : i32
        %eq3A_841 = arith.cmpi eq, %add3A_839, %eq3A_840 : i32
        %add3A_842 = arith.constant 1 : i32
        %add3A_843 = arith.addi %select_n3A_779, %add3A_842 : i32
        %select_n3A_844 = arith.constant 0 : i32
        %select_n3A_845 = arith.select %eq3A_841, %select_n3A_844, %add3A_843 : i32
        scf.yield %select_n3A_845 : i32
      }
      %scan3A_206 = arith.constant 128 : i32
      %add3A_207 = arith.constant 2 : i32
      %add3A_208 = arith.addi %mul3A_124, %add3A_207 : i32
      %rem3A_209 = arith.constant 8 : i32
      %rem3A_210 = arith.remsi %add3A_208, %rem3A_209 : i32
      %eq3A = arith.constant 0 : i32
      %eq3A_211 = arith.cmpi eq, %rem3A_210, %eq3A : i32
      %convert_element_type3A_212 = arith.extui %eq3A_211 : i1 to i32
      %cond3A_213 = arith.constant 0 : i32
      %cond3A_214 = arith.cmpi ne, %convert_element_type3A_212, %cond3A_213 : i32
      scf.if %cond3A_214 {
        %add3A_320 = arith.constant 2 : i32
        %add3A_321 = arith.addi %mul3A_124, %add3A_320 : i32
        %jit3A_322 = arith.constant 8 : i32
        %div3A_323 = arith.divsi %add3A_321, %jit3A_322 : i32
        %sign3A_324 = arith.constant 0 : i32
        %sign3A_325 = arith.cmpi sgt, %add3A_321, %sign3A_324 : i32
        %sign3A_326 = arith.extui %sign3A_325 : i1 to i32
        %sign3A_327 = arith.constant 0 : i32
        %sign3A_328 = arith.cmpi slt, %add3A_321, %sign3A_327 : i32
        %sign3A_329 = arith.extui %sign3A_328 : i1 to i32
        %sign3A_330 = arith.subi %sign3A_326, %sign3A_329 : i32
        %sign3A_331 = arith.constant 0 : i32
        %sign3A_332 = arith.cmpi sgt, %jit3A_322, %sign3A_331 : i32
        %sign3A_333 = arith.extui %sign3A_332 : i1 to i32
        %sign3A_334 = arith.constant 0 : i32
        %sign3A_335 = arith.cmpi slt, %jit3A_322, %sign3A_334 : i32
        %sign3A_336 = arith.extui %sign3A_335 : i1 to i32
        %sign3A_337 = arith.subi %sign3A_333, %sign3A_336 : i32
        %ne3A_338 = arith.cmpi ne, %sign3A_330, %sign3A_337 : i32
        %rem3A_339 = arith.remsi %add3A_321, %jit3A_322 : i32
        %ne3A_340 = arith.constant 0 : i32
        %ne3A_341 = arith.cmpi ne, %rem3A_339, %ne3A_340 : i32
        %and3A_342 = arith.andi %ne3A_338, %ne3A_341 : i1
        %sub3A_343 = arith.constant 1 : i32
        %sub3A_344 = arith.subi %div3A_323, %sub3A_343 : i32
        %select_n3A_345 = arith.select %and3A_342, %sub3A_344, %div3A_323 : i32
        %jit3A_346 = arith.constant 128 : i32
        %div3A_347 = arith.divsi %multiple_of3A, %jit3A_346 : i32
        %sign3A_348 = arith.constant 0 : i32
        %sign3A_349 = arith.cmpi sgt, %multiple_of3A, %sign3A_348 : i32
        %sign3A_350 = arith.extui %sign3A_349 : i1 to i32
        %sign3A_351 = arith.constant 0 : i32
        %sign3A_352 = arith.cmpi slt, %multiple_of3A, %sign3A_351 : i32
        %sign3A_353 = arith.extui %sign3A_352 : i1 to i32
        %sign3A_354 = arith.subi %sign3A_350, %sign3A_353 : i32
        %sign3A_355 = arith.constant 0 : i32
        %sign3A_356 = arith.cmpi sgt, %jit3A_346, %sign3A_355 : i32
        %sign3A_357 = arith.extui %sign3A_356 : i1 to i32
        %sign3A_358 = arith.constant 0 : i32
        %sign3A_359 = arith.cmpi slt, %jit3A_346, %sign3A_358 : i32
        %sign3A_360 = arith.extui %sign3A_359 : i1 to i32
        %sign3A_361 = arith.subi %sign3A_357, %sign3A_360 : i32
        %ne3A_362 = arith.cmpi ne, %sign3A_354, %sign3A_361 : i32
        %rem3A_363 = arith.remsi %multiple_of3A, %jit3A_346 : i32
        %ne3A_364 = arith.constant 0 : i32
        %ne3A_365 = arith.cmpi ne, %rem3A_363, %ne3A_364 : i32
        %and3A_366 = arith.andi %ne3A_362, %ne3A_365 : i1
        %sub3A_367 = arith.constant 1 : i32
        %sub3A_368 = arith.subi %div3A_347, %sub3A_367 : i32
        %select_n3A_369 = arith.select %and3A_366, %sub3A_368, %div3A_347 : i32
        %mul3A_370 = arith.constant 8 : i32
        %mul3A_371 = arith.muli %select_n3A_345, %mul3A_370 : i32
        %add3A_372 = arith.addi %select_n3A_369, %mul3A_371 : i32
        %multiple_of3A_373 = tpu.assume_multiple %add3A_372, 8 : i32
        %rem3A_374 = arith.constant 2 : i32
        %rem3A_375 = arith.remsi %select_n3A_345, %rem3A_374 : i32
        "tpu.region"() ({
          %run_scoped3A = tpu.sem_alloc : memref<!tpu.dma_semaphore, #tpu.memory_space<semaphore_mem>>
          %dma_start3A_376 = arith.constant 0 : i32
          %dma_start3A_377 = arith.constant 0 : i32
          %dma_start3A_378 = tpu.memref_slice %arg6[%rem3A_375, %dma_start3A_376, %dma_start3A_377] : memref<2x8x128xi32, #tpu.memory_space<vmem>> -> memref<1x8x128xi32, #tpu.memory_space<vmem>>
          %dma_start3A_379 = tpu.memref_squeeze %dma_start3A_378 : memref<1x8x128xi32, #tpu.memory_space<vmem>> -> memref<8x128xi32, #tpu.memory_space<vmem>>
          %dma_start3A_380 = arith.constant 0 : i32
          %dma_start3A_381 = tpu.memref_slice %arg3[%multiple_of3A_373, %dma_start3A_380] : memref<6400x128xi32, #tpu.memory_space<hbm>> -> memref<8x128xi32, #tpu.memory_space<hbm>>
          %dma_start3A_382 = arith.constant 0 : i32
          %dma_start3A_383 = arith.constant 0 : i32
          %dma_start3A_384 = tpu.memref_slice %arg6[%rem3A_375, %dma_start3A_382, %dma_start3A_383] : memref<2x8x128xi32, #tpu.memory_space<vmem>> -> memref<1x8x128xi32, #tpu.memory_space<vmem>>
          %dma_start3A_385 = tpu.memref_squeeze %dma_start3A_384 : memref<1x8x128xi32, #tpu.memory_space<vmem>> -> memref<8x128xi32, #tpu.memory_space<vmem>>
          %dma_start3A_386 = arith.constant 0 : i32
          %dma_start3A_387 = tpu.memref_slice %arg3[%multiple_of3A_373, %dma_start3A_386] : memref<6400x128xi32, #tpu.memory_space<hbm>> -> memref<8x128xi32, #tpu.memory_space<hbm>>
          tpu.enqueue_dma source(%dma_start3A_387 : memref<8x128xi32, #tpu.memory_space<hbm>>) target(%dma_start3A_385 : memref<8x128xi32, #tpu.memory_space<vmem>>) target_semaphore(%run_scoped3A : memref<!tpu.dma_semaphore, #tpu.memory_space<semaphore_mem>>)
          %dma_wait3A_388 = arith.constant 0 : i32
          %dma_wait3A_389 = arith.constant 0 : i32
          %dma_wait3A_390 = tpu.memref_slice %arg6[%rem3A_375, %dma_wait3A_388, %dma_wait3A_389] : memref<2x8x128xi32, #tpu.memory_space<vmem>> -> memref<1x8x128xi32, #tpu.memory_space<vmem>>
          %dma_wait3A_391 = tpu.memref_squeeze %dma_wait3A_390 : memref<1x8x128xi32, #tpu.memory_space<vmem>> -> memref<8x128xi32, #tpu.memory_space<vmem>>
          %dma_wait3A_392 = arith.constant 0 : i32
          %dma_wait3A_393 = tpu.memref_slice %arg3[%multiple_of3A_373, %dma_wait3A_392] : memref<6400x128xi32, #tpu.memory_space<hbm>> -> memref<8x128xi32, #tpu.memory_space<hbm>>
          %dma_wait3A_394 = arith.constant 0 : i32
          %dma_wait3A_395 = arith.constant 0 : i32
          %dma_wait3A_396 = tpu.memref_slice %arg6[%rem3A_375, %dma_wait3A_394, %dma_wait3A_395] : memref<2x8x128xi32, #tpu.memory_space<vmem>> -> memref<1x8x128xi32, #tpu.memory_space<vmem>>
          %dma_wait3A_397 = tpu.memref_squeeze %dma_wait3A_396 : memref<1x8x128xi32, #tpu.memory_space<vmem>> -> memref<8x128xi32, #tpu.memory_space<vmem>>
          %dma_wait3A_398 = arith.constant 0 : i32
          %dma_wait3A_399 = tpu.memref_slice %arg3[%multiple_of3A_373, %dma_wait3A_398] : memref<6400x128xi32, #tpu.memory_space<hbm>> -> memref<8x128xi32, #tpu.memory_space<hbm>>
          tpu.wait_dma2 semaphore(%run_scoped3A : memref<!tpu.dma_semaphore, #tpu.memory_space<semaphore_mem>>) src(%dma_wait3A_399 : memref<8x128xi32, #tpu.memory_space<hbm>>) dst(%dma_wait3A_397 : memref<8x128xi32, #tpu.memory_space<vmem>>)
          tpu.yield
        }) : () -> ()
      } else {
      }
      %add3A_215 = arith.constant 2 : i32
      %add3A_216 = arith.addi %mul3A_124, %add3A_215 : i32
      %jit3A_217 = arith.constant 8 : i32
      %div3A_218 = arith.divsi %add3A_216, %jit3A_217 : i32
      %sign3A_219 = arith.constant 0 : i32
      %sign3A_220 = arith.cmpi sgt, %add3A_216, %sign3A_219 : i32
      %sign3A_221 = arith.extui %sign3A_220 : i1 to i32
      %sign3A_222 = arith.constant 0 : i32
      %sign3A_223 = arith.cmpi slt, %add3A_216, %sign3A_222 : i32
      %sign3A_224 = arith.extui %sign3A_223 : i1 to i32
      %sign3A_225 = arith.subi %sign3A_221, %sign3A_224 : i32
      %sign3A_226 = arith.constant 0 : i32
      %sign3A_227 = arith.cmpi sgt, %jit3A_217, %sign3A_226 : i32
      %sign3A_228 = arith.extui %sign3A_227 : i1 to i32
      %sign3A_229 = arith.constant 0 : i32
      %sign3A_230 = arith.cmpi slt, %jit3A_217, %sign3A_229 : i32
      %sign3A_231 = arith.extui %sign3A_230 : i1 to i32
      %sign3A_232 = arith.subi %sign3A_228, %sign3A_231 : i32
      %ne3A_233 = arith.cmpi ne, %sign3A_225, %sign3A_232 : i32
      %rem3A_234 = arith.remsi %add3A_216, %jit3A_217 : i32
      %ne3A_235 = arith.constant 0 : i32
      %ne3A_236 = arith.cmpi ne, %rem3A_234, %ne3A_235 : i32
      %and3A_237 = arith.andi %ne3A_233, %ne3A_236 : i1
      %sub3A_238 = arith.constant 1 : i32
      %sub3A_239 = arith.subi %div3A_218, %sub3A_238 : i32
      %select_n3A_240 = arith.select %and3A_237, %sub3A_239, %div3A_218 : i32
      %rem3A_241 = arith.constant 2 : i32
      %rem3A_242 = arith.remsi %select_n3A_240, %rem3A_241 : i32
      %rem3A_243 = arith.constant 8 : i32
      %rem3A_244 = arith.remsi %add3A_216, %rem3A_243 : i32
      %dma_start3A_245 = arith.constant 0 : i32
      %dma_start3A_246 = tpu.memref_slice %arg6[%rem3A_242, %rem3A_244, %dma_start3A_245] : memref<2x8x128xi32, #tpu.memory_space<vmem>> -> memref<1x1x128xi32, #tpu.memory_space<vmem>>
      %dma_start3A_247 = tpu.memref_squeeze %dma_start3A_246 : memref<1x1x128xi32, #tpu.memory_space<vmem>> -> memref<128xi32, #tpu.memory_space<vmem>>
      %dma_start3A_248 = arith.constant 0 : i32
      %dma_start3A_249 = arith.constant 0 : i32
      %dma_start3A_250 = tpu.memref_slice %arg2[%dma_start3A_248, %dma_start3A_249] : memref<1000000x128xf32, #tpu.memory_space<hbm>> -> memref<1000000x128xf32, #tpu.memory_space<hbm>>
      tpu.enqueue_indirect_dma source(%dma_start3A_250 : memref<1000000x128xf32, #tpu.memory_space<hbm>>) target(%arg8 : memref<128x128xf32, #tpu.memory_space<vmem>>) offsets(%dma_start3A_247 : memref<128xi32, #tpu.memory_space<vmem>>) semaphore(%arg12 : memref<!tpu.dma_semaphore, #tpu.memory_space<semaphore_mem>>)
      %mul3A_251 = arith.constant 128 : i32
      %mul3A_252 = arith.muli %mul3A_124, %mul3A_251 : i32
      %add3A_253 = arith.addi %multiple_of3A, %mul3A_252 : i32
      %dma_start3A_254 = arith.constant 0 : i32
      %dma_start3A_255 = tpu.memref_slice %arg5[%add3A_253, %dma_start3A_254] : memref<819200x128xf32, #tpu.memory_space<hbm>> -> memref<128x128xf32, #tpu.memory_space<hbm>>
      %dma_start3A_256 = arith.constant 0 : i32
      %dma_start3A_257 = tpu.memref_slice %arg5[%add3A_253, %dma_start3A_256] : memref<819200x128xf32, #tpu.memory_space<hbm>> -> memref<128x128xf32, #tpu.memory_space<hbm>>
      tpu.enqueue_dma source(%arg10 : memref<128x128xf32, #tpu.memory_space<vmem>>) target(%dma_start3A_257 : memref<128x128xf32, #tpu.memory_space<hbm>>) target_semaphore(%arg14 : memref<!tpu.dma_semaphore, #tpu.memory_space<semaphore_mem>>)
      %add3A_258 = arith.constant 1 : i32
      %add3A_259 = arith.addi %mul3A_124, %add3A_258 : i32
      %jit3A_260 = arith.constant 8 : i32
      %div3A_261 = arith.divsi %add3A_259, %jit3A_260 : i32
      %sign3A_262 = arith.constant 0 : i32
      %sign3A_263 = arith.cmpi sgt, %add3A_259, %sign3A_262 : i32
      %sign3A_264 = arith.extui %sign3A_263 : i1 to i32
      %sign3A_265 = arith.constant 0 : i32
      %sign3A_266 = arith.cmpi slt, %add3A_259, %sign3A_265 : i32
      %sign3A_267 = arith.extui %sign3A_266 : i1 to i32
      %sign3A_268 = arith.subi %sign3A_264, %sign3A_267 : i32
      %sign3A_269 = arith.constant 0 : i32
      %sign3A_270 = arith.cmpi sgt, %jit3A_260, %sign3A_269 : i32
      %sign3A_271 = arith.extui %sign3A_270 : i1 to i32
      %sign3A_272 = arith.constant 0 : i32
      %sign3A_273 = arith.cmpi slt, %jit3A_260, %sign3A_272 : i32
      %sign3A_274 = arith.extui %sign3A_273 : i1 to i32
      %sign3A_275 = arith.subi %sign3A_271, %sign3A_274 : i32
      %ne3A_276 = arith.cmpi ne, %sign3A_268, %sign3A_275 : i32
      %rem3A_277 = arith.remsi %add3A_259, %jit3A_260 : i32
      %ne3A_278 = arith.constant 0 : i32
      %ne3A_279 = arith.cmpi ne, %rem3A_277, %ne3A_278 : i32
      %and3A_280 = arith.andi %ne3A_276, %ne3A_279 : i1
      %sub3A_281 = arith.constant 1 : i32
      %sub3A_282 = arith.subi %div3A_261, %sub3A_281 : i32
      %select_n3A_283 = arith.select %and3A_280, %sub3A_282, %div3A_261 : i32
      %rem3A_284 = arith.constant 2 : i32
      %rem3A_285 = arith.remsi %select_n3A_283, %rem3A_284 : i32
      %rem3A_286 = arith.constant 8 : i32
      %rem3A_287 = arith.remsi %add3A_259, %rem3A_286 : i32
      %dma_wait3A_288 = arith.constant 0 : i32
      %dma_wait3A_289 = tpu.memref_slice %arg6[%rem3A_285, %rem3A_287, %dma_wait3A_288] : memref<2x8x128xi32, #tpu.memory_space<vmem>> -> memref<1x1x128xi32, #tpu.memory_space<vmem>>
      %dma_wait3A_290 = tpu.memref_squeeze %dma_wait3A_289 : memref<1x1x128xi32, #tpu.memory_space<vmem>> -> memref<128xi32, #tpu.memory_space<vmem>>
      %dma_wait3A_291 = arith.constant 0 : i32
      %dma_wait3A_292 = arith.constant 0 : i32
      %dma_wait3A_293 = tpu.memref_slice %arg2[%dma_wait3A_291, %dma_wait3A_292] : memref<1000000x128xf32, #tpu.memory_space<hbm>> -> memref<1000000x128xf32, #tpu.memory_space<hbm>>
      tpu.wait_indirect_dma semaphore(%arg13 : memref<!tpu.dma_semaphore, #tpu.memory_space<semaphore_mem>>) src(%dma_wait3A_293 : memref<1000000x128xf32, #tpu.memory_space<hbm>>) dst(%arg9 : memref<128x128xf32, #tpu.memory_space<vmem>>)
      %gt3A_294 = arith.constant 0 : i32
      %gt3A_295 = arith.cmpi sgt, %scan3A_122, %gt3A_294 : i32
      %convert_element_type3A_296 = arith.extui %gt3A_295 : i1 to i32
      %cond3A_297 = arith.constant 0 : i32
      %cond3A_298 = arith.cmpi ne, %convert_element_type3A_296, %cond3A_297 : i32
      scf.if %cond3A_298 {
        %dma_wait3A_320 = arith.constant 0 : i32
        %dma_wait3A_321 = tpu.memref_slice %arg5[%multiple_of3A, %dma_wait3A_320] : memref<819200x128xf32, #tpu.memory_space<hbm>> -> memref<128x128xf32, #tpu.memory_space<hbm>>
        %dma_wait3A_322 = arith.constant 0 : i32
        %dma_wait3A_323 = tpu.memref_slice %arg5[%multiple_of3A, %dma_wait3A_322] : memref<819200x128xf32, #tpu.memory_space<hbm>> -> memref<128x128xf32, #tpu.memory_space<hbm>>
        tpu.wait_dma2 semaphore(%arg15 : memref<!tpu.dma_semaphore, #tpu.memory_space<semaphore_mem>>) src(%arg11 : memref<128x128xf32, #tpu.memory_space<vmem>>) dst(%dma_wait3A_323 : memref<128x128xf32, #tpu.memory_space<hbm>>)
      } else {
      }
      %add3A_299 = arith.constant 1 : i32
      %add3A_300 = arith.addi %mul3A_124, %add3A_299 : i32
      %mul3A_301 = arith.constant 128 : i32
      %mul3A_302 = arith.muli %add3A_300, %mul3A_301 : i32
      %rem3A_303 = arith.constant 200 : i32
      %rem3A_304 = arith.remsi %mul3A_302, %rem3A_303 : i32
      %scan3A_305 = arith.constant 0 : i32
      %scan3A_306 = arith.constant 128 : i32
      %scan3A_307 = arith.addi %scan3A_305, %scan3A_306 : i32
      %scan3A_308 = arith.constant 8 : i32
      %scan3A_309 = scf.for %scan3A_320 = %scan3A_305 to %scan3A_307 step %scan3A_308 iter_args(%scan3A_321 = %rem3A_304) -> (i32)  : i32 {
        %get3A = arith.index_cast %scan3A_320 : i32 to index
        %get3A_322 = arith.constant 0 : index
        %get3A_323 = tpu.vector_load %arg9[%get3A, %get3A_322] {strides = array<i32>} : memref<128x128xf32, #tpu.memory_space<vmem>>, vector<1x16xf32>,
        %get3A_324 = vector.shape_cast %get3A_323 : vector<1x16xf32> to vector<16xf32>
        %get3A_325 = arith.index_cast %scan3A_321 : i32 to index
        %get3A_326 = arith.constant 0 : index
        %get3A_327 = tpu.vector_load %arg7[%get3A_325, %get3A_326] {strides = array<i32>} : memref<200x64xf32, #tpu.memory_space<vmem>>, vector<1x16xf32>,
        %get3A_328 = vector.shape_cast %get3A_327 : vector<1x16xf32> to vector<16xf32>
        %add3A_329 = arith.addf %get3A_324, %get3A_328 : vector<16xf32>
        %swap3A = arith.index_cast %scan3A_320 : i32 to index
        %swap3A_330 = arith.constant 0 : index
        %swap3A_331 = tpu.vector_load %arg11[%swap3A, %swap3A_330] {strides = array<i32>} : memref<128x128xf32, #tpu.memory_space<vmem>>, vector<1x16xf32>,
        %swap3A_332 = vector.shape_cast %swap3A_331 : vector<1x16xf32> to vector<16xf32>
        %swap3A_333 = vector.shape_cast %add3A_329 : vector<16xf32> to vector<1x16xf32>
        tpu.vector_store %arg11[%swap3A, %swap3A_330], %swap3A_333 {strides = array<i32>} : memref<128x128xf32, #tpu.memory_space<vmem>>, vector<1x16xf32>,
        %get3A_334 = arith.index_cast %scan3A_320 : i32 to index
        %get3A_335 = arith.constant 16 : index
        %get3A_336 = tpu.vector_load %arg9[%get3A_334, %get3A_335] {strides = array<i32>} : memref<128x128xf32, #tpu.memory_space<vmem>>, vector<1x16xf32>,
        %get3A_337 = vector.shape_cast %get3A_336 : vector<1x16xf32> to vector<16xf32>
        %get3A_338 = arith.index_cast %scan3A_321 : i32 to index
        %get3A_339 = arith.constant 16 : index
        %get3A_340 = tpu.vector_load %arg7[%get3A_338, %get3A_339] {strides = array<i32>} : memref<200x64xf32, #tpu.memory_space<vmem>>, vector<1x16xf32>,
        %get3A_341 = vector.shape_cast %get3A_340 : vector<1x16xf32> to vector<16xf32>
        %add3A_342 = arith.addf %get3A_337, %get3A_341 : vector<16xf32>
        %swap3A_343 = arith.index_cast %scan3A_320 : i32 to index
        %swap3A_344 = arith.constant 16 : index
        %swap3A_345 = tpu.vector_load %arg11[%swap3A_343, %swap3A_344] {strides = array<i32>} : memref<128x128xf32, #tpu.memory_space<vmem>>, vector<1x16xf32>,
        %swap3A_346 = vector.shape_cast %swap3A_345 : vector<1x16xf32> to vector<16xf32>
        %swap3A_347 = vector.shape_cast %add3A_342 : vector<16xf32> to vector<1x16xf32>
        tpu.vector_store %arg11[%swap3A_343, %swap3A_344], %swap3A_347 {strides = array<i32>} : memref<128x128xf32, #tpu.memory_space<vmem>>, vector<1x16xf32>,
        %get3A_348 = arith.index_cast %scan3A_320 : i32 to index
        %get3A_349 = arith.constant 32 : index
        %get3A_350 = tpu.vector_load %arg9[%get3A_348, %get3A_349] {strides = array<i32>} : memref<128x128xf32, #tpu.memory_space<vmem>>, vector<1x16xf32>,
        %get3A_351 = vector.shape_cast %get3A_350 : vector<1x16xf32> to vector<16xf32>
        %get3A_352 = arith.index_cast %scan3A_321 : i32 to index
        %get3A_353 = arith.constant 32 : index
        %get3A_354 = tpu.vector_load %arg7[%get3A_352, %get3A_353] {strides = array<i32>} : memref<200x64xf32, #tpu.memory_space<vmem>>, vector<1x16xf32>,
        %get3A_355 = vector.shape_cast %get3A_354 : vector<1x16xf32> to vector<16xf32>
        %add3A_356 = arith.addf %get3A_351, %get3A_355 : vector<16xf32>
        %swap3A_357 = arith.index_cast %scan3A_320 : i32 to index
        %swap3A_358 = arith.constant 32 : index
        %swap3A_359 = tpu.vector_load %arg11[%swap3A_357, %swap3A_358] {strides = array<i32>} : memref<128x128xf32, #tpu.memory_space<vmem>>, vector<1x16xf32>,
        %swap3A_360 = vector.shape_cast %swap3A_359 : vector<1x16xf32> to vector<16xf32>
        %swap3A_361 = vector.shape_cast %add3A_356 : vector<16xf32> to vector<1x16xf32>
        tpu.vector_store %arg11[%swap3A_357, %swap3A_358], %swap3A_361 {strides = array<i32>} : memref<128x128xf32, #tpu.memory_space<vmem>>, vector<1x16xf32>,
        %get3A_362 = arith.index_cast %scan3A_320 : i32 to index
        %get3A_363 = arith.constant 48 : index
        %get3A_364 = tpu.vector_load %arg9[%get3A_362, %get3A_363] {strides = array<i32>} : memref<128x128xf32, #tpu.memory_space<vmem>>, vector<1x16xf32>,
        %get3A_365 = vector.shape_cast %get3A_364 : vector<1x16xf32> to vector<16xf32>
        %get3A_366 = arith.index_cast %scan3A_321 : i32 to index
        %get3A_367 = arith.constant 48 : index
        %get3A_368 = tpu.vector_load %arg7[%get3A_366, %get3A_367] {strides = array<i32>} : memref<200x64xf32, #tpu.memory_space<vmem>>, vector<1x16xf32>,
        %get3A_369 = vector.shape_cast %get3A_368 : vector<1x16xf32> to vector<16xf32>
        %add3A_370 = arith.addf %get3A_365, %get3A_369 : vector<16xf32>
        %swap3A_371 = arith.index_cast %scan3A_320 : i32 to index
        %swap3A_372 = arith.constant 48 : index
        %swap3A_373 = tpu.vector_load %arg11[%swap3A_371, %swap3A_372] {strides = array<i32>} : memref<128x128xf32, #tpu.memory_space<vmem>>, vector<1x16xf32>,
        %swap3A_374 = vector.shape_cast %swap3A_373 : vector<1x16xf32> to vector<16xf32>
        %swap3A_375 = vector.shape_cast %add3A_370 : vector<16xf32> to vector<1x16xf32>
        tpu.vector_store %arg11[%swap3A_371, %swap3A_372], %swap3A_375 {strides = array<i32>} : memref<128x128xf32, #tpu.memory_space<vmem>>, vector<1x16xf32>,
        %add3A_376 = arith.constant 1 : i32
        %add3A_377 = arith.addi %scan3A_321, %add3A_376 : i32
        %eq3A_378 = arith.constant 200 : i32
        %eq3A_379 = arith.cmpi eq, %add3A_377, %eq3A_378 : i32
        %add3A_380 = arith.constant 1 : i32
        %add3A_381 = arith.addi %scan3A_321, %add3A_380 : i32
        %select_n3A_382 = arith.constant 0 : i32
        %select_n3A_383 = arith.select %eq3A_379, %select_n3A_382, %add3A_381 : i32
        %scan3A_384 = arith.constant 1 : i32
        %scan3A_385 = arith.addi %scan3A_320, %scan3A_384 : i32
        %get3A_386 = arith.index_cast %scan3A_385 : i32 to index
        %get3A_387 = arith.constant 0 : index
        %get3A_388 = tpu.vector_load %arg9[%get3A_386, %get3A_387] {strides = array<i32>} : memref<128x128xf32, #tpu.memory_space<vmem>>, vector<1x16xf32>,
        %get3A_389 = vector.shape_cast %get3A_388 : vector<1x16xf32> to vector<16xf32>
        %get3A_390 = arith.index_cast %select_n3A_383 : i32 to index
        %get3A_391 = arith.constant 0 : index
        %get3A_392 = tpu.vector_load %arg7[%get3A_390, %get3A_391] {strides = array<i32>} : memref<200x64xf32, #tpu.memory_space<vmem>>, vector<1x16xf32>,
        %get3A_393 = vector.shape_cast %get3A_392 : vector<1x16xf32> to vector<16xf32>
        %add3A_394 = arith.addf %get3A_389, %get3A_393 : vector<16xf32>
        %swap3A_395 = arith.index_cast %scan3A_385 : i32 to index
        %swap3A_396 = arith.constant 0 : index
        %swap3A_397 = tpu.vector_load %arg11[%swap3A_395, %swap3A_396] {strides = array<i32>} : memref<128x128xf32, #tpu.memory_space<vmem>>, vector<1x16xf32>,
        %swap3A_398 = vector.shape_cast %swap3A_397 : vector<1x16xf32> to vector<16xf32>
        %swap3A_399 = vector.shape_cast %add3A_394 : vector<16xf32> to vector<1x16xf32>
        tpu.vector_store %arg11[%swap3A_395, %swap3A_396], %swap3A_399 {strides = array<i32>} : memref<128x128xf32, #tpu.memory_space<vmem>>, vector<1x16xf32>,
        %get3A_400 = arith.index_cast %scan3A_385 : i32 to index
        %get3A_401 = arith.constant 16 : index
        %get3A_402 = tpu.vector_load %arg9[%get3A_400, %get3A_401] {strides = array<i32>} : memref<128x128xf32, #tpu.memory_space<vmem>>, vector<1x16xf32>,
        %get3A_403 = vector.shape_cast %get3A_402 : vector<1x16xf32> to vector<16xf32>
        %get3A_404 = arith.index_cast %select_n3A_383 : i32 to index
        %get3A_405 = arith.constant 16 : index
        %get3A_406 = tpu.vector_load %arg7[%get3A_404, %get3A_405] {strides = array<i32>} : memref<200x64xf32, #tpu.memory_space<vmem>>, vector<1x16xf32>,
        %get3A_407 = vector.shape_cast %get3A_406 : vector<1x16xf32> to vector<16xf32>
        %add3A_408 = arith.addf %get3A_403, %get3A_407 : vector<16xf32>
        %swap3A_409 = arith.index_cast %scan3A_385 : i32 to index
        %swap3A_410 = arith.constant 16 : index
        %swap3A_411 = tpu.vector_load %arg11[%swap3A_409, %swap3A_410] {strides = array<i32>} : memref<128x128xf32, #tpu.memory_space<vmem>>, vector<1x16xf32>,
        %swap3A_412 = vector.shape_cast %swap3A_411 : vector<1x16xf32> to vector<16xf32>
        %swap3A_413 = vector.shape_cast %add3A_408 : vector<16xf32> to vector<1x16xf32>
        tpu.vector_store %arg11[%swap3A_409, %swap3A_410], %swap3A_413 {strides = array<i32>} : memref<128x128xf32, #tpu.memory_space<vmem>>, vector<1x16xf32>,
        %get3A_414 = arith.index_cast %scan3A_385 : i32 to index
        %get3A_415 = arith.constant 32 : index
        %get3A_416 = tpu.vector_load %arg9[%get3A_414, %get3A_415] {strides = array<i32>} : memref<128x128xf32, #tpu.memory_space<vmem>>, vector<1x16xf32>,
        %get3A_417 = vector.shape_cast %get3A_416 : vector<1x16xf32> to vector<16xf32>
        %get3A_418 = arith.index_cast %select_n3A_383 : i32 to index
        %get3A_419 = arith.constant 32 : index
        %get3A_420 = tpu.vector_load %arg7[%get3A_418, %get3A_419] {strides = array<i32>} : memref<200x64xf32, #tpu.memory_space<vmem>>, vector<1x16xf32>,
        %get3A_421 = vector.shape_cast %get3A_420 : vector<1x16xf32> to vector<16xf32>
        %add3A_422 = arith.addf %get3A_417, %get3A_421 : vector<16xf32>
        %swap3A_423 = arith.index_cast %scan3A_385 : i32 to index
        %swap3A_424 = arith.constant 32 : index
        %swap3A_425 = tpu.vector_load %arg11[%swap3A_423, %swap3A_424] {strides = array<i32>} : memref<128x128xf32, #tpu.memory_space<vmem>>, vector<1x16xf32>,
        %swap3A_426 = vector.shape_cast %swap3A_425 : vector<1x16xf32> to vector<16xf32>
        %swap3A_427 = vector.shape_cast %add3A_422 : vector<16xf32> to vector<1x16xf32>
        tpu.vector_store %arg11[%swap3A_423, %swap3A_424], %swap3A_427 {strides = array<i32>} : memref<128x128xf32, #tpu.memory_space<vmem>>, vector<1x16xf32>,
        %get3A_428 = arith.index_cast %scan3A_385 : i32 to index
        %get3A_429 = arith.constant 48 : index
        %get3A_430 = tpu.vector_load %arg9[%get3A_428, %get3A_429] {strides = array<i32>} : memref<128x128xf32, #tpu.memory_space<vmem>>, vector<1x16xf32>,
        %get3A_431 = vector.shape_cast %get3A_430 : vector<1x16xf32> to vector<16xf32>
        %get3A_432 = arith.index_cast %select_n3A_383 : i32 to index
        %get3A_433 = arith.constant 48 : index
        %get3A_434 = tpu.vector_load %arg7[%get3A_432, %get3A_433] {strides = array<i32>} : memref<200x64xf32, #tpu.memory_space<vmem>>, vector<1x16xf32>,
        %get3A_435 = vector.shape_cast %get3A_434 : vector<1x16xf32> to vector<16xf32>
        %add3A_436 = arith.addf %get3A_431, %get3A_435 : vector<16xf32>
        %swap3A_437 = arith.index_cast %scan3A_385 : i32 to index
        %swap3A_438 = arith.constant 48 : index
        %swap3A_439 = tpu.vector_load %arg11[%swap3A_437, %swap3A_438] {strides = array<i32>} : memref<128x128xf32, #tpu.memory_space<vmem>>, vector<1x16xf32>,
        %swap3A_440 = vector.shape_cast %swap3A_439 : vector<1x16xf32> to vector<16xf32>
        %swap3A_441 = vector.shape_cast %add3A_436 : vector<16xf32> to vector<1x16xf32>
        tpu.vector_store %arg11[%swap3A_437, %swap3A_438], %swap3A_441 {strides = array<i32>} : memref<128x128xf32, #tpu.memory_space<vmem>>, vector<1x16xf32>,
        %add3A_442 = arith.constant 1 : i32
        %add3A_443 = arith.addi %select_n3A_383, %add3A_442 : i32
        %eq3A_444 = arith.constant 200 : i32
        %eq3A_445 = arith.cmpi eq, %add3A_443, %eq3A_444 : i32
        %add3A_446 = arith.constant 1 : i32
        %add3A_447 = arith.addi %select_n3A_383, %add3A_446 : i32
        %select_n3A_448 = arith.constant 0 : i32
        %select_n3A_449 = arith.select %eq3A_445, %select_n3A_448, %add3A_447 : i32
        %scan3A_450 = arith.constant 2 : i32
        %scan3A_451 = arith.addi %scan3A_320, %scan3A_450 : i32
        %get3A_452 = arith.index_cast %scan3A_451 : i32 to index
        %get3A_453 = arith.constant 0 : index
        %get3A_454 = tpu.vector_load %arg9[%get3A_452, %get3A_453] {strides = array<i32>} : memref<128x128xf32, #tpu.memory_space<vmem>>, vector<1x16xf32>,
        %get3A_455 = vector.shape_cast %get3A_454 : vector<1x16xf32> to vector<16xf32>
        %get3A_456 = arith.index_cast %select_n3A_449 : i32 to index
        %get3A_457 = arith.constant 0 : index
        %get3A_458 = tpu.vector_load %arg7[%get3A_456, %get3A_457] {strides = array<i32>} : memref<200x64xf32, #tpu.memory_space<vmem>>, vector<1x16xf32>,
        %get3A_459 = vector.shape_cast %get3A_458 : vector<1x16xf32> to vector<16xf32>
        %add3A_460 = arith.addf %get3A_455, %get3A_459 : vector<16xf32>
        %swap3A_461 = arith.index_cast %scan3A_451 : i32 to index
        %swap3A_462 = arith.constant 0 : index
        %swap3A_463 = tpu.vector_load %arg11[%swap3A_461, %swap3A_462] {strides = array<i32>} : memref<128x128xf32, #tpu.memory_space<vmem>>, vector<1x16xf32>,
        %swap3A_464 = vector.shape_cast %swap3A_463 : vector<1x16xf32> to vector<16xf32>
        %swap3A_465 = vector.shape_cast %add3A_460 : vector<16xf32> to vector<1x16xf32>
        tpu.vector_store %arg11[%swap3A_461, %swap3A_462], %swap3A_465 {strides = array<i32>} : memref<128x128xf32, #tpu.memory_space<vmem>>, vector<1x16xf32>,
        %get3A_466 = arith.index_cast %scan3A_451 : i32 to index
        %get3A_467 = arith.constant 16 : index
        %get3A_468 = tpu.vector_load %arg9[%get3A_466, %get3A_467] {strides = array<i32>} : memref<128x128xf32, #tpu.memory_space<vmem>>, vector<1x16xf32>,
        %get3A_469 = vector.shape_cast %get3A_468 : vector<1x16xf32> to vector<16xf32>
        %get3A_470 = arith.index_cast %select_n3A_449 : i32 to index
        %get3A_471 = arith.constant 16 : index
        %get3A_472 = tpu.vector_load %arg7[%get3A_470, %get3A_471] {strides = array<i32>} : memref<200x64xf32, #tpu.memory_space<vmem>>, vector<1x16xf32>,
        %get3A_473 = vector.shape_cast %get3A_472 : vector<1x16xf32> to vector<16xf32>
        %add3A_474 = arith.addf %get3A_469, %get3A_473 : vector<16xf32>
        %swap3A_475 = arith.index_cast %scan3A_451 : i32 to index
        %swap3A_476 = arith.constant 16 : index
        %swap3A_477 = tpu.vector_load %arg11[%swap3A_475, %swap3A_476] {strides = array<i32>} : memref<128x128xf32, #tpu.memory_space<vmem>>, vector<1x16xf32>,
        %swap3A_478 = vector.shape_cast %swap3A_477 : vector<1x16xf32> to vector<16xf32>
        %swap3A_479 = vector.shape_cast %add3A_474 : vector<16xf32> to vector<1x16xf32>
        tpu.vector_store %arg11[%swap3A_475, %swap3A_476], %swap3A_479 {strides = array<i32>} : memref<128x128xf32, #tpu.memory_space<vmem>>, vector<1x16xf32>,
        %get3A_480 = arith.index_cast %scan3A_451 : i32 to index
        %get3A_481 = arith.constant 32 : index
        %get3A_482 = tpu.vector_load %arg9[%get3A_480, %get3A_481] {strides = array<i32>} : memref<128x128xf32, #tpu.memory_space<vmem>>, vector<1x16xf32>,
        %get3A_483 = vector.shape_cast %get3A_482 : vector<1x16xf32> to vector<16xf32>
        %get3A_484 = arith.index_cast %select_n3A_449 : i32 to index
        %get3A_485 = arith.constant 32 : index
        %get3A_486 = tpu.vector_load %arg7[%get3A_484, %get3A_485] {strides = array<i32>} : memref<200x64xf32, #tpu.memory_space<vmem>>, vector<1x16xf32>,
        %get3A_487 = vector.shape_cast %get3A_486 : vector<1x16xf32> to vector<16xf32>
        %add3A_488 = arith.addf %get3A_483, %get3A_487 : vector<16xf32>
        %swap3A_489 = arith.index_cast %scan3A_451 : i32 to index
        %swap3A_490 = arith.constant 32 : index
        %swap3A_491 = tpu.vector_load %arg11[%swap3A_489, %swap3A_490] {strides = array<i32>} : memref<128x128xf32, #tpu.memory_space<vmem>>, vector<1x16xf32>,
        %swap3A_492 = vector.shape_cast %swap3A_491 : vector<1x16xf32> to vector<16xf32>
        %swap3A_493 = vector.shape_cast %add3A_488 : vector<16xf32> to vector<1x16xf32>
        tpu.vector_store %arg11[%swap3A_489, %swap3A_490], %swap3A_493 {strides = array<i32>} : memref<128x128xf32, #tpu.memory_space<vmem>>, vector<1x16xf32>,
        %get3A_494 = arith.index_cast %scan3A_451 : i32 to index
        %get3A_495 = arith.constant 48 : index
        %get3A_496 = tpu.vector_load %arg9[%get3A_494, %get3A_495] {strides = array<i32>} : memref<128x128xf32, #tpu.memory_space<vmem>>, vector<1x16xf32>,
        %get3A_497 = vector.shape_cast %get3A_496 : vector<1x16xf32> to vector<16xf32>
        %get3A_498 = arith.index_cast %select_n3A_449 : i32 to index
        %get3A_499 = arith.constant 48 : index
        %get3A_500 = tpu.vector_load %arg7[%get3A_498, %get3A_499] {strides = array<i32>} : memref<200x64xf32, #tpu.memory_space<vmem>>, vector<1x16xf32>,
        %get3A_501 = vector.shape_cast %get3A_500 : vector<1x16xf32> to vector<16xf32>
        %add3A_502 = arith.addf %get3A_497, %get3A_501 : vector<16xf32>
        %swap3A_503 = arith.index_cast %scan3A_451 : i32 to index
        %swap3A_504 = arith.constant 48 : index
        %swap3A_505 = tpu.vector_load %arg11[%swap3A_503, %swap3A_504] {strides = array<i32>} : memref<128x128xf32, #tpu.memory_space<vmem>>, vector<1x16xf32>,
        %swap3A_506 = vector.shape_cast %swap3A_505 : vector<1x16xf32> to vector<16xf32>
        %swap3A_507 = vector.shape_cast %add3A_502 : vector<16xf32> to vector<1x16xf32>
        tpu.vector_store %arg11[%swap3A_503, %swap3A_504], %swap3A_507 {strides = array<i32>} : memref<128x128xf32, #tpu.memory_space<vmem>>, vector<1x16xf32>,
        %add3A_508 = arith.constant 1 : i32
        %add3A_509 = arith.addi %select_n3A_449, %add3A_508 : i32
        %eq3A_510 = arith.constant 200 : i32
        %eq3A_511 = arith.cmpi eq, %add3A_509, %eq3A_510 : i32
        %add3A_512 = arith.constant 1 : i32
        %add3A_513 = arith.addi %select_n3A_449, %add3A_512 : i32
        %select_n3A_514 = arith.constant 0 : i32
        %select_n3A_515 = arith.select %eq3A_511, %select_n3A_514, %add3A_513 : i32
        %scan3A_516 = arith.constant 3 : i32
        %scan3A_517 = arith.addi %scan3A_320, %scan3A_516 : i32
        %get3A_518 = arith.index_cast %scan3A_517 : i32 to index
        %get3A_519 = arith.constant 0 : index
        %get3A_520 = tpu.vector_load %arg9[%get3A_518, %get3A_519] {strides = array<i32>} : memref<128x128xf32, #tpu.memory_space<vmem>>, vector<1x16xf32>,
        %get3A_521 = vector.shape_cast %get3A_520 : vector<1x16xf32> to vector<16xf32>
        %get3A_522 = arith.index_cast %select_n3A_515 : i32 to index
        %get3A_523 = arith.constant 0 : index
        %get3A_524 = tpu.vector_load %arg7[%get3A_522, %get3A_523] {strides = array<i32>} : memref<200x64xf32, #tpu.memory_space<vmem>>, vector<1x16xf32>,
        %get3A_525 = vector.shape_cast %get3A_524 : vector<1x16xf32> to vector<16xf32>
        %add3A_526 = arith.addf %get3A_521, %get3A_525 : vector<16xf32>
        %swap3A_527 = arith.index_cast %scan3A_517 : i32 to index
        %swap3A_528 = arith.constant 0 : index
        %swap3A_529 = tpu.vector_load %arg11[%swap3A_527, %swap3A_528] {strides = array<i32>} : memref<128x128xf32, #tpu.memory_space<vmem>>, vector<1x16xf32>,
        %swap3A_530 = vector.shape_cast %swap3A_529 : vector<1x16xf32> to vector<16xf32>
        %swap3A_531 = vector.shape_cast %add3A_526 : vector<16xf32> to vector<1x16xf32>
        tpu.vector_store %arg11[%swap3A_527, %swap3A_528], %swap3A_531 {strides = array<i32>} : memref<128x128xf32, #tpu.memory_space<vmem>>, vector<1x16xf32>,
        %get3A_532 = arith.index_cast %scan3A_517 : i32 to index
        %get3A_533 = arith.constant 16 : index
        %get3A_534 = tpu.vector_load %arg9[%get3A_532, %get3A_533] {strides = array<i32>} : memref<128x128xf32, #tpu.memory_space<vmem>>, vector<1x16xf32>,
        %get3A_535 = vector.shape_cast %get3A_534 : vector<1x16xf32> to vector<16xf32>
        %get3A_536 = arith.index_cast %select_n3A_515 : i32 to index
        %get3A_537 = arith.constant 16 : index
        %get3A_538 = tpu.vector_load %arg7[%get3A_536, %get3A_537] {strides = array<i32>} : memref<200x64xf32, #tpu.memory_space<vmem>>, vector<1x16xf32>,
        %get3A_539 = vector.shape_cast %get3A_538 : vector<1x16xf32> to vector<16xf32>
        %add3A_540 = arith.addf %get3A_535, %get3A_539 : vector<16xf32>
        %swap3A_541 = arith.index_cast %scan3A_517 : i32 to index
        %swap3A_542 = arith.constant 16 : index
        %swap3A_543 = tpu.vector_load %arg11[%swap3A_541, %swap3A_542] {strides = array<i32>} : memref<128x128xf32, #tpu.memory_space<vmem>>, vector<1x16xf32>,
        %swap3A_544 = vector.shape_cast %swap3A_543 : vector<1x16xf32> to vector<16xf32>
        %swap3A_545 = vector.shape_cast %add3A_540 : vector<16xf32> to vector<1x16xf32>
        tpu.vector_store %arg11[%swap3A_541, %swap3A_542], %swap3A_545 {strides = array<i32>} : memref<128x128xf32, #tpu.memory_space<vmem>>, vector<1x16xf32>,
        %get3A_546 = arith.index_cast %scan3A_517 : i32 to index
        %get3A_547 = arith.constant 32 : index
        %get3A_548 = tpu.vector_load %arg9[%get3A_546, %get3A_547] {strides = array<i32>} : memref<128x128xf32, #tpu.memory_space<vmem>>, vector<1x16xf32>,
        %get3A_549 = vector.shape_cast %get3A_548 : vector<1x16xf32> to vector<16xf32>
        %get3A_550 = arith.index_cast %select_n3A_515 : i32 to index
        %get3A_551 = arith.constant 32 : index
        %get3A_552 = tpu.vector_load %arg7[%get3A_550, %get3A_551] {strides = array<i32>} : memref<200x64xf32, #tpu.memory_space<vmem>>, vector<1x16xf32>,
        %get3A_553 = vector.shape_cast %get3A_552 : vector<1x16xf32> to vector<16xf32>
        %add3A_554 = arith.addf %get3A_549, %get3A_553 : vector<16xf32>
        %swap3A_555 = arith.index_cast %scan3A_517 : i32 to index
        %swap3A_556 = arith.constant 32 : index
        %swap3A_557 = tpu.vector_load %arg11[%swap3A_555, %swap3A_556] {strides = array<i32>} : memref<128x128xf32, #tpu.memory_space<vmem>>, vector<1x16xf32>,
        %swap3A_558 = vector.shape_cast %swap3A_557 : vector<1x16xf32> to vector<16xf32>
        %swap3A_559 = vector.shape_cast %add3A_554 : vector<16xf32> to vector<1x16xf32>
        tpu.vector_store %arg11[%swap3A_555, %swap3A_556], %swap3A_559 {strides = array<i32>} : memref<128x128xf32, #tpu.memory_space<vmem>>, vector<1x16xf32>,
        %get3A_560 = arith.index_cast %scan3A_517 : i32 to index
        %get3A_561 = arith.constant 48 : index
        %get3A_562 = tpu.vector_load %arg9[%get3A_560, %get3A_561] {strides = array<i32>} : memref<128x128xf32, #tpu.memory_space<vmem>>, vector<1x16xf32>,
        %get3A_563 = vector.shape_cast %get3A_562 : vector<1x16xf32> to vector<16xf32>
        %get3A_564 = arith.index_cast %select_n3A_515 : i32 to index
        %get3A_565 = arith.constant 48 : index
        %get3A_566 = tpu.vector_load %arg7[%get3A_564, %get3A_565] {strides = array<i32>} : memref<200x64xf32, #tpu.memory_space<vmem>>, vector<1x16xf32>,
        %get3A_567 = vector.shape_cast %get3A_566 : vector<1x16xf32> to vector<16xf32>
        %add3A_568 = arith.addf %get3A_563, %get3A_567 : vector<16xf32>
        %swap3A_569 = arith.index_cast %scan3A_517 : i32 to index
        %swap3A_570 = arith.constant 48 : index
        %swap3A_571 = tpu.vector_load %arg11[%swap3A_569, %swap3A_570] {strides = array<i32>} : memref<128x128xf32, #tpu.memory_space<vmem>>, vector<1x16xf32>,
        %swap3A_572 = vector.shape_cast %swap3A_571 : vector<1x16xf32> to vector<16xf32>
        %swap3A_573 = vector.shape_cast %add3A_568 : vector<16xf32> to vector<1x16xf32>
        tpu.vector_store %arg11[%swap3A_569, %swap3A_570], %swap3A_573 {strides = array<i32>} : memref<128x128xf32, #tpu.memory_space<vmem>>, vector<1x16xf32>,
        %add3A_574 = arith.constant 1 : i32
        %add3A_575 = arith.addi %select_n3A_515, %add3A_574 : i32
        %eq3A_576 = arith.constant 200 : i32
        %eq3A_577 = arith.cmpi eq, %add3A_575, %eq3A_576 : i32
        %add3A_578 = arith.constant 1 : i32
        %add3A_579 = arith.addi %select_n3A_515, %add3A_578 : i32
        %select_n3A_580 = arith.constant 0 : i32
        %select_n3A_581 = arith.select %eq3A_577, %select_n3A_580, %add3A_579 : i32
        %scan3A_582 = arith.constant 4 : i32
        %scan3A_583 = arith.addi %scan3A_320, %scan3A_582 : i32
        %get3A_584 = arith.index_cast %scan3A_583 : i32 to index
        %get3A_585 = arith.constant 0 : index
        %get3A_586 = tpu.vector_load %arg9[%get3A_584, %get3A_585] {strides = array<i32>} : memref<128x128xf32, #tpu.memory_space<vmem>>, vector<1x16xf32>,
        %get3A_587 = vector.shape_cast %get3A_586 : vector<1x16xf32> to vector<16xf32>
        %get3A_588 = arith.index_cast %select_n3A_581 : i32 to index
        %get3A_589 = arith.constant 0 : index
        %get3A_590 = tpu.vector_load %arg7[%get3A_588, %get3A_589] {strides = array<i32>} : memref<200x64xf32, #tpu.memory_space<vmem>>, vector<1x16xf32>,
        %get3A_591 = vector.shape_cast %get3A_590 : vector<1x16xf32> to vector<16xf32>
        %add3A_592 = arith.addf %get3A_587, %get3A_591 : vector<16xf32>
        %swap3A_593 = arith.index_cast %scan3A_583 : i32 to index
        %swap3A_594 = arith.constant 0 : index
        %swap3A_595 = tpu.vector_load %arg11[%swap3A_593, %swap3A_594] {strides = array<i32>} : memref<128x128xf32, #tpu.memory_space<vmem>>, vector<1x16xf32>,
        %swap3A_596 = vector.shape_cast %swap3A_595 : vector<1x16xf32> to vector<16xf32>
        %swap3A_597 = vector.shape_cast %add3A_592 : vector<16xf32> to vector<1x16xf32>
        tpu.vector_store %arg11[%swap3A_593, %swap3A_594], %swap3A_597 {strides = array<i32>} : memref<128x128xf32, #tpu.memory_space<vmem>>, vector<1x16xf32>,
        %get3A_598 = arith.index_cast %scan3A_583 : i32 to index
        %get3A_599 = arith.constant 16 : index
        %get3A_600 = tpu.vector_load %arg9[%get3A_598, %get3A_599] {strides = array<i32>} : memref<128x128xf32, #tpu.memory_space<vmem>>, vector<1x16xf32>,
        %get3A_601 = vector.shape_cast %get3A_600 : vector<1x16xf32> to vector<16xf32>
        %get3A_602 = arith.index_cast %select_n3A_581 : i32 to index
        %get3A_603 = arith.constant 16 : index
        %get3A_604 = tpu.vector_load %arg7[%get3A_602, %get3A_603] {strides = array<i32>} : memref<200x64xf32, #tpu.memory_space<vmem>>, vector<1x16xf32>,
        %get3A_605 = vector.shape_cast %get3A_604 : vector<1x16xf32> to vector<16xf32>
        %add3A_606 = arith.addf %get3A_601, %get3A_605 : vector<16xf32>
        %swap3A_607 = arith.index_cast %scan3A_583 : i32 to index
        %swap3A_608 = arith.constant 16 : index
        %swap3A_609 = tpu.vector_load %arg11[%swap3A_607, %swap3A_608] {strides = array<i32>} : memref<128x128xf32, #tpu.memory_space<vmem>>, vector<1x16xf32>,
        %swap3A_610 = vector.shape_cast %swap3A_609 : vector<1x16xf32> to vector<16xf32>
        %swap3A_611 = vector.shape_cast %add3A_606 : vector<16xf32> to vector<1x16xf32>
        tpu.vector_store %arg11[%swap3A_607, %swap3A_608], %swap3A_611 {strides = array<i32>} : memref<128x128xf32, #tpu.memory_space<vmem>>, vector<1x16xf32>,
        %get3A_612 = arith.index_cast %scan3A_583 : i32 to index
        %get3A_613 = arith.constant 32 : index
        %get3A_614 = tpu.vector_load %arg9[%get3A_612, %get3A_613] {strides = array<i32>} : memref<128x128xf32, #tpu.memory_space<vmem>>, vector<1x16xf32>,
        %get3A_615 = vector.shape_cast %get3A_614 : vector<1x16xf32> to vector<16xf32>
        %get3A_616 = arith.index_cast %select_n3A_581 : i32 to index
        %get3A_617 = arith.constant 32 : index
        %get3A_618 = tpu.vector_load %arg7[%get3A_616, %get3A_617] {strides = array<i32>} : memref<200x64xf32, #tpu.memory_space<vmem>>, vector<1x16xf32>,
        %get3A_619 = vector.shape_cast %get3A_618 : vector<1x16xf32> to vector<16xf32>
        %add3A_620 = arith.addf %get3A_615, %get3A_619 : vector<16xf32>
        %swap3A_621 = arith.index_cast %scan3A_583 : i32 to index
        %swap3A_622 = arith.constant 32 : index
        %swap3A_623 = tpu.vector_load %arg11[%swap3A_621, %swap3A_622] {strides = array<i32>} : memref<128x128xf32, #tpu.memory_space<vmem>>, vector<1x16xf32>,
        %swap3A_624 = vector.shape_cast %swap3A_623 : vector<1x16xf32> to vector<16xf32>
        %swap3A_625 = vector.shape_cast %add3A_620 : vector<16xf32> to vector<1x16xf32>
        tpu.vector_store %arg11[%swap3A_621, %swap3A_622], %swap3A_625 {strides = array<i32>} : memref<128x128xf32, #tpu.memory_space<vmem>>, vector<1x16xf32>,
        %get3A_626 = arith.index_cast %scan3A_583 : i32 to index
        %get3A_627 = arith.constant 48 : index
        %get3A_628 = tpu.vector_load %arg9[%get3A_626, %get3A_627] {strides = array<i32>} : memref<128x128xf32, #tpu.memory_space<vmem>>, vector<1x16xf32>,
        %get3A_629 = vector.shape_cast %get3A_628 : vector<1x16xf32> to vector<16xf32>
        %get3A_630 = arith.index_cast %select_n3A_581 : i32 to index
        %get3A_631 = arith.constant 48 : index
        %get3A_632 = tpu.vector_load %arg7[%get3A_630, %get3A_631] {strides = array<i32>} : memref<200x64xf32, #tpu.memory_space<vmem>>, vector<1x16xf32>,
        %get3A_633 = vector.shape_cast %get3A_632 : vector<1x16xf32> to vector<16xf32>
        %add3A_634 = arith.addf %get3A_629, %get3A_633 : vector<16xf32>
        %swap3A_635 = arith.index_cast %scan3A_583 : i32 to index
        %swap3A_636 = arith.constant 48 : index
        %swap3A_637 = tpu.vector_load %arg11[%swap3A_635, %swap3A_636] {strides = array<i32>} : memref<128x128xf32, #tpu.memory_space<vmem>>, vector<1x16xf32>,
        %swap3A_638 = vector.shape_cast %swap3A_637 : vector<1x16xf32> to vector<16xf32>
        %swap3A_639 = vector.shape_cast %add3A_634 : vector<16xf32> to vector<1x16xf32>
        tpu.vector_store %arg11[%swap3A_635, %swap3A_636], %swap3A_639 {strides = array<i32>} : memref<128x128xf32, #tpu.memory_space<vmem>>, vector<1x16xf32>,
        %add3A_640 = arith.constant 1 : i32
        %add3A_641 = arith.addi %select_n3A_581, %add3A_640 : i32
        %eq3A_642 = arith.constant 200 : i32
        %eq3A_643 = arith.cmpi eq, %add3A_641, %eq3A_642 : i32
        %add3A_644 = arith.constant 1 : i32
        %add3A_645 = arith.addi %select_n3A_581, %add3A_644 : i32
        %select_n3A_646 = arith.constant 0 : i32
        %select_n3A_647 = arith.select %eq3A_643, %select_n3A_646, %add3A_645 : i32
        %scan3A_648 = arith.constant 5 : i32
        %scan3A_649 = arith.addi %scan3A_320, %scan3A_648 : i32
        %get3A_650 = arith.index_cast %scan3A_649 : i32 to index
        %get3A_651 = arith.constant 0 : index
        %get3A_652 = tpu.vector_load %arg9[%get3A_650, %get3A_651] {strides = array<i32>} : memref<128x128xf32, #tpu.memory_space<vmem>>, vector<1x16xf32>,
        %get3A_653 = vector.shape_cast %get3A_652 : vector<1x16xf32> to vector<16xf32>
        %get3A_654 = arith.index_cast %select_n3A_647 : i32 to index
        %get3A_655 = arith.constant 0 : index
        %get3A_656 = tpu.vector_load %arg7[%get3A_654, %get3A_655] {strides = array<i32>} : memref<200x64xf32, #tpu.memory_space<vmem>>, vector<1x16xf32>,
        %get3A_657 = vector.shape_cast %get3A_656 : vector<1x16xf32> to vector<16xf32>
        %add3A_658 = arith.addf %get3A_653, %get3A_657 : vector<16xf32>
        %swap3A_659 = arith.index_cast %scan3A_649 : i32 to index
        %swap3A_660 = arith.constant 0 : index
        %swap3A_661 = tpu.vector_load %arg11[%swap3A_659, %swap3A_660] {strides = array<i32>} : memref<128x128xf32, #tpu.memory_space<vmem>>, vector<1x16xf32>,
        %swap3A_662 = vector.shape_cast %swap3A_661 : vector<1x16xf32> to vector<16xf32>
        %swap3A_663 = vector.shape_cast %add3A_658 : vector<16xf32> to vector<1x16xf32>
        tpu.vector_store %arg11[%swap3A_659, %swap3A_660], %swap3A_663 {strides = array<i32>} : memref<128x128xf32, #tpu.memory_space<vmem>>, vector<1x16xf32>,
        %get3A_664 = arith.index_cast %scan3A_649 : i32 to index
        %get3A_665 = arith.constant 16 : index
        %get3A_666 = tpu.vector_load %arg9[%get3A_664, %get3A_665] {strides = array<i32>} : memref<128x128xf32, #tpu.memory_space<vmem>>, vector<1x16xf32>,
        %get3A_667 = vector.shape_cast %get3A_666 : vector<1x16xf32> to vector<16xf32>
        %get3A_668 = arith.index_cast %select_n3A_647 : i32 to index
        %get3A_669 = arith.constant 16 : index
        %get3A_670 = tpu.vector_load %arg7[%get3A_668, %get3A_669] {strides = array<i32>} : memref<200x64xf32, #tpu.memory_space<vmem>>, vector<1x16xf32>,
        %get3A_671 = vector.shape_cast %get3A_670 : vector<1x16xf32> to vector<16xf32>
        %add3A_672 = arith.addf %get3A_667, %get3A_671 : vector<16xf32>
        %swap3A_673 = arith.index_cast %scan3A_649 : i32 to index
        %swap3A_674 = arith.constant 16 : index
        %swap3A_675 = tpu.vector_load %arg11[%swap3A_673, %swap3A_674] {strides = array<i32>} : memref<128x128xf32, #tpu.memory_space<vmem>>, vector<1x16xf32>,
        %swap3A_676 = vector.shape_cast %swap3A_675 : vector<1x16xf32> to vector<16xf32>
        %swap3A_677 = vector.shape_cast %add3A_672 : vector<16xf32> to vector<1x16xf32>
        tpu.vector_store %arg11[%swap3A_673, %swap3A_674], %swap3A_677 {strides = array<i32>} : memref<128x128xf32, #tpu.memory_space<vmem>>, vector<1x16xf32>,
        %get3A_678 = arith.index_cast %scan3A_649 : i32 to index
        %get3A_679 = arith.constant 32 : index
        %get3A_680 = tpu.vector_load %arg9[%get3A_678, %get3A_679] {strides = array<i32>} : memref<128x128xf32, #tpu.memory_space<vmem>>, vector<1x16xf32>,
        %get3A_681 = vector.shape_cast %get3A_680 : vector<1x16xf32> to vector<16xf32>
        %get3A_682 = arith.index_cast %select_n3A_647 : i32 to index
        %get3A_683 = arith.constant 32 : index
        %get3A_684 = tpu.vector_load %arg7[%get3A_682, %get3A_683] {strides = array<i32>} : memref<200x64xf32, #tpu.memory_space<vmem>>, vector<1x16xf32>,
        %get3A_685 = vector.shape_cast %get3A_684 : vector<1x16xf32> to vector<16xf32>
        %add3A_686 = arith.addf %get3A_681, %get3A_685 : vector<16xf32>
        %swap3A_687 = arith.index_cast %scan3A_649 : i32 to index
        %swap3A_688 = arith.constant 32 : index
        %swap3A_689 = tpu.vector_load %arg11[%swap3A_687, %swap3A_688] {strides = array<i32>} : memref<128x128xf32, #tpu.memory_space<vmem>>, vector<1x16xf32>,
        %swap3A_690 = vector.shape_cast %swap3A_689 : vector<1x16xf32> to vector<16xf32>
        %swap3A_691 = vector.shape_cast %add3A_686 : vector<16xf32> to vector<1x16xf32>
        tpu.vector_store %arg11[%swap3A_687, %swap3A_688], %swap3A_691 {strides = array<i32>} : memref<128x128xf32, #tpu.memory_space<vmem>>, vector<1x16xf32>,
        %get3A_692 = arith.index_cast %scan3A_649 : i32 to index
        %get3A_693 = arith.constant 48 : index
        %get3A_694 = tpu.vector_load %arg9[%get3A_692, %get3A_693] {strides = array<i32>} : memref<128x128xf32, #tpu.memory_space<vmem>>, vector<1x16xf32>,
        %get3A_695 = vector.shape_cast %get3A_694 : vector<1x16xf32> to vector<16xf32>
        %get3A_696 = arith.index_cast %select_n3A_647 : i32 to index
        %get3A_697 = arith.constant 48 : index
        %get3A_698 = tpu.vector_load %arg7[%get3A_696, %get3A_697] {strides = array<i32>} : memref<200x64xf32, #tpu.memory_space<vmem>>, vector<1x16xf32>,
        %get3A_699 = vector.shape_cast %get3A_698 : vector<1x16xf32> to vector<16xf32>
        %add3A_700 = arith.addf %get3A_695, %get3A_699 : vector<16xf32>
        %swap3A_701 = arith.index_cast %scan3A_649 : i32 to index
        %swap3A_702 = arith.constant 48 : index
        %swap3A_703 = tpu.vector_load %arg11[%swap3A_701, %swap3A_702] {strides = array<i32>} : memref<128x128xf32, #tpu.memory_space<vmem>>, vector<1x16xf32>,
        %swap3A_704 = vector.shape_cast %swap3A_703 : vector<1x16xf32> to vector<16xf32>
        %swap3A_705 = vector.shape_cast %add3A_700 : vector<16xf32> to vector<1x16xf32>
        tpu.vector_store %arg11[%swap3A_701, %swap3A_702], %swap3A_705 {strides = array<i32>} : memref<128x128xf32, #tpu.memory_space<vmem>>, vector<1x16xf32>,
        %add3A_706 = arith.constant 1 : i32
        %add3A_707 = arith.addi %select_n3A_647, %add3A_706 : i32
        %eq3A_708 = arith.constant 200 : i32
        %eq3A_709 = arith.cmpi eq, %add3A_707, %eq3A_708 : i32
        %add3A_710 = arith.constant 1 : i32
        %add3A_711 = arith.addi %select_n3A_647, %add3A_710 : i32
        %select_n3A_712 = arith.constant 0 : i32
        %select_n3A_713 = arith.select %eq3A_709, %select_n3A_712, %add3A_711 : i32
        %scan3A_714 = arith.constant 6 : i32
        %scan3A_715 = arith.addi %scan3A_320, %scan3A_714 : i32
        %get3A_716 = arith.index_cast %scan3A_715 : i32 to index
        %get3A_717 = arith.constant 0 : index
        %get3A_718 = tpu.vector_load %arg9[%get3A_716, %get3A_717] {strides = array<i32>} : memref<128x128xf32, #tpu.memory_space<vmem>>, vector<1x16xf32>,
        %get3A_719 = vector.shape_cast %get3A_718 : vector<1x16xf32> to vector<16xf32>
        %get3A_720 = arith.index_cast %select_n3A_713 : i32 to index
        %get3A_721 = arith.constant 0 : index
        %get3A_722 = tpu.vector_load %arg7[%get3A_720, %get3A_721] {strides = array<i32>} : memref<200x64xf32, #tpu.memory_space<vmem>>, vector<1x16xf32>,
        %get3A_723 = vector.shape_cast %get3A_722 : vector<1x16xf32> to vector<16xf32>
        %add3A_724 = arith.addf %get3A_719, %get3A_723 : vector<16xf32>
        %swap3A_725 = arith.index_cast %scan3A_715 : i32 to index
        %swap3A_726 = arith.constant 0 : index
        %swap3A_727 = tpu.vector_load %arg11[%swap3A_725, %swap3A_726] {strides = array<i32>} : memref<128x128xf32, #tpu.memory_space<vmem>>, vector<1x16xf32>,
        %swap3A_728 = vector.shape_cast %swap3A_727 : vector<1x16xf32> to vector<16xf32>
        %swap3A_729 = vector.shape_cast %add3A_724 : vector<16xf32> to vector<1x16xf32>
        tpu.vector_store %arg11[%swap3A_725, %swap3A_726], %swap3A_729 {strides = array<i32>} : memref<128x128xf32, #tpu.memory_space<vmem>>, vector<1x16xf32>,
        %get3A_730 = arith.index_cast %scan3A_715 : i32 to index
        %get3A_731 = arith.constant 16 : index
        %get3A_732 = tpu.vector_load %arg9[%get3A_730, %get3A_731] {strides = array<i32>} : memref<128x128xf32, #tpu.memory_space<vmem>>, vector<1x16xf32>,
        %get3A_733 = vector.shape_cast %get3A_732 : vector<1x16xf32> to vector<16xf32>
        %get3A_734 = arith.index_cast %select_n3A_713 : i32 to index
        %get3A_735 = arith.constant 16 : index
        %get3A_736 = tpu.vector_load %arg7[%get3A_734, %get3A_735] {strides = array<i32>} : memref<200x64xf32, #tpu.memory_space<vmem>>, vector<1x16xf32>,
        %get3A_737 = vector.shape_cast %get3A_736 : vector<1x16xf32> to vector<16xf32>
        %add3A_738 = arith.addf %get3A_733, %get3A_737 : vector<16xf32>
        %swap3A_739 = arith.index_cast %scan3A_715 : i32 to index
        %swap3A_740 = arith.constant 16 : index
        %swap3A_741 = tpu.vector_load %arg11[%swap3A_739, %swap3A_740] {strides = array<i32>} : memref<128x128xf32, #tpu.memory_space<vmem>>, vector<1x16xf32>,
        %swap3A_742 = vector.shape_cast %swap3A_741 : vector<1x16xf32> to vector<16xf32>
        %swap3A_743 = vector.shape_cast %add3A_738 : vector<16xf32> to vector<1x16xf32>
        tpu.vector_store %arg11[%swap3A_739, %swap3A_740], %swap3A_743 {strides = array<i32>} : memref<128x128xf32, #tpu.memory_space<vmem>>, vector<1x16xf32>,
        %get3A_744 = arith.index_cast %scan3A_715 : i32 to index
        %get3A_745 = arith.constant 32 : index
        %get3A_746 = tpu.vector_load %arg9[%get3A_744, %get3A_745] {strides = array<i32>} : memref<128x128xf32, #tpu.memory_space<vmem>>, vector<1x16xf32>,
        %get3A_747 = vector.shape_cast %get3A_746 : vector<1x16xf32> to vector<16xf32>
        %get3A_748 = arith.index_cast %select_n3A_713 : i32 to index
        %get3A_749 = arith.constant 32 : index
        %get3A_750 = tpu.vector_load %arg7[%get3A_748, %get3A_749] {strides = array<i32>} : memref<200x64xf32, #tpu.memory_space<vmem>>, vector<1x16xf32>,
        %get3A_751 = vector.shape_cast %get3A_750 : vector<1x16xf32> to vector<16xf32>
        %add3A_752 = arith.addf %get3A_747, %get3A_751 : vector<16xf32>
        %swap3A_753 = arith.index_cast %scan3A_715 : i32 to index
        %swap3A_754 = arith.constant 32 : index
        %swap3A_755 = tpu.vector_load %arg11[%swap3A_753, %swap3A_754] {strides = array<i32>} : memref<128x128xf32, #tpu.memory_space<vmem>>, vector<1x16xf32>,
        %swap3A_756 = vector.shape_cast %swap3A_755 : vector<1x16xf32> to vector<16xf32>
        %swap3A_757 = vector.shape_cast %add3A_752 : vector<16xf32> to vector<1x16xf32>
        tpu.vector_store %arg11[%swap3A_753, %swap3A_754], %swap3A_757 {strides = array<i32>} : memref<128x128xf32, #tpu.memory_space<vmem>>, vector<1x16xf32>,
        %get3A_758 = arith.index_cast %scan3A_715 : i32 to index
        %get3A_759 = arith.constant 48 : index
        %get3A_760 = tpu.vector_load %arg9[%get3A_758, %get3A_759] {strides = array<i32>} : memref<128x128xf32, #tpu.memory_space<vmem>>, vector<1x16xf32>,
        %get3A_761 = vector.shape_cast %get3A_760 : vector<1x16xf32> to vector<16xf32>
        %get3A_762 = arith.index_cast %select_n3A_713 : i32 to index
        %get3A_763 = arith.constant 48 : index
        %get3A_764 = tpu.vector_load %arg7[%get3A_762, %get3A_763] {strides = array<i32>} : memref<200x64xf32, #tpu.memory_space<vmem>>, vector<1x16xf32>,
        %get3A_765 = vector.shape_cast %get3A_764 : vector<1x16xf32> to vector<16xf32>
        %add3A_766 = arith.addf %get3A_761, %get3A_765 : vector<16xf32>
        %swap3A_767 = arith.index_cast %scan3A_715 : i32 to index
        %swap3A_768 = arith.constant 48 : index
        %swap3A_769 = tpu.vector_load %arg11[%swap3A_767, %swap3A_768] {strides = array<i32>} : memref<128x128xf32, #tpu.memory_space<vmem>>, vector<1x16xf32>,
        %swap3A_770 = vector.shape_cast %swap3A_769 : vector<1x16xf32> to vector<16xf32>
        %swap3A_771 = vector.shape_cast %add3A_766 : vector<16xf32> to vector<1x16xf32>
        tpu.vector_store %arg11[%swap3A_767, %swap3A_768], %swap3A_771 {strides = array<i32>} : memref<128x128xf32, #tpu.memory_space<vmem>>, vector<1x16xf32>,
        %add3A_772 = arith.constant 1 : i32
        %add3A_773 = arith.addi %select_n3A_713, %add3A_772 : i32
        %eq3A_774 = arith.constant 200 : i32
        %eq3A_775 = arith.cmpi eq, %add3A_773, %eq3A_774 : i32
        %add3A_776 = arith.constant 1 : i32
        %add3A_777 = arith.addi %select_n3A_713, %add3A_776 : i32
        %select_n3A_778 = arith.constant 0 : i32
        %select_n3A_779 = arith.select %eq3A_775, %select_n3A_778, %add3A_777 : i32
        %scan3A_780 = arith.constant 7 : i32
        %scan3A_781 = arith.addi %scan3A_320, %scan3A_780 : i32
        %get3A_782 = arith.index_cast %scan3A_781 : i32 to index
        %get3A_783 = arith.constant 0 : index
        %get3A_784 = tpu.vector_load %arg9[%get3A_782, %get3A_783] {strides = array<i32>} : memref<128x128xf32, #tpu.memory_space<vmem>>, vector<1x16xf32>,
        %get3A_785 = vector.shape_cast %get3A_784 : vector<1x16xf32> to vector<16xf32>
        %get3A_786 = arith.index_cast %select_n3A_779 : i32 to index
        %get3A_787 = arith.constant 0 : index
        %get3A_788 = tpu.vector_load %arg7[%get3A_786, %get3A_787] {strides = array<i32>} : memref<200x64xf32, #tpu.memory_space<vmem>>, vector<1x16xf32>,
        %get3A_789 = vector.shape_cast %get3A_788 : vector<1x16xf32> to vector<16xf32>
        %add3A_790 = arith.addf %get3A_785, %get3A_789 : vector<16xf32>
        %swap3A_791 = arith.index_cast %scan3A_781 : i32 to index
        %swap3A_792 = arith.constant 0 : index
        %swap3A_793 = tpu.vector_load %arg11[%swap3A_791, %swap3A_792] {strides = array<i32>} : memref<128x128xf32, #tpu.memory_space<vmem>>, vector<1x16xf32>,
        %swap3A_794 = vector.shape_cast %swap3A_793 : vector<1x16xf32> to vector<16xf32>
        %swap3A_795 = vector.shape_cast %add3A_790 : vector<16xf32> to vector<1x16xf32>
        tpu.vector_store %arg11[%swap3A_791, %swap3A_792], %swap3A_795 {strides = array<i32>} : memref<128x128xf32, #tpu.memory_space<vmem>>, vector<1x16xf32>,
        %get3A_796 = arith.index_cast %scan3A_781 : i32 to index
        %get3A_797 = arith.constant 16 : index
        %get3A_798 = tpu.vector_load %arg9[%get3A_796, %get3A_797] {strides = array<i32>} : memref<128x128xf32, #tpu.memory_space<vmem>>, vector<1x16xf32>,
        %get3A_799 = vector.shape_cast %get3A_798 : vector<1x16xf32> to vector<16xf32>
        %get3A_800 = arith.index_cast %select_n3A_779 : i32 to index
        %get3A_801 = arith.constant 16 : index
        %get3A_802 = tpu.vector_load %arg7[%get3A_800, %get3A_801] {strides = array<i32>} : memref<200x64xf32, #tpu.memory_space<vmem>>, vector<1x16xf32>,
        %get3A_803 = vector.shape_cast %get3A_802 : vector<1x16xf32> to vector<16xf32>
        %add3A_804 = arith.addf %get3A_799, %get3A_803 : vector<16xf32>
        %swap3A_805 = arith.index_cast %scan3A_781 : i32 to index
        %swap3A_806 = arith.constant 16 : index
        %swap3A_807 = tpu.vector_load %arg11[%swap3A_805, %swap3A_806] {strides = array<i32>} : memref<128x128xf32, #tpu.memory_space<vmem>>, vector<1x16xf32>,
        %swap3A_808 = vector.shape_cast %swap3A_807 : vector<1x16xf32> to vector<16xf32>
        %swap3A_809 = vector.shape_cast %add3A_804 : vector<16xf32> to vector<1x16xf32>
        tpu.vector_store %arg11[%swap3A_805, %swap3A_806], %swap3A_809 {strides = array<i32>} : memref<128x128xf32, #tpu.memory_space<vmem>>, vector<1x16xf32>,
        %get3A_810 = arith.index_cast %scan3A_781 : i32 to index
        %get3A_811 = arith.constant 32 : index
        %get3A_812 = tpu.vector_load %arg9[%get3A_810, %get3A_811] {strides = array<i32>} : memref<128x128xf32, #tpu.memory_space<vmem>>, vector<1x16xf32>,
        %get3A_813 = vector.shape_cast %get3A_812 : vector<1x16xf32> to vector<16xf32>
        %get3A_814 = arith.index_cast %select_n3A_779 : i32 to index
        %get3A_815 = arith.constant 32 : index
        %get3A_816 = tpu.vector_load %arg7[%get3A_814, %get3A_815] {strides = array<i32>} : memref<200x64xf32, #tpu.memory_space<vmem>>, vector<1x16xf32>,
        %get3A_817 = vector.shape_cast %get3A_816 : vector<1x16xf32> to vector<16xf32>
        %add3A_818 = arith.addf %get3A_813, %get3A_817 : vector<16xf32>
        %swap3A_819 = arith.index_cast %scan3A_781 : i32 to index
        %swap3A_820 = arith.constant 32 : index
        %swap3A_821 = tpu.vector_load %arg11[%swap3A_819, %swap3A_820] {strides = array<i32>} : memref<128x128xf32, #tpu.memory_space<vmem>>, vector<1x16xf32>,
        %swap3A_822 = vector.shape_cast %swap3A_821 : vector<1x16xf32> to vector<16xf32>
        %swap3A_823 = vector.shape_cast %add3A_818 : vector<16xf32> to vector<1x16xf32>
        tpu.vector_store %arg11[%swap3A_819, %swap3A_820], %swap3A_823 {strides = array<i32>} : memref<128x128xf32, #tpu.memory_space<vmem>>, vector<1x16xf32>,
        %get3A_824 = arith.index_cast %scan3A_781 : i32 to index
        %get3A_825 = arith.constant 48 : index
        %get3A_826 = tpu.vector_load %arg9[%get3A_824, %get3A_825] {strides = array<i32>} : memref<128x128xf32, #tpu.memory_space<vmem>>, vector<1x16xf32>,
        %get3A_827 = vector.shape_cast %get3A_826 : vector<1x16xf32> to vector<16xf32>
        %get3A_828 = arith.index_cast %select_n3A_779 : i32 to index
        %get3A_829 = arith.constant 48 : index
        %get3A_830 = tpu.vector_load %arg7[%get3A_828, %get3A_829] {strides = array<i32>} : memref<200x64xf32, #tpu.memory_space<vmem>>, vector<1x16xf32>,
        %get3A_831 = vector.shape_cast %get3A_830 : vector<1x16xf32> to vector<16xf32>
        %add3A_832 = arith.addf %get3A_827, %get3A_831 : vector<16xf32>
        %swap3A_833 = arith.index_cast %scan3A_781 : i32 to index
        %swap3A_834 = arith.constant 48 : index
        %swap3A_835 = tpu.vector_load %arg11[%swap3A_833, %swap3A_834] {strides = array<i32>} : memref<128x128xf32, #tpu.memory_space<vmem>>, vector<1x16xf32>,
        %swap3A_836 = vector.shape_cast %swap3A_835 : vector<1x16xf32> to vector<16xf32>
        %swap3A_837 = vector.shape_cast %add3A_832 : vector<16xf32> to vector<1x16xf32>
        tpu.vector_store %arg11[%swap3A_833, %swap3A_834], %swap3A_837 {strides = array<i32>} : memref<128x128xf32, #tpu.memory_space<vmem>>, vector<1x16xf32>,
        %add3A_838 = arith.constant 1 : i32
        %add3A_839 = arith.addi %select_n3A_779, %add3A_838 : i32
        %eq3A_840 = arith.constant 200 : i32
        %eq3A_841 = arith.cmpi eq, %add3A_839, %eq3A_840 : i32
        %add3A_842 = arith.constant 1 : i32
        %add3A_843 = arith.addi %select_n3A_779, %add3A_842 : i32
        %select_n3A_844 = arith.constant 0 : i32
        %select_n3A_845 = arith.select %eq3A_841, %select_n3A_844, %add3A_843 : i32
        scf.yield %select_n3A_845 : i32
      }
      %scan3A_310 = arith.constant 128 : i32
      %add3A_311 = arith.constant 1 : i32
      %add3A_312 = arith.addi %mul3A_124, %add3A_311 : i32
      %mul3A_313 = arith.constant 128 : i32
      %mul3A_314 = arith.muli %add3A_312, %mul3A_313 : i32
      %add3A_315 = arith.addi %multiple_of3A, %mul3A_314 : i32
      %dma_start3A_316 = arith.constant 0 : i32
      %dma_start3A_317 = tpu.memref_slice %arg5[%add3A_315, %dma_start3A_316] : memref<819200x128xf32, #tpu.memory_space<hbm>> -> memref<128x128xf32, #tpu.memory_space<hbm>>
      %dma_start3A_318 = arith.constant 0 : i32
      %dma_start3A_319 = tpu.memref_slice %arg5[%add3A_315, %dma_start3A_318] : memref<819200x128xf32, #tpu.memory_space<hbm>> -> memref<128x128xf32, #tpu.memory_space<hbm>>
      tpu.enqueue_dma source(%arg11 : memref<128x128xf32, #tpu.memory_space<vmem>>) target(%dma_start3A_319 : memref<128x128xf32, #tpu.memory_space<hbm>>) target_semaphore(%arg15 : memref<!tpu.dma_semaphore, #tpu.memory_space<semaphore_mem>>)
    }
    %scan3A_40 = arith.constant 99 : i32
    %rem3A_41 = arith.constant 24 : i32
    %rem3A_42 = arith.constant 2 : i32
    %rem3A_43 = arith.remsi %rem3A_41, %rem3A_42 : i32
    %rem3A_44 = arith.constant 199 : i32
    %rem3A_45 = arith.constant 8 : i32
    %rem3A_46 = arith.remsi %rem3A_44, %rem3A_45 : i32
    %dma_start3A_47 = arith.constant 0 : i32
    %dma_start3A_48 = tpu.memref_slice %arg6[%rem3A_43, %rem3A_46, %dma_start3A_47] : memref<2x8x128xi32, #tpu.memory_space<vmem>> -> memref<1x1x128xi32, #tpu.memory_space<vmem>>
    %dma_start3A_49 = tpu.memref_squeeze %dma_start3A_48 : memref<1x1x128xi32, #tpu.memory_space<vmem>> -> memref<128xi32, #tpu.memory_space<vmem>>
    %dma_start3A_50 = arith.constant 0 : i32
    %dma_start3A_51 = arith.constant 0 : i32
    %dma_start3A_52 = tpu.memref_slice %arg2[%dma_start3A_50, %dma_start3A_51] : memref<1000000x128xf32, #tpu.memory_space<hbm>> -> memref<1000000x128xf32, #tpu.memory_space<hbm>>
    tpu.enqueue_indirect_dma source(%dma_start3A_52 : memref<1000000x128xf32, #tpu.memory_space<hbm>>) target(%arg9 : memref<128x128xf32, #tpu.memory_space<vmem>>) offsets(%dma_start3A_49 : memref<128xi32, #tpu.memory_space<vmem>>) semaphore(%arg13 : memref<!tpu.dma_semaphore, #tpu.memory_space<semaphore_mem>>)
    %rem3A_53 = arith.constant 24 : i32
    %rem3A_54 = arith.constant 2 : i32
    %rem3A_55 = arith.remsi %rem3A_53, %rem3A_54 : i32
    %rem3A_56 = arith.constant 198 : i32
    %rem3A_57 = arith.constant 8 : i32
    %rem3A_58 = arith.remsi %rem3A_56, %rem3A_57 : i32
    %dma_wait3A = arith.constant 0 : i32
    %dma_wait3A_59 = tpu.memref_slice %arg6[%rem3A_55, %rem3A_58, %dma_wait3A] : memref<2x8x128xi32, #tpu.memory_space<vmem>> -> memref<1x1x128xi32, #tpu.memory_space<vmem>>
    %dma_wait3A_60 = tpu.memref_squeeze %dma_wait3A_59 : memref<1x1x128xi32, #tpu.memory_space<vmem>> -> memref<128xi32, #tpu.memory_space<vmem>>
    %dma_wait3A_61 = arith.constant 0 : i32
    %dma_wait3A_62 = arith.constant 0 : i32
    %dma_wait3A_63 = tpu.memref_slice %arg2[%dma_wait3A_61, %dma_wait3A_62] : memref<1000000x128xf32, #tpu.memory_space<hbm>> -> memref<1000000x128xf32, #tpu.memory_space<hbm>>
    tpu.wait_indirect_dma semaphore(%arg12 : memref<!tpu.dma_semaphore, #tpu.memory_space<semaphore_mem>>) src(%dma_wait3A_63 : memref<1000000x128xf32, #tpu.memory_space<hbm>>) dst(%arg8 : memref<128x128xf32, #tpu.memory_space<vmem>>)
    %dma_wait3A_64 = arith.constant 0 : i32
    %dma_wait3A_65 = tpu.memref_slice %arg5[%multiple_of3A, %dma_wait3A_64] : memref<819200x128xf32, #tpu.memory_space<hbm>> -> memref<128x128xf32, #tpu.memory_space<hbm>>
    %dma_wait3A_66 = arith.constant 0 : i32
    %dma_wait3A_67 = tpu.memref_slice %arg5[%multiple_of3A, %dma_wait3A_66] : memref<819200x128xf32, #tpu.memory_space<hbm>> -> memref<128x128xf32, #tpu.memory_space<hbm>>
    tpu.wait_dma2 semaphore(%arg14 : memref<!tpu.dma_semaphore, #tpu.memory_space<semaphore_mem>>) src(%arg10 : memref<128x128xf32, #tpu.memory_space<vmem>>) dst(%dma_wait3A_67 : memref<128x128xf32, #tpu.memory_space<hbm>>)
    %rem3A_68 = arith.constant 25344 : i32
    %rem3A_69 = arith.constant 200 : i32
    %rem3A_70 = arith.remsi %rem3A_68, %rem3A_69 : i32
    %scan3A_71 = arith.constant 0 : i32
    %scan3A_72 = arith.constant 128 : i32
    %scan3A_73 = arith.addi %scan3A_71, %scan3A_72 : i32
    %scan3A_74 = arith.constant 8 : i32
    %scan3A_75 = scf.for %scan3A_122 = %scan3A_71 to %scan3A_73 step %scan3A_74 iter_args(%scan3A_123 = %rem3A_70) -> (i32)  : i32 {
      %get3A = arith.index_cast %scan3A_122 : i32 to index
      %get3A_124 = arith.constant 0 : index
      %get3A_125 = tpu.vector_load %arg8[%get3A, %get3A_124] {strides = array<i32>} : memref<128x128xf32, #tpu.memory_space<vmem>>, vector<1x16xf32>,
      %get3A_126 = vector.shape_cast %get3A_125 : vector<1x16xf32> to vector<16xf32>
      %get3A_127 = arith.index_cast %scan3A_123 : i32 to index
      %get3A_128 = arith.constant 0 : index
      %get3A_129 = tpu.vector_load %arg7[%get3A_127, %get3A_128] {strides = array<i32>} : memref<200x64xf32, #tpu.memory_space<vmem>>, vector<1x16xf32>,
      %get3A_130 = vector.shape_cast %get3A_129 : vector<1x16xf32> to vector<16xf32>
      %add3A_131 = arith.addf %get3A_126, %get3A_130 : vector<16xf32>
      %swap3A = arith.index_cast %scan3A_122 : i32 to index
      %swap3A_132 = arith.constant 0 : index
      %swap3A_133 = tpu.vector_load %arg10[%swap3A, %swap3A_132] {strides = array<i32>} : memref<128x128xf32, #tpu.memory_space<vmem>>, vector<1x16xf32>,
      %swap3A_134 = vector.shape_cast %swap3A_133 : vector<1x16xf32> to vector<16xf32>
      %swap3A_135 = vector.shape_cast %add3A_131 : vector<16xf32> to vector<1x16xf32>
      tpu.vector_store %arg10[%swap3A, %swap3A_132], %swap3A_135 {strides = array<i32>} : memref<128x128xf32, #tpu.memory_space<vmem>>, vector<1x16xf32>,
      %get3A_136 = arith.index_cast %scan3A_122 : i32 to index
      %get3A_137 = arith.constant 16 : index
      %get3A_138 = tpu.vector_load %arg8[%get3A_136, %get3A_137] {strides = array<i32>} : memref<128x128xf32, #tpu.memory_space<vmem>>, vector<1x16xf32>,
      %get3A_139 = vector.shape_cast %get3A_138 : vector<1x16xf32> to vector<16xf32>
      %get3A_140 = arith.index_cast %scan3A_123 : i32 to index
      %get3A_141 = arith.constant 16 : index
      %get3A_142 = tpu.vector_load %arg7[%get3A_140, %get3A_141] {strides = array<i32>} : memref<200x64xf32, #tpu.memory_space<vmem>>, vector<1x16xf32>,
      %get3A_143 = vector.shape_cast %get3A_142 : vector<1x16xf32> to vector<16xf32>
      %add3A_144 = arith.addf %get3A_139, %get3A_143 : vector<16xf32>
      %swap3A_145 = arith.index_cast %scan3A_122 : i32 to index
      %swap3A_146 = arith.constant 16 : index
      %swap3A_147 = tpu.vector_load %arg10[%swap3A_145, %swap3A_146] {strides = array<i32>} : memref<128x128xf32, #tpu.memory_space<vmem>>, vector<1x16xf32>,
      %swap3A_148 = vector.shape_cast %swap3A_147 : vector<1x16xf32> to vector<16xf32>
      %swap3A_149 = vector.shape_cast %add3A_144 : vector<16xf32> to vector<1x16xf32>
      tpu.vector_store %arg10[%swap3A_145, %swap3A_146], %swap3A_149 {strides = array<i32>} : memref<128x128xf32, #tpu.memory_space<vmem>>, vector<1x16xf32>,
      %get3A_150 = arith.index_cast %scan3A_122 : i32 to index
      %get3A_151 = arith.constant 32 : index
      %get3A_152 = tpu.vector_load %arg8[%get3A_150, %get3A_151] {strides = array<i32>} : memref<128x128xf32, #tpu.memory_space<vmem>>, vector<1x16xf32>,
      %get3A_153 = vector.shape_cast %get3A_152 : vector<1x16xf32> to vector<16xf32>
      %get3A_154 = arith.index_cast %scan3A_123 : i32 to index
      %get3A_155 = arith.constant 32 : index
      %get3A_156 = tpu.vector_load %arg7[%get3A_154, %get3A_155] {strides = array<i32>} : memref<200x64xf32, #tpu.memory_space<vmem>>, vector<1x16xf32>,
      %get3A_157 = vector.shape_cast %get3A_156 : vector<1x16xf32> to vector<16xf32>
      %add3A_158 = arith.addf %get3A_153, %get3A_157 : vector<16xf32>
      %swap3A_159 = arith.index_cast %scan3A_122 : i32 to index
      %swap3A_160 = arith.constant 32 : index
      %swap3A_161 = tpu.vector_load %arg10[%swap3A_159, %swap3A_160] {strides = array<i32>} : memref<128x128xf32, #tpu.memory_space<vmem>>, vector<1x16xf32>,
      %swap3A_162 = vector.shape_cast %swap3A_161 : vector<1x16xf32> to vector<16xf32>
      %swap3A_163 = vector.shape_cast %add3A_158 : vector<16xf32> to vector<1x16xf32>
      tpu.vector_store %arg10[%swap3A_159, %swap3A_160], %swap3A_163 {strides = array<i32>} : memref<128x128xf32, #tpu.memory_space<vmem>>, vector<1x16xf32>,
      %get3A_164 = arith.index_cast %scan3A_122 : i32 to index
      %get3A_165 = arith.constant 48 : index
      %get3A_166 = tpu.vector_load %arg8[%get3A_164, %get3A_165] {strides = array<i32>} : memref<128x128xf32, #tpu.memory_space<vmem>>, vector<1x16xf32>,
      %get3A_167 = vector.shape_cast %get3A_166 : vector<1x16xf32> to vector<16xf32>
      %get3A_168 = arith.index_cast %scan3A_123 : i32 to index
      %get3A_169 = arith.constant 48 : index
      %get3A_170 = tpu.vector_load %arg7[%get3A_168, %get3A_169] {strides = array<i32>} : memref<200x64xf32, #tpu.memory_space<vmem>>, vector<1x16xf32>,
      %get3A_171 = vector.shape_cast %get3A_170 : vector<1x16xf32> to vector<16xf32>
      %add3A_172 = arith.addf %get3A_167, %get3A_171 : vector<16xf32>
      %swap3A_173 = arith.index_cast %scan3A_122 : i32 to index
      %swap3A_174 = arith.constant 48 : index
      %swap3A_175 = tpu.vector_load %arg10[%swap3A_173, %swap3A_174] {strides = array<i32>} : memref<128x128xf32, #tpu.memory_space<vmem>>, vector<1x16xf32>,
      %swap3A_176 = vector.shape_cast %swap3A_175 : vector<1x16xf32> to vector<16xf32>
      %swap3A_177 = vector.shape_cast %add3A_172 : vector<16xf32> to vector<1x16xf32>
      tpu.vector_store %arg10[%swap3A_173, %swap3A_174], %swap3A_177 {strides = array<i32>} : memref<128x128xf32, #tpu.memory_space<vmem>>, vector<1x16xf32>,
      %add3A_178 = arith.constant 1 : i32
      %add3A_179 = arith.addi %scan3A_123, %add3A_178 : i32
      %eq3A = arith.constant 200 : i32
      %eq3A_180 = arith.cmpi eq, %add3A_179, %eq3A : i32
      %add3A_181 = arith.constant 1 : i32
      %add3A_182 = arith.addi %scan3A_123, %add3A_181 : i32
      %select_n3A_183 = arith.constant 0 : i32
      %select_n3A_184 = arith.select %eq3A_180, %select_n3A_183, %add3A_182 : i32
      %scan3A_185 = arith.constant 1 : i32
      %scan3A_186 = arith.addi %scan3A_122, %scan3A_185 : i32
      %get3A_187 = arith.index_cast %scan3A_186 : i32 to index
      %get3A_188 = arith.constant 0 : index
      %get3A_189 = tpu.vector_load %arg8[%get3A_187, %get3A_188] {strides = array<i32>} : memref<128x128xf32, #tpu.memory_space<vmem>>, vector<1x16xf32>,
      %get3A_190 = vector.shape_cast %get3A_189 : vector<1x16xf32> to vector<16xf32>
      %get3A_191 = arith.index_cast %select_n3A_184 : i32 to index
      %get3A_192 = arith.constant 0 : index
      %get3A_193 = tpu.vector_load %arg7[%get3A_191, %get3A_192] {strides = array<i32>} : memref<200x64xf32, #tpu.memory_space<vmem>>, vector<1x16xf32>,
      %get3A_194 = vector.shape_cast %get3A_193 : vector<1x16xf32> to vector<16xf32>
      %add3A_195 = arith.addf %get3A_190, %get3A_194 : vector<16xf32>
      %swap3A_196 = arith.index_cast %scan3A_186 : i32 to index
      %swap3A_197 = arith.constant 0 : index
      %swap3A_198 = tpu.vector_load %arg10[%swap3A_196, %swap3A_197] {strides = array<i32>} : memref<128x128xf32, #tpu.memory_space<vmem>>, vector<1x16xf32>,
      %swap3A_199 = vector.shape_cast %swap3A_198 : vector<1x16xf32> to vector<16xf32>
      %swap3A_200 = vector.shape_cast %add3A_195 : vector<16xf32> to vector<1x16xf32>
      tpu.vector_store %arg10[%swap3A_196, %swap3A_197], %swap3A_200 {strides = array<i32>} : memref<128x128xf32, #tpu.memory_space<vmem>>, vector<1x16xf32>,
      %get3A_201 = arith.index_cast %scan3A_186 : i32 to index
      %get3A_202 = arith.constant 16 : index
      %get3A_203 = tpu.vector_load %arg8[%get3A_201, %get3A_202] {strides = array<i32>} : memref<128x128xf32, #tpu.memory_space<vmem>>, vector<1x16xf32>,
      %get3A_204 = vector.shape_cast %get3A_203 : vector<1x16xf32> to vector<16xf32>
      %get3A_205 = arith.index_cast %select_n3A_184 : i32 to index
      %get3A_206 = arith.constant 16 : index
      %get3A_207 = tpu.vector_load %arg7[%get3A_205, %get3A_206] {strides = array<i32>} : memref<200x64xf32, #tpu.memory_space<vmem>>, vector<1x16xf32>,
      %get3A_208 = vector.shape_cast %get3A_207 : vector<1x16xf32> to vector<16xf32>
      %add3A_209 = arith.addf %get3A_204, %get3A_208 : vector<16xf32>
      %swap3A_210 = arith.index_cast %scan3A_186 : i32 to index
      %swap3A_211 = arith.constant 16 : index
      %swap3A_212 = tpu.vector_load %arg10[%swap3A_210, %swap3A_211] {strides = array<i32>} : memref<128x128xf32, #tpu.memory_space<vmem>>, vector<1x16xf32>,
      %swap3A_213 = vector.shape_cast %swap3A_212 : vector<1x16xf32> to vector<16xf32>
      %swap3A_214 = vector.shape_cast %add3A_209 : vector<16xf32> to vector<1x16xf32>
      tpu.vector_store %arg10[%swap3A_210, %swap3A_211], %swap3A_214 {strides = array<i32>} : memref<128x128xf32, #tpu.memory_space<vmem>>, vector<1x16xf32>,
      %get3A_215 = arith.index_cast %scan3A_186 : i32 to index
      %get3A_216 = arith.constant 32 : index
      %get3A_217 = tpu.vector_load %arg8[%get3A_215, %get3A_216] {strides = array<i32>} : memref<128x128xf32, #tpu.memory_space<vmem>>, vector<1x16xf32>,
      %get3A_218 = vector.shape_cast %get3A_217 : vector<1x16xf32> to vector<16xf32>
      %get3A_219 = arith.index_cast %select_n3A_184 : i32 to index
      %get3A_220 = arith.constant 32 : index
      %get3A_221 = tpu.vector_load %arg7[%get3A_219, %get3A_220] {strides = array<i32>} : memref<200x64xf32, #tpu.memory_space<vmem>>, vector<1x16xf32>,
      %get3A_222 = vector.shape_cast %get3A_221 : vector<1x16xf32> to vector<16xf32>
      %add3A_223 = arith.addf %get3A_218, %get3A_222 : vector<16xf32>
      %swap3A_224 = arith.index_cast %scan3A_186 : i32 to index
      %swap3A_225 = arith.constant 32 : index
      %swap3A_226 = tpu.vector_load %arg10[%swap3A_224, %swap3A_225] {strides = array<i32>} : memref<128x128xf32, #tpu.memory_space<vmem>>, vector<1x16xf32>,
      %swap3A_227 = vector.shape_cast %swap3A_226 : vector<1x16xf32> to vector<16xf32>
      %swap3A_228 = vector.shape_cast %add3A_223 : vector<16xf32> to vector<1x16xf32>
      tpu.vector_store %arg10[%swap3A_224, %swap3A_225], %swap3A_228 {strides = array<i32>} : memref<128x128xf32, #tpu.memory_space<vmem>>, vector<1x16xf32>,
      %get3A_229 = arith.index_cast %scan3A_186 : i32 to index
      %get3A_230 = arith.constant 48 : index
      %get3A_231 = tpu.vector_load %arg8[%get3A_229, %get3A_230] {strides = array<i32>} : memref<128x128xf32, #tpu.memory_space<vmem>>, vector<1x16xf32>,
      %get3A_232 = vector.shape_cast %get3A_231 : vector<1x16xf32> to vector<16xf32>
      %get3A_233 = arith.index_cast %select_n3A_184 : i32 to index
      %get3A_234 = arith.constant 48 : index
      %get3A_235 = tpu.vector_load %arg7[%get3A_233, %get3A_234] {strides = array<i32>} : memref<200x64xf32, #tpu.memory_space<vmem>>, vector<1x16xf32>,
      %get3A_236 = vector.shape_cast %get3A_235 : vector<1x16xf32> to vector<16xf32>
      %add3A_237 = arith.addf %get3A_232, %get3A_236 : vector<16xf32>
      %swap3A_238 = arith.index_cast %scan3A_186 : i32 to index
      %swap3A_239 = arith.constant 48 : index
      %swap3A_240 = tpu.vector_load %arg10[%swap3A_238, %swap3A_239] {strides = array<i32>} : memref<128x128xf32, #tpu.memory_space<vmem>>, vector<1x16xf32>,
      %swap3A_241 = vector.shape_cast %swap3A_240 : vector<1x16xf32> to vector<16xf32>
      %swap3A_242 = vector.shape_cast %add3A_237 : vector<16xf32> to vector<1x16xf32>
      tpu.vector_store %arg10[%swap3A_238, %swap3A_239], %swap3A_242 {strides = array<i32>} : memref<128x128xf32, #tpu.memory_space<vmem>>, vector<1x16xf32>,
      %add3A_243 = arith.constant 1 : i32
      %add3A_244 = arith.addi %select_n3A_184, %add3A_243 : i32
      %eq3A_245 = arith.constant 200 : i32
      %eq3A_246 = arith.cmpi eq, %add3A_244, %eq3A_245 : i32
      %add3A_247 = arith.constant 1 : i32
      %add3A_248 = arith.addi %select_n3A_184, %add3A_247 : i32
      %select_n3A_249 = arith.constant 0 : i32
      %select_n3A_250 = arith.select %eq3A_246, %select_n3A_249, %add3A_248 : i32
      %scan3A_251 = arith.constant 2 : i32
      %scan3A_252 = arith.addi %scan3A_122, %scan3A_251 : i32
      %get3A_253 = arith.index_cast %scan3A_252 : i32 to index
      %get3A_254 = arith.constant 0 : index
      %get3A_255 = tpu.vector_load %arg8[%get3A_253, %get3A_254] {strides = array<i32>} : memref<128x128xf32, #tpu.memory_space<vmem>>, vector<1x16xf32>,
      %get3A_256 = vector.shape_cast %get3A_255 : vector<1x16xf32> to vector<16xf32>
      %get3A_257 = arith.index_cast %select_n3A_250 : i32 to index
      %get3A_258 = arith.constant 0 : index
      %get3A_259 = tpu.vector_load %arg7[%get3A_257, %get3A_258] {strides = array<i32>} : memref<200x64xf32, #tpu.memory_space<vmem>>, vector<1x16xf32>,
      %get3A_260 = vector.shape_cast %get3A_259 : vector<1x16xf32> to vector<16xf32>
      %add3A_261 = arith.addf %get3A_256, %get3A_260 : vector<16xf32>
      %swap3A_262 = arith.index_cast %scan3A_252 : i32 to index
      %swap3A_263 = arith.constant 0 : index
      %swap3A_264 = tpu.vector_load %arg10[%swap3A_262, %swap3A_263] {strides = array<i32>} : memref<128x128xf32, #tpu.memory_space<vmem>>, vector<1x16xf32>,
      %swap3A_265 = vector.shape_cast %swap3A_264 : vector<1x16xf32> to vector<16xf32>
      %swap3A_266 = vector.shape_cast %add3A_261 : vector<16xf32> to vector<1x16xf32>
      tpu.vector_store %arg10[%swap3A_262, %swap3A_263], %swap3A_266 {strides = array<i32>} : memref<128x128xf32, #tpu.memory_space<vmem>>, vector<1x16xf32>,
      %get3A_267 = arith.index_cast %scan3A_252 : i32 to index
      %get3A_268 = arith.constant 16 : index
      %get3A_269 = tpu.vector_load %arg8[%get3A_267, %get3A_268] {strides = array<i32>} : memref<128x128xf32, #tpu.memory_space<vmem>>, vector<1x16xf32>,
      %get3A_270 = vector.shape_cast %get3A_269 : vector<1x16xf32> to vector<16xf32>
      %get3A_271 = arith.index_cast %select_n3A_250 : i32 to index
      %get3A_272 = arith.constant 16 : index
      %get3A_273 = tpu.vector_load %arg7[%get3A_271, %get3A_272] {strides = array<i32>} : memref<200x64xf32, #tpu.memory_space<vmem>>, vector<1x16xf32>,
      %get3A_274 = vector.shape_cast %get3A_273 : vector<1x16xf32> to vector<16xf32>
      %add3A_275 = arith.addf %get3A_270, %get3A_274 : vector<16xf32>
      %swap3A_276 = arith.index_cast %scan3A_252 : i32 to index
      %swap3A_277 = arith.constant 16 : index
      %swap3A_278 = tpu.vector_load %arg10[%swap3A_276, %swap3A_277] {strides = array<i32>} : memref<128x128xf32, #tpu.memory_space<vmem>>, vector<1x16xf32>,
      %swap3A_279 = vector.shape_cast %swap3A_278 : vector<1x16xf32> to vector<16xf32>
      %swap3A_280 = vector.shape_cast %add3A_275 : vector<16xf32> to vector<1x16xf32>
      tpu.vector_store %arg10[%swap3A_276, %swap3A_277], %swap3A_280 {strides = array<i32>} : memref<128x128xf32, #tpu.memory_space<vmem>>, vector<1x16xf32>,
      %get3A_281 = arith.index_cast %scan3A_252 : i32 to index
      %get3A_282 = arith.constant 32 : index
      %get3A_283 = tpu.vector_load %arg8[%get3A_281, %get3A_282] {strides = array<i32>} : memref<128x128xf32, #tpu.memory_space<vmem>>, vector<1x16xf32>,
      %get3A_284 = vector.shape_cast %get3A_283 : vector<1x16xf32> to vector<16xf32>
      %get3A_285 = arith.index_cast %select_n3A_250 : i32 to index
      %get3A_286 = arith.constant 32 : index
      %get3A_287 = tpu.vector_load %arg7[%get3A_285, %get3A_286] {strides = array<i32>} : memref<200x64xf32, #tpu.memory_space<vmem>>, vector<1x16xf32>,
      %get3A_288 = vector.shape_cast %get3A_287 : vector<1x16xf32> to vector<16xf32>
      %add3A_289 = arith.addf %get3A_284, %get3A_288 : vector<16xf32>
      %swap3A_290 = arith.index_cast %scan3A_252 : i32 to index
      %swap3A_291 = arith.constant 32 : index
      %swap3A_292 = tpu.vector_load %arg10[%swap3A_290, %swap3A_291] {strides = array<i32>} : memref<128x128xf32, #tpu.memory_space<vmem>>, vector<1x16xf32>,
      %swap3A_293 = vector.shape_cast %swap3A_292 : vector<1x16xf32> to vector<16xf32>
      %swap3A_294 = vector.shape_cast %add3A_289 : vector<16xf32> to vector<1x16xf32>
      tpu.vector_store %arg10[%swap3A_290, %swap3A_291], %swap3A_294 {strides = array<i32>} : memref<128x128xf32, #tpu.memory_space<vmem>>, vector<1x16xf32>,
      %get3A_295 = arith.index_cast %scan3A_252 : i32 to index
      %get3A_296 = arith.constant 48 : index
      %get3A_297 = tpu.vector_load %arg8[%get3A_295, %get3A_296] {strides = array<i32>} : memref<128x128xf32, #tpu.memory_space<vmem>>, vector<1x16xf32>,
      %get3A_298 = vector.shape_cast %get3A_297 : vector<1x16xf32> to vector<16xf32>
      %get3A_299 = arith.index_cast %select_n3A_250 : i32 to index
      %get3A_300 = arith.constant 48 : index
      %get3A_301 = tpu.vector_load %arg7[%get3A_299, %get3A_300] {strides = array<i32>} : memref<200x64xf32, #tpu.memory_space<vmem>>, vector<1x16xf32>,
      %get3A_302 = vector.shape_cast %get3A_301 : vector<1x16xf32> to vector<16xf32>
      %add3A_303 = arith.addf %get3A_298, %get3A_302 : vector<16xf32>
      %swap3A_304 = arith.index_cast %scan3A_252 : i32 to index
      %swap3A_305 = arith.constant 48 : index
      %swap3A_306 = tpu.vector_load %arg10[%swap3A_304, %swap3A_305] {strides = array<i32>} : memref<128x128xf32, #tpu.memory_space<vmem>>, vector<1x16xf32>,
      %swap3A_307 = vector.shape_cast %swap3A_306 : vector<1x16xf32> to vector<16xf32>
      %swap3A_308 = vector.shape_cast %add3A_303 : vector<16xf32> to vector<1x16xf32>
      tpu.vector_store %arg10[%swap3A_304, %swap3A_305], %swap3A_308 {strides = array<i32>} : memref<128x128xf32, #tpu.memory_space<vmem>>, vector<1x16xf32>,
      %add3A_309 = arith.constant 1 : i32
      %add3A_310 = arith.addi %select_n3A_250, %add3A_309 : i32
      %eq3A_311 = arith.constant 200 : i32
      %eq3A_312 = arith.cmpi eq, %add3A_310, %eq3A_311 : i32
      %add3A_313 = arith.constant 1 : i32
      %add3A_314 = arith.addi %select_n3A_250, %add3A_313 : i32
      %select_n3A_315 = arith.constant 0 : i32
      %select_n3A_316 = arith.select %eq3A_312, %select_n3A_315, %add3A_314 : i32
      %scan3A_317 = arith.constant 3 : i32
      %scan3A_318 = arith.addi %scan3A_122, %scan3A_317 : i32
      %get3A_319 = arith.index_cast %scan3A_318 : i32 to index
      %get3A_320 = arith.constant 0 : index
      %get3A_321 = tpu.vector_load %arg8[%get3A_319, %get3A_320] {strides = array<i32>} : memref<128x128xf32, #tpu.memory_space<vmem>>, vector<1x16xf32>,
      %get3A_322 = vector.shape_cast %get3A_321 : vector<1x16xf32> to vector<16xf32>
      %get3A_323 = arith.index_cast %select_n3A_316 : i32 to index
      %get3A_324 = arith.constant 0 : index
      %get3A_325 = tpu.vector_load %arg7[%get3A_323, %get3A_324] {strides = array<i32>} : memref<200x64xf32, #tpu.memory_space<vmem>>, vector<1x16xf32>,
      %get3A_326 = vector.shape_cast %get3A_325 : vector<1x16xf32> to vector<16xf32>
      %add3A_327 = arith.addf %get3A_322, %get3A_326 : vector<16xf32>
      %swap3A_328 = arith.index_cast %scan3A_318 : i32 to index
      %swap3A_329 = arith.constant 0 : index
      %swap3A_330 = tpu.vector_load %arg10[%swap3A_328, %swap3A_329] {strides = array<i32>} : memref<128x128xf32, #tpu.memory_space<vmem>>, vector<1x16xf32>,
      %swap3A_331 = vector.shape_cast %swap3A_330 : vector<1x16xf32> to vector<16xf32>
      %swap3A_332 = vector.shape_cast %add3A_327 : vector<16xf32> to vector<1x16xf32>
      tpu.vector_store %arg10[%swap3A_328, %swap3A_329], %swap3A_332 {strides = array<i32>} : memref<128x128xf32, #tpu.memory_space<vmem>>, vector<1x16xf32>,
      %get3A_333 = arith.index_cast %scan3A_318 : i32 to index
      %get3A_334 = arith.constant 16 : index
      %get3A_335 = tpu.vector_load %arg8[%get3A_333, %get3A_334] {strides = array<i32>} : memref<128x128xf32, #tpu.memory_space<vmem>>, vector<1x16xf32>,
      %get3A_336 = vector.shape_cast %get3A_335 : vector<1x16xf32> to vector<16xf32>
      %get3A_337 = arith.index_cast %select_n3A_316 : i32 to index
      %get3A_338 = arith.constant 16 : index
      %get3A_339 = tpu.vector_load %arg7[%get3A_337, %get3A_338] {strides = array<i32>} : memref<200x64xf32, #tpu.memory_space<vmem>>, vector<1x16xf32>,
      %get3A_340 = vector.shape_cast %get3A_339 : vector<1x16xf32> to vector<16xf32>
      %add3A_341 = arith.addf %get3A_336, %get3A_340 : vector<16xf32>
      %swap3A_342 = arith.index_cast %scan3A_318 : i32 to index
      %swap3A_343 = arith.constant 16 : index
      %swap3A_344 = tpu.vector_load %arg10[%swap3A_342, %swap3A_343] {strides = array<i32>} : memref<128x128xf32, #tpu.memory_space<vmem>>, vector<1x16xf32>,
      %swap3A_345 = vector.shape_cast %swap3A_344 : vector<1x16xf32> to vector<16xf32>
      %swap3A_346 = vector.shape_cast %add3A_341 : vector<16xf32> to vector<1x16xf32>
      tpu.vector_store %arg10[%swap3A_342, %swap3A_343], %swap3A_346 {strides = array<i32>} : memref<128x128xf32, #tpu.memory_space<vmem>>, vector<1x16xf32>,
      %get3A_347 = arith.index_cast %scan3A_318 : i32 to index
      %get3A_348 = arith.constant 32 : index
      %get3A_349 = tpu.vector_load %arg8[%get3A_347, %get3A_348] {strides = array<i32>} : memref<128x128xf32, #tpu.memory_space<vmem>>, vector<1x16xf32>,
      %get3A_350 = vector.shape_cast %get3A_349 : vector<1x16xf32> to vector<16xf32>
      %get3A_351 = arith.index_cast %select_n3A_316 : i32 to index
      %get3A_352 = arith.constant 32 : index
      %get3A_353 = tpu.vector_load %arg7[%get3A_351, %get3A_352] {strides = array<i32>} : memref<200x64xf32, #tpu.memory_space<vmem>>, vector<1x16xf32>,
      %get3A_354 = vector.shape_cast %get3A_353 : vector<1x16xf32> to vector<16xf32>
      %add3A_355 = arith.addf %get3A_350, %get3A_354 : vector<16xf32>
      %swap3A_356 = arith.index_cast %scan3A_318 : i32 to index
      %swap3A_357 = arith.constant 32 : index
      %swap3A_358 = tpu.vector_load %arg10[%swap3A_356, %swap3A_357] {strides = array<i32>} : memref<128x128xf32, #tpu.memory_space<vmem>>, vector<1x16xf32>,
      %swap3A_359 = vector.shape_cast %swap3A_358 : vector<1x16xf32> to vector<16xf32>
      %swap3A_360 = vector.shape_cast %add3A_355 : vector<16xf32> to vector<1x16xf32>
      tpu.vector_store %arg10[%swap3A_356, %swap3A_357], %swap3A_360 {strides = array<i32>} : memref<128x128xf32, #tpu.memory_space<vmem>>, vector<1x16xf32>,
      %get3A_361 = arith.index_cast %scan3A_318 : i32 to index
      %get3A_362 = arith.constant 48 : index
      %get3A_363 = tpu.vector_load %arg8[%get3A_361, %get3A_362] {strides = array<i32>} : memref<128x128xf32, #tpu.memory_space<vmem>>, vector<1x16xf32>,
      %get3A_364 = vector.shape_cast %get3A_363 : vector<1x16xf32> to vector<16xf32>
      %get3A_365 = arith.index_cast %select_n3A_316 : i32 to index
      %get3A_366 = arith.constant 48 : index
      %get3A_367 = tpu.vector_load %arg7[%get3A_365, %get3A_366] {strides = array<i32>} : memref<200x64xf32, #tpu.memory_space<vmem>>, vector<1x16xf32>,
      %get3A_368 = vector.shape_cast %get3A_367 : vector<1x16xf32> to vector<16xf32>
      %add3A_369 = arith.addf %get3A_364, %get3A_368 : vector<16xf32>
      %swap3A_370 = arith.index_cast %scan3A_318 : i32 to index
      %swap3A_371 = arith.constant 48 : index
      %swap3A_372 = tpu.vector_load %arg10[%swap3A_370, %swap3A_371] {strides = array<i32>} : memref<128x128xf32, #tpu.memory_space<vmem>>, vector<1x16xf32>,
      %swap3A_373 = vector.shape_cast %swap3A_372 : vector<1x16xf32> to vector<16xf32>
      %swap3A_374 = vector.shape_cast %add3A_369 : vector<16xf32> to vector<1x16xf32>
      tpu.vector_store %arg10[%swap3A_370, %swap3A_371], %swap3A_374 {strides = array<i32>} : memref<128x128xf32, #tpu.memory_space<vmem>>, vector<1x16xf32>,
      %add3A_375 = arith.constant 1 : i32
      %add3A_376 = arith.addi %select_n3A_316, %add3A_375 : i32
      %eq3A_377 = arith.constant 200 : i32
      %eq3A_378 = arith.cmpi eq, %add3A_376, %eq3A_377 : i32
      %add3A_379 = arith.constant 1 : i32
      %add3A_380 = arith.addi %select_n3A_316, %add3A_379 : i32
      %select_n3A_381 = arith.constant 0 : i32
      %select_n3A_382 = arith.select %eq3A_378, %select_n3A_381, %add3A_380 : i32
      %scan3A_383 = arith.constant 4 : i32
      %scan3A_384 = arith.addi %scan3A_122, %scan3A_383 : i32
      %get3A_385 = arith.index_cast %scan3A_384 : i32 to index
      %get3A_386 = arith.constant 0 : index
      %get3A_387 = tpu.vector_load %arg8[%get3A_385, %get3A_386] {strides = array<i32>} : memref<128x128xf32, #tpu.memory_space<vmem>>, vector<1x16xf32>,
      %get3A_388 = vector.shape_cast %get3A_387 : vector<1x16xf32> to vector<16xf32>
      %get3A_389 = arith.index_cast %select_n3A_382 : i32 to index
      %get3A_390 = arith.constant 0 : index
      %get3A_391 = tpu.vector_load %arg7[%get3A_389, %get3A_390] {strides = array<i32>} : memref<200x64xf32, #tpu.memory_space<vmem>>, vector<1x16xf32>,
      %get3A_392 = vector.shape_cast %get3A_391 : vector<1x16xf32> to vector<16xf32>
      %add3A_393 = arith.addf %get3A_388, %get3A_392 : vector<16xf32>
      %swap3A_394 = arith.index_cast %scan3A_384 : i32 to index
      %swap3A_395 = arith.constant 0 : index
      %swap3A_396 = tpu.vector_load %arg10[%swap3A_394, %swap3A_395] {strides = array<i32>} : memref<128x128xf32, #tpu.memory_space<vmem>>, vector<1x16xf32>,
      %swap3A_397 = vector.shape_cast %swap3A_396 : vector<1x16xf32> to vector<16xf32>
      %swap3A_398 = vector.shape_cast %add3A_393 : vector<16xf32> to vector<1x16xf32>
      tpu.vector_store %arg10[%swap3A_394, %swap3A_395], %swap3A_398 {strides = array<i32>} : memref<128x128xf32, #tpu.memory_space<vmem>>, vector<1x16xf32>,
      %get3A_399 = arith.index_cast %scan3A_384 : i32 to index
      %get3A_400 = arith.constant 16 : index
      %get3A_401 = tpu.vector_load %arg8[%get3A_399, %get3A_400] {strides = array<i32>} : memref<128x128xf32, #tpu.memory_space<vmem>>, vector<1x16xf32>,
      %get3A_402 = vector.shape_cast %get3A_401 : vector<1x16xf32> to vector<16xf32>
      %get3A_403 = arith.index_cast %select_n3A_382 : i32 to index
      %get3A_404 = arith.constant 16 : index
      %get3A_405 = tpu.vector_load %arg7[%get3A_403, %get3A_404] {strides = array<i32>} : memref<200x64xf32, #tpu.memory_space<vmem>>, vector<1x16xf32>,
      %get3A_406 = vector.shape_cast %get3A_405 : vector<1x16xf32> to vector<16xf32>
      %add3A_407 = arith.addf %get3A_402, %get3A_406 : vector<16xf32>
      %swap3A_408 = arith.index_cast %scan3A_384 : i32 to index
      %swap3A_409 = arith.constant 16 : index
      %swap3A_410 = tpu.vector_load %arg10[%swap3A_408, %swap3A_409] {strides = array<i32>} : memref<128x128xf32, #tpu.memory_space<vmem>>, vector<1x16xf32>,
      %swap3A_411 = vector.shape_cast %swap3A_410 : vector<1x16xf32> to vector<16xf32>
      %swap3A_412 = vector.shape_cast %add3A_407 : vector<16xf32> to vector<1x16xf32>
      tpu.vector_store %arg10[%swap3A_408, %swap3A_409], %swap3A_412 {strides = array<i32>} : memref<128x128xf32, #tpu.memory_space<vmem>>, vector<1x16xf32>,
      %get3A_413 = arith.index_cast %scan3A_384 : i32 to index
      %get3A_414 = arith.constant 32 : index
      %get3A_415 = tpu.vector_load %arg8[%get3A_413, %get3A_414] {strides = array<i32>} : memref<128x128xf32, #tpu.memory_space<vmem>>, vector<1x16xf32>,
      %get3A_416 = vector.shape_cast %get3A_415 : vector<1x16xf32> to vector<16xf32>
      %get3A_417 = arith.index_cast %select_n3A_382 : i32 to index
      %get3A_418 = arith.constant 32 : index
      %get3A_419 = tpu.vector_load %arg7[%get3A_417, %get3A_418] {strides = array<i32>} : memref<200x64xf32, #tpu.memory_space<vmem>>, vector<1x16xf32>,
      %get3A_420 = vector.shape_cast %get3A_419 : vector<1x16xf32> to vector<16xf32>
      %add3A_421 = arith.addf %get3A_416, %get3A_420 : vector<16xf32>
      %swap3A_422 = arith.index_cast %scan3A_384 : i32 to index
      %swap3A_423 = arith.constant 32 : index
      %swap3A_424 = tpu.vector_load %arg10[%swap3A_422, %swap3A_423] {strides = array<i32>} : memref<128x128xf32, #tpu.memory_space<vmem>>, vector<1x16xf32>,
      %swap3A_425 = vector.shape_cast %swap3A_424 : vector<1x16xf32> to vector<16xf32>
      %swap3A_426 = vector.shape_cast %add3A_421 : vector<16xf32> to vector<1x16xf32>
      tpu.vector_store %arg10[%swap3A_422, %swap3A_423], %swap3A_426 {strides = array<i32>} : memref<128x128xf32, #tpu.memory_space<vmem>>, vector<1x16xf32>,
      %get3A_427 = arith.index_cast %scan3A_384 : i32 to index
      %get3A_428 = arith.constant 48 : index
      %get3A_429 = tpu.vector_load %arg8[%get3A_427, %get3A_428] {strides = array<i32>} : memref<128x128xf32, #tpu.memory_space<vmem>>, vector<1x16xf32>,
      %get3A_430 = vector.shape_cast %get3A_429 : vector<1x16xf32> to vector<16xf32>
      %get3A_431 = arith.index_cast %select_n3A_382 : i32 to index
      %get3A_432 = arith.constant 48 : index
      %get3A_433 = tpu.vector_load %arg7[%get3A_431, %get3A_432] {strides = array<i32>} : memref<200x64xf32, #tpu.memory_space<vmem>>, vector<1x16xf32>,
      %get3A_434 = vector.shape_cast %get3A_433 : vector<1x16xf32> to vector<16xf32>
      %add3A_435 = arith.addf %get3A_430, %get3A_434 : vector<16xf32>
      %swap3A_436 = arith.index_cast %scan3A_384 : i32 to index
      %swap3A_437 = arith.constant 48 : index
      %swap3A_438 = tpu.vector_load %arg10[%swap3A_436, %swap3A_437] {strides = array<i32>} : memref<128x128xf32, #tpu.memory_space<vmem>>, vector<1x16xf32>,
      %swap3A_439 = vector.shape_cast %swap3A_438 : vector<1x16xf32> to vector<16xf32>
      %swap3A_440 = vector.shape_cast %add3A_435 : vector<16xf32> to vector<1x16xf32>
      tpu.vector_store %arg10[%swap3A_436, %swap3A_437], %swap3A_440 {strides = array<i32>} : memref<128x128xf32, #tpu.memory_space<vmem>>, vector<1x16xf32>,
      %add3A_441 = arith.constant 1 : i32
      %add3A_442 = arith.addi %select_n3A_382, %add3A_441 : i32
      %eq3A_443 = arith.constant 200 : i32
      %eq3A_444 = arith.cmpi eq, %add3A_442, %eq3A_443 : i32
      %add3A_445 = arith.constant 1 : i32
      %add3A_446 = arith.addi %select_n3A_382, %add3A_445 : i32
      %select_n3A_447 = arith.constant 0 : i32
      %select_n3A_448 = arith.select %eq3A_444, %select_n3A_447, %add3A_446 : i32
      %scan3A_449 = arith.constant 5 : i32
      %scan3A_450 = arith.addi %scan3A_122, %scan3A_449 : i32
      %get3A_451 = arith.index_cast %scan3A_450 : i32 to index
      %get3A_452 = arith.constant 0 : index
      %get3A_453 = tpu.vector_load %arg8[%get3A_451, %get3A_452] {strides = array<i32>} : memref<128x128xf32, #tpu.memory_space<vmem>>, vector<1x16xf32>,
      %get3A_454 = vector.shape_cast %get3A_453 : vector<1x16xf32> to vector<16xf32>
      %get3A_455 = arith.index_cast %select_n3A_448 : i32 to index
      %get3A_456 = arith.constant 0 : index
      %get3A_457 = tpu.vector_load %arg7[%get3A_455, %get3A_456] {strides = array<i32>} : memref<200x64xf32, #tpu.memory_space<vmem>>, vector<1x16xf32>,
      %get3A_458 = vector.shape_cast %get3A_457 : vector<1x16xf32> to vector<16xf32>
      %add3A_459 = arith.addf %get3A_454, %get3A_458 : vector<16xf32>
      %swap3A_460 = arith.index_cast %scan3A_450 : i32 to index
      %swap3A_461 = arith.constant 0 : index
      %swap3A_462 = tpu.vector_load %arg10[%swap3A_460, %swap3A_461] {strides = array<i32>} : memref<128x128xf32, #tpu.memory_space<vmem>>, vector<1x16xf32>,
      %swap3A_463 = vector.shape_cast %swap3A_462 : vector<1x16xf32> to vector<16xf32>
      %swap3A_464 = vector.shape_cast %add3A_459 : vector<16xf32> to vector<1x16xf32>
      tpu.vector_store %arg10[%swap3A_460, %swap3A_461], %swap3A_464 {strides = array<i32>} : memref<128x128xf32, #tpu.memory_space<vmem>>, vector<1x16xf32>,
      %get3A_465 = arith.index_cast %scan3A_450 : i32 to index
      %get3A_466 = arith.constant 16 : index
      %get3A_467 = tpu.vector_load %arg8[%get3A_465, %get3A_466] {strides = array<i32>} : memref<128x128xf32, #tpu.memory_space<vmem>>, vector<1x16xf32>,
      %get3A_468 = vector.shape_cast %get3A_467 : vector<1x16xf32> to vector<16xf32>
      %get3A_469 = arith.index_cast %select_n3A_448 : i32 to index
      %get3A_470 = arith.constant 16 : index
      %get3A_471 = tpu.vector_load %arg7[%get3A_469, %get3A_470] {strides = array<i32>} : memref<200x64xf32, #tpu.memory_space<vmem>>, vector<1x16xf32>,
      %get3A_472 = vector.shape_cast %get3A_471 : vector<1x16xf32> to vector<16xf32>
      %add3A_473 = arith.addf %get3A_468, %get3A_472 : vector<16xf32>
      %swap3A_474 = arith.index_cast %scan3A_450 : i32 to index
      %swap3A_475 = arith.constant 16 : index
      %swap3A_476 = tpu.vector_load %arg10[%swap3A_474, %swap3A_475] {strides = array<i32>} : memref<128x128xf32, #tpu.memory_space<vmem>>, vector<1x16xf32>,
      %swap3A_477 = vector.shape_cast %swap3A_476 : vector<1x16xf32> to vector<16xf32>
      %swap3A_478 = vector.shape_cast %add3A_473 : vector<16xf32> to vector<1x16xf32>
      tpu.vector_store %arg10[%swap3A_474, %swap3A_475], %swap3A_478 {strides = array<i32>} : memref<128x128xf32, #tpu.memory_space<vmem>>, vector<1x16xf32>,
      %get3A_479 = arith.index_cast %scan3A_450 : i32 to index
      %get3A_480 = arith.constant 32 : index
      %get3A_481 = tpu.vector_load %arg8[%get3A_479, %get3A_480] {strides = array<i32>} : memref<128x128xf32, #tpu.memory_space<vmem>>, vector<1x16xf32>,
      %get3A_482 = vector.shape_cast %get3A_481 : vector<1x16xf32> to vector<16xf32>
      %get3A_483 = arith.index_cast %select_n3A_448 : i32 to index
      %get3A_484 = arith.constant 32 : index
      %get3A_485 = tpu.vector_load %arg7[%get3A_483, %get3A_484] {strides = array<i32>} : memref<200x64xf32, #tpu.memory_space<vmem>>, vector<1x16xf32>,
      %get3A_486 = vector.shape_cast %get3A_485 : vector<1x16xf32> to vector<16xf32>
      %add3A_487 = arith.addf %get3A_482, %get3A_486 : vector<16xf32>
      %swap3A_488 = arith.index_cast %scan3A_450 : i32 to index
      %swap3A_489 = arith.constant 32 : index
      %swap3A_490 = tpu.vector_load %arg10[%swap3A_488, %swap3A_489] {strides = array<i32>} : memref<128x128xf32, #tpu.memory_space<vmem>>, vector<1x16xf32>,
      %swap3A_491 = vector.shape_cast %swap3A_490 : vector<1x16xf32> to vector<16xf32>
      %swap3A_492 = vector.shape_cast %add3A_487 : vector<16xf32> to vector<1x16xf32>
      tpu.vector_store %arg10[%swap3A_488, %swap3A_489], %swap3A_492 {strides = array<i32>} : memref<128x128xf32, #tpu.memory_space<vmem>>, vector<1x16xf32>,
      %get3A_493 = arith.index_cast %scan3A_450 : i32 to index
      %get3A_494 = arith.constant 48 : index
      %get3A_495 = tpu.vector_load %arg8[%get3A_493, %get3A_494] {strides = array<i32>} : memref<128x128xf32, #tpu.memory_space<vmem>>, vector<1x16xf32>,
      %get3A_496 = vector.shape_cast %get3A_495 : vector<1x16xf32> to vector<16xf32>
      %get3A_497 = arith.index_cast %select_n3A_448 : i32 to index
      %get3A_498 = arith.constant 48 : index
      %get3A_499 = tpu.vector_load %arg7[%get3A_497, %get3A_498] {strides = array<i32>} : memref<200x64xf32, #tpu.memory_space<vmem>>, vector<1x16xf32>,
      %get3A_500 = vector.shape_cast %get3A_499 : vector<1x16xf32> to vector<16xf32>
      %add3A_501 = arith.addf %get3A_496, %get3A_500 : vector<16xf32>
      %swap3A_502 = arith.index_cast %scan3A_450 : i32 to index
      %swap3A_503 = arith.constant 48 : index
      %swap3A_504 = tpu.vector_load %arg10[%swap3A_502, %swap3A_503] {strides = array<i32>} : memref<128x128xf32, #tpu.memory_space<vmem>>, vector<1x16xf32>,
      %swap3A_505 = vector.shape_cast %swap3A_504 : vector<1x16xf32> to vector<16xf32>
      %swap3A_506 = vector.shape_cast %add3A_501 : vector<16xf32> to vector<1x16xf32>
      tpu.vector_store %arg10[%swap3A_502, %swap3A_503], %swap3A_506 {strides = array<i32>} : memref<128x128xf32, #tpu.memory_space<vmem>>, vector<1x16xf32>,
      %add3A_507 = arith.constant 1 : i32
      %add3A_508 = arith.addi %select_n3A_448, %add3A_507 : i32
      %eq3A_509 = arith.constant 200 : i32
      %eq3A_510 = arith.cmpi eq, %add3A_508, %eq3A_509 : i32
      %add3A_511 = arith.constant 1 : i32
      %add3A_512 = arith.addi %select_n3A_448, %add3A_511 : i32
      %select_n3A_513 = arith.constant 0 : i32
      %select_n3A_514 = arith.select %eq3A_510, %select_n3A_513, %add3A_512 : i32
      %scan3A_515 = arith.constant 6 : i32
      %scan3A_516 = arith.addi %scan3A_122, %scan3A_515 : i32
      %get3A_517 = arith.index_cast %scan3A_516 : i32 to index
      %get3A_518 = arith.constant 0 : index
      %get3A_519 = tpu.vector_load %arg8[%get3A_517, %get3A_518] {strides = array<i32>} : memref<128x128xf32, #tpu.memory_space<vmem>>, vector<1x16xf32>,
      %get3A_520 = vector.shape_cast %get3A_519 : vector<1x16xf32> to vector<16xf32>
      %get3A_521 = arith.index_cast %select_n3A_514 : i32 to index
      %get3A_522 = arith.constant 0 : index
      %get3A_523 = tpu.vector_load %arg7[%get3A_521, %get3A_522] {strides = array<i32>} : memref<200x64xf32, #tpu.memory_space<vmem>>, vector<1x16xf32>,
      %get3A_524 = vector.shape_cast %get3A_523 : vector<1x16xf32> to vector<16xf32>
      %add3A_525 = arith.addf %get3A_520, %get3A_524 : vector<16xf32>
      %swap3A_526 = arith.index_cast %scan3A_516 : i32 to index
      %swap3A_527 = arith.constant 0 : index
      %swap3A_528 = tpu.vector_load %arg10[%swap3A_526, %swap3A_527] {strides = array<i32>} : memref<128x128xf32, #tpu.memory_space<vmem>>, vector<1x16xf32>,
      %swap3A_529 = vector.shape_cast %swap3A_528 : vector<1x16xf32> to vector<16xf32>
      %swap3A_530 = vector.shape_cast %add3A_525 : vector<16xf32> to vector<1x16xf32>
      tpu.vector_store %arg10[%swap3A_526, %swap3A_527], %swap3A_530 {strides = array<i32>} : memref<128x128xf32, #tpu.memory_space<vmem>>, vector<1x16xf32>,
      %get3A_531 = arith.index_cast %scan3A_516 : i32 to index
      %get3A_532 = arith.constant 16 : index
      %get3A_533 = tpu.vector_load %arg8[%get3A_531, %get3A_532] {strides = array<i32>} : memref<128x128xf32, #tpu.memory_space<vmem>>, vector<1x16xf32>,
      %get3A_534 = vector.shape_cast %get3A_533 : vector<1x16xf32> to vector<16xf32>
      %get3A_535 = arith.index_cast %select_n3A_514 : i32 to index
      %get3A_536 = arith.constant 16 : index
      %get3A_537 = tpu.vector_load %arg7[%get3A_535, %get3A_536] {strides = array<i32>} : memref<200x64xf32, #tpu.memory_space<vmem>>, vector<1x16xf32>,
      %get3A_538 = vector.shape_cast %get3A_537 : vector<1x16xf32> to vector<16xf32>
      %add3A_539 = arith.addf %get3A_534, %get3A_538 : vector<16xf32>
      %swap3A_540 = arith.index_cast %scan3A_516 : i32 to index
      %swap3A_541 = arith.constant 16 : index
      %swap3A_542 = tpu.vector_load %arg10[%swap3A_540, %swap3A_541] {strides = array<i32>} : memref<128x128xf32, #tpu.memory_space<vmem>>, vector<1x16xf32>,
      %swap3A_543 = vector.shape_cast %swap3A_542 : vector<1x16xf32> to vector<16xf32>
      %swap3A_544 = vector.shape_cast %add3A_539 : vector<16xf32> to vector<1x16xf32>
      tpu.vector_store %arg10[%swap3A_540, %swap3A_541], %swap3A_544 {strides = array<i32>} : memref<128x128xf32, #tpu.memory_space<vmem>>, vector<1x16xf32>,
      %get3A_545 = arith.index_cast %scan3A_516 : i32 to index
      %get3A_546 = arith.constant 32 : index
      %get3A_547 = tpu.vector_load %arg8[%get3A_545, %get3A_546] {strides = array<i32>} : memref<128x128xf32, #tpu.memory_space<vmem>>, vector<1x16xf32>,
      %get3A_548 = vector.shape_cast %get3A_547 : vector<1x16xf32> to vector<16xf32>
      %get3A_549 = arith.index_cast %select_n3A_514 : i32 to index
      %get3A_550 = arith.constant 32 : index
      %get3A_551 = tpu.vector_load %arg7[%get3A_549, %get3A_550] {strides = array<i32>} : memref<200x64xf32, #tpu.memory_space<vmem>>, vector<1x16xf32>,
      %get3A_552 = vector.shape_cast %get3A_551 : vector<1x16xf32> to vector<16xf32>
      %add3A_553 = arith.addf %get3A_548, %get3A_552 : vector<16xf32>
      %swap3A_554 = arith.index_cast %scan3A_516 : i32 to index
      %swap3A_555 = arith.constant 32 : index
      %swap3A_556 = tpu.vector_load %arg10[%swap3A_554, %swap3A_555] {strides = array<i32>} : memref<128x128xf32, #tpu.memory_space<vmem>>, vector<1x16xf32>,
      %swap3A_557 = vector.shape_cast %swap3A_556 : vector<1x16xf32> to vector<16xf32>
      %swap3A_558 = vector.shape_cast %add3A_553 : vector<16xf32> to vector<1x16xf32>
      tpu.vector_store %arg10[%swap3A_554, %swap3A_555], %swap3A_558 {strides = array<i32>} : memref<128x128xf32, #tpu.memory_space<vmem>>, vector<1x16xf32>,
      %get3A_559 = arith.index_cast %scan3A_516 : i32 to index
      %get3A_560 = arith.constant 48 : index
      %get3A_561 = tpu.vector_load %arg8[%get3A_559, %get3A_560] {strides = array<i32>} : memref<128x128xf32, #tpu.memory_space<vmem>>, vector<1x16xf32>,
      %get3A_562 = vector.shape_cast %get3A_561 : vector<1x16xf32> to vector<16xf32>
      %get3A_563 = arith.index_cast %select_n3A_514 : i32 to index
      %get3A_564 = arith.constant 48 : index
      %get3A_565 = tpu.vector_load %arg7[%get3A_563, %get3A_564] {strides = array<i32>} : memref<200x64xf32, #tpu.memory_space<vmem>>, vector<1x16xf32>,
      %get3A_566 = vector.shape_cast %get3A_565 : vector<1x16xf32> to vector<16xf32>
      %add3A_567 = arith.addf %get3A_562, %get3A_566 : vector<16xf32>
      %swap3A_568 = arith.index_cast %scan3A_516 : i32 to index
      %swap3A_569 = arith.constant 48 : index
      %swap3A_570 = tpu.vector_load %arg10[%swap3A_568, %swap3A_569] {strides = array<i32>} : memref<128x128xf32, #tpu.memory_space<vmem>>, vector<1x16xf32>,
      %swap3A_571 = vector.shape_cast %swap3A_570 : vector<1x16xf32> to vector<16xf32>
      %swap3A_572 = vector.shape_cast %add3A_567 : vector<16xf32> to vector<1x16xf32>
      tpu.vector_store %arg10[%swap3A_568, %swap3A_569], %swap3A_572 {strides = array<i32>} : memref<128x128xf32, #tpu.memory_space<vmem>>, vector<1x16xf32>,
      %add3A_573 = arith.constant 1 : i32
      %add3A_574 = arith.addi %select_n3A_514, %add3A_573 : i32
      %eq3A_575 = arith.constant 200 : i32
      %eq3A_576 = arith.cmpi eq, %add3A_574, %eq3A_575 : i32
      %add3A_577 = arith.constant 1 : i32
      %add3A_578 = arith.addi %select_n3A_514, %add3A_577 : i32
      %select_n3A_579 = arith.constant 0 : i32
      %select_n3A_580 = arith.select %eq3A_576, %select_n3A_579, %add3A_578 : i32
      %scan3A_581 = arith.constant 7 : i32
      %scan3A_582 = arith.addi %scan3A_122, %scan3A_581 : i32
      %get3A_583 = arith.index_cast %scan3A_582 : i32 to index
      %get3A_584 = arith.constant 0 : index
      %get3A_585 = tpu.vector_load %arg8[%get3A_583, %get3A_584] {strides = array<i32>} : memref<128x128xf32, #tpu.memory_space<vmem>>, vector<1x16xf32>,
      %get3A_586 = vector.shape_cast %get3A_585 : vector<1x16xf32> to vector<16xf32>
      %get3A_587 = arith.index_cast %select_n3A_580 : i32 to index
      %get3A_588 = arith.constant 0 : index
      %get3A_589 = tpu.vector_load %arg7[%get3A_587, %get3A_588] {strides = array<i32>} : memref<200x64xf32, #tpu.memory_space<vmem>>, vector<1x16xf32>,
      %get3A_590 = vector.shape_cast %get3A_589 : vector<1x16xf32> to vector<16xf32>
      %add3A_591 = arith.addf %get3A_586, %get3A_590 : vector<16xf32>
      %swap3A_592 = arith.index_cast %scan3A_582 : i32 to index
      %swap3A_593 = arith.constant 0 : index
      %swap3A_594 = tpu.vector_load %arg10[%swap3A_592, %swap3A_593] {strides = array<i32>} : memref<128x128xf32, #tpu.memory_space<vmem>>, vector<1x16xf32>,
      %swap3A_595 = vector.shape_cast %swap3A_594 : vector<1x16xf32> to vector<16xf32>
      %swap3A_596 = vector.shape_cast %add3A_591 : vector<16xf32> to vector<1x16xf32>
      tpu.vector_store %arg10[%swap3A_592, %swap3A_593], %swap3A_596 {strides = array<i32>} : memref<128x128xf32, #tpu.memory_space<vmem>>, vector<1x16xf32>,
      %get3A_597 = arith.index_cast %scan3A_582 : i32 to index
      %get3A_598 = arith.constant 16 : index
      %get3A_599 = tpu.vector_load %arg8[%get3A_597, %get3A_598] {strides = array<i32>} : memref<128x128xf32, #tpu.memory_space<vmem>>, vector<1x16xf32>,
      %get3A_600 = vector.shape_cast %get3A_599 : vector<1x16xf32> to vector<16xf32>
      %get3A_601 = arith.index_cast %select_n3A_580 : i32 to index
      %get3A_602 = arith.constant 16 : index
      %get3A_603 = tpu.vector_load %arg7[%get3A_601, %get3A_602] {strides = array<i32>} : memref<200x64xf32, #tpu.memory_space<vmem>>, vector<1x16xf32>,
      %get3A_604 = vector.shape_cast %get3A_603 : vector<1x16xf32> to vector<16xf32>
      %add3A_605 = arith.addf %get3A_600, %get3A_604 : vector<16xf32>
      %swap3A_606 = arith.index_cast %scan3A_582 : i32 to index
      %swap3A_607 = arith.constant 16 : index
      %swap3A_608 = tpu.vector_load %arg10[%swap3A_606, %swap3A_607] {strides = array<i32>} : memref<128x128xf32, #tpu.memory_space<vmem>>, vector<1x16xf32>,
      %swap3A_609 = vector.shape_cast %swap3A_608 : vector<1x16xf32> to vector<16xf32>
      %swap3A_610 = vector.shape_cast %add3A_605 : vector<16xf32> to vector<1x16xf32>
      tpu.vector_store %arg10[%swap3A_606, %swap3A_607], %swap3A_610 {strides = array<i32>} : memref<128x128xf32, #tpu.memory_space<vmem>>, vector<1x16xf32>,
      %get3A_611 = arith.index_cast %scan3A_582 : i32 to index
      %get3A_612 = arith.constant 32 : index
      %get3A_613 = tpu.vector_load %arg8[%get3A_611, %get3A_612] {strides = array<i32>} : memref<128x128xf32, #tpu.memory_space<vmem>>, vector<1x16xf32>,
      %get3A_614 = vector.shape_cast %get3A_613 : vector<1x16xf32> to vector<16xf32>
      %get3A_615 = arith.index_cast %select_n3A_580 : i32 to index
      %get3A_616 = arith.constant 32 : index
      %get3A_617 = tpu.vector_load %arg7[%get3A_615, %get3A_616] {strides = array<i32>} : memref<200x64xf32, #tpu.memory_space<vmem>>, vector<1x16xf32>,
      %get3A_618 = vector.shape_cast %get3A_617 : vector<1x16xf32> to vector<16xf32>
      %add3A_619 = arith.addf %get3A_614, %get3A_618 : vector<16xf32>
      %swap3A_620 = arith.index_cast %scan3A_582 : i32 to index
      %swap3A_621 = arith.constant 32 : index
      %swap3A_622 = tpu.vector_load %arg10[%swap3A_620, %swap3A_621] {strides = array<i32>} : memref<128x128xf32, #tpu.memory_space<vmem>>, vector<1x16xf32>,
      %swap3A_623 = vector.shape_cast %swap3A_622 : vector<1x16xf32> to vector<16xf32>
      %swap3A_624 = vector.shape_cast %add3A_619 : vector<16xf32> to vector<1x16xf32>
      tpu.vector_store %arg10[%swap3A_620, %swap3A_621], %swap3A_624 {strides = array<i32>} : memref<128x128xf32, #tpu.memory_space<vmem>>, vector<1x16xf32>,
      %get3A_625 = arith.index_cast %scan3A_582 : i32 to index
      %get3A_626 = arith.constant 48 : index
      %get3A_627 = tpu.vector_load %arg8[%get3A_625, %get3A_626] {strides = array<i32>} : memref<128x128xf32, #tpu.memory_space<vmem>>, vector<1x16xf32>,
      %get3A_628 = vector.shape_cast %get3A_627 : vector<1x16xf32> to vector<16xf32>
      %get3A_629 = arith.index_cast %select_n3A_580 : i32 to index
      %get3A_630 = arith.constant 48 : index
      %get3A_631 = tpu.vector_load %arg7[%get3A_629, %get3A_630] {strides = array<i32>} : memref<200x64xf32, #tpu.memory_space<vmem>>, vector<1x16xf32>,
      %get3A_632 = vector.shape_cast %get3A_631 : vector<1x16xf32> to vector<16xf32>
      %add3A_633 = arith.addf %get3A_628, %get3A_632 : vector<16xf32>
      %swap3A_634 = arith.index_cast %scan3A_582 : i32 to index
      %swap3A_635 = arith.constant 48 : index
      %swap3A_636 = tpu.vector_load %arg10[%swap3A_634, %swap3A_635] {strides = array<i32>} : memref<128x128xf32, #tpu.memory_space<vmem>>, vector<1x16xf32>,
      %swap3A_637 = vector.shape_cast %swap3A_636 : vector<1x16xf32> to vector<16xf32>
      %swap3A_638 = vector.shape_cast %add3A_633 : vector<16xf32> to vector<1x16xf32>
      tpu.vector_store %arg10[%swap3A_634, %swap3A_635], %swap3A_638 {strides = array<i32>} : memref<128x128xf32, #tpu.memory_space<vmem>>, vector<1x16xf32>,
      %add3A_639 = arith.constant 1 : i32
      %add3A_640 = arith.addi %select_n3A_580, %add3A_639 : i32
      %eq3A_641 = arith.constant 200 : i32
      %eq3A_642 = arith.cmpi eq, %add3A_640, %eq3A_641 : i32
      %add3A_643 = arith.constant 1 : i32
      %add3A_644 = arith.addi %select_n3A_580, %add3A_643 : i32
      %select_n3A_645 = arith.constant 0 : i32
      %select_n3A_646 = arith.select %eq3A_642, %select_n3A_645, %add3A_644 : i32
      scf.yield %select_n3A_646 : i32
    }
    %scan3A_76 = arith.constant 128 : i32
    %add3A_77 = arith.constant 25344 : i32
    %add3A_78 = arith.addi %multiple_of3A, %add3A_77 : i32
    %dma_start3A_79 = arith.constant 0 : i32
    %dma_start3A_80 = tpu.memref_slice %arg5[%add3A_78, %dma_start3A_79] : memref<819200x128xf32, #tpu.memory_space<hbm>> -> memref<128x128xf32, #tpu.memory_space<hbm>>
    %dma_start3A_81 = arith.constant 0 : i32
    %dma_start3A_82 = tpu.memref_slice %arg5[%add3A_78, %dma_start3A_81] : memref<819200x128xf32, #tpu.memory_space<hbm>> -> memref<128x128xf32, #tpu.memory_space<hbm>>
    tpu.enqueue_dma source(%arg10 : memref<128x128xf32, #tpu.memory_space<vmem>>) target(%dma_start3A_82 : memref<128x128xf32, #tpu.memory_space<hbm>>) target_semaphore(%arg14 : memref<!tpu.dma_semaphore, #tpu.memory_space<semaphore_mem>>)
    %rem3A_83 = arith.constant 24 : i32
    %rem3A_84 = arith.constant 2 : i32
    %rem3A_85 = arith.remsi %rem3A_83, %rem3A_84 : i32
    %rem3A_86 = arith.constant 199 : i32
    %rem3A_87 = arith.constant 8 : i32
    %rem3A_88 = arith.remsi %rem3A_86, %rem3A_87 : i32
    %dma_wait3A_89 = arith.constant 0 : i32
    %dma_wait3A_90 = tpu.memref_slice %arg6[%rem3A_85, %rem3A_88, %dma_wait3A_89] : memref<2x8x128xi32, #tpu.memory_space<vmem>> -> memref<1x1x128xi32, #tpu.memory_space<vmem>>
    %dma_wait3A_91 = tpu.memref_squeeze %dma_wait3A_90 : memref<1x1x128xi32, #tpu.memory_space<vmem>> -> memref<128xi32, #tpu.memory_space<vmem>>
    %dma_wait3A_92 = arith.constant 0 : i32
    %dma_wait3A_93 = arith.constant 0 : i32
    %dma_wait3A_94 = tpu.memref_slice %arg2[%dma_wait3A_92, %dma_wait3A_93] : memref<1000000x128xf32, #tpu.memory_space<hbm>> -> memref<1000000x128xf32, #tpu.memory_space<hbm>>
    tpu.wait_indirect_dma semaphore(%arg13 : memref<!tpu.dma_semaphore, #tpu.memory_space<semaphore_mem>>) src(%dma_wait3A_94 : memref<1000000x128xf32, #tpu.memory_space<hbm>>) dst(%arg9 : memref<128x128xf32, #tpu.memory_space<vmem>>)
    %dma_wait3A_95 = arith.constant 0 : i32
    %dma_wait3A_96 = tpu.memref_slice %arg5[%multiple_of3A, %dma_wait3A_95] : memref<819200x128xf32, #tpu.memory_space<hbm>> -> memref<128x128xf32, #tpu.memory_space<hbm>>
    %dma_wait3A_97 = arith.constant 0 : i32
    %dma_wait3A_98 = tpu.memref_slice %arg5[%multiple_of3A, %dma_wait3A_97] : memref<819200x128xf32, #tpu.memory_space<hbm>> -> memref<128x128xf32, #tpu.memory_space<hbm>>
    tpu.wait_dma2 semaphore(%arg15 : memref<!tpu.dma_semaphore, #tpu.memory_space<semaphore_mem>>) src(%arg11 : memref<128x128xf32, #tpu.memory_space<vmem>>) dst(%dma_wait3A_98 : memref<128x128xf32, #tpu.memory_space<hbm>>)
    %rem3A_99 = arith.constant 25472 : i32
    %rem3A_100 = arith.constant 200 : i32
    %rem3A_101 = arith.remsi %rem3A_99, %rem3A_100 : i32
    %scan3A_102 = arith.constant 0 : i32
    %scan3A_103 = arith.constant 128 : i32
    %scan3A_104 = arith.addi %scan3A_102, %scan3A_103 : i32
    %scan3A_105 = arith.constant 8 : i32
    %scan3A_106 = scf.for %scan3A_122 = %scan3A_102 to %scan3A_104 step %scan3A_105 iter_args(%scan3A_123 = %rem3A_101) -> (i32)  : i32 {
      %get3A = arith.index_cast %scan3A_122 : i32 to index
      %get3A_124 = arith.constant 0 : index
      %get3A_125 = tpu.vector_load %arg9[%get3A, %get3A_124] {strides = array<i32>} : memref<128x128xf32, #tpu.memory_space<vmem>>, vector<1x16xf32>,
      %get3A_126 = vector.shape_cast %get3A_125 : vector<1x16xf32> to vector<16xf32>
      %get3A_127 = arith.index_cast %scan3A_123 : i32 to index
      %get3A_128 = arith.constant 0 : index
      %get3A_129 = tpu.vector_load %arg7[%get3A_127, %get3A_128] {strides = array<i32>} : memref<200x64xf32, #tpu.memory_space<vmem>>, vector<1x16xf32>,
      %get3A_130 = vector.shape_cast %get3A_129 : vector<1x16xf32> to vector<16xf32>
      %add3A_131 = arith.addf %get3A_126, %get3A_130 : vector<16xf32>
      %swap3A = arith.index_cast %scan3A_122 : i32 to index
      %swap3A_132 = arith.constant 0 : index
      %swap3A_133 = tpu.vector_load %arg11[%swap3A, %swap3A_132] {strides = array<i32>} : memref<128x128xf32, #tpu.memory_space<vmem>>, vector<1x16xf32>,
      %swap3A_134 = vector.shape_cast %swap3A_133 : vector<1x16xf32> to vector<16xf32>
      %swap3A_135 = vector.shape_cast %add3A_131 : vector<16xf32> to vector<1x16xf32>
      tpu.vector_store %arg11[%swap3A, %swap3A_132], %swap3A_135 {strides = array<i32>} : memref<128x128xf32, #tpu.memory_space<vmem>>, vector<1x16xf32>,
      %get3A_136 = arith.index_cast %scan3A_122 : i32 to index
      %get3A_137 = arith.constant 16 : index
      %get3A_138 = tpu.vector_load %arg9[%get3A_136, %get3A_137] {strides = array<i32>} : memref<128x128xf32, #tpu.memory_space<vmem>>, vector<1x16xf32>,
      %get3A_139 = vector.shape_cast %get3A_138 : vector<1x16xf32> to vector<16xf32>
      %get3A_140 = arith.index_cast %scan3A_123 : i32 to index
      %get3A_141 = arith.constant 16 : index
      %get3A_142 = tpu.vector_load %arg7[%get3A_140, %get3A_141] {strides = array<i32>} : memref<200x64xf32, #tpu.memory_space<vmem>>, vector<1x16xf32>,
      %get3A_143 = vector.shape_cast %get3A_142 : vector<1x16xf32> to vector<16xf32>
      %add3A_144 = arith.addf %get3A_139, %get3A_143 : vector<16xf32>
      %swap3A_145 = arith.index_cast %scan3A_122 : i32 to index
      %swap3A_146 = arith.constant 16 : index
      %swap3A_147 = tpu.vector_load %arg11[%swap3A_145, %swap3A_146] {strides = array<i32>} : memref<128x128xf32, #tpu.memory_space<vmem>>, vector<1x16xf32>,
      %swap3A_148 = vector.shape_cast %swap3A_147 : vector<1x16xf32> to vector<16xf32>
      %swap3A_149 = vector.shape_cast %add3A_144 : vector<16xf32> to vector<1x16xf32>
      tpu.vector_store %arg11[%swap3A_145, %swap3A_146], %swap3A_149 {strides = array<i32>} : memref<128x128xf32, #tpu.memory_space<vmem>>, vector<1x16xf32>,
      %get3A_150 = arith.index_cast %scan3A_122 : i32 to index
      %get3A_151 = arith.constant 32 : index
      %get3A_152 = tpu.vector_load %arg9[%get3A_150, %get3A_151] {strides = array<i32>} : memref<128x128xf32, #tpu.memory_space<vmem>>, vector<1x16xf32>,
      %get3A_153 = vector.shape_cast %get3A_152 : vector<1x16xf32> to vector<16xf32>
      %get3A_154 = arith.index_cast %scan3A_123 : i32 to index
      %get3A_155 = arith.constant 32 : index
      %get3A_156 = tpu.vector_load %arg7[%get3A_154, %get3A_155] {strides = array<i32>} : memref<200x64xf32, #tpu.memory_space<vmem>>, vector<1x16xf32>,
      %get3A_157 = vector.shape_cast %get3A_156 : vector<1x16xf32> to vector<16xf32>
      %add3A_158 = arith.addf %get3A_153, %get3A_157 : vector<16xf32>
      %swap3A_159 = arith.index_cast %scan3A_122 : i32 to index
      %swap3A_160 = arith.constant 32 : index
      %swap3A_161 = tpu.vector_load %arg11[%swap3A_159, %swap3A_160] {strides = array<i32>} : memref<128x128xf32, #tpu.memory_space<vmem>>, vector<1x16xf32>,
      %swap3A_162 = vector.shape_cast %swap3A_161 : vector<1x16xf32> to vector<16xf32>
      %swap3A_163 = vector.shape_cast %add3A_158 : vector<16xf32> to vector<1x16xf32>
      tpu.vector_store %arg11[%swap3A_159, %swap3A_160], %swap3A_163 {strides = array<i32>} : memref<128x128xf32, #tpu.memory_space<vmem>>, vector<1x16xf32>,
      %get3A_164 = arith.index_cast %scan3A_122 : i32 to index
      %get3A_165 = arith.constant 48 : index
      %get3A_166 = tpu.vector_load %arg9[%get3A_164, %get3A_165] {strides = array<i32>} : memref<128x128xf32, #tpu.memory_space<vmem>>, vector<1x16xf32>,
      %get3A_167 = vector.shape_cast %get3A_166 : vector<1x16xf32> to vector<16xf32>
      %get3A_168 = arith.index_cast %scan3A_123 : i32 to index
      %get3A_169 = arith.constant 48 : index
      %get3A_170 = tpu.vector_load %arg7[%get3A_168, %get3A_169] {strides = array<i32>} : memref<200x64xf32, #tpu.memory_space<vmem>>, vector<1x16xf32>,
      %get3A_171 = vector.shape_cast %get3A_170 : vector<1x16xf32> to vector<16xf32>
      %add3A_172 = arith.addf %get3A_167, %get3A_171 : vector<16xf32>
      %swap3A_173 = arith.index_cast %scan3A_122 : i32 to index
      %swap3A_174 = arith.constant 48 : index
      %swap3A_175 = tpu.vector_load %arg11[%swap3A_173, %swap3A_174] {strides = array<i32>} : memref<128x128xf32, #tpu.memory_space<vmem>>, vector<1x16xf32>,
      %swap3A_176 = vector.shape_cast %swap3A_175 : vector<1x16xf32> to vector<16xf32>
      %swap3A_177 = vector.shape_cast %add3A_172 : vector<16xf32> to vector<1x16xf32>
      tpu.vector_store %arg11[%swap3A_173, %swap3A_174], %swap3A_177 {strides = array<i32>} : memref<128x128xf32, #tpu.memory_space<vmem>>, vector<1x16xf32>,
      %add3A_178 = arith.constant 1 : i32
      %add3A_179 = arith.addi %scan3A_123, %add3A_178 : i32
      %eq3A = arith.constant 200 : i32
      %eq3A_180 = arith.cmpi eq, %add3A_179, %eq3A : i32
      %add3A_181 = arith.constant 1 : i32
      %add3A_182 = arith.addi %scan3A_123, %add3A_181 : i32
      %select_n3A_183 = arith.constant 0 : i32
      %select_n3A_184 = arith.select %eq3A_180, %select_n3A_183, %add3A_182 : i32
      %scan3A_185 = arith.constant 1 : i32
      %scan3A_186 = arith.addi %scan3A_122, %scan3A_185 : i32
      %get3A_187 = arith.index_cast %scan3A_186 : i32 to index
      %get3A_188 = arith.constant 0 : index
      %get3A_189 = tpu.vector_load %arg9[%get3A_187, %get3A_188] {strides = array<i32>} : memref<128x128xf32, #tpu.memory_space<vmem>>, vector<1x16xf32>,
      %get3A_190 = vector.shape_cast %get3A_189 : vector<1x16xf32> to vector<16xf32>
      %get3A_191 = arith.index_cast %select_n3A_184 : i32 to index
      %get3A_192 = arith.constant 0 : index
      %get3A_193 = tpu.vector_load %arg7[%get3A_191, %get3A_192] {strides = array<i32>} : memref<200x64xf32, #tpu.memory_space<vmem>>, vector<1x16xf32>,
      %get3A_194 = vector.shape_cast %get3A_193 : vector<1x16xf32> to vector<16xf32>
      %add3A_195 = arith.addf %get3A_190, %get3A_194 : vector<16xf32>
      %swap3A_196 = arith.index_cast %scan3A_186 : i32 to index
      %swap3A_197 = arith.constant 0 : index
      %swap3A_198 = tpu.vector_load %arg11[%swap3A_196, %swap3A_197] {strides = array<i32>} : memref<128x128xf32, #tpu.memory_space<vmem>>, vector<1x16xf32>,
      %swap3A_199 = vector.shape_cast %swap3A_198 : vector<1x16xf32> to vector<16xf32>
      %swap3A_200 = vector.shape_cast %add3A_195 : vector<16xf32> to vector<1x16xf32>
      tpu.vector_store %arg11[%swap3A_196, %swap3A_197], %swap3A_200 {strides = array<i32>} : memref<128x128xf32, #tpu.memory_space<vmem>>, vector<1x16xf32>,
      %get3A_201 = arith.index_cast %scan3A_186 : i32 to index
      %get3A_202 = arith.constant 16 : index
      %get3A_203 = tpu.vector_load %arg9[%get3A_201, %get3A_202] {strides = array<i32>} : memref<128x128xf32, #tpu.memory_space<vmem>>, vector<1x16xf32>,
      %get3A_204 = vector.shape_cast %get3A_203 : vector<1x16xf32> to vector<16xf32>
      %get3A_205 = arith.index_cast %select_n3A_184 : i32 to index
      %get3A_206 = arith.constant 16 : index
      %get3A_207 = tpu.vector_load %arg7[%get3A_205, %get3A_206] {strides = array<i32>} : memref<200x64xf32, #tpu.memory_space<vmem>>, vector<1x16xf32>,
      %get3A_208 = vector.shape_cast %get3A_207 : vector<1x16xf32> to vector<16xf32>
      %add3A_209 = arith.addf %get3A_204, %get3A_208 : vector<16xf32>
      %swap3A_210 = arith.index_cast %scan3A_186 : i32 to index
      %swap3A_211 = arith.constant 16 : index
      %swap3A_212 = tpu.vector_load %arg11[%swap3A_210, %swap3A_211] {strides = array<i32>} : memref<128x128xf32, #tpu.memory_space<vmem>>, vector<1x16xf32>,
      %swap3A_213 = vector.shape_cast %swap3A_212 : vector<1x16xf32> to vector<16xf32>
      %swap3A_214 = vector.shape_cast %add3A_209 : vector<16xf32> to vector<1x16xf32>
      tpu.vector_store %arg11[%swap3A_210, %swap3A_211], %swap3A_214 {strides = array<i32>} : memref<128x128xf32, #tpu.memory_space<vmem>>, vector<1x16xf32>,
      %get3A_215 = arith.index_cast %scan3A_186 : i32 to index
      %get3A_216 = arith.constant 32 : index
      %get3A_217 = tpu.vector_load %arg9[%get3A_215, %get3A_216] {strides = array<i32>} : memref<128x128xf32, #tpu.memory_space<vmem>>, vector<1x16xf32>,
      %get3A_218 = vector.shape_cast %get3A_217 : vector<1x16xf32> to vector<16xf32>
      %get3A_219 = arith.index_cast %select_n3A_184 : i32 to index
      %get3A_220 = arith.constant 32 : index
      %get3A_221 = tpu.vector_load %arg7[%get3A_219, %get3A_220] {strides = array<i32>} : memref<200x64xf32, #tpu.memory_space<vmem>>, vector<1x16xf32>,
      %get3A_222 = vector.shape_cast %get3A_221 : vector<1x16xf32> to vector<16xf32>
      %add3A_223 = arith.addf %get3A_218, %get3A_222 : vector<16xf32>
      %swap3A_224 = arith.index_cast %scan3A_186 : i32 to index
      %swap3A_225 = arith.constant 32 : index
      %swap3A_226 = tpu.vector_load %arg11[%swap3A_224, %swap3A_225] {strides = array<i32>} : memref<128x128xf32, #tpu.memory_space<vmem>>, vector<1x16xf32>,
      %swap3A_227 = vector.shape_cast %swap3A_226 : vector<1x16xf32> to vector<16xf32>
      %swap3A_228 = vector.shape_cast %add3A_223 : vector<16xf32> to vector<1x16xf32>
      tpu.vector_store %arg11[%swap3A_224, %swap3A_225], %swap3A_228 {strides = array<i32>} : memref<128x128xf32, #tpu.memory_space<vmem>>, vector<1x16xf32>,
      %get3A_229 = arith.index_cast %scan3A_186 : i32 to index
      %get3A_230 = arith.constant 48 : index
      %get3A_231 = tpu.vector_load %arg9[%get3A_229, %get3A_230] {strides = array<i32>} : memref<128x128xf32, #tpu.memory_space<vmem>>, vector<1x16xf32>,
      %get3A_232 = vector.shape_cast %get3A_231 : vector<1x16xf32> to vector<16xf32>
      %get3A_233 = arith.index_cast %select_n3A_184 : i32 to index
      %get3A_234 = arith.constant 48 : index
      %get3A_235 = tpu.vector_load %arg7[%get3A_233, %get3A_234] {strides = array<i32>} : memref<200x64xf32, #tpu.memory_space<vmem>>, vector<1x16xf32>,
      %get3A_236 = vector.shape_cast %get3A_235 : vector<1x16xf32> to vector<16xf32>
      %add3A_237 = arith.addf %get3A_232, %get3A_236 : vector<16xf32>
      %swap3A_238 = arith.index_cast %scan3A_186 : i32 to index
      %swap3A_239 = arith.constant 48 : index
      %swap3A_240 = tpu.vector_load %arg11[%swap3A_238, %swap3A_239] {strides = array<i32>} : memref<128x128xf32, #tpu.memory_space<vmem>>, vector<1x16xf32>,
      %swap3A_241 = vector.shape_cast %swap3A_240 : vector<1x16xf32> to vector<16xf32>
      %swap3A_242 = vector.shape_cast %add3A_237 : vector<16xf32> to vector<1x16xf32>
      tpu.vector_store %arg11[%swap3A_238, %swap3A_239], %swap3A_242 {strides = array<i32>} : memref<128x128xf32, #tpu.memory_space<vmem>>, vector<1x16xf32>,
      %add3A_243 = arith.constant 1 : i32
      %add3A_244 = arith.addi %select_n3A_184, %add3A_243 : i32
      %eq3A_245 = arith.constant 200 : i32
      %eq3A_246 = arith.cmpi eq, %add3A_244, %eq3A_245 : i32
      %add3A_247 = arith.constant 1 : i32
      %add3A_248 = arith.addi %select_n3A_184, %add3A_247 : i32
      %select_n3A_249 = arith.constant 0 : i32
      %select_n3A_250 = arith.select %eq3A_246, %select_n3A_249, %add3A_248 : i32
      %scan3A_251 = arith.constant 2 : i32
      %scan3A_252 = arith.addi %scan3A_122, %scan3A_251 : i32
      %get3A_253 = arith.index_cast %scan3A_252 : i32 to index
      %get3A_254 = arith.constant 0 : index
      %get3A_255 = tpu.vector_load %arg9[%get3A_253, %get3A_254] {strides = array<i32>} : memref<128x128xf32, #tpu.memory_space<vmem>>, vector<1x16xf32>,
      %get3A_256 = vector.shape_cast %get3A_255 : vector<1x16xf32> to vector<16xf32>
      %get3A_257 = arith.index_cast %select_n3A_250 : i32 to index
      %get3A_258 = arith.constant 0 : index
      %get3A_259 = tpu.vector_load %arg7[%get3A_257, %get3A_258] {strides = array<i32>} : memref<200x64xf32, #tpu.memory_space<vmem>>, vector<1x16xf32>,
      %get3A_260 = vector.shape_cast %get3A_259 : vector<1x16xf32> to vector<16xf32>
      %add3A_261 = arith.addf %get3A_256, %get3A_260 : vector<16xf32>
      %swap3A_262 = arith.index_cast %scan3A_252 : i32 to index
      %swap3A_263 = arith.constant 0 : index
      %swap3A_264 = tpu.vector_load %arg11[%swap3A_262, %swap3A_263] {strides = array<i32>} : memref<128x128xf32, #tpu.memory_space<vmem>>, vector<1x16xf32>,
      %swap3A_265 = vector.shape_cast %swap3A_264 : vector<1x16xf32> to vector<16xf32>
      %swap3A_266 = vector.shape_cast %add3A_261 : vector<16xf32> to vector<1x16xf32>
      tpu.vector_store %arg11[%swap3A_262, %swap3A_263], %swap3A_266 {strides = array<i32>} : memref<128x128xf32, #tpu.memory_space<vmem>>, vector<1x16xf32>,
      %get3A_267 = arith.index_cast %scan3A_252 : i32 to index
      %get3A_268 = arith.constant 16 : index
      %get3A_269 = tpu.vector_load %arg9[%get3A_267, %get3A_268] {strides = array<i32>} : memref<128x128xf32, #tpu.memory_space<vmem>>, vector<1x16xf32>,
      %get3A_270 = vector.shape_cast %get3A_269 : vector<1x16xf32> to vector<16xf32>
      %get3A_271 = arith.index_cast %select_n3A_250 : i32 to index
      %get3A_272 = arith.constant 16 : index
      %get3A_273 = tpu.vector_load %arg7[%get3A_271, %get3A_272] {strides = array<i32>} : memref<200x64xf32, #tpu.memory_space<vmem>>, vector<1x16xf32>,
      %get3A_274 = vector.shape_cast %get3A_273 : vector<1x16xf32> to vector<16xf32>
      %add3A_275 = arith.addf %get3A_270, %get3A_274 : vector<16xf32>
      %swap3A_276 = arith.index_cast %scan3A_252 : i32 to index
      %swap3A_277 = arith.constant 16 : index
      %swap3A_278 = tpu.vector_load %arg11[%swap3A_276, %swap3A_277] {strides = array<i32>} : memref<128x128xf32, #tpu.memory_space<vmem>>, vector<1x16xf32>,
      %swap3A_279 = vector.shape_cast %swap3A_278 : vector<1x16xf32> to vector<16xf32>
      %swap3A_280 = vector.shape_cast %add3A_275 : vector<16xf32> to vector<1x16xf32>
      tpu.vector_store %arg11[%swap3A_276, %swap3A_277], %swap3A_280 {strides = array<i32>} : memref<128x128xf32, #tpu.memory_space<vmem>>, vector<1x16xf32>,
      %get3A_281 = arith.index_cast %scan3A_252 : i32 to index
      %get3A_282 = arith.constant 32 : index
      %get3A_283 = tpu.vector_load %arg9[%get3A_281, %get3A_282] {strides = array<i32>} : memref<128x128xf32, #tpu.memory_space<vmem>>, vector<1x16xf32>,
      %get3A_284 = vector.shape_cast %get3A_283 : vector<1x16xf32> to vector<16xf32>
      %get3A_285 = arith.index_cast %select_n3A_250 : i32 to index
      %get3A_286 = arith.constant 32 : index
      %get3A_287 = tpu.vector_load %arg7[%get3A_285, %get3A_286] {strides = array<i32>} : memref<200x64xf32, #tpu.memory_space<vmem>>, vector<1x16xf32>,
      %get3A_288 = vector.shape_cast %get3A_287 : vector<1x16xf32> to vector<16xf32>
      %add3A_289 = arith.addf %get3A_284, %get3A_288 : vector<16xf32>
      %swap3A_290 = arith.index_cast %scan3A_252 : i32 to index
      %swap3A_291 = arith.constant 32 : index
      %swap3A_292 = tpu.vector_load %arg11[%swap3A_290, %swap3A_291] {strides = array<i32>} : memref<128x128xf32, #tpu.memory_space<vmem>>, vector<1x16xf32>,
      %swap3A_293 = vector.shape_cast %swap3A_292 : vector<1x16xf32> to vector<16xf32>
      %swap3A_294 = vector.shape_cast %add3A_289 : vector<16xf32> to vector<1x16xf32>
      tpu.vector_store %arg11[%swap3A_290, %swap3A_291], %swap3A_294 {strides = array<i32>} : memref<128x128xf32, #tpu.memory_space<vmem>>, vector<1x16xf32>,
      %get3A_295 = arith.index_cast %scan3A_252 : i32 to index
      %get3A_296 = arith.constant 48 : index
      %get3A_297 = tpu.vector_load %arg9[%get3A_295, %get3A_296] {strides = array<i32>} : memref<128x128xf32, #tpu.memory_space<vmem>>, vector<1x16xf32>,
      %get3A_298 = vector.shape_cast %get3A_297 : vector<1x16xf32> to vector<16xf32>
      %get3A_299 = arith.index_cast %select_n3A_250 : i32 to index
      %get3A_300 = arith.constant 48 : index
      %get3A_301 = tpu.vector_load %arg7[%get3A_299, %get3A_300] {strides = array<i32>} : memref<200x64xf32, #tpu.memory_space<vmem>>, vector<1x16xf32>,
      %get3A_302 = vector.shape_cast %get3A_301 : vector<1x16xf32> to vector<16xf32>
      %add3A_303 = arith.addf %get3A_298, %get3A_302 : vector<16xf32>
      %swap3A_304 = arith.index_cast %scan3A_252 : i32 to index
      %swap3A_305 = arith.constant 48 : index
      %swap3A_306 = tpu.vector_load %arg11[%swap3A_304, %swap3A_305] {strides = array<i32>} : memref<128x128xf32, #tpu.memory_space<vmem>>, vector<1x16xf32>,
      %swap3A_307 = vector.shape_cast %swap3A_306 : vector<1x16xf32> to vector<16xf32>
      %swap3A_308 = vector.shape_cast %add3A_303 : vector<16xf32> to vector<1x16xf32>
      tpu.vector_store %arg11[%swap3A_304, %swap3A_305], %swap3A_308 {strides = array<i32>} : memref<128x128xf32, #tpu.memory_space<vmem>>, vector<1x16xf32>,
      %add3A_309 = arith.constant 1 : i32
      %add3A_310 = arith.addi %select_n3A_250, %add3A_309 : i32
      %eq3A_311 = arith.constant 200 : i32
      %eq3A_312 = arith.cmpi eq, %add3A_310, %eq3A_311 : i32
      %add3A_313 = arith.constant 1 : i32
      %add3A_314 = arith.addi %select_n3A_250, %add3A_313 : i32
      %select_n3A_315 = arith.constant 0 : i32
      %select_n3A_316 = arith.select %eq3A_312, %select_n3A_315, %add3A_314 : i32
      %scan3A_317 = arith.constant 3 : i32
      %scan3A_318 = arith.addi %scan3A_122, %scan3A_317 : i32
      %get3A_319 = arith.index_cast %scan3A_318 : i32 to index
      %get3A_320 = arith.constant 0 : index
      %get3A_321 = tpu.vector_load %arg9[%get3A_319, %get3A_320] {strides = array<i32>} : memref<128x128xf32, #tpu.memory_space<vmem>>, vector<1x16xf32>,
      %get3A_322 = vector.shape_cast %get3A_321 : vector<1x16xf32> to vector<16xf32>
      %get3A_323 = arith.index_cast %select_n3A_316 : i32 to index
      %get3A_324 = arith.constant 0 : index
      %get3A_325 = tpu.vector_load %arg7[%get3A_323, %get3A_324] {strides = array<i32>} : memref<200x64xf32, #tpu.memory_space<vmem>>, vector<1x16xf32>,
      %get3A_326 = vector.shape_cast %get3A_325 : vector<1x16xf32> to vector<16xf32>
      %add3A_327 = arith.addf %get3A_322, %get3A_326 : vector<16xf32>
      %swap3A_328 = arith.index_cast %scan3A_318 : i32 to index
      %swap3A_329 = arith.constant 0 : index
      %swap3A_330 = tpu.vector_load %arg11[%swap3A_328, %swap3A_329] {strides = array<i32>} : memref<128x128xf32, #tpu.memory_space<vmem>>, vector<1x16xf32>,
      %swap3A_331 = vector.shape_cast %swap3A_330 : vector<1x16xf32> to vector<16xf32>
      %swap3A_332 = vector.shape_cast %add3A_327 : vector<16xf32> to vector<1x16xf32>
      tpu.vector_store %arg11[%swap3A_328, %swap3A_329], %swap3A_332 {strides = array<i32>} : memref<128x128xf32, #tpu.memory_space<vmem>>, vector<1x16xf32>,
      %get3A_333 = arith.index_cast %scan3A_318 : i32 to index
      %get3A_334 = arith.constant 16 : index
      %get3A_335 = tpu.vector_load %arg9[%get3A_333, %get3A_334] {strides = array<i32>} : memref<128x128xf32, #tpu.memory_space<vmem>>, vector<1x16xf32>,
      %get3A_336 = vector.shape_cast %get3A_335 : vector<1x16xf32> to vector<16xf32>
      %get3A_337 = arith.index_cast %select_n3A_316 : i32 to index
      %get3A_338 = arith.constant 16 : index
      %get3A_339 = tpu.vector_load %arg7[%get3A_337, %get3A_338] {strides = array<i32>} : memref<200x64xf32, #tpu.memory_space<vmem>>, vector<1x16xf32>,
      %get3A_340 = vector.shape_cast %get3A_339 : vector<1x16xf32> to vector<16xf32>
      %add3A_341 = arith.addf %get3A_336, %get3A_340 : vector<16xf32>
      %swap3A_342 = arith.index_cast %scan3A_318 : i32 to index
      %swap3A_343 = arith.constant 16 : index
      %swap3A_344 = tpu.vector_load %arg11[%swap3A_342, %swap3A_343] {strides = array<i32>} : memref<128x128xf32, #tpu.memory_space<vmem>>, vector<1x16xf32>,
      %swap3A_345 = vector.shape_cast %swap3A_344 : vector<1x16xf32> to vector<16xf32>
      %swap3A_346 = vector.shape_cast %add3A_341 : vector<16xf32> to vector<1x16xf32>
      tpu.vector_store %arg11[%swap3A_342, %swap3A_343], %swap3A_346 {strides = array<i32>} : memref<128x128xf32, #tpu.memory_space<vmem>>, vector<1x16xf32>,
      %get3A_347 = arith.index_cast %scan3A_318 : i32 to index
      %get3A_348 = arith.constant 32 : index
      %get3A_349 = tpu.vector_load %arg9[%get3A_347, %get3A_348] {strides = array<i32>} : memref<128x128xf32, #tpu.memory_space<vmem>>, vector<1x16xf32>,
      %get3A_350 = vector.shape_cast %get3A_349 : vector<1x16xf32> to vector<16xf32>
      %get3A_351 = arith.index_cast %select_n3A_316 : i32 to index
      %get3A_352 = arith.constant 32 : index
      %get3A_353 = tpu.vector_load %arg7[%get3A_351, %get3A_352] {strides = array<i32>} : memref<200x64xf32, #tpu.memory_space<vmem>>, vector<1x16xf32>,
      %get3A_354 = vector.shape_cast %get3A_353 : vector<1x16xf32> to vector<16xf32>
      %add3A_355 = arith.addf %get3A_350, %get3A_354 : vector<16xf32>
      %swap3A_356 = arith.index_cast %scan3A_318 : i32 to index
      %swap3A_357 = arith.constant 32 : index
      %swap3A_358 = tpu.vector_load %arg11[%swap3A_356, %swap3A_357] {strides = array<i32>} : memref<128x128xf32, #tpu.memory_space<vmem>>, vector<1x16xf32>,
      %swap3A_359 = vector.shape_cast %swap3A_358 : vector<1x16xf32> to vector<16xf32>
      %swap3A_360 = vector.shape_cast %add3A_355 : vector<16xf32> to vector<1x16xf32>
      tpu.vector_store %arg11[%swap3A_356, %swap3A_357], %swap3A_360 {strides = array<i32>} : memref<128x128xf32, #tpu.memory_space<vmem>>, vector<1x16xf32>,
      %get3A_361 = arith.index_cast %scan3A_318 : i32 to index
      %get3A_362 = arith.constant 48 : index
      %get3A_363 = tpu.vector_load %arg9[%get3A_361, %get3A_362] {strides = array<i32>} : memref<128x128xf32, #tpu.memory_space<vmem>>, vector<1x16xf32>,
      %get3A_364 = vector.shape_cast %get3A_363 : vector<1x16xf32> to vector<16xf32>
      %get3A_365 = arith.index_cast %select_n3A_316 : i32 to index
      %get3A_366 = arith.constant 48 : index
      %get3A_367 = tpu.vector_load %arg7[%get3A_365, %get3A_366] {strides = array<i32>} : memref<200x64xf32, #tpu.memory_space<vmem>>, vector<1x16xf32>,
      %get3A_368 = vector.shape_cast %get3A_367 : vector<1x16xf32> to vector<16xf32>
      %add3A_369 = arith.addf %get3A_364, %get3A_368 : vector<16xf32>
      %swap3A_370 = arith.index_cast %scan3A_318 : i32 to index
      %swap3A_371 = arith.constant 48 : index
      %swap3A_372 = tpu.vector_load %arg11[%swap3A_370, %swap3A_371] {strides = array<i32>} : memref<128x128xf32, #tpu.memory_space<vmem>>, vector<1x16xf32>,
      %swap3A_373 = vector.shape_cast %swap3A_372 : vector<1x16xf32> to vector<16xf32>
      %swap3A_374 = vector.shape_cast %add3A_369 : vector<16xf32> to vector<1x16xf32>
      tpu.vector_store %arg11[%swap3A_370, %swap3A_371], %swap3A_374 {strides = array<i32>} : memref<128x128xf32, #tpu.memory_space<vmem>>, vector<1x16xf32>,
      %add3A_375 = arith.constant 1 : i32
      %add3A_376 = arith.addi %select_n3A_316, %add3A_375 : i32
      %eq3A_377 = arith.constant 200 : i32
      %eq3A_378 = arith.cmpi eq, %add3A_376, %eq3A_377 : i32
      %add3A_379 = arith.constant 1 : i32
      %add3A_380 = arith.addi %select_n3A_316, %add3A_379 : i32
      %select_n3A_381 = arith.constant 0 : i32
      %select_n3A_382 = arith.select %eq3A_378, %select_n3A_381, %add3A_380 : i32
      %scan3A_383 = arith.constant 4 : i32
      %scan3A_384 = arith.addi %scan3A_122, %scan3A_383 : i32
      %get3A_385 = arith.index_cast %scan3A_384 : i32 to index
      %get3A_386 = arith.constant 0 : index
      %get3A_387 = tpu.vector_load %arg9[%get3A_385, %get3A_386] {strides = array<i32>} : memref<128x128xf32, #tpu.memory_space<vmem>>, vector<1x16xf32>,
      %get3A_388 = vector.shape_cast %get3A_387 : vector<1x16xf32> to vector<16xf32>
      %get3A_389 = arith.index_cast %select_n3A_382 : i32 to index
      %get3A_390 = arith.constant 0 : index
      %get3A_391 = tpu.vector_load %arg7[%get3A_389, %get3A_390] {strides = array<i32>} : memref<200x64xf32, #tpu.memory_space<vmem>>, vector<1x16xf32>,
      %get3A_392 = vector.shape_cast %get3A_391 : vector<1x16xf32> to vector<16xf32>
      %add3A_393 = arith.addf %get3A_388, %get3A_392 : vector<16xf32>
      %swap3A_394 = arith.index_cast %scan3A_384 : i32 to index
      %swap3A_395 = arith.constant 0 : index
      %swap3A_396 = tpu.vector_load %arg11[%swap3A_394, %swap3A_395] {strides = array<i32>} : memref<128x128xf32, #tpu.memory_space<vmem>>, vector<1x16xf32>,
      %swap3A_397 = vector.shape_cast %swap3A_396 : vector<1x16xf32> to vector<16xf32>
      %swap3A_398 = vector.shape_cast %add3A_393 : vector<16xf32> to vector<1x16xf32>
      tpu.vector_store %arg11[%swap3A_394, %swap3A_395], %swap3A_398 {strides = array<i32>} : memref<128x128xf32, #tpu.memory_space<vmem>>, vector<1x16xf32>,
      %get3A_399 = arith.index_cast %scan3A_384 : i32 to index
      %get3A_400 = arith.constant 16 : index
      %get3A_401 = tpu.vector_load %arg9[%get3A_399, %get3A_400] {strides = array<i32>} : memref<128x128xf32, #tpu.memory_space<vmem>>, vector<1x16xf32>,
      %get3A_402 = vector.shape_cast %get3A_401 : vector<1x16xf32> to vector<16xf32>
      %get3A_403 = arith.index_cast %select_n3A_382 : i32 to index
      %get3A_404 = arith.constant 16 : index
      %get3A_405 = tpu.vector_load %arg7[%get3A_403, %get3A_404] {strides = array<i32>} : memref<200x64xf32, #tpu.memory_space<vmem>>, vector<1x16xf32>,
      %get3A_406 = vector.shape_cast %get3A_405 : vector<1x16xf32> to vector<16xf32>
      %add3A_407 = arith.addf %get3A_402, %get3A_406 : vector<16xf32>
      %swap3A_408 = arith.index_cast %scan3A_384 : i32 to index
      %swap3A_409 = arith.constant 16 : index
      %swap3A_410 = tpu.vector_load %arg11[%swap3A_408, %swap3A_409] {strides = array<i32>} : memref<128x128xf32, #tpu.memory_space<vmem>>, vector<1x16xf32>,
      %swap3A_411 = vector.shape_cast %swap3A_410 : vector<1x16xf32> to vector<16xf32>
      %swap3A_412 = vector.shape_cast %add3A_407 : vector<16xf32> to vector<1x16xf32>
      tpu.vector_store %arg11[%swap3A_408, %swap3A_409], %swap3A_412 {strides = array<i32>} : memref<128x128xf32, #tpu.memory_space<vmem>>, vector<1x16xf32>,
      %get3A_413 = arith.index_cast %scan3A_384 : i32 to index
      %get3A_414 = arith.constant 32 : index
      %get3A_415 = tpu.vector_load %arg9[%get3A_413, %get3A_414] {strides = array<i32>} : memref<128x128xf32, #tpu.memory_space<vmem>>, vector<1x16xf32>,
      %get3A_416 = vector.shape_cast %get3A_415 : vector<1x16xf32> to vector<16xf32>
      %get3A_417 = arith.index_cast %select_n3A_382 : i32 to index
      %get3A_418 = arith.constant 32 : index
      %get3A_419 = tpu.vector_load %arg7[%get3A_417, %get3A_418] {strides = array<i32>} : memref<200x64xf32, #tpu.memory_space<vmem>>, vector<1x16xf32>,
      %get3A_420 = vector.shape_cast %get3A_419 : vector<1x16xf32> to vector<16xf32>
      %add3A_421 = arith.addf %get3A_416, %get3A_420 : vector<16xf32>
      %swap3A_422 = arith.index_cast %scan3A_384 : i32 to index
      %swap3A_423 = arith.constant 32 : index
      %swap3A_424 = tpu.vector_load %arg11[%swap3A_422, %swap3A_423] {strides = array<i32>} : memref<128x128xf32, #tpu.memory_space<vmem>>, vector<1x16xf32>,
      %swap3A_425 = vector.shape_cast %swap3A_424 : vector<1x16xf32> to vector<16xf32>
      %swap3A_426 = vector.shape_cast %add3A_421 : vector<16xf32> to vector<1x16xf32>
      tpu.vector_store %arg11[%swap3A_422, %swap3A_423], %swap3A_426 {strides = array<i32>} : memref<128x128xf32, #tpu.memory_space<vmem>>, vector<1x16xf32>,
      %get3A_427 = arith.index_cast %scan3A_384 : i32 to index
      %get3A_428 = arith.constant 48 : index
      %get3A_429 = tpu.vector_load %arg9[%get3A_427, %get3A_428] {strides = array<i32>} : memref<128x128xf32, #tpu.memory_space<vmem>>, vector<1x16xf32>,
      %get3A_430 = vector.shape_cast %get3A_429 : vector<1x16xf32> to vector<16xf32>
      %get3A_431 = arith.index_cast %select_n3A_382 : i32 to index
      %get3A_432 = arith.constant 48 : index
      %get3A_433 = tpu.vector_load %arg7[%get3A_431, %get3A_432] {strides = array<i32>} : memref<200x64xf32, #tpu.memory_space<vmem>>, vector<1x16xf32>,
      %get3A_434 = vector.shape_cast %get3A_433 : vector<1x16xf32> to vector<16xf32>
      %add3A_435 = arith.addf %get3A_430, %get3A_434 : vector<16xf32>
      %swap3A_436 = arith.index_cast %scan3A_384 : i32 to index
      %swap3A_437 = arith.constant 48 : index
      %swap3A_438 = tpu.vector_load %arg11[%swap3A_436, %swap3A_437] {strides = array<i32>} : memref<128x128xf32, #tpu.memory_space<vmem>>, vector<1x16xf32>,
      %swap3A_439 = vector.shape_cast %swap3A_438 : vector<1x16xf32> to vector<16xf32>
      %swap3A_440 = vector.shape_cast %add3A_435 : vector<16xf32> to vector<1x16xf32>
      tpu.vector_store %arg11[%swap3A_436, %swap3A_437], %swap3A_440 {strides = array<i32>} : memref<128x128xf32, #tpu.memory_space<vmem>>, vector<1x16xf32>,
      %add3A_441 = arith.constant 1 : i32
      %add3A_442 = arith.addi %select_n3A_382, %add3A_441 : i32
      %eq3A_443 = arith.constant 200 : i32
      %eq3A_444 = arith.cmpi eq, %add3A_442, %eq3A_443 : i32
      %add3A_445 = arith.constant 1 : i32
      %add3A_446 = arith.addi %select_n3A_382, %add3A_445 : i32
      %select_n3A_447 = arith.constant 0 : i32
      %select_n3A_448 = arith.select %eq3A_444, %select_n3A_447, %add3A_446 : i32
      %scan3A_449 = arith.constant 5 : i32
      %scan3A_450 = arith.addi %scan3A_122, %scan3A_449 : i32
      %get3A_451 = arith.index_cast %scan3A_450 : i32 to index
      %get3A_452 = arith.constant 0 : index
      %get3A_453 = tpu.vector_load %arg9[%get3A_451, %get3A_452] {strides = array<i32>} : memref<128x128xf32, #tpu.memory_space<vmem>>, vector<1x16xf32>,
      %get3A_454 = vector.shape_cast %get3A_453 : vector<1x16xf32> to vector<16xf32>
      %get3A_455 = arith.index_cast %select_n3A_448 : i32 to index
      %get3A_456 = arith.constant 0 : index
      %get3A_457 = tpu.vector_load %arg7[%get3A_455, %get3A_456] {strides = array<i32>} : memref<200x64xf32, #tpu.memory_space<vmem>>, vector<1x16xf32>,
      %get3A_458 = vector.shape_cast %get3A_457 : vector<1x16xf32> to vector<16xf32>
      %add3A_459 = arith.addf %get3A_454, %get3A_458 : vector<16xf32>
      %swap3A_460 = arith.index_cast %scan3A_450 : i32 to index
      %swap3A_461 = arith.constant 0 : index
      %swap3A_462 = tpu.vector_load %arg11[%swap3A_460, %swap3A_461] {strides = array<i32>} : memref<128x128xf32, #tpu.memory_space<vmem>>, vector<1x16xf32>,
      %swap3A_463 = vector.shape_cast %swap3A_462 : vector<1x16xf32> to vector<16xf32>
      %swap3A_464 = vector.shape_cast %add3A_459 : vector<16xf32> to vector<1x16xf32>
      tpu.vector_store %arg11[%swap3A_460, %swap3A_461], %swap3A_464 {strides = array<i32>} : memref<128x128xf32, #tpu.memory_space<vmem>>, vector<1x16xf32>,
      %get3A_465 = arith.index_cast %scan3A_450 : i32 to index
      %get3A_466 = arith.constant 16 : index
      %get3A_467 = tpu.vector_load %arg9[%get3A_465, %get3A_466] {strides = array<i32>} : memref<128x128xf32, #tpu.memory_space<vmem>>, vector<1x16xf32>,
      %get3A_468 = vector.shape_cast %get3A_467 : vector<1x16xf32> to vector<16xf32>
      %get3A_469 = arith.index_cast %select_n3A_448 : i32 to index
      %get3A_470 = arith.constant 16 : index
      %get3A_471 = tpu.vector_load %arg7[%get3A_469, %get3A_470] {strides = array<i32>} : memref<200x64xf32, #tpu.memory_space<vmem>>, vector<1x16xf32>,
      %get3A_472 = vector.shape_cast %get3A_471 : vector<1x16xf32> to vector<16xf32>
      %add3A_473 = arith.addf %get3A_468, %get3A_472 : vector<16xf32>
      %swap3A_474 = arith.index_cast %scan3A_450 : i32 to index
      %swap3A_475 = arith.constant 16 : index
      %swap3A_476 = tpu.vector_load %arg11[%swap3A_474, %swap3A_475] {strides = array<i32>} : memref<128x128xf32, #tpu.memory_space<vmem>>, vector<1x16xf32>,
      %swap3A_477 = vector.shape_cast %swap3A_476 : vector<1x16xf32> to vector<16xf32>
      %swap3A_478 = vector.shape_cast %add3A_473 : vector<16xf32> to vector<1x16xf32>
      tpu.vector_store %arg11[%swap3A_474, %swap3A_475], %swap3A_478 {strides = array<i32>} : memref<128x128xf32, #tpu.memory_space<vmem>>, vector<1x16xf32>,
      %get3A_479 = arith.index_cast %scan3A_450 : i32 to index
      %get3A_480 = arith.constant 32 : index
      %get3A_481 = tpu.vector_load %arg9[%get3A_479, %get3A_480] {strides = array<i32>} : memref<128x128xf32, #tpu.memory_space<vmem>>, vector<1x16xf32>,
      %get3A_482 = vector.shape_cast %get3A_481 : vector<1x16xf32> to vector<16xf32>
      %get3A_483 = arith.index_cast %select_n3A_448 : i32 to index
      %get3A_484 = arith.constant 32 : index
      %get3A_485 = tpu.vector_load %arg7[%get3A_483, %get3A_484] {strides = array<i32>} : memref<200x64xf32, #tpu.memory_space<vmem>>, vector<1x16xf32>,
      %get3A_486 = vector.shape_cast %get3A_485 : vector<1x16xf32> to vector<16xf32>
      %add3A_487 = arith.addf %get3A_482, %get3A_486 : vector<16xf32>
      %swap3A_488 = arith.index_cast %scan3A_450 : i32 to index
      %swap3A_489 = arith.constant 32 : index
      %swap3A_490 = tpu.vector_load %arg11[%swap3A_488, %swap3A_489] {strides = array<i32>} : memref<128x128xf32, #tpu.memory_space<vmem>>, vector<1x16xf32>,
      %swap3A_491 = vector.shape_cast %swap3A_490 : vector<1x16xf32> to vector<16xf32>
      %swap3A_492 = vector.shape_cast %add3A_487 : vector<16xf32> to vector<1x16xf32>
      tpu.vector_store %arg11[%swap3A_488, %swap3A_489], %swap3A_492 {strides = array<i32>} : memref<128x128xf32, #tpu.memory_space<vmem>>, vector<1x16xf32>,
      %get3A_493 = arith.index_cast %scan3A_450 : i32 to index
      %get3A_494 = arith.constant 48 : index
      %get3A_495 = tpu.vector_load %arg9[%get3A_493, %get3A_494] {strides = array<i32>} : memref<128x128xf32, #tpu.memory_space<vmem>>, vector<1x16xf32>,
      %get3A_496 = vector.shape_cast %get3A_495 : vector<1x16xf32> to vector<16xf32>
      %get3A_497 = arith.index_cast %select_n3A_448 : i32 to index
      %get3A_498 = arith.constant 48 : index
      %get3A_499 = tpu.vector_load %arg7[%get3A_497, %get3A_498] {strides = array<i32>} : memref<200x64xf32, #tpu.memory_space<vmem>>, vector<1x16xf32>,
      %get3A_500 = vector.shape_cast %get3A_499 : vector<1x16xf32> to vector<16xf32>
      %add3A_501 = arith.addf %get3A_496, %get3A_500 : vector<16xf32>
      %swap3A_502 = arith.index_cast %scan3A_450 : i32 to index
      %swap3A_503 = arith.constant 48 : index
      %swap3A_504 = tpu.vector_load %arg11[%swap3A_502, %swap3A_503] {strides = array<i32>} : memref<128x128xf32, #tpu.memory_space<vmem>>, vector<1x16xf32>,
      %swap3A_505 = vector.shape_cast %swap3A_504 : vector<1x16xf32> to vector<16xf32>
      %swap3A_506 = vector.shape_cast %add3A_501 : vector<16xf32> to vector<1x16xf32>
      tpu.vector_store %arg11[%swap3A_502, %swap3A_503], %swap3A_506 {strides = array<i32>} : memref<128x128xf32, #tpu.memory_space<vmem>>, vector<1x16xf32>,
      %add3A_507 = arith.constant 1 : i32
      %add3A_508 = arith.addi %select_n3A_448, %add3A_507 : i32
      %eq3A_509 = arith.constant 200 : i32
      %eq3A_510 = arith.cmpi eq, %add3A_508, %eq3A_509 : i32
      %add3A_511 = arith.constant 1 : i32
      %add3A_512 = arith.addi %select_n3A_448, %add3A_511 : i32
      %select_n3A_513 = arith.constant 0 : i32
      %select_n3A_514 = arith.select %eq3A_510, %select_n3A_513, %add3A_512 : i32
      %scan3A_515 = arith.constant 6 : i32
      %scan3A_516 = arith.addi %scan3A_122, %scan3A_515 : i32
      %get3A_517 = arith.index_cast %scan3A_516 : i32 to index
      %get3A_518 = arith.constant 0 : index
      %get3A_519 = tpu.vector_load %arg9[%get3A_517, %get3A_518] {strides = array<i32>} : memref<128x128xf32, #tpu.memory_space<vmem>>, vector<1x16xf32>,
      %get3A_520 = vector.shape_cast %get3A_519 : vector<1x16xf32> to vector<16xf32>
      %get3A_521 = arith.index_cast %select_n3A_514 : i32 to index
      %get3A_522 = arith.constant 0 : index
      %get3A_523 = tpu.vector_load %arg7[%get3A_521, %get3A_522] {strides = array<i32>} : memref<200x64xf32, #tpu.memory_space<vmem>>, vector<1x16xf32>,
      %get3A_524 = vector.shape_cast %get3A_523 : vector<1x16xf32> to vector<16xf32>
      %add3A_525 = arith.addf %get3A_520, %get3A_524 : vector<16xf32>
      %swap3A_526 = arith.index_cast %scan3A_516 : i32 to index
      %swap3A_527 = arith.constant 0 : index
      %swap3A_528 = tpu.vector_load %arg11[%swap3A_526, %swap3A_527] {strides = array<i32>} : memref<128x128xf32, #tpu.memory_space<vmem>>, vector<1x16xf32>,
      %swap3A_529 = vector.shape_cast %swap3A_528 : vector<1x16xf32> to vector<16xf32>
      %swap3A_530 = vector.shape_cast %add3A_525 : vector<16xf32> to vector<1x16xf32>
      tpu.vector_store %arg11[%swap3A_526, %swap3A_527], %swap3A_530 {strides = array<i32>} : memref<128x128xf32, #tpu.memory_space<vmem>>, vector<1x16xf32>,
      %get3A_531 = arith.index_cast %scan3A_516 : i32 to index
      %get3A_532 = arith.constant 16 : index
      %get3A_533 = tpu.vector_load %arg9[%get3A_531, %get3A_532] {strides = array<i32>} : memref<128x128xf32, #tpu.memory_space<vmem>>, vector<1x16xf32>,
      %get3A_534 = vector.shape_cast %get3A_533 : vector<1x16xf32> to vector<16xf32>
      %get3A_535 = arith.index_cast %select_n3A_514 : i32 to index
      %get3A_536 = arith.constant 16 : index
      %get3A_537 = tpu.vector_load %arg7[%get3A_535, %get3A_536] {strides = array<i32>} : memref<200x64xf32, #tpu.memory_space<vmem>>, vector<1x16xf32>,
      %get3A_538 = vector.shape_cast %get3A_537 : vector<1x16xf32> to vector<16xf32>
      %add3A_539 = arith.addf %get3A_534, %get3A_538 : vector<16xf32>
      %swap3A_540 = arith.index_cast %scan3A_516 : i32 to index
      %swap3A_541 = arith.constant 16 : index
      %swap3A_542 = tpu.vector_load %arg11[%swap3A_540, %swap3A_541] {strides = array<i32>} : memref<128x128xf32, #tpu.memory_space<vmem>>, vector<1x16xf32>,
      %swap3A_543 = vector.shape_cast %swap3A_542 : vector<1x16xf32> to vector<16xf32>
      %swap3A_544 = vector.shape_cast %add3A_539 : vector<16xf32> to vector<1x16xf32>
      tpu.vector_store %arg11[%swap3A_540, %swap3A_541], %swap3A_544 {strides = array<i32>} : memref<128x128xf32, #tpu.memory_space<vmem>>, vector<1x16xf32>,
      %get3A_545 = arith.index_cast %scan3A_516 : i32 to index
      %get3A_546 = arith.constant 32 : index
      %get3A_547 = tpu.vector_load %arg9[%get3A_545, %get3A_546] {strides = array<i32>} : memref<128x128xf32, #tpu.memory_space<vmem>>, vector<1x16xf32>,
      %get3A_548 = vector.shape_cast %get3A_547 : vector<1x16xf32> to vector<16xf32>
      %get3A_549 = arith.index_cast %select_n3A_514 : i32 to index
      %get3A_550 = arith.constant 32 : index
      %get3A_551 = tpu.vector_load %arg7[%get3A_549, %get3A_550] {strides = array<i32>} : memref<200x64xf32, #tpu.memory_space<vmem>>, vector<1x16xf32>,
      %get3A_552 = vector.shape_cast %get3A_551 : vector<1x16xf32> to vector<16xf32>
      %add3A_553 = arith.addf %get3A_548, %get3A_552 : vector<16xf32>
      %swap3A_554 = arith.index_cast %scan3A_516 : i32 to index
      %swap3A_555 = arith.constant 32 : index
      %swap3A_556 = tpu.vector_load %arg11[%swap3A_554, %swap3A_555] {strides = array<i32>} : memref<128x128xf32, #tpu.memory_space<vmem>>, vector<1x16xf32>,
      %swap3A_557 = vector.shape_cast %swap3A_556 : vector<1x16xf32> to vector<16xf32>
      %swap3A_558 = vector.shape_cast %add3A_553 : vector<16xf32> to vector<1x16xf32>
      tpu.vector_store %arg11[%swap3A_554, %swap3A_555], %swap3A_558 {strides = array<i32>} : memref<128x128xf32, #tpu.memory_space<vmem>>, vector<1x16xf32>,
      %get3A_559 = arith.index_cast %scan3A_516 : i32 to index
      %get3A_560 = arith.constant 48 : index
      %get3A_561 = tpu.vector_load %arg9[%get3A_559, %get3A_560] {strides = array<i32>} : memref<128x128xf32, #tpu.memory_space<vmem>>, vector<1x16xf32>,
      %get3A_562 = vector.shape_cast %get3A_561 : vector<1x16xf32> to vector<16xf32>
      %get3A_563 = arith.index_cast %select_n3A_514 : i32 to index
      %get3A_564 = arith.constant 48 : index
      %get3A_565 = tpu.vector_load %arg7[%get3A_563, %get3A_564] {strides = array<i32>} : memref<200x64xf32, #tpu.memory_space<vmem>>, vector<1x16xf32>,
      %get3A_566 = vector.shape_cast %get3A_565 : vector<1x16xf32> to vector<16xf32>
      %add3A_567 = arith.addf %get3A_562, %get3A_566 : vector<16xf32>
      %swap3A_568 = arith.index_cast %scan3A_516 : i32 to index
      %swap3A_569 = arith.constant 48 : index
      %swap3A_570 = tpu.vector_load %arg11[%swap3A_568, %swap3A_569] {strides = array<i32>} : memref<128x128xf32, #tpu.memory_space<vmem>>, vector<1x16xf32>,
      %swap3A_571 = vector.shape_cast %swap3A_570 : vector<1x16xf32> to vector<16xf32>
      %swap3A_572 = vector.shape_cast %add3A_567 : vector<16xf32> to vector<1x16xf32>
      tpu.vector_store %arg11[%swap3A_568, %swap3A_569], %swap3A_572 {strides = array<i32>} : memref<128x128xf32, #tpu.memory_space<vmem>>, vector<1x16xf32>,
      %add3A_573 = arith.constant 1 : i32
      %add3A_574 = arith.addi %select_n3A_514, %add3A_573 : i32
      %eq3A_575 = arith.constant 200 : i32
      %eq3A_576 = arith.cmpi eq, %add3A_574, %eq3A_575 : i32
      %add3A_577 = arith.constant 1 : i32
      %add3A_578 = arith.addi %select_n3A_514, %add3A_577 : i32
      %select_n3A_579 = arith.constant 0 : i32
      %select_n3A_580 = arith.select %eq3A_576, %select_n3A_579, %add3A_578 : i32
      %scan3A_581 = arith.constant 7 : i32
      %scan3A_582 = arith.addi %scan3A_122, %scan3A_581 : i32
      %get3A_583 = arith.index_cast %scan3A_582 : i32 to index
      %get3A_584 = arith.constant 0 : index
      %get3A_585 = tpu.vector_load %arg9[%get3A_583, %get3A_584] {strides = array<i32>} : memref<128x128xf32, #tpu.memory_space<vmem>>, vector<1x16xf32>,
      %get3A_586 = vector.shape_cast %get3A_585 : vector<1x16xf32> to vector<16xf32>
      %get3A_587 = arith.index_cast %select_n3A_580 : i32 to index
      %get3A_588 = arith.constant 0 : index
      %get3A_589 = tpu.vector_load %arg7[%get3A_587, %get3A_588] {strides = array<i32>} : memref<200x64xf32, #tpu.memory_space<vmem>>, vector<1x16xf32>,
      %get3A_590 = vector.shape_cast %get3A_589 : vector<1x16xf32> to vector<16xf32>
      %add3A_591 = arith.addf %get3A_586, %get3A_590 : vector<16xf32>
      %swap3A_592 = arith.index_cast %scan3A_582 : i32 to index
      %swap3A_593 = arith.constant 0 : index
      %swap3A_594 = tpu.vector_load %arg11[%swap3A_592, %swap3A_593] {strides = array<i32>} : memref<128x128xf32, #tpu.memory_space<vmem>>, vector<1x16xf32>,
      %swap3A_595 = vector.shape_cast %swap3A_594 : vector<1x16xf32> to vector<16xf32>
      %swap3A_596 = vector.shape_cast %add3A_591 : vector<16xf32> to vector<1x16xf32>
      tpu.vector_store %arg11[%swap3A_592, %swap3A_593], %swap3A_596 {strides = array<i32>} : memref<128x128xf32, #tpu.memory_space<vmem>>, vector<1x16xf32>,
      %get3A_597 = arith.index_cast %scan3A_582 : i32 to index
      %get3A_598 = arith.constant 16 : index
      %get3A_599 = tpu.vector_load %arg9[%get3A_597, %get3A_598] {strides = array<i32>} : memref<128x128xf32, #tpu.memory_space<vmem>>, vector<1x16xf32>,
      %get3A_600 = vector.shape_cast %get3A_599 : vector<1x16xf32> to vector<16xf32>
      %get3A_601 = arith.index_cast %select_n3A_580 : i32 to index
      %get3A_602 = arith.constant 16 : index
      %get3A_603 = tpu.vector_load %arg7[%get3A_601, %get3A_602] {strides = array<i32>} : memref<200x64xf32, #tpu.memory_space<vmem>>, vector<1x16xf32>,
      %get3A_604 = vector.shape_cast %get3A_603 : vector<1x16xf32> to vector<16xf32>
      %add3A_605 = arith.addf %get3A_600, %get3A_604 : vector<16xf32>
      %swap3A_606 = arith.index_cast %scan3A_582 : i32 to index
      %swap3A_607 = arith.constant 16 : index
      %swap3A_608 = tpu.vector_load %arg11[%swap3A_606, %swap3A_607] {strides = array<i32>} : memref<128x128xf32, #tpu.memory_space<vmem>>, vector<1x16xf32>,
      %swap3A_609 = vector.shape_cast %swap3A_608 : vector<1x16xf32> to vector<16xf32>
      %swap3A_610 = vector.shape_cast %add3A_605 : vector<16xf32> to vector<1x16xf32>
      tpu.vector_store %arg11[%swap3A_606, %swap3A_607], %swap3A_610 {strides = array<i32>} : memref<128x128xf32, #tpu.memory_space<vmem>>, vector<1x16xf32>,
      %get3A_611 = arith.index_cast %scan3A_582 : i32 to index
      %get3A_612 = arith.constant 32 : index
      %get3A_613 = tpu.vector_load %arg9[%get3A_611, %get3A_612] {strides = array<i32>} : memref<128x128xf32, #tpu.memory_space<vmem>>, vector<1x16xf32>,
      %get3A_614 = vector.shape_cast %get3A_613 : vector<1x16xf32> to vector<16xf32>
      %get3A_615 = arith.index_cast %select_n3A_580 : i32 to index
      %get3A_616 = arith.constant 32 : index
      %get3A_617 = tpu.vector_load %arg7[%get3A_615, %get3A_616] {strides = array<i32>} : memref<200x64xf32, #tpu.memory_space<vmem>>, vector<1x16xf32>,
      %get3A_618 = vector.shape_cast %get3A_617 : vector<1x16xf32> to vector<16xf32>
      %add3A_619 = arith.addf %get3A_614, %get3A_618 : vector<16xf32>
      %swap3A_620 = arith.index_cast %scan3A_582 : i32 to index
      %swap3A_621 = arith.constant 32 : index
      %swap3A_622 = tpu.vector_load %arg11[%swap3A_620, %swap3A_621] {strides = array<i32>} : memref<128x128xf32, #tpu.memory_space<vmem>>, vector<1x16xf32>,
      %swap3A_623 = vector.shape_cast %swap3A_622 : vector<1x16xf32> to vector<16xf32>
      %swap3A_624 = vector.shape_cast %add3A_619 : vector<16xf32> to vector<1x16xf32>
      tpu.vector_store %arg11[%swap3A_620, %swap3A_621], %swap3A_624 {strides = array<i32>} : memref<128x128xf32, #tpu.memory_space<vmem>>, vector<1x16xf32>,
      %get3A_625 = arith.index_cast %scan3A_582 : i32 to index
      %get3A_626 = arith.constant 48 : index
      %get3A_627 = tpu.vector_load %arg9[%get3A_625, %get3A_626] {strides = array<i32>} : memref<128x128xf32, #tpu.memory_space<vmem>>, vector<1x16xf32>,
      %get3A_628 = vector.shape_cast %get3A_627 : vector<1x16xf32> to vector<16xf32>
      %get3A_629 = arith.index_cast %select_n3A_580 : i32 to index
      %get3A_630 = arith.constant 48 : index
      %get3A_631 = tpu.vector_load %arg7[%get3A_629, %get3A_630] {strides = array<i32>} : memref<200x64xf32, #tpu.memory_space<vmem>>, vector<1x16xf32>,
      %get3A_632 = vector.shape_cast %get3A_631 : vector<1x16xf32> to vector<16xf32>
      %add3A_633 = arith.addf %get3A_628, %get3A_632 : vector<16xf32>
      %swap3A_634 = arith.index_cast %scan3A_582 : i32 to index
      %swap3A_635 = arith.constant 48 : index
      %swap3A_636 = tpu.vector_load %arg11[%swap3A_634, %swap3A_635] {strides = array<i32>} : memref<128x128xf32, #tpu.memory_space<vmem>>, vector<1x16xf32>,
      %swap3A_637 = vector.shape_cast %swap3A_636 : vector<1x16xf32> to vector<16xf32>
      %swap3A_638 = vector.shape_cast %add3A_633 : vector<16xf32> to vector<1x16xf32>
      tpu.vector_store %arg11[%swap3A_634, %swap3A_635], %swap3A_638 {strides = array<i32>} : memref<128x128xf32, #tpu.memory_space<vmem>>, vector<1x16xf32>,
      %add3A_639 = arith.constant 1 : i32
      %add3A_640 = arith.addi %select_n3A_580, %add3A_639 : i32
      %eq3A_641 = arith.constant 200 : i32
      %eq3A_642 = arith.cmpi eq, %add3A_640, %eq3A_641 : i32
      %add3A_643 = arith.constant 1 : i32
      %add3A_644 = arith.addi %select_n3A_580, %add3A_643 : i32
      %select_n3A_645 = arith.constant 0 : i32
      %select_n3A_646 = arith.select %eq3A_642, %select_n3A_645, %add3A_644 : i32
      scf.yield %select_n3A_646 : i32
    }
    %scan3A_107 = arith.constant 128 : i32
    %add3A_108 = arith.constant 25472 : i32
    %add3A_109 = arith.addi %multiple_of3A, %add3A_108 : i32
    %dma_start3A_110 = arith.constant 0 : i32
    %dma_start3A_111 = tpu.memref_slice %arg5[%add3A_109, %dma_start3A_110] : memref<819200x128xf32, #tpu.memory_space<hbm>> -> memref<128x128xf32, #tpu.memory_space<hbm>>
    %dma_start3A_112 = arith.constant 0 : i32
    %dma_start3A_113 = tpu.memref_slice %arg5[%add3A_109, %dma_start3A_112] : memref<819200x128xf32, #tpu.memory_space<hbm>> -> memref<128x128xf32, #tpu.memory_space<hbm>>
    tpu.enqueue_dma source(%arg11 : memref<128x128xf32, #tpu.memory_space<vmem>>) target(%dma_start3A_113 : memref<128x128xf32, #tpu.memory_space<hbm>>) target_semaphore(%arg15 : memref<!tpu.dma_semaphore, #tpu.memory_space<semaphore_mem>>)
    %dma_wait3A_114 = arith.constant 0 : i32
    %dma_wait3A_115 = tpu.memref_slice %arg5[%multiple_of3A, %dma_wait3A_114] : memref<819200x128xf32, #tpu.memory_space<hbm>> -> memref<128x128xf32, #tpu.memory_space<hbm>>
    %dma_wait3A_116 = arith.constant 0 : i32
    %dma_wait3A_117 = tpu.memref_slice %arg5[%multiple_of3A, %dma_wait3A_116] : memref<819200x128xf32, #tpu.memory_space<hbm>> -> memref<128x128xf32, #tpu.memory_space<hbm>>
    tpu.wait_dma2 semaphore(%arg14 : memref<!tpu.dma_semaphore, #tpu.memory_space<semaphore_mem>>) src(%arg10 : memref<128x128xf32, #tpu.memory_space<vmem>>) dst(%dma_wait3A_117 : memref<128x128xf32, #tpu.memory_space<hbm>>)
    %dma_wait3A_118 = arith.constant 0 : i32
    %dma_wait3A_119 = tpu.memref_slice %arg5[%multiple_of3A, %dma_wait3A_118] : memref<819200x128xf32, #tpu.memory_space<hbm>> -> memref<128x128xf32, #tpu.memory_space<hbm>>
    %dma_wait3A_120 = arith.constant 0 : i32
    %dma_wait3A_121 = tpu.memref_slice %arg5[%multiple_of3A, %dma_wait3A_120] : memref<819200x128xf32, #tpu.memory_space<hbm>> -> memref<128x128xf32, #tpu.memory_space<hbm>>
    tpu.wait_dma2 semaphore(%arg15 : memref<!tpu.dma_semaphore, #tpu.memory_space<semaphore_mem>>) src(%arg11 : memref<128x128xf32, #tpu.memory_space<vmem>>) dst(%dma_wait3A_121 : memref<128x128xf32, #tpu.memory_space<hbm>>)
    return
  }
}

</mosaic_0001>

<sc_bundles>
// kernel: _encode.3.cloned.1.call-start
scs
__scs_entry_jumppad:
0x0: {  	(pc) =	sbr.rel $0x88, $3  }
0x1: {  	(tag) =	ssettag $0x0;
	lr =	simm.s32 $0x1  }
0x2: {  	[smem:$0x3F9E] =	sst lr;
	_ =	strace $0xD0000000  }
0x3: {  	_ = 	snop  }
0x4: {  	_ = 	snop  }
0x5: {  	_ = 	snop  }
0x6: {  	_ = 	snop  }
0x7: {  	_ = 	snop  }
__scs_overlays_trampoline_lowered:
0x8: {  	[smem:$0x3FAD] =	sst s0  }
0x9: {  	[smem:$0x3FAE] =	sst s1  }
0xa: {  	[smem:$0x3FAF] =	sst s2  }
0xb: {  	[smem:$0x3FB0] =	sst s3  }
0xc: {  	[smem:$0x3FB1] =	sst s4  }
0xd: {  	[smem:$0x3FB2] =	sst s5  }
0xe: {  	[smem:$0x3FB3] =	sst s6  }
0xf: {  	[smem:$0x3FB4] =	sst s7  }
0x10: {  	[smem:$0x3FB5] =	sst s8  }
0x11: {  	[smem:$0x3FB6] =	sst s9;
	s0 =	simm.s32 @!p0 $0x0  }
0x12: {  	s1 =	sld [smem:$0x3F9C];
	s0 =	simm.s32 @p0 $0x1  }
0x13: {  	[smem:$0x3FB7] =	sst s0;
	s0 =	simm.s32 @!p1 $0x0  }
0x14: {  	s2 =	sld [smem:$0x3F9B];
	s0 =	simm.s32 @p1 $0x1  }
0x15: {  	[smem:$0x3FB8] =	sst s0;
	s0 =	simm.s32 @!p2 $0x0  }
0x16: {  	s3 =	sld [smem:$0x3FDB];
	s0 =	simm.s32 @p2 $0x1  }
0x17: {  	s4 =	simm.s32 $0x1BF5;
	[smem:$0x3FBA] =	sst s0  }
0x18: {  	s0 =	sld [smem:$0x3F9D];
	_ =	swait.ge [sflag:s4], $0x0  }
0x19: {  	s7 =	sld [smem:$0x3F9E]  }
0x1a: {  	s8 =	sadd.s32 $0xFFFFE003, lr  }
0x1b: {  	s9 =	sadd.s32 $0xFFFFFEF7, lr;
	s5 =	simm.s32 $0xFFFFFFFF;
	p2 =	slt.u32 s8, $0xFFFFF086  }
0x1c: {  	p1 =	slt.u32 s9, $0xF7A;
	s5 =	simm.s32 @!p2 $0x0  }
0x1d: {  	s5 =	simm.s32 @p1 $0x1;
	p0 =	seq.s32 s7, s2  }
0x1e: {  	s7 =	smul.u32 @!p0 $0xF7A, s2;
	p2 =	seq.s32 @!p0 s5, $0x0  }
0x1f: {  	s9 =	smul.u32 $0xF7A, s1;
	s8 =	simm.s32 @!p0 $0x1BF5;
	p2 =	por !p2, p0  }
0x20: {  	[sflag:s8] =	ssyncset.s32 @!p0 $0xFFFFF086;
	s6 =	sadd.s32 @!p0 s3, s7;
	s7 =	simm.s32 @!p0 $0x108  }
0x21: {  	s3 =	sadd.s32 s3, s9;
	s6 =	sadd.s32 @!p0 $0x88, s6;
	s7 =	simm.s32 @p2 $0x1082  }
0x22: {  	[simem:s7], [sflag:s8] =	dma.local @!p0 [hbm:s6], $0xF7A  }
0x23: {  	s9 =	sor.u32 $0xD0000000, s2;
	s6 =	simm.s32 $0x108;
	_ =	swait.ge @!p0 [sflag:s8], $0x0  }
0x24: {  	s3 =	sadd.s32 $0x88, s3;
	s6 =	simm.s32 @!p1 $0x1082;
	[sflag:s4] =	ssyncset.s32 $0xFFFFF086  }
0x25: {  	[simem:s6], [sflag:s4] =	dma.local [hbm:s3], $0xF7A  }
0x26: {  	[smem:$0x3F9E] =	sst s1;
	(tag) =	ssettag s2;
	_ =	strace s9  }
0x27: {  	s1 =	sld [smem:$0x3FAE]  }
0x28: {  	s2 =	sld [smem:$0x3FAF]  }
0x29: {  	s4 =	sld [smem:$0x3FB1]  }
0x2a: {  	p0 =	seq.s32 s5, $0x0;
	s5 =	sld [smem:$0x3FB2]  }
0x2b: {  	s6 =	sld [smem:$0x3FB3]  }
0x2c: {  	s7 =	sld [smem:$0x3FB4]  }
0x2d: {  	s3 =	simm.s32 $0x108;
	s8 =	sld [smem:$0x3FB5]  }
0x2e: {  	s3 =	simm.s32 @!p0 $0x1082;
	s9 =	sld [smem:$0x3FB6]  }
0x2f: {  	lr =	sadd.s32 s0, s3;
	s0 =	sld [smem:$0x3FAD]  }
0x30: {  	s3 =	sld [smem:$0x3FB0]  }
0x31: {  	[smem:$0x3FB9] =	sst s10  }
0x32: {  	s10 =	sld [smem:$0x3FB7];
	_ =	sdelay $0x3  }
0x33: {  	p0 =	seq.s32 s10, $0x1;
	s10 =	sld [smem:$0x3FB9];
	_ =	sdelay $0x3  }
0x34: {  	[smem:$0x3FB9] =	sst s10  }
0x35: {  	s10 =	sld [smem:$0x3FB8];
	_ =	sdelay $0x3  }
0x36: {  	p1 =	seq.s32 s10, $0x1;
	s10 =	sld [smem:$0x3FB9];
	_ =	sdelay $0x3  }
0x37: {  	[smem:$0x3FB9] =	sst s10  }
0x38: {  	s10 =	sld [smem:$0x3FBA]  }
0x39: {  	_ = 	snop;
	(pc) =	sbr.ind lr, $3  }
0x3a: {  	_ = 	snop  }
0x3b: {  	_ = 	snop  }
0x3c: {  	p2 =	seq.s32 s10, $0x1;
	s10 =	sld [smem:$0x3FB9]  }
0x3d: {  	_ =	shalt  }
0x3e: {  	_ =	shalt  }
0x3f: {  	_ =	shalt  }
0x40: {  	_ =	shalt  }
0x41: {  	_ =	shalt  }
0x42: {  	_ =	shalt  }
0x43: {  	_ =	shalt  }
0x44: {  	_ =	shalt  }
0x45: {  	_ =	shalt  }
0x46: {  	_ =	shalt  }
0x47: {  	_ =	shalt  }
0x48: {  	_ =	shalt  }
0x49: {  	_ =	shalt  }
0x4a: {  	_ =	shalt  }
0x4b: {  	_ =	shalt  }
0x4c: {  	_ =	shalt  }
0x4d: {  	_ =	shalt  }
0x4e: {  	_ =	shalt  }
0x4f: {  	_ =	shalt  }
0x50: {  	_ =	shalt  }
0x51: {  	_ =	shalt  }
0x52: {  	_ =	shalt  }
0x53: {  	_ =	shalt  }
0x54: {  	_ =	shalt  }
0x55: {  	_ =	shalt  }
0x56: {  	_ =	shalt  }
0x57: {  	_ =	shalt  }
0x58: {  	_ =	shalt  }
0x59: {  	_ =	shalt  }
0x5a: {  	_ =	shalt  }
0x5b: {  	_ =	shalt  }
0x5c: {  	_ =	shalt  }
0x5d: {  	_ =	shalt  }
0x5e: {  	_ =	shalt  }
0x5f: {  	_ =	shalt  }
0x60: {  	_ =	shalt  }
0x61: {  	_ =	shalt  }
0x62: {  	_ =	shalt  }
0x63: {  	_ =	shalt  }
0x64: {  	_ =	shalt  }
0x65: {  	_ =	shalt  }
0x66: {  	_ =	shalt  }
0x67: {  	_ =	shalt  }
0x68: {  	_ =	shalt  }
0x69: {  	_ =	shalt  }
0x6a: {  	_ =	shalt  }
0x6b: {  	_ =	shalt  }
0x6c: {  	_ =	shalt  }
0x6d: {  	_ =	shalt  }
0x6e: {  	_ =	shalt  }
0x6f: {  	_ =	shalt  }
0x70: {  	_ =	shalt  }
0x71: {  	_ =	shalt  }
0x72: {  	_ =	shalt  }
0x73: {  	_ =	shalt  }
0x74: {  	_ =	shalt  }
0x75: {  	_ =	shalt  }
0x76: {  	_ =	shalt  }
0x77: {  	_ =	shalt  }
0x78: {  	_ =	shalt  }
0x79: {  	_ =	shalt  }
0x7a: {  	_ =	shalt  }
0x7b: {  	_ =	shalt  }
0x7c: {  	_ =	shalt  }
0x7d: {  	_ =	shalt  }
0x7e: {  	_ =	shalt  }
0x7f: {  	_ =	shalt  }
0x80: {  	_ =	shalt  }
0x81: {  	_ =	shalt  }
0x82: {  	_ =	shalt  }
0x83: {  	_ =	shalt  }
0x84: {  	_ =	shalt  }
0x85: {  	_ =	shalt  }
0x86: {  	_ =	shalt  }
0x87: {  	_ =	shalt  }
.Lfunc_end0:
.L_simem_size_0:
called_computation_lowered:
.L_overlay_start_0:
0x88: {  	s2 =	sld [smem:$0x3FD9]  }
0x89: {  	s3 =	sld [smem:$0x3FFE];
	_ =	sdelay $0x1  }
0x8a: {  	s1 =	srdreg.scid  }
0x8b: {  	s0 =	sand.u32 $0x1, s1  }
0x8c: {  	s17 =	sshll.u32 s0, $0xA;
	s2 =	sadd.s32 s3, s2  }
0x8d: {  	s2 =	sadd.s32 s2, s17  }
0x8e: {  	[smem:$0x3FC5] =	sst s2  }
0x8f: {  	_ = 	snop  }
0x90: {  	s2 =	sld [smem:$0x3FC9]  }
0x91: {  	s18 =	sld [smem:$0x3FC8]  }
0x92: {  	s4 =	sld [smem:$0x3FD0];
	(tm) =	ssettm $0x1  }
0x93: {  	s5 =	sld [smem:$0x3FFB];
	_ =	sdelay $0x3  }
0x94: {  	_ =	strace s5  }
0x95: {  	s5 =	sld [smem:$0x3FFC];
	_ =	sdelay $0x3  }
0x96: {  	_ =	strace s5  }
0x97: {  	s5 =	sld [smem:$0x3FFD];
	_ =	sdelay $0x3  }
0x98: {  	_ =	strace s5  }
0x99: {  	_ =	strace $0x8FFFFFFF  }
0x9a: {  	s19 =	sld [smem:$0x3FDB];
	_ =	sdelay $0x1  }
0x9b: {  	s6 =	simm.s32 $_scs_section_size  }
0x9c: {  	s7 =	simm.s32 $_size__tile_overlayer_lowered;
	s8 =	simm.s32 $_tile_overlayer_lowered  }
0x9d: {  	s22 =	simm.s32 $0x1BFF;
	s21 =	sshll.u32 s8, $0x1;
	s5 =	sadd.s32 s6, s19  }
0x9e: {  	s9 =	simm.s32 $0x0;
	s20 =	sshll.u32 s7, $0x1;
	s7 =	sadd.s32 s21, s5  }
0x9f: {  	[timem:s9], [sflag:s22] =	dma.local [hbm:s7], s20  }
0xa0: {  	_ =	swait.ge [sflag:s22], s20  }
0xa1: {  	s6 =	ssub.s32 $0x0, s20;
	[sflag:s22] =	ssyncset.done $0x0  }
0xa2: {  	[sflag:s22] =	ssyncadd.s32 s6;
	_ =	sdelay $0x1  }
0xa3: {  	s23 =	simm.s32 $0x1B8B  }
0xa4: {  	_ =	swait.ge [sflag:s23], $0x1  }
0xa5: {  	[sflag:s23] =	ssyncset.done $0x0  }
0xa6: {  	s25 =	simm.s32 $0x1B8E;
	s24 =	sld [smem:$0x3FFE];
	[sflag:s23] =	ssyncadd.s32 $0xFFFFFFFF  }
0xa7: {  	s26 =	simm.s32 $execute0_lowered;
	[smem:$0x3FD2] =	sst s25  }
0xa8: {  	s7 =	sshll.u32 s26, $0x1;
	_ =	strace $0x80000046;
	[dreg:$0x1] =	wrdreg $0xFFFFFFFF  }
0xa9: {  	s28 =	simm.s32 $_size_execute0_lowered;
	s5 =	sadd.s32 s5, s7;
	[dreg:$0x0] =	wrdreg $0x0  }
0xaa: {  	s7 =	sshll.u32 s28, $0x1;
	[dreg:$0x2] =	wrdreg s5  }
0xab: {  	[dreg:$0x3] =	wrdreg s7  }
0xac: {  	[dreg:$0x4] =	wrdreg $0xC0  }
0xad: {  	_ =	task [dreg:s9], $0x5FFFF  }
0xae: {  	[dreg:$0x1] =	wrdreg $0xFFFFFFFF  }
0xaf: {  	[dreg:$0x0] =	wrdreg $0x60  }
0xb0: {  	[dreg:$0x2] =	wrdreg s2  }
0xb1: {  	[dreg:$0x3] =	wrdreg s18  }
0xb2: {  	[dreg:$0x4] =	wrdreg s24  }
0xb3: {  	[dreg:$0x5] =	wrdreg s4  }
0xb4: {  	[dreg:$0x6] =	wrdreg $0x9  }
0xb5: {  	_ =	task.clear_ibuf [dreg:s9], $0x7FFFF;
	_ =	strace $0x90000046  }
0xb6: {  	s29 =	simm.s32 $0x9;
	_ =	strace $0x80000048  }
0xb7: {  	_ =	swait.ge [sflag:s29], $0x1  }
0xb8: {  	[sflag:s29] =	ssyncadd.s32 $0xFFFFFFFF  }
0xb9: {  	_ =	strace $0x90000048  }
0xba: {  	_ =	sfence  }
0xbb: {  	s30 =	sld [smem:$0x0];
	_ =	sdelay $0x2  }
0xbc: {  	s31 =	sshll.u32 s1, $0xD;
	s1 =	sshrl.u32 s1, $0x2  }
0xbd: {  	s3 =	sand.u32 $0x4000, s31;
	s1 =	sadd.s32 s1, s30  }
0xbe: {  	s0 =	sor.u32 s3, s0;
	s1 =	sshll.u32 s1, $0x11  }
0xbf: {  	s0 =	sor.u32 s1, s0  }
0xc0: {  	s0 =	sadd.s32 $0x8F2B, s0  }
0xc1: {  	[sflag:s0] =	ssyncadd.remote.s32 $0x1  }
0xc2: {  	_ =	sfence.sel $0xFFFF  }
0xc3: {  	[dreg:$0x0] =	wrdreg $0xFFFFFFFF;
	(pc) =	sbr.abs _section_cstart, $3  }
0xc4: {  	[dreg:$0x1] =	wrdreg $0xFFFFFFFF  }
0xc5: {  	_ =	task.clear_ibuf [dreg:s9], $0x2FFFF;
	_ =	strace $0x9FFFFFFF  }
0xc6: {  	(tm) =	ssettm $0x7FFFFFFF  }
0xc7: {  	_ =	shalt  }
tec
execute0_lowered:
.L_overlay_start_1:
0x0: {  	(tag) =	ssettag $0x1  }
0x1: {  	s1 =	rddreg [dreg:$0x0]  }
0x2: {  	s2 =	rddreg [dreg:$0x1]  }
0x3: {  	s0 =	rddreg [dreg:$0x2];
	s3 =	srdreg.scid  }
0x4: {  	s5 =	stileid.u32;
	s4 =	rddreg [dreg:$0x3]  }
0x5: {  	s14 =	simm.s32 $0x80;
	s15 =	simm.s32 $0x6C00;
	s16 =	simm.s32 $0xAC00  }
0x6: {  	s17 =	simm.s32 $0x1;
	s3 =	sand.u32 $0x1, s3;
	s6 =	sshll.u32 s5, $0x1  }
0x7: {  	s18 =	simm.s32 $0xEC00;
	s5 =	simm.s32 $0x0;
	s6 =	sor.u32 s3, s6  }
0x8: {  	s0 =	sadd.s32 $0x400, s0;
	s26 =	ssub.s32 $0x2, s3;
	s7 =	smul.u32 $0x320000, s6  }
0x9: {  	[smem:$0x7FF] =	sst s5;
	s6 =	smul.u32 $0x6400, s6;
	s29 =	sshrl.u32 s26, $0x1  }
0xa: {  	_ =	strace $0x80000047;
	[dreg:$0x5] =	wrdreg s0;
	s0 =	ssub.s32 s26, s29  }
0xb: {  	s28 =	sshrl.u32 s7, $0x3;
	s8 =	sshrl.u32 s6, $0x3;
	s0 =	smax.u32 s0, $0x1  }
0xc: {  	s3 =	sadd.s32 s4, s28;
	s30 =	sadd.s32 s2, s8;
	[dreg:$0x9] =	wrdreg s0  }
0xd: {  	s19 =	simm.s32 $0x2;
	[dreg:$0x6] =	wrdreg s30;
	s31 =	sadd.s32 $0x63000, s3  }
0xe: {  	s20 =	simm.s32 $0x12C00;
	s3 =	sadd.s32 $0x63800, s3;
	[dreg:$0x7] =	wrdreg s31  }
0xf: {  	s23 =	simm.s32 $0x4;
	s24 =	simm.s32 $0x0;
	[dreg:$0x8] =	wrdreg s3  }
.LBB2_1:
0x10: {  	s0 =	rddreg [dreg:$0x5];
	s3 =	simm.s32 $0x800;
	s30 =	simm.s32 $0x5  }
0x11: {  	[tilespmem:s3], [sflag:$0x5] =	stream.linear.gather [hbm4b:s0+s5], $0x6400, $0x38;
	[tilespmem:$0x16C00] =	vst v63  }
0x12: {  	_ =	swait.ge [sflag:s30], $0x6400  }
0x13: {  	[sflag:s30] =	ssyncset.done $0x0  }
0x14: {  	s31 =	rddreg [dreg:$0x6];
	[sflag:s30] =	ssyncadd.s32 $0xFFFF9C00  }
0x15: {  	[tilespmem:s5], [sflag:$0x5] =	stream.linear.gather [hbm4b:s31+s5], $0x400, $0x38;
	[tilespmem:$0x16C00] =	vst v63  }
0x16: {  	_ =	swait.ge [sflag:s30], $0x400  }
0x17: {  	[sflag:s30] =	ssyncset.done $0x0  }
0x18: {  	s25 =	simm.s32 $0x0;
	[sflag:s30] =	ssyncadd.s32 $0xFFFFFC00  }
0x19: {  	[tilespmem:s15], [sflag:$0x1] =	stream.indirect.gather [hbm4b:s1+s14], $0x80, s5, s14, $0xb8;
	[tilespmem:$0x16C00] =	vst v63  }
.LBB2_2:
0x1a: {  	s0 =	sshllo.u32 s25, $0x1  }
0x1b: {  	s28 =	sshll.u32 s25, $0x8;
	s22 =	sshll.u32 s25, $0x5;
	s26 =	sshll.u32 s0, $0x7  }
0x1c: {  	s3 =	sand.u32 $0x400, s28;
	s0 =	sand.u32 $0x1FE0, s22;
	s7 =	sand.u32 $0x380, s26  }
0x1d: {  	s0 =	smul.u32 $0x147B, s0;
	s3 =	sor.u32 s7, s3  }
0x1e: {  	[tilespmem:s16], [sflag:$0x2] =	stream.indirect.gather [hbm4b:s1+s14], $0x80, s3, s14, $0xb8;
	[tilespmem:$0x16C00] =	vst v63  }
0x1f: {  	s0 =	sshrl.u32 s0, $0x11;
	_ =	swait.ge [sflag:s17], $0x4000  }
0x20: {  	p0 =	seq.s32 s25, $0x0;
	s0 =	smul.u32 $0xC8, s0;
	[sflag:s17] =	ssyncset.done $0x0  }
0x21: {  	s3 =	simm.s32 @!p0 $0x3;
	[sflag:s17] =	ssyncadd.s32 $0xFFFFC000  }
0x22: {  	s0 =	ssub.s32 s28, s0;
	_ =	swait.ge @!p0 [sflag:s3], $0x4000  }
0x23: {  	s0 =	sand.u32 $0xFFF8, s0;
	[sflag:s3] =	ssyncset.done @!p0 $0x0  }
0x24: {  	s29 =	simm.s32 $0x6E00;
	s8 =	sshll.u32 s0, $0x9;
	[sflag:s3] =	ssyncadd.s32 @!p0 $0xFFFFC000  }
0x25: {  	s3 =	sshra.s32 s8, $0x2;
	v0 =	vld [tilespmem:s29+$0xFFFFFE00]  }
0x26: {  	v1 =	vld [tilespmem:s3+$0x800];
	_ =	sdelay $0x4  }
0x27: {  	v0 =	vadd.f32 v1, v0  }
0x28: {  	s30 =	simm.s32 $0xEE00  }
0x29: {  	[tilespmem:s30+$0xFFFFFE00] =	vst v0  }
0x2a: {  	v0 =	vld [tilespmem:s29+$0xFFFFFE10]  }
0x2b: {  	v1 =	vld [tilespmem:s3+$0x810];
	_ =	sdelay $0x4  }
0x2c: {  	v0 =	vadd.f32 v1, v0;
	_ =	sdelay $0x1  }
0x2d: {  	[tilespmem:s30+$0xFFFFFE10] =	vst v0  }
0x2e: {  	v0 =	vld [tilespmem:s29+$0xFFFFFE20]  }
0x2f: {  	v1 =	vld [tilespmem:s3+$0x820];
	_ =	sdelay $0x4  }
0x30: {  	v0 =	vadd.f32 v1, v0;
	_ =	sdelay $0x1  }
0x31: {  	[tilespmem:s30+$0xFFFFFE20] =	vst v0  }
0x32: {  	v0 =	vld [tilespmem:s29+$0xFFFFFE30]  }
0x33: {  	v1 =	vld [tilespmem:s3+$0x830];
	_ =	sdelay $0x3  }
0x34: {  	s0 =	sadd.s32 $0x1, s0  }
0x35: {  	p1 =	seq.s32 s0, $0xC8;
	v0 =	vadd.f32 v1, v0  }
0x36: {  	s0 =	simm.s32 @p1 $0x0  }
0x37: {  	s9 =	sshll.u32 s0, $0x9;
	[tilespmem:s30+$0xFFFFFE30] =	vst v0  }
0x38: {  	s3 =	sshra.s32 s9, $0x2;
	v0 =	vld [tilespmem:s29+$0xFFFFFE80]  }
0x39: {  	v1 =	vld [tilespmem:s3+$0x800];
	_ =	sdelay $0x4  }
0x3a: {  	v0 =	vadd.f32 v1, v0;
	_ =	sdelay $0x1  }
0x3b: {  	[tilespmem:s30+$0xFFFFFE80] =	vst v0  }
0x3c: {  	v0 =	vld [tilespmem:s29+$0xFFFFFE90]  }
0x3d: {  	v1 =	vld [tilespmem:s3+$0x810];
	_ =	sdelay $0x4  }
0x3e: {  	v0 =	vadd.f32 v1, v0;
	_ =	sdelay $0x1  }
0x3f: {  	[tilespmem:s30+$0xFFFFFE90] =	vst v0  }
0x40: {  	v0 =	vld [tilespmem:s29+$0xFFFFFEA0]  }
0x41: {  	v1 =	vld [tilespmem:s3+$0x820];
	_ =	sdelay $0x4  }
0x42: {  	v0 =	vadd.f32 v1, v0;
	_ =	sdelay $0x1  }
0x43: {  	[tilespmem:s30+$0xFFFFFEA0] =	vst v0  }
0x44: {  	v0 =	vld [tilespmem:s29+$0xFFFFFEB0]  }
0x45: {  	v1 =	vld [tilespmem:s3+$0x830];
	_ =	sdelay $0x3  }
0x46: {  	s0 =	sadd.s32 $0x1, s0  }
0x47: {  	p1 =	seq.s32 s0, $0xC8;
	v0 =	vadd.f32 v1, v0  }
0x48: {  	s0 =	simm.s32 @p1 $0x0  }
0x49: {  	s10 =	sshll.u32 s0, $0x9;
	[tilespmem:s30+$0xFFFFFEB0] =	vst v0  }
0x4a: {  	s3 =	sshra.s32 s10, $0x2;
	v0 =	vld [tilespmem:s29+$0xFFFFFF00]  }
0x4b: {  	v1 =	vld [tilespmem:s3+$0x800];
	_ =	sdelay $0x4  }
0x4c: {  	v0 =	vadd.f32 v1, v0;
	_ =	sdelay $0x1  }
0x4d: {  	[tilespmem:s30+$0xFFFFFF00] =	vst v0  }
0x4e: {  	v0 =	vld [tilespmem:s29+$0xFFFFFF10]  }
0x4f: {  	v1 =	vld [tilespmem:s3+$0x810];
	_ =	sdelay $0x4  }
0x50: {  	v0 =	vadd.f32 v1, v0;
	_ =	sdelay $0x1  }
0x51: {  	[tilespmem:s30+$0xFFFFFF10] =	vst v0  }
0x52: {  	v0 =	vld [tilespmem:s29+$0xFFFFFF20]  }
0x53: {  	v1 =	vld [tilespmem:s3+$0x820];
	_ =	sdelay $0x4  }
0x54: {  	v0 =	vadd.f32 v1, v0;
	_ =	sdelay $0x1  }
0x55: {  	[tilespmem:s30+$0xFFFFFF20] =	vst v0  }
0x56: {  	v0 =	vld [tilespmem:s29+$0xFFFFFF30]  }
0x57: {  	v1 =	vld [tilespmem:s3+$0x830];
	_ =	sdelay $0x3  }
0x58: {  	s0 =	sadd.s32 $0x1, s0  }
0x59: {  	p1 =	seq.s32 s0, $0xC8;
	v0 =	vadd.f32 v1, v0  }
0x5a: {  	s0 =	simm.s32 @p1 $0x0  }
0x5b: {  	s11 =	sshll.u32 s0, $0x9;
	[tilespmem:s30+$0xFFFFFF30] =	vst v0  }
0x5c: {  	s3 =	sshra.s32 s11, $0x2;
	v0 =	vld [tilespmem:s29+$0xFFFFFF80]  }
0x5d: {  	v1 =	vld [tilespmem:s3+$0x800];
	_ =	sdelay $0x4  }
0x5e: {  	v0 =	vadd.f32 v1, v0;
	_ =	sdelay $0x1  }
0x5f: {  	[tilespmem:s30+$0xFFFFFF80] =	vst v0  }
0x60: {  	v0 =	vld [tilespmem:s29+$0xFFFFFF90]  }
0x61: {  	v1 =	vld [tilespmem:s3+$0x810];
	_ =	sdelay $0x4  }
0x62: {  	v0 =	vadd.f32 v1, v0;
	_ =	sdelay $0x1  }
0x63: {  	[tilespmem:s30+$0xFFFFFF90] =	vst v0  }
0x64: {  	v0 =	vld [tilespmem:s29+$0xFFFFFFA0]  }
0x65: {  	v1 =	vld [tilespmem:s3+$0x820];
	_ =	sdelay $0x4  }
0x66: {  	v0 =	vadd.f32 v1, v0;
	_ =	sdelay $0x1  }
0x67: {  	[tilespmem:s30+$0xFFFFFFA0] =	vst v0  }
0x68: {  	v0 =	vld [tilespmem:s29+$0xFFFFFFB0]  }
0x69: {  	v1 =	vld [tilespmem:s3+$0x830];
	_ =	sdelay $0x3  }
0x6a: {  	s0 =	sadd.s32 $0x1, s0  }
0x6b: {  	p1 =	seq.s32 s0, $0xC8;
	v0 =	vadd.f32 v1, v0  }
0x6c: {  	s0 =	simm.s32 @p1 $0x0  }
0x6d: {  	s12 =	sshll.u32 s0, $0x9;
	[tilespmem:s30+$0xFFFFFFB0] =	vst v0  }
0x6e: {  	s3 =	sshra.s32 s12, $0x2;
	v0 =	vld [tilespmem:s29+$0x0]  }
0x6f: {  	v1 =	vld [tilespmem:s3+$0x800];
	_ =	sdelay $0x4  }
0x70: {  	v0 =	vadd.f32 v1, v0;
	_ =	sdelay $0x1  }
0x71: {  	[tilespmem:s30+$0x0] =	vst v0  }
0x72: {  	v0 =	vld [tilespmem:s29+$0x10]  }
0x73: {  	v1 =	vld [tilespmem:s3+$0x810];
	_ =	sdelay $0x4  }
0x74: {  	v0 =	vadd.f32 v1, v0;
	_ =	sdelay $0x1  }
0x75: {  	[tilespmem:s30+$0x10] =	vst v0  }
0x76: {  	v0 =	vld [tilespmem:s29+$0x20]  }
0x77: {  	v1 =	vld [tilespmem:s3+$0x820];
	_ =	sdelay $0x4  }
0x78: {  	v0 =	vadd.f32 v1, v0;
	_ =	sdelay $0x1  }
0x79: {  	[tilespmem:s30+$0x20] =	vst v0  }
0x7a: {  	v0 =	vld [tilespmem:s29+$0x30]  }
0x7b: {  	v1 =	vld [tilespmem:s3+$0x830];
	_ =	sdelay $0x3  }
0x7c: {  	s0 =	sadd.s32 $0x1, s0  }
0x7d: {  	p1 =	seq.s32 s0, $0xC8;
	v0 =	vadd.f32 v1, v0  }
0x7e: {  	s0 =	simm.s32 @p1 $0x0  }
0x7f: {  	s13 =	sshll.u32 s0, $0x9;
	[tilespmem:s30+$0x30] =	vst v0  }
0x80: {  	s3 =	sshra.s32 s13, $0x2;
	v0 =	vld [tilespmem:s29+$0x80]  }
0x81: {  	v1 =	vld [tilespmem:s3+$0x800];
	_ =	sdelay $0x4  }
0x82: {  	v0 =	vadd.f32 v1, v0;
	_ =	sdelay $0x1  }
0x83: {  	[tilespmem:s30+$0x80] =	vst v0  }
0x84: {  	v0 =	vld [tilespmem:s29+$0x90]  }
0x85: {  	v1 =	vld [tilespmem:s3+$0x810];
	_ =	sdelay $0x4  }
0x86: {  	v0 =	vadd.f32 v1, v0;
	_ =	sdelay $0x1  }
0x87: {  	[tilespmem:s30+$0x90] =	vst v0  }
0x88: {  	v0 =	vld [tilespmem:s29+$0xA0]  }
0x89: {  	v1 =	vld [tilespmem:s3+$0x820];
	_ =	sdelay $0x4  }
0x8a: {  	v0 =	vadd.f32 v1, v0;
	_ =	sdelay $0x1  }
0x8b: {  	[tilespmem:s30+$0xA0] =	vst v0  }
0x8c: {  	v0 =	vld [tilespmem:s29+$0xB0]  }
0x8d: {  	v1 =	vld [tilespmem:s3+$0x830];
	_ =	sdelay $0x3  }
0x8e: {  	s0 =	sadd.s32 $0x1, s0  }
0x8f: {  	p1 =	seq.s32 s0, $0xC8;
	v0 =	vadd.f32 v1, v0  }
0x90: {  	s0 =	simm.s32 @p1 $0x0  }
0x91: {  	s21 =	sshll.u32 s0, $0x9;
	[tilespmem:s30+$0xB0] =	vst v0  }
0x92: {  	s3 =	sshra.s32 s21, $0x2;
	v0 =	vld [tilespmem:s29+$0x100]  }
0x93: {  	v1 =	vld [tilespmem:s3+$0x800];
	_ =	sdelay $0x4  }
0x94: {  	v0 =	vadd.f32 v1, v0;
	_ =	sdelay $0x1  }
0x95: {  	[tilespmem:s30+$0x100] =	vst v0  }
0x96: {  	v0 =	vld [tilespmem:s29+$0x110]  }
0x97: {  	v1 =	vld [tilespmem:s3+$0x810];
	_ =	sdelay $0x4  }
0x98: {  	v0 =	vadd.f32 v1, v0;
	_ =	sdelay $0x1  }
0x99: {  	[tilespmem:s30+$0x110] =	vst v0  }
0x9a: {  	v0 =	vld [tilespmem:s29+$0x120]  }
0x9b: {  	v1 =	vld [tilespmem:s3+$0x820];
	_ =	sdelay $0x4  }
0x9c: {  	v0 =	vadd.f32 v1, v0;
	_ =	sdelay $0x1  }
0x9d: {  	[tilespmem:s30+$0x120] =	vst v0  }
0x9e: {  	v0 =	vld [tilespmem:s29+$0x130]  }
0x9f: {  	v1 =	vld [tilespmem:s3+$0x830];
	_ =	sdelay $0x3  }
0xa0: {  	s0 =	sadd.s32 $0x1, s0  }
0xa1: {  	p1 =	seq.s32 s0, $0xC8;
	v0 =	vadd.f32 v1, v0  }
0xa2: {  	s0 =	simm.s32 @p1 $0x0  }
0xa3: {  	s31 =	sshll.u32 s25, $0x1;
	s22 =	sshll.u32 s0, $0x9;
	s21 =	sadd.s32 $0x1, s0;
	[tilespmem:s30+$0x130] =	vst v0  }
0xa4: {  	s7 =	sshra.s32 s22, $0x2;
	s12 =	simm.s32 $0x0;
	p1 =	seq.s32 s21, $0xC8;
	v0 =	vld [tilespmem:s29+$0x180]  }
0xa5: {  	s0 =	simm.s32 $0x6E00;
	s21 =	simm.s32 @p1 $0x0;
	s3 =	simm.s32 $0xEE00;
	v1 =	vld [tilespmem:s7+$0x800]  }
.LBB2_3:
0xa6: {  	_ =	sdelay $0x1  }
0xa7: {  	s12 =	sadd.s32 $0x8, s12;
	s29 =	sadd.s32 $0x400, s29;
	s30 =	sadd.s32 $0x400, s30  }
0xa8: {  	p1 =	slt.u32 s12, $0x78  }
0xa9: {  	v0 =	vadd.f32 v1, v0;
	_ =	sdelay $0x1  }
0xaa: {  	[tilespmem:s3+$0x180] =	vst v0  }
0xab: {  	v0 =	vld [tilespmem:s0+$0x190]  }
0xac: {  	v1 =	vld [tilespmem:s7+$0x810];
	_ =	sdelay $0x4  }
0xad: {  	v0 =	vadd.f32 v1, v0;
	_ =	sdelay $0x1  }
0xae: {  	[tilespmem:s3+$0x190] =	vst v0  }
0xaf: {  	v0 =	vld [tilespmem:s0+$0x1A0]  }
0xb0: {  	v1 =	vld [tilespmem:s7+$0x820];
	_ =	sdelay $0x4  }
0xb1: {  	v0 =	vadd.f32 v1, v0;
	_ =	sdelay $0x1  }
0xb2: {  	[tilespmem:s3+$0x1A0] =	vst v0  }
0xb3: {  	v0 =	vld [tilespmem:s0+$0x1B0];
	s0 =	smov.u32 s29  }
0xb4: {  	v1 =	vld [tilespmem:s7+$0x830];
	_ =	sdelay $0x4  }
0xb5: {  	v0 =	vadd.f32 v1, v0;
	_ =	sdelay $0x1  }
0xb6: {  	s7 =	sshll.u32 s21, $0x9;
	[tilespmem:s3+$0x1B0] =	vst v0;
	s3 =	smov.u32 s30  }
0xb7: {  	s7 =	sshra.s32 s7, $0x2;
	v0 =	vld [tilespmem:s29+$0xFFFFFE00]  }
0xb8: {  	v1 =	vld [tilespmem:s7+$0x800];
	_ =	sdelay $0x4  }
0xb9: {  	v0 =	vadd.f32 v1, v0;
	_ =	sdelay $0x1  }
0xba: {  	[tilespmem:s30+$0xFFFFFE00] =	vst v0  }
0xbb: {  	v0 =	vld [tilespmem:s29+$0xFFFFFE10]  }
0xbc: {  	v1 =	vld [tilespmem:s7+$0x810];
	_ =	sdelay $0x4  }
0xbd: {  	v0 =	vadd.f32 v1, v0;
	_ =	sdelay $0x1  }
0xbe: {  	[tilespmem:s30+$0xFFFFFE10] =	vst v0  }
0xbf: {  	v0 =	vld [tilespmem:s29+$0xFFFFFE20]  }
0xc0: {  	v1 =	vld [tilespmem:s7+$0x820];
	_ =	sdelay $0x4  }
0xc1: {  	v0 =	vadd.f32 v1, v0;
	_ =	sdelay $0x1  }
0xc2: {  	[tilespmem:s30+$0xFFFFFE20] =	vst v0  }
0xc3: {  	v0 =	vld [tilespmem:s29+$0xFFFFFE30]  }
0xc4: {  	v1 =	vld [tilespmem:s7+$0x830];
	_ =	sdelay $0x3  }
0xc5: {  	s7 =	sadd.s32 $0x1, s21  }
0xc6: {  	p2 =	seq.s32 s7, $0xC8;
	v0 =	vadd.f32 v1, v0  }
0xc7: {  	s7 =	simm.s32 @p2 $0x0  }
0xc8: {  	s8 =	sshll.u32 s7, $0x9;
	s7 =	sadd.s32 $0x1, s7;
	[tilespmem:s30+$0xFFFFFE30] =	vst v0  }
0xc9: {  	s22 =	sshra.s32 s8, $0x2;
	p2 =	seq.s32 s7, $0xC8;
	v0 =	vld [tilespmem:s29+$0xFFFFFE80]  }
0xca: {  	s7 =	simm.s32 @p2 $0x0;
	v1 =	vld [tilespmem:s22+$0x800]  }
0xcb: {  	s13 =	sshll.u32 s7, $0x9;
	s7 =	sadd.s32 $0x1, s7  }
0xcc: {  	p2 =	seq.s32 s7, $0xC8  }
0xcd: {  	s7 =	simm.s32 @p2 $0x0  }
0xce: {  	s11 =	sshll.u32 s7, $0x9;
	s7 =	sadd.s32 $0x1, s7  }
0xcf: {  	p2 =	seq.s32 s7, $0xC8;
	v0 =	vadd.f32 v1, v0  }
0xd0: {  	s7 =	simm.s32 @p2 $0x0  }
0xd1: {  	s10 =	sshll.u32 s7, $0x9;
	s7 =	sadd.s32 $0x1, s7;
	[tilespmem:s30+$0xFFFFFE80] =	vst v0  }
0xd2: {  	p2 =	seq.s32 s7, $0xC8;
	v0 =	vld [tilespmem:s29+$0xFFFFFE90]  }
0xd3: {  	s7 =	simm.s32 @p2 $0x0;
	v1 =	vld [tilespmem:s22+$0x810]  }
0xd4: {  	s9 =	sshll.u32 s7, $0x9;
	s7 =	sadd.s32 $0x1, s7  }
0xd5: {  	p2 =	seq.s32 s7, $0xC8  }
0xd6: {  	s7 =	simm.s32 @p2 $0x0  }
0xd7: {  	s8 =	sshll.u32 s7, $0x9;
	s21 =	sadd.s32 $0x1, s7  }
0xd8: {  	p2 =	seq.s32 s21, $0xC8;
	v0 =	vadd.f32 v1, v0  }
0xd9: {  	s21 =	simm.s32 @p2 $0x0  }
0xda: {  	s7 =	sshll.u32 s21, $0x9;
	s21 =	sadd.s32 $0x1, s21;
	[tilespmem:s30+$0xFFFFFE90] =	vst v0  }
0xdb: {  	p2 =	seq.s32 s21, $0xC8;
	v0 =	vld [tilespmem:s29+$0xFFFFFEA0]  }
0xdc: {  	s21 =	simm.s32 @p2 $0x0;
	v1 =	vld [tilespmem:s22+$0x820];
	_ =	sdelay $0x4  }
0xdd: {  	v0 =	vadd.f32 v1, v0;
	_ =	sdelay $0x1  }
0xde: {  	[tilespmem:s30+$0xFFFFFEA0] =	vst v0  }
0xdf: {  	v0 =	vld [tilespmem:s29+$0xFFFFFEB0]  }
0xe0: {  	v1 =	vld [tilespmem:s22+$0x830];
	_ =	sdelay $0x4  }
0xe1: {  	v0 =	vadd.f32 v1, v0;
	_ =	sdelay $0x1  }
0xe2: {  	[tilespmem:s30+$0xFFFFFEB0] =	vst v0  }
0xe3: {  	s13 =	sshra.s32 s13, $0x2;
	v0 =	vld [tilespmem:s29+$0xFFFFFF00]  }
0xe4: {  	v1 =	vld [tilespmem:s13+$0x800];
	_ =	sdelay $0x4  }
0xe5: {  	v0 =	vadd.f32 v1, v0;
	_ =	sdelay $0x1  }
0xe6: {  	[tilespmem:s30+$0xFFFFFF00] =	vst v0  }
0xe7: {  	v0 =	vld [tilespmem:s29+$0xFFFFFF10]  }
0xe8: {  	v1 =	vld [tilespmem:s13+$0x810];
	_ =	sdelay $0x4  }
0xe9: {  	v0 =	vadd.f32 v1, v0;
	_ =	sdelay $0x1  }
0xea: {  	[tilespmem:s30+$0xFFFFFF10] =	vst v0  }
0xeb: {  	v0 =	vld [tilespmem:s29+$0xFFFFFF20]  }
0xec: {  	v1 =	vld [tilespmem:s13+$0x820];
	_ =	sdelay $0x4  }
0xed: {  	v0 =	vadd.f32 v1, v0;
	_ =	sdelay $0x1  }
0xee: {  	[tilespmem:s30+$0xFFFFFF20] =	vst v0  }
0xef: {  	v0 =	vld [tilespmem:s29+$0xFFFFFF30]  }
0xf0: {  	v1 =	vld [tilespmem:s13+$0x830];
	_ =	sdelay $0x4  }
0xf1: {  	v0 =	vadd.f32 v1, v0;
	_ =	sdelay $0x1  }
0xf2: {  	[tilespmem:s30+$0xFFFFFF30] =	vst v0  }
0xf3: {  	s11 =	sshra.s32 s11, $0x2;
	v0 =	vld [tilespmem:s29+$0xFFFFFF80]  }
0xf4: {  	v1 =	vld [tilespmem:s11+$0x800];
	_ =	sdelay $0x4  }
0xf5: {  	v0 =	vadd.f32 v1, v0;
	_ =	sdelay $0x1  }
0xf6: {  	[tilespmem:s30+$0xFFFFFF80] =	vst v0  }
0xf7: {  	v0 =	vld [tilespmem:s29+$0xFFFFFF90]  }
0xf8: {  	v1 =	vld [tilespmem:s11+$0x810];
	_ =	sdelay $0x4  }
0xf9: {  	v0 =	vadd.f32 v1, v0;
	_ =	sdelay $0x1  }
0xfa: {  	[tilespmem:s30+$0xFFFFFF90] =	vst v0  }
0xfb: {  	v0 =	vld [tilespmem:s29+$0xFFFFFFA0]  }
0xfc: {  	v1 =	vld [tilespmem:s11+$0x820];
	_ =	sdelay $0x4  }
0xfd: {  	v0 =	vadd.f32 v1, v0;
	_ =	sdelay $0x1  }
0xfe: {  	[tilespmem:s30+$0xFFFFFFA0] =	vst v0  }
0xff: {  	v0 =	vld [tilespmem:s29+$0xFFFFFFB0]  }
0x100: {  	v1 =	vld [tilespmem:s11+$0x830];
	_ =	sdelay $0x4  }
0x101: {  	v0 =	vadd.f32 v1, v0;
	_ =	sdelay $0x1  }
0x102: {  	[tilespmem:s30+$0xFFFFFFB0] =	vst v0  }
0x103: {  	s10 =	sshra.s32 s10, $0x2;
	v0 =	vld [tilespmem:s29+$0x0]  }
0x104: {  	v1 =	vld [tilespmem:s10+$0x800];
	_ =	sdelay $0x4  }
0x105: {  	v0 =	vadd.f32 v1, v0;
	_ =	sdelay $0x1  }
0x106: {  	[tilespmem:s30+$0x0] =	vst v0  }
0x107: {  	v0 =	vld [tilespmem:s29+$0x10]  }
0x108: {  	v1 =	vld [tilespmem:s10+$0x810];
	_ =	sdelay $0x4  }
0x109: {  	v0 =	vadd.f32 v1, v0;
	_ =	sdelay $0x1  }
0x10a: {  	[tilespmem:s30+$0x10] =	vst v0  }
0x10b: {  	v0 =	vld [tilespmem:s29+$0x20]  }
0x10c: {  	v1 =	vld [tilespmem:s10+$0x820];
	_ =	sdelay $0x4  }
0x10d: {  	v0 =	vadd.f32 v1, v0;
	_ =	sdelay $0x1  }
0x10e: {  	[tilespmem:s30+$0x20] =	vst v0  }
0x10f: {  	v0 =	vld [tilespmem:s29+$0x30]  }
0x110: {  	v1 =	vld [tilespmem:s10+$0x830];
	_ =	sdelay $0x4  }
0x111: {  	v0 =	vadd.f32 v1, v0;
	_ =	sdelay $0x1  }
0x112: {  	[tilespmem:s30+$0x30] =	vst v0  }
0x113: {  	s9 =	sshra.s32 s9, $0x2;
	v0 =	vld [tilespmem:s29+$0x80]  }
0x114: {  	v1 =	vld [tilespmem:s9+$0x800];
	_ =	sdelay $0x4  }
0x115: {  	v0 =	vadd.f32 v1, v0;
	_ =	sdelay $0x1  }
0x116: {  	[tilespmem:s30+$0x80] =	vst v0  }
0x117: {  	v0 =	vld [tilespmem:s29+$0x90]  }
0x118: {  	v1 =	vld [tilespmem:s9+$0x810];
	_ =	sdelay $0x4  }
0x119: {  	v0 =	vadd.f32 v1, v0;
	_ =	sdelay $0x1  }
0x11a: {  	[tilespmem:s30+$0x90] =	vst v0  }
0x11b: {  	v0 =	vld [tilespmem:s29+$0xA0]  }
0x11c: {  	v1 =	vld [tilespmem:s9+$0x820];
	_ =	sdelay $0x4  }
0x11d: {  	v0 =	vadd.f32 v1, v0;
	_ =	sdelay $0x1  }
0x11e: {  	[tilespmem:s30+$0xA0] =	vst v0  }
0x11f: {  	v0 =	vld [tilespmem:s29+$0xB0]  }
0x120: {  	v1 =	vld [tilespmem:s9+$0x830];
	_ =	sdelay $0x4  }
0x121: {  	v0 =	vadd.f32 v1, v0;
	_ =	sdelay $0x1  }
0x122: {  	[tilespmem:s30+$0xB0] =	vst v0  }
0x123: {  	s8 =	sshra.s32 s8, $0x2;
	v0 =	vld [tilespmem:s29+$0x100]  }
0x124: {  	v1 =	vld [tilespmem:s8+$0x800];
	_ =	sdelay $0x4  }
0x125: {  	v0 =	vadd.f32 v1, v0;
	_ =	sdelay $0x1  }
0x126: {  	[tilespmem:s30+$0x100] =	vst v0  }
0x127: {  	v0 =	vld [tilespmem:s29+$0x110]  }
0x128: {  	v1 =	vld [tilespmem:s8+$0x810];
	_ =	sdelay $0x4  }
0x129: {  	v0 =	vadd.f32 v1, v0;
	_ =	sdelay $0x1  }
0x12a: {  	[tilespmem:s30+$0x110] =	vst v0  }
0x12b: {  	v0 =	vld [tilespmem:s29+$0x120]  }
0x12c: {  	v1 =	vld [tilespmem:s8+$0x820];
	_ =	sdelay $0x4  }
0x12d: {  	v0 =	vadd.f32 v1, v0;
	_ =	sdelay $0x1  }
0x12e: {  	[tilespmem:s30+$0x120] =	vst v0  }
0x12f: {  	v0 =	vld [tilespmem:s29+$0x130]  }
0x130: {  	v1 =	vld [tilespmem:s8+$0x830];
	_ =	sdelay $0x4  }
.Ltmp0:
0x131: {  	v0 =	vadd.f32 v1, v0;
	(pc) =	sbr.rel @p1 .LBB2_3-.Ltmp0, $4  }
0x132: {  	_ = 	snop  }
0x133: {  	[tilespmem:s30+$0x130] =	vst v0  }
0x134: {  	s7 =	sshra.s32 s7, $0x2;
	v0 =	vld [tilespmem:s29+$0x180]  }
0x135: {  	v1 =	vld [tilespmem:s7+$0x800]  }
0x136: {  	_ =	sdelay $0x3  }
0x137: {  	v0 =	vadd.f32 v1, v0;
	_ =	sdelay $0x1  }
0x138: {  	[tilespmem:s3+$0x180] =	vst v0  }
0x139: {  	v0 =	vld [tilespmem:s0+$0x190]  }
0x13a: {  	v1 =	vld [tilespmem:s7+$0x810];
	_ =	sdelay $0x4  }
0x13b: {  	v0 =	vadd.f32 v1, v0;
	_ =	sdelay $0x1  }
0x13c: {  	[tilespmem:s3+$0x190] =	vst v0  }
0x13d: {  	v0 =	vld [tilespmem:s0+$0x1A0]  }
0x13e: {  	v1 =	vld [tilespmem:s7+$0x820];
	_ =	sdelay $0x4  }
0x13f: {  	v0 =	vadd.f32 v1, v0;
	_ =	sdelay $0x1  }
0x140: {  	[tilespmem:s3+$0x1A0] =	vst v0  }
0x141: {  	v0 =	vld [tilespmem:s0+$0x1B0]  }
0x142: {  	v1 =	vld [tilespmem:s7+$0x830]  }
0x143: {  	s0 =	sadd.s32 $0x2, s31  }
0x144: {  	s31 =	sand.u32 $0x6, s0  }
0x145: {  	p1 =	seq.s32 s31, $0x0  }
0x146: {  	s8 =	sshll.u32 @p1 s0, $0x7  }
0x147: {  	s9 =	sshll.u32 @p1 s0, $0x9;
	s8 =	sadd.s32 @p1 s6, s8;
	v0 =	vadd.f32 v1, v0  }
0x148: {  	s10 =	simm.s32 @p1 $0x0;
	s9 =	sand.u32 @p1 $0x1000, s9;
	s8 =	sshrl.u32 @p1 s8, $0x3  }
0x149: {  	s0 =	sshll.u32 @!p1 s0, $0x9;
	s8 =	sadd.s32 @p1 s2, s8;
	[tilespmem:s3+$0x1B0] =	vst v0;
	s3 =	sshrl.u32 @p1 s9, $0x2  }
0x14a: {  	[tilespmem:s3], [sflag:$0x5] =	stream.linear.gather @p1 [hbm4b:s8+s10], $0x400, $0x38;
	[tilespmem:$0x16C00] =	vst v63  }
0x14b: {  	s0 =	sand.u32 @!p1 $0x1000, s0;
	s3 =	simm.s32 @p1 $0x5  }
0x14c: {  	s0 =	smov.u32 @p1 s9;
	_ =	swait.ge @p1 [sflag:s3], $0x400  }
0x14d: {  	s7 =	sshll.u32 s31, $0x7;
	s0 =	sshrl.u32 s0, $0x2;
	[sflag:s3] =	ssyncset.done @p1 $0x0  }
0x14e: {  	s0 =	sadd.s32 s7, s0;
	s8 =	sadd.s32 s6, s28;
	[sflag:s3] =	ssyncadd.s32 @p1 $0xFFFFFC00  }
0x14f: {  	[tilespmem:s15], [sflag:$0x1] =	stream.indirect.gather [hbm4b:s1+s14], $0x80, s0, s14, $0xb8;
	[tilespmem:$0x16C00] =	vst v63  }
0x150: {  	s0 =	sshll.u32 s8, $0x4  }
0x151: {  	s9 =	smulhi.u32 $0x51EB851F, s26;
	s0 =	sadd.s32 s4, s0  }
0x152: {  	[hbm4b:s0+s5] =	stream.linear.scatter [tilespmem:s18], [sflag:$0x3], $0x4000, $0x38;
	[tilespmem:$0x16C00] =	vst v63  }
0x153: {  	_ =	swait.ge [sflag:s19], $0x4000  }
0x154: {  	s0 =	sshrl.u32 s9, $0x6;
	[sflag:s19] =	ssyncset.done $0x0  }
0x155: {  	s3 =	simm.s32 @!p0 $0x4;
	s0 =	smul.u32 $0xC8, s0;
	[sflag:s19] =	ssyncadd.s32 $0xFFFFC000  }
0x156: {  	_ =	swait.ge @!p0 [sflag:s3], $0x4000  }
0x157: {  	s0 =	ssub.s32 s26, s0;
	[sflag:s3] =	ssyncset.done @!p0 $0x0  }
0x158: {  	s28 =	simm.s32 $0xAE00;
	s10 =	sshll.u32 s0, $0x9;
	[sflag:s3] =	ssyncadd.s32 @!p0 $0xFFFFC000  }
0x159: {  	s3 =	sshra.s32 s10, $0x2;
	v0 =	vld [tilespmem:s28+$0xFFFFFE00]  }
0x15a: {  	v1 =	vld [tilespmem:s3+$0x800];
	_ =	sdelay $0x4  }
0x15b: {  	v0 =	vadd.f32 v1, v0  }
0x15c: {  	s29 =	simm.s32 $0x12E00  }
0x15d: {  	[tilespmem:s29+$0xFFFFFE00] =	vst v0  }
0x15e: {  	v0 =	vld [tilespmem:s28+$0xFFFFFE10]  }
0x15f: {  	v1 =	vld [tilespmem:s3+$0x810];
	_ =	sdelay $0x4  }
0x160: {  	v0 =	vadd.f32 v1, v0;
	_ =	sdelay $0x1  }
0x161: {  	[tilespmem:s29+$0xFFFFFE10] =	vst v0  }
0x162: {  	v0 =	vld [tilespmem:s28+$0xFFFFFE20]  }
0x163: {  	v1 =	vld [tilespmem:s3+$0x820];
	_ =	sdelay $0x4  }
0x164: {  	v0 =	vadd.f32 v1, v0;
	_ =	sdelay $0x1  }
0x165: {  	[tilespmem:s29+$0xFFFFFE20] =	vst v0  }
0x166: {  	v0 =	vld [tilespmem:s28+$0xFFFFFE30]  }
0x167: {  	v1 =	vld [tilespmem:s3+$0x830];
	_ =	sdelay $0x3  }
0x168: {  	s0 =	sadd.s32 $0x1, s0  }
0x169: {  	p0 =	seq.s32 s0, $0xC8;
	v0 =	vadd.f32 v1, v0  }
0x16a: {  	s0 =	simm.s32 @p0 $0x0  }
0x16b: {  	s11 =	sshll.u32 s0, $0x9;
	[tilespmem:s29+$0xFFFFFE30] =	vst v0  }
0x16c: {  	s3 =	sshra.s32 s11, $0x2;
	v0 =	vld [tilespmem:s28+$0xFFFFFE80]  }
0x16d: {  	v1 =	vld [tilespmem:s3+$0x800];
	_ =	sdelay $0x4  }
0x16e: {  	v0 =	vadd.f32 v1, v0;
	_ =	sdelay $0x1  }
0x16f: {  	[tilespmem:s29+$0xFFFFFE80] =	vst v0  }
0x170: {  	v0 =	vld [tilespmem:s28+$0xFFFFFE90]  }
0x171: {  	v1 =	vld [tilespmem:s3+$0x810];
	_ =	sdelay $0x4  }
0x172: {  	v0 =	vadd.f32 v1, v0;
	_ =	sdelay $0x1  }
0x173: {  	[tilespmem:s29+$0xFFFFFE90] =	vst v0  }
0x174: {  	v0 =	vld [tilespmem:s28+$0xFFFFFEA0]  }
0x175: {  	v1 =	vld [tilespmem:s3+$0x820];
	_ =	sdelay $0x4  }
0x176: {  	v0 =	vadd.f32 v1, v0;
	_ =	sdelay $0x1  }
0x177: {  	[tilespmem:s29+$0xFFFFFEA0] =	vst v0  }
0x178: {  	v0 =	vld [tilespmem:s28+$0xFFFFFEB0]  }
0x179: {  	v1 =	vld [tilespmem:s3+$0x830];
	_ =	sdelay $0x3  }
0x17a: {  	s0 =	sadd.s32 $0x1, s0  }
0x17b: {  	p0 =	seq.s32 s0, $0xC8;
	v0 =	vadd.f32 v1, v0  }
0x17c: {  	s0 =	simm.s32 @p0 $0x0  }
0x17d: {  	s12 =	sshll.u32 s0, $0x9;
	[tilespmem:s29+$0xFFFFFEB0] =	vst v0  }
0x17e: {  	s3 =	sshra.s32 s12, $0x2;
	v0 =	vld [tilespmem:s28+$0xFFFFFF00]  }
0x17f: {  	v1 =	vld [tilespmem:s3+$0x800];
	_ =	sdelay $0x4  }
0x180: {  	v0 =	vadd.f32 v1, v0;
	_ =	sdelay $0x1  }
0x181: {  	[tilespmem:s29+$0xFFFFFF00] =	vst v0  }
0x182: {  	v0 =	vld [tilespmem:s28+$0xFFFFFF10]  }
0x183: {  	v1 =	vld [tilespmem:s3+$0x810];
	_ =	sdelay $0x4  }
0x184: {  	v0 =	vadd.f32 v1, v0;
	_ =	sdelay $0x1  }
0x185: {  	[tilespmem:s29+$0xFFFFFF10] =	vst v0  }
0x186: {  	v0 =	vld [tilespmem:s28+$0xFFFFFF20]  }
0x187: {  	v1 =	vld [tilespmem:s3+$0x820];
	_ =	sdelay $0x4  }
0x188: {  	v0 =	vadd.f32 v1, v0;
	_ =	sdelay $0x1  }
0x189: {  	[tilespmem:s29+$0xFFFFFF20] =	vst v0  }
0x18a: {  	v0 =	vld [tilespmem:s28+$0xFFFFFF30]  }
0x18b: {  	v1 =	vld [tilespmem:s3+$0x830];
	_ =	sdelay $0x3  }
0x18c: {  	s0 =	sadd.s32 $0x1, s0  }
0x18d: {  	p0 =	seq.s32 s0, $0xC8;
	v0 =	vadd.f32 v1, v0  }
0x18e: {  	s0 =	simm.s32 @p0 $0x0  }
0x18f: {  	s13 =	sshll.u32 s0, $0x9;
	[tilespmem:s29+$0xFFFFFF30] =	vst v0  }
0x190: {  	s3 =	sshra.s32 s13, $0x2;
	v0 =	vld [tilespmem:s28+$0xFFFFFF80]  }
0x191: {  	v1 =	vld [tilespmem:s3+$0x800];
	_ =	sdelay $0x4  }
0x192: {  	v0 =	vadd.f32 v1, v0;
	_ =	sdelay $0x1  }
0x193: {  	[tilespmem:s29+$0xFFFFFF80] =	vst v0  }
0x194: {  	v0 =	vld [tilespmem:s28+$0xFFFFFF90]  }
0x195: {  	v1 =	vld [tilespmem:s3+$0x810];
	_ =	sdelay $0x4  }
0x196: {  	v0 =	vadd.f32 v1, v0;
	_ =	sdelay $0x1  }
0x197: {  	[tilespmem:s29+$0xFFFFFF90] =	vst v0  }
0x198: {  	v0 =	vld [tilespmem:s28+$0xFFFFFFA0]  }
0x199: {  	v1 =	vld [tilespmem:s3+$0x820];
	_ =	sdelay $0x4  }
0x19a: {  	v0 =	vadd.f32 v1, v0;
	_ =	sdelay $0x1  }
0x19b: {  	[tilespmem:s29+$0xFFFFFFA0] =	vst v0  }
0x19c: {  	v0 =	vld [tilespmem:s28+$0xFFFFFFB0]  }
0x19d: {  	v1 =	vld [tilespmem:s3+$0x830];
	_ =	sdelay $0x3  }
0x19e: {  	s0 =	sadd.s32 $0x1, s0  }
0x19f: {  	p0 =	seq.s32 s0, $0xC8;
	v0 =	vadd.f32 v1, v0  }
0x1a0: {  	s0 =	simm.s32 @p0 $0x0  }
0x1a1: {  	s21 =	sshll.u32 s0, $0x9;
	[tilespmem:s29+$0xFFFFFFB0] =	vst v0  }
0x1a2: {  	s3 =	sshra.s32 s21, $0x2;
	v0 =	vld [tilespmem:s28+$0x0]  }
0x1a3: {  	v1 =	vld [tilespmem:s3+$0x800];
	_ =	sdelay $0x4  }
0x1a4: {  	v0 =	vadd.f32 v1, v0;
	_ =	sdelay $0x1  }
0x1a5: {  	[tilespmem:s29+$0x0] =	vst v0  }
0x1a6: {  	v0 =	vld [tilespmem:s28+$0x10]  }
0x1a7: {  	v1 =	vld [tilespmem:s3+$0x810];
	_ =	sdelay $0x4  }
0x1a8: {  	v0 =	vadd.f32 v1, v0;
	_ =	sdelay $0x1  }
0x1a9: {  	[tilespmem:s29+$0x10] =	vst v0  }
0x1aa: {  	v0 =	vld [tilespmem:s28+$0x20]  }
0x1ab: {  	v1 =	vld [tilespmem:s3+$0x820];
	_ =	sdelay $0x4  }
0x1ac: {  	v0 =	vadd.f32 v1, v0;
	_ =	sdelay $0x1  }
0x1ad: {  	[tilespmem:s29+$0x20] =	vst v0  }
0x1ae: {  	v0 =	vld [tilespmem:s28+$0x30]  }
0x1af: {  	v1 =	vld [tilespmem:s3+$0x830];
	_ =	sdelay $0x3  }
0x1b0: {  	s0 =	sadd.s32 $0x1, s0  }
0x1b1: {  	p0 =	seq.s32 s0, $0xC8;
	v0 =	vadd.f32 v1, v0  }
0x1b2: {  	s0 =	simm.s32 @p0 $0x0  }
0x1b3: {  	s22 =	sshll.u32 s0, $0x9;
	[tilespmem:s29+$0x30] =	vst v0  }
0x1b4: {  	s3 =	sshra.s32 s22, $0x2;
	v0 =	vld [tilespmem:s28+$0x80]  }
0x1b5: {  	v1 =	vld [tilespmem:s3+$0x800];
	_ =	sdelay $0x4  }
0x1b6: {  	v0 =	vadd.f32 v1, v0;
	_ =	sdelay $0x1  }
0x1b7: {  	[tilespmem:s29+$0x80] =	vst v0  }
0x1b8: {  	v0 =	vld [tilespmem:s28+$0x90]  }
0x1b9: {  	v1 =	vld [tilespmem:s3+$0x810];
	_ =	sdelay $0x4  }
0x1ba: {  	v0 =	vadd.f32 v1, v0;
	_ =	sdelay $0x1  }
0x1bb: {  	[tilespmem:s29+$0x90] =	vst v0  }
0x1bc: {  	v0 =	vld [tilespmem:s28+$0xA0]  }
0x1bd: {  	v1 =	vld [tilespmem:s3+$0x820];
	_ =	sdelay $0x4  }
0x1be: {  	v0 =	vadd.f32 v1, v0;
	_ =	sdelay $0x1  }
0x1bf: {  	[tilespmem:s29+$0xA0] =	vst v0  }
0x1c0: {  	v0 =	vld [tilespmem:s28+$0xB0]  }
0x1c1: {  	v1 =	vld [tilespmem:s3+$0x830];
	_ =	sdelay $0x3  }
0x1c2: {  	s0 =	sadd.s32 $0x1, s0  }
0x1c3: {  	p0 =	seq.s32 s0, $0xC8;
	v0 =	vadd.f32 v1, v0  }
0x1c4: {  	s0 =	simm.s32 @p0 $0x0  }
0x1c5: {  	s30 =	sshll.u32 s0, $0x9;
	[tilespmem:s29+$0xB0] =	vst v0  }
0x1c6: {  	s3 =	sshra.s32 s30, $0x2;
	v0 =	vld [tilespmem:s28+$0x100]  }
0x1c7: {  	v1 =	vld [tilespmem:s3+$0x800];
	_ =	sdelay $0x4  }
0x1c8: {  	v0 =	vadd.f32 v1, v0;
	_ =	sdelay $0x1  }
0x1c9: {  	[tilespmem:s29+$0x100] =	vst v0  }
0x1ca: {  	v0 =	vld [tilespmem:s28+$0x110]  }
0x1cb: {  	v1 =	vld [tilespmem:s3+$0x810];
	_ =	sdelay $0x4  }
0x1cc: {  	v0 =	vadd.f32 v1, v0;
	_ =	sdelay $0x1  }
0x1cd: {  	[tilespmem:s29+$0x110] =	vst v0  }
0x1ce: {  	v0 =	vld [tilespmem:s28+$0x120]  }
0x1cf: {  	v1 =	vld [tilespmem:s3+$0x820];
	_ =	sdelay $0x4  }
0x1d0: {  	v0 =	vadd.f32 v1, v0;
	_ =	sdelay $0x1  }
0x1d1: {  	[tilespmem:s29+$0x120] =	vst v0  }
0x1d2: {  	v0 =	vld [tilespmem:s28+$0x130]  }
0x1d3: {  	v1 =	vld [tilespmem:s3+$0x830];
	_ =	sdelay $0x3  }
0x1d4: {  	s0 =	sadd.s32 $0x1, s0  }
0x1d5: {  	p0 =	seq.s32 s0, $0xC8;
	v0 =	vadd.f32 v1, v0  }
0x1d6: {  	s0 =	simm.s32 @p0 $0x0  }
0x1d7: {  	s31 =	sshll.u32 s0, $0x9;
	s21 =	sadd.s32 $0x1, s0;
	[tilespmem:s29+$0x130] =	vst v0  }
0x1d8: {  	s7 =	sshra.s32 s31, $0x2;
	s12 =	simm.s32 $0x0;
	p0 =	seq.s32 s21, $0xC8;
	v0 =	vld [tilespmem:s28+$0x180]  }
0x1d9: {  	s0 =	simm.s32 $0xAE00;
	s21 =	simm.s32 @p0 $0x0;
	s3 =	simm.s32 $0x12E00;
	v1 =	vld [tilespmem:s7+$0x800]  }
.LBB2_5:
0x1da: {  	_ =	sdelay $0x1  }
0x1db: {  	s12 =	sadd.s32 $0x8, s12;
	s28 =	sadd.s32 $0x400, s28;
	s29 =	sadd.s32 $0x400, s29  }
0x1dc: {  	p0 =	slt.u32 s12, $0x78  }
0x1dd: {  	v0 =	vadd.f32 v1, v0;
	_ =	sdelay $0x1  }
0x1de: {  	[tilespmem:s3+$0x180] =	vst v0  }
0x1df: {  	v0 =	vld [tilespmem:s0+$0x190]  }
0x1e0: {  	v1 =	vld [tilespmem:s7+$0x810];
	_ =	sdelay $0x4  }
0x1e1: {  	v0 =	vadd.f32 v1, v0;
	_ =	sdelay $0x1  }
0x1e2: {  	[tilespmem:s3+$0x190] =	vst v0  }
0x1e3: {  	v0 =	vld [tilespmem:s0+$0x1A0]  }
0x1e4: {  	v1 =	vld [tilespmem:s7+$0x820];
	_ =	sdelay $0x4  }
0x1e5: {  	v0 =	vadd.f32 v1, v0;
	_ =	sdelay $0x1  }
0x1e6: {  	[tilespmem:s3+$0x1A0] =	vst v0  }
0x1e7: {  	v0 =	vld [tilespmem:s0+$0x1B0];
	s0 =	smov.u32 s28  }
0x1e8: {  	v1 =	vld [tilespmem:s7+$0x830];
	_ =	sdelay $0x4  }
0x1e9: {  	v0 =	vadd.f32 v1, v0;
	_ =	sdelay $0x1  }
0x1ea: {  	s7 =	sshll.u32 s21, $0x9;
	[tilespmem:s3+$0x1B0] =	vst v0;
	s3 =	smov.u32 s29  }
0x1eb: {  	s7 =	sshra.s32 s7, $0x2;
	v0 =	vld [tilespmem:s28+$0xFFFFFE00]  }
0x1ec: {  	v1 =	vld [tilespmem:s7+$0x800];
	_ =	sdelay $0x4  }
0x1ed: {  	v0 =	vadd.f32 v1, v0;
	_ =	sdelay $0x1  }
0x1ee: {  	[tilespmem:s29+$0xFFFFFE00] =	vst v0  }
0x1ef: {  	v0 =	vld [tilespmem:s28+$0xFFFFFE10]  }
0x1f0: {  	v1 =	vld [tilespmem:s7+$0x810];
	_ =	sdelay $0x4  }
0x1f1: {  	v0 =	vadd.f32 v1, v0;
	_ =	sdelay $0x1  }
0x1f2: {  	[tilespmem:s29+$0xFFFFFE10] =	vst v0  }
0x1f3: {  	v0 =	vld [tilespmem:s28+$0xFFFFFE20]  }
0x1f4: {  	v1 =	vld [tilespmem:s7+$0x820];
	_ =	sdelay $0x4  }
0x1f5: {  	v0 =	vadd.f32 v1, v0;
	_ =	sdelay $0x1  }
0x1f6: {  	[tilespmem:s29+$0xFFFFFE20] =	vst v0  }
0x1f7: {  	v0 =	vld [tilespmem:s28+$0xFFFFFE30]  }
0x1f8: {  	v1 =	vld [tilespmem:s7+$0x830];
	_ =	sdelay $0x3  }
0x1f9: {  	s7 =	sadd.s32 $0x1, s21  }
0x1fa: {  	p1 =	seq.s32 s7, $0xC8;
	v0 =	vadd.f32 v1, v0  }
0x1fb: {  	s7 =	simm.s32 @p1 $0x0  }
0x1fc: {  	s8 =	sshll.u32 s7, $0x9;
	s7 =	sadd.s32 $0x1, s7;
	[tilespmem:s29+$0xFFFFFE30] =	vst v0  }
0x1fd: {  	s22 =	sshra.s32 s8, $0x2;
	p1 =	seq.s32 s7, $0xC8;
	v0 =	vld [tilespmem:s28+$0xFFFFFE80]  }
0x1fe: {  	s7 =	simm.s32 @p1 $0x0;
	v1 =	vld [tilespmem:s22+$0x800]  }
0x1ff: {  	s13 =	sshll.u32 s7, $0x9;
	s7 =	sadd.s32 $0x1, s7  }
0x200: {  	p1 =	seq.s32 s7, $0xC8  }
0x201: {  	s7 =	simm.s32 @p1 $0x0  }
0x202: {  	s11 =	sshll.u32 s7, $0x9;
	s7 =	sadd.s32 $0x1, s7  }
0x203: {  	p1 =	seq.s32 s7, $0xC8;
	v0 =	vadd.f32 v1, v0  }
0x204: {  	s7 =	simm.s32 @p1 $0x0  }
0x205: {  	s10 =	sshll.u32 s7, $0x9;
	s7 =	sadd.s32 $0x1, s7;
	[tilespmem:s29+$0xFFFFFE80] =	vst v0  }
0x206: {  	p1 =	seq.s32 s7, $0xC8;
	v0 =	vld [tilespmem:s28+$0xFFFFFE90]  }
0x207: {  	s7 =	simm.s32 @p1 $0x0;
	v1 =	vld [tilespmem:s22+$0x810]  }
0x208: {  	s9 =	sshll.u32 s7, $0x9;
	s7 =	sadd.s32 $0x1, s7  }
0x209: {  	p1 =	seq.s32 s7, $0xC8  }
0x20a: {  	s7 =	simm.s32 @p1 $0x0  }
0x20b: {  	s8 =	sshll.u32 s7, $0x9;
	s21 =	sadd.s32 $0x1, s7  }
0x20c: {  	p1 =	seq.s32 s21, $0xC8;
	v0 =	vadd.f32 v1, v0  }
0x20d: {  	s21 =	simm.s32 @p1 $0x0  }
0x20e: {  	s7 =	sshll.u32 s21, $0x9;
	s21 =	sadd.s32 $0x1, s21;
	[tilespmem:s29+$0xFFFFFE90] =	vst v0  }
0x20f: {  	p1 =	seq.s32 s21, $0xC8;
	v0 =	vld [tilespmem:s28+$0xFFFFFEA0]  }
0x210: {  	s21 =	simm.s32 @p1 $0x0;
	v1 =	vld [tilespmem:s22+$0x820];
	_ =	sdelay $0x4  }
0x211: {  	v0 =	vadd.f32 v1, v0;
	_ =	sdelay $0x1  }
0x212: {  	[tilespmem:s29+$0xFFFFFEA0] =	vst v0  }
0x213: {  	v0 =	vld [tilespmem:s28+$0xFFFFFEB0]  }
0x214: {  	v1 =	vld [tilespmem:s22+$0x830];
	_ =	sdelay $0x4  }
0x215: {  	v0 =	vadd.f32 v1, v0;
	_ =	sdelay $0x1  }
0x216: {  	[tilespmem:s29+$0xFFFFFEB0] =	vst v0  }
0x217: {  	s13 =	sshra.s32 s13, $0x2;
	v0 =	vld [tilespmem:s28+$0xFFFFFF00]  }
0x218: {  	v1 =	vld [tilespmem:s13+$0x800];
	_ =	sdelay $0x4  }
0x219: {  	v0 =	vadd.f32 v1, v0;
	_ =	sdelay $0x1  }
0x21a: {  	[tilespmem:s29+$0xFFFFFF00] =	vst v0  }
0x21b: {  	v0 =	vld [tilespmem:s28+$0xFFFFFF10]  }
0x21c: {  	v1 =	vld [tilespmem:s13+$0x810];
	_ =	sdelay $0x4  }
0x21d: {  	v0 =	vadd.f32 v1, v0;
	_ =	sdelay $0x1  }
0x21e: {  	[tilespmem:s29+$0xFFFFFF10] =	vst v0  }
0x21f: {  	v0 =	vld [tilespmem:s28+$0xFFFFFF20]  }
0x220: {  	v1 =	vld [tilespmem:s13+$0x820];
	_ =	sdelay $0x4  }
0x221: {  	v0 =	vadd.f32 v1, v0;
	_ =	sdelay $0x1  }
0x222: {  	[tilespmem:s29+$0xFFFFFF20] =	vst v0  }
0x223: {  	v0 =	vld [tilespmem:s28+$0xFFFFFF30]  }
0x224: {  	v1 =	vld [tilespmem:s13+$0x830];
	_ =	sdelay $0x4  }
0x225: {  	v0 =	vadd.f32 v1, v0;
	_ =	sdelay $0x1  }
0x226: {  	[tilespmem:s29+$0xFFFFFF30] =	vst v0  }
0x227: {  	s11 =	sshra.s32 s11, $0x2;
	v0 =	vld [tilespmem:s28+$0xFFFFFF80]  }
0x228: {  	v1 =	vld [tilespmem:s11+$0x800];
	_ =	sdelay $0x4  }
0x229: {  	v0 =	vadd.f32 v1, v0;
	_ =	sdelay $0x1  }
0x22a: {  	[tilespmem:s29+$0xFFFFFF80] =	vst v0  }
0x22b: {  	v0 =	vld [tilespmem:s28+$0xFFFFFF90]  }
0x22c: {  	v1 =	vld [tilespmem:s11+$0x810];
	_ =	sdelay $0x4  }
0x22d: {  	v0 =	vadd.f32 v1, v0;
	_ =	sdelay $0x1  }
0x22e: {  	[tilespmem:s29+$0xFFFFFF90] =	vst v0  }
0x22f: {  	v0 =	vld [tilespmem:s28+$0xFFFFFFA0]  }
0x230: {  	v1 =	vld [tilespmem:s11+$0x820];
	_ =	sdelay $0x4  }
0x231: {  	v0 =	vadd.f32 v1, v0;
	_ =	sdelay $0x1  }
0x232: {  	[tilespmem:s29+$0xFFFFFFA0] =	vst v0  }
0x233: {  	v0 =	vld [tilespmem:s28+$0xFFFFFFB0]  }
0x234: {  	v1 =	vld [tilespmem:s11+$0x830];
	_ =	sdelay $0x4  }
0x235: {  	v0 =	vadd.f32 v1, v0;
	_ =	sdelay $0x1  }
0x236: {  	[tilespmem:s29+$0xFFFFFFB0] =	vst v0  }
0x237: {  	s10 =	sshra.s32 s10, $0x2;
	v0 =	vld [tilespmem:s28+$0x0]  }
0x238: {  	v1 =	vld [tilespmem:s10+$0x800];
	_ =	sdelay $0x4  }
0x239: {  	v0 =	vadd.f32 v1, v0;
	_ =	sdelay $0x1  }
0x23a: {  	[tilespmem:s29+$0x0] =	vst v0  }
0x23b: {  	v0 =	vld [tilespmem:s28+$0x10]  }
0x23c: {  	v1 =	vld [tilespmem:s10+$0x810];
	_ =	sdelay $0x4  }
0x23d: {  	v0 =	vadd.f32 v1, v0;
	_ =	sdelay $0x1  }
0x23e: {  	[tilespmem:s29+$0x10] =	vst v0  }
0x23f: {  	v0 =	vld [tilespmem:s28+$0x20]  }
0x240: {  	v1 =	vld [tilespmem:s10+$0x820];
	_ =	sdelay $0x4  }
0x241: {  	v0 =	vadd.f32 v1, v0;
	_ =	sdelay $0x1  }
0x242: {  	[tilespmem:s29+$0x20] =	vst v0  }
0x243: {  	v0 =	vld [tilespmem:s28+$0x30]  }
0x244: {  	v1 =	vld [tilespmem:s10+$0x830];
	_ =	sdelay $0x4  }
0x245: {  	v0 =	vadd.f32 v1, v0;
	_ =	sdelay $0x1  }
0x246: {  	[tilespmem:s29+$0x30] =	vst v0  }
0x247: {  	s9 =	sshra.s32 s9, $0x2;
	v0 =	vld [tilespmem:s28+$0x80]  }
0x248: {  	v1 =	vld [tilespmem:s9+$0x800];
	_ =	sdelay $0x4  }
0x249: {  	v0 =	vadd.f32 v1, v0;
	_ =	sdelay $0x1  }
0x24a: {  	[tilespmem:s29+$0x80] =	vst v0  }
0x24b: {  	v0 =	vld [tilespmem:s28+$0x90]  }
0x24c: {  	v1 =	vld [tilespmem:s9+$0x810];
	_ =	sdelay $0x4  }
0x24d: {  	v0 =	vadd.f32 v1, v0;
	_ =	sdelay $0x1  }
0x24e: {  	[tilespmem:s29+$0x90] =	vst v0  }
0x24f: {  	v0 =	vld [tilespmem:s28+$0xA0]  }
0x250: {  	v1 =	vld [tilespmem:s9+$0x820];
	_ =	sdelay $0x4  }
0x251: {  	v0 =	vadd.f32 v1, v0;
	_ =	sdelay $0x1  }
0x252: {  	[tilespmem:s29+$0xA0] =	vst v0  }
0x253: {  	v0 =	vld [tilespmem:s28+$0xB0]  }
0x254: {  	v1 =	vld [tilespmem:s9+$0x830];
	_ =	sdelay $0x4  }
0x255: {  	v0 =	vadd.f32 v1, v0;
	_ =	sdelay $0x1  }
0x256: {  	[tilespmem:s29+$0xB0] =	vst v0  }
0x257: {  	s8 =	sshra.s32 s8, $0x2;
	v0 =	vld [tilespmem:s28+$0x100]  }
0x258: {  	v1 =	vld [tilespmem:s8+$0x800];
	_ =	sdelay $0x4  }
0x259: {  	v0 =	vadd.f32 v1, v0;
	_ =	sdelay $0x1  }
0x25a: {  	[tilespmem:s29+$0x100] =	vst v0  }
0x25b: {  	v0 =	vld [tilespmem:s28+$0x110]  }
0x25c: {  	v1 =	vld [tilespmem:s8+$0x810];
	_ =	sdelay $0x4  }
0x25d: {  	v0 =	vadd.f32 v1, v0;
	_ =	sdelay $0x1  }
0x25e: {  	[tilespmem:s29+$0x110] =	vst v0  }
0x25f: {  	v0 =	vld [tilespmem:s28+$0x120]  }
0x260: {  	v1 =	vld [tilespmem:s8+$0x820];
	_ =	sdelay $0x4  }
0x261: {  	v0 =	vadd.f32 v1, v0;
	_ =	sdelay $0x1  }
0x262: {  	[tilespmem:s29+$0x120] =	vst v0  }
0x263: {  	v0 =	vld [tilespmem:s28+$0x130]  }
0x264: {  	v1 =	vld [tilespmem:s8+$0x830];
	_ =	sdelay $0x4  }
.Ltmp1:
0x265: {  	v0 =	vadd.f32 v1, v0;
	(pc) =	sbr.rel @p0 .LBB2_5-.Ltmp1, $4  }
0x266: {  	_ = 	snop  }
0x267: {  	[tilespmem:s29+$0x130] =	vst v0  }
0x268: {  	s7 =	sshra.s32 s7, $0x2;
	v0 =	vld [tilespmem:s28+$0x180]  }
0x269: {  	v1 =	vld [tilespmem:s7+$0x800]  }
0x26a: {  	_ =	sdelay $0x3  }
0x26b: {  	v0 =	vadd.f32 v1, v0;
	_ =	sdelay $0x1  }
0x26c: {  	[tilespmem:s3+$0x180] =	vst v0  }
0x26d: {  	v0 =	vld [tilespmem:s0+$0x190]  }
0x26e: {  	v61 =	vld [tilespmem:s7+$0x810];
	_ =	sdelay $0x4  }
0x26f: {  	v0 =	vadd.f32 v61, v0;
	_ =	sdelay $0x1  }
0x270: {  	[tilespmem:s3+$0x190] =	vst v0  }
0x271: {  	v0 =	vld [tilespmem:s0+$0x1A0]  }
0x272: {  	v62 =	vld [tilespmem:s7+$0x820];
	_ =	sdelay $0x4  }
0x273: {  	v0 =	vadd.f32 v62, v0;
	_ =	sdelay $0x1  }
0x274: {  	[tilespmem:s3+$0x1A0] =	vst v0  }
0x275: {  	v0 =	vld [tilespmem:s0+$0x1B0]  }
0x276: {  	v63 =	vld [tilespmem:s7+$0x830];
	_ =	sdelay $0x1  }
0x277: {  	s25 =	sadd.s32 $0x1, s25  }
0x278: {  	p0 =	sne.s32 s25, $0x63  }
.Ltmp2:
0x279: {  	_ = 	snop;
	(pc) =	sbr.rel @p0 .LBB2_2-.Ltmp2, $4  }
0x27a: {  	s31 =	sadd.s32 s6, s26;
	v0 =	vadd.f32 v63, v0  }
0x27b: {  	s0 =	sshll.u32 s31, $0x4  }
0x27c: {  	s0 =	sadd.s32 s4, s0;
	[tilespmem:s3+$0x1B0] =	vst v0  }
0x27d: {  	[hbm4b:s0+s5] =	stream.linear.scatter [tilespmem:s20], [sflag:$0x4], $0x4000, $0x38;
	[tilespmem:$0x16C00] =	vst v63  }
0x27e: {  	s0 =	simm.s32 $0x380  }
0x27f: {  	[tilespmem:s16], [sflag:$0x2] =	stream.indirect.gather [hbm4b:s1+s14], $0x80, s0, s14, $0xb8;
	[tilespmem:$0x16C00] =	vst v63  }
0x280: {  	_ =	swait.ge [sflag:s17], $0x4000  }
0x281: {  	[sflag:s17] =	ssyncset.done $0x0  }
0x282: {  	s28 =	simm.s32 $0x3;
	[sflag:s17] =	ssyncadd.s32 $0xFFFFC000  }
0x283: {  	_ =	swait.ge [sflag:s28], $0x4000  }
0x284: {  	[sflag:s28] =	ssyncset.done $0x0  }
0x285: {  	s25 =	simm.s32 $0x6E00;
	[sflag:s28] =	ssyncadd.s32 $0xFFFFC000  }
0x286: {  	s12 =	simm.s32 $0x4800;
	v0 =	vld [tilespmem:s25+$0xFFFFFE00]  }
0x287: {  	v1 =	vld [tilespmem:s12+$0x800];
	_ =	sdelay $0x4  }
0x288: {  	v0 =	vadd.f32 v1, v0  }
0x289: {  	s26 =	simm.s32 $0xEE00  }
0x28a: {  	[tilespmem:s26+$0xFFFFFE00] =	vst v0  }
0x28b: {  	v0 =	vld [tilespmem:s25+$0xFFFFFE10]  }
0x28c: {  	v1 =	vld [tilespmem:s12+$0x810];
	_ =	sdelay $0x4  }
0x28d: {  	v0 =	vadd.f32 v1, v0;
	_ =	sdelay $0x1  }
0x28e: {  	[tilespmem:s26+$0xFFFFFE10] =	vst v0  }
0x28f: {  	v0 =	vld [tilespmem:s25+$0xFFFFFE20]  }
0x290: {  	v1 =	vld [tilespmem:s12+$0x820];
	_ =	sdelay $0x4  }
0x291: {  	v0 =	vadd.f32 v1, v0;
	_ =	sdelay $0x1  }
0x292: {  	[tilespmem:s26+$0xFFFFFE20] =	vst v0  }
0x293: {  	v0 =	vld [tilespmem:s25+$0xFFFFFE30]  }
0x294: {  	v1 =	vld [tilespmem:s12+$0x830];
	_ =	sdelay $0x4  }
0x295: {  	p0 =	por $0x0, $0x0;
	s0 =	simm.s32 $0x91;
	v0 =	vadd.f32 v1, v0  }
0x296: {  	s0 =	simm.s32 @p0 $0x0  }
0x297: {  	s3 =	sshll.u32 s0, $0x9;
	[tilespmem:s26+$0xFFFFFE30] =	vst v0  }
0x298: {  	s3 =	sshra.s32 s3, $0x2;
	v0 =	vld [tilespmem:s25+$0xFFFFFE80]  }
0x299: {  	v1 =	vld [tilespmem:s3+$0x800];
	_ =	sdelay $0x4  }
0x29a: {  	v0 =	vadd.f32 v1, v0;
	_ =	sdelay $0x1  }
0x29b: {  	[tilespmem:s26+$0xFFFFFE80] =	vst v0  }
0x29c: {  	v0 =	vld [tilespmem:s25+$0xFFFFFE90]  }
0x29d: {  	v1 =	vld [tilespmem:s3+$0x810];
	_ =	sdelay $0x4  }
0x29e: {  	v0 =	vadd.f32 v1, v0;
	_ =	sdelay $0x1  }
0x29f: {  	[tilespmem:s26+$0xFFFFFE90] =	vst v0  }
0x2a0: {  	v0 =	vld [tilespmem:s25+$0xFFFFFEA0]  }
0x2a1: {  	v1 =	vld [tilespmem:s3+$0x820];
	_ =	sdelay $0x4  }
0x2a2: {  	v0 =	vadd.f32 v1, v0;
	_ =	sdelay $0x1  }
0x2a3: {  	[tilespmem:s26+$0xFFFFFEA0] =	vst v0  }
0x2a4: {  	v0 =	vld [tilespmem:s25+$0xFFFFFEB0]  }
0x2a5: {  	v1 =	vld [tilespmem:s3+$0x830];
	_ =	sdelay $0x3  }
0x2a6: {  	s0 =	sadd.s32 $0x1, s0  }
0x2a7: {  	p0 =	seq.s32 s0, $0xC8;
	v0 =	vadd.f32 v1, v0  }
0x2a8: {  	s0 =	simm.s32 @p0 $0x0  }
0x2a9: {  	s13 =	sshll.u32 s0, $0x9;
	[tilespmem:s26+$0xFFFFFEB0] =	vst v0  }
0x2aa: {  	s3 =	sshra.s32 s13, $0x2;
	v0 =	vld [tilespmem:s25+$0xFFFFFF00]  }
0x2ab: {  	v1 =	vld [tilespmem:s3+$0x800];
	_ =	sdelay $0x4  }
0x2ac: {  	v0 =	vadd.f32 v1, v0;
	_ =	sdelay $0x1  }
0x2ad: {  	[tilespmem:s26+$0xFFFFFF00] =	vst v0  }
0x2ae: {  	v0 =	vld [tilespmem:s25+$0xFFFFFF10]  }
0x2af: {  	v1 =	vld [tilespmem:s3+$0x810];
	_ =	sdelay $0x4  }
0x2b0: {  	v0 =	vadd.f32 v1, v0;
	_ =	sdelay $0x1  }
0x2b1: {  	[tilespmem:s26+$0xFFFFFF10] =	vst v0  }
0x2b2: {  	v0 =	vld [tilespmem:s25+$0xFFFFFF20]  }
0x2b3: {  	v1 =	vld [tilespmem:s3+$0x820];
	_ =	sdelay $0x4  }
0x2b4: {  	v0 =	vadd.f32 v1, v0;
	_ =	sdelay $0x1  }
0x2b5: {  	[tilespmem:s26+$0xFFFFFF20] =	vst v0  }
0x2b6: {  	v0 =	vld [tilespmem:s25+$0xFFFFFF30]  }
0x2b7: {  	v1 =	vld [tilespmem:s3+$0x830];
	_ =	sdelay $0x3  }
0x2b8: {  	s0 =	sadd.s32 $0x1, s0  }
0x2b9: {  	p0 =	seq.s32 s0, $0xC8;
	v0 =	vadd.f32 v1, v0  }
0x2ba: {  	s0 =	simm.s32 @p0 $0x0  }
0x2bb: {  	s21 =	sshll.u32 s0, $0x9;
	[tilespmem:s26+$0xFFFFFF30] =	vst v0  }
0x2bc: {  	s3 =	sshra.s32 s21, $0x2;
	v0 =	vld [tilespmem:s25+$0xFFFFFF80]  }
0x2bd: {  	v1 =	vld [tilespmem:s3+$0x800];
	_ =	sdelay $0x4  }
0x2be: {  	v0 =	vadd.f32 v1, v0;
	_ =	sdelay $0x1  }
0x2bf: {  	[tilespmem:s26+$0xFFFFFF80] =	vst v0  }
0x2c0: {  	v0 =	vld [tilespmem:s25+$0xFFFFFF90]  }
0x2c1: {  	v1 =	vld [tilespmem:s3+$0x810];
	_ =	sdelay $0x4  }
0x2c2: {  	v0 =	vadd.f32 v1, v0;
	_ =	sdelay $0x1  }
0x2c3: {  	[tilespmem:s26+$0xFFFFFF90] =	vst v0  }
0x2c4: {  	v0 =	vld [tilespmem:s25+$0xFFFFFFA0]  }
0x2c5: {  	v1 =	vld [tilespmem:s3+$0x820];
	_ =	sdelay $0x4  }
0x2c6: {  	v0 =	vadd.f32 v1, v0;
	_ =	sdelay $0x1  }
0x2c7: {  	[tilespmem:s26+$0xFFFFFFA0] =	vst v0  }
0x2c8: {  	v0 =	vld [tilespmem:s25+$0xFFFFFFB0]  }
0x2c9: {  	v1 =	vld [tilespmem:s3+$0x830];
	_ =	sdelay $0x3  }
0x2ca: {  	s0 =	sadd.s32 $0x1, s0  }
0x2cb: {  	p0 =	seq.s32 s0, $0xC8;
	v0 =	vadd.f32 v1, v0  }
0x2cc: {  	s0 =	simm.s32 @p0 $0x0  }
0x2cd: {  	s22 =	sshll.u32 s0, $0x9;
	[tilespmem:s26+$0xFFFFFFB0] =	vst v0  }
0x2ce: {  	s3 =	sshra.s32 s22, $0x2;
	v0 =	vld [tilespmem:s25+$0x0]  }
0x2cf: {  	v1 =	vld [tilespmem:s3+$0x800];
	_ =	sdelay $0x4  }
0x2d0: {  	v0 =	vadd.f32 v1, v0;
	_ =	sdelay $0x1  }
0x2d1: {  	[tilespmem:s26+$0x0] =	vst v0  }
0x2d2: {  	v0 =	vld [tilespmem:s25+$0x10]  }
0x2d3: {  	v1 =	vld [tilespmem:s3+$0x810];
	_ =	sdelay $0x4  }
0x2d4: {  	v0 =	vadd.f32 v1, v0;
	_ =	sdelay $0x1  }
0x2d5: {  	[tilespmem:s26+$0x10] =	vst v0  }
0x2d6: {  	v0 =	vld [tilespmem:s25+$0x20]  }
0x2d7: {  	v1 =	vld [tilespmem:s3+$0x820];
	_ =	sdelay $0x4  }
0x2d8: {  	v0 =	vadd.f32 v1, v0;
	_ =	sdelay $0x1  }
0x2d9: {  	[tilespmem:s26+$0x20] =	vst v0  }
0x2da: {  	v0 =	vld [tilespmem:s25+$0x30]  }
0x2db: {  	v1 =	vld [tilespmem:s3+$0x830];
	_ =	sdelay $0x3  }
0x2dc: {  	s0 =	sadd.s32 $0x1, s0  }
0x2dd: {  	p0 =	seq.s32 s0, $0xC8;
	v0 =	vadd.f32 v1, v0  }
0x2de: {  	s0 =	simm.s32 @p0 $0x0  }
0x2df: {  	s29 =	sshll.u32 s0, $0x9;
	[tilespmem:s26+$0x30] =	vst v0  }
0x2e0: {  	s3 =	sshra.s32 s29, $0x2;
	v0 =	vld [tilespmem:s25+$0x80]  }
0x2e1: {  	v1 =	vld [tilespmem:s3+$0x800];
	_ =	sdelay $0x4  }
0x2e2: {  	v0 =	vadd.f32 v1, v0;
	_ =	sdelay $0x1  }
0x2e3: {  	[tilespmem:s26+$0x80] =	vst v0  }
0x2e4: {  	v0 =	vld [tilespmem:s25+$0x90]  }
0x2e5: {  	v1 =	vld [tilespmem:s3+$0x810];
	_ =	sdelay $0x4  }
0x2e6: {  	v0 =	vadd.f32 v1, v0;
	_ =	sdelay $0x1  }
0x2e7: {  	[tilespmem:s26+$0x90] =	vst v0  }
0x2e8: {  	v0 =	vld [tilespmem:s25+$0xA0]  }
0x2e9: {  	v1 =	vld [tilespmem:s3+$0x820];
	_ =	sdelay $0x4  }
0x2ea: {  	v0 =	vadd.f32 v1, v0;
	_ =	sdelay $0x1  }
0x2eb: {  	[tilespmem:s26+$0xA0] =	vst v0  }
0x2ec: {  	v0 =	vld [tilespmem:s25+$0xB0]  }
0x2ed: {  	v1 =	vld [tilespmem:s3+$0x830];
	_ =	sdelay $0x3  }
0x2ee: {  	s0 =	sadd.s32 $0x1, s0  }
0x2ef: {  	p0 =	seq.s32 s0, $0xC8;
	v0 =	vadd.f32 v1, v0  }
0x2f0: {  	s0 =	simm.s32 @p0 $0x0  }
0x2f1: {  	s30 =	sshll.u32 s0, $0x9;
	[tilespmem:s26+$0xB0] =	vst v0  }
0x2f2: {  	s3 =	sshra.s32 s30, $0x2;
	v0 =	vld [tilespmem:s25+$0x100]  }
0x2f3: {  	v1 =	vld [tilespmem:s3+$0x800];
	_ =	sdelay $0x4  }
0x2f4: {  	v0 =	vadd.f32 v1, v0;
	_ =	sdelay $0x1  }
0x2f5: {  	[tilespmem:s26+$0x100] =	vst v0  }
0x2f6: {  	v0 =	vld [tilespmem:s25+$0x110]  }
0x2f7: {  	v1 =	vld [tilespmem:s3+$0x810];
	_ =	sdelay $0x4  }
0x2f8: {  	v0 =	vadd.f32 v1, v0;
	_ =	sdelay $0x1  }
0x2f9: {  	[tilespmem:s26+$0x110] =	vst v0  }
0x2fa: {  	v0 =	vld [tilespmem:s25+$0x120]  }
0x2fb: {  	v1 =	vld [tilespmem:s3+$0x820];
	_ =	sdelay $0x4  }
0x2fc: {  	v0 =	vadd.f32 v1, v0;
	_ =	sdelay $0x1  }
0x2fd: {  	[tilespmem:s26+$0x120] =	vst v0  }
0x2fe: {  	v0 =	vld [tilespmem:s25+$0x130]  }
0x2ff: {  	v1 =	vld [tilespmem:s3+$0x830];
	_ =	sdelay $0x3  }
0x300: {  	s0 =	sadd.s32 $0x1, s0  }
0x301: {  	p0 =	seq.s32 s0, $0xC8;
	v0 =	vadd.f32 v1, v0  }
0x302: {  	s0 =	simm.s32 @p0 $0x0  }
0x303: {  	s31 =	sshll.u32 s0, $0x9;
	s21 =	sadd.s32 $0x1, s0;
	[tilespmem:s26+$0x130] =	vst v0  }
0x304: {  	s7 =	sshra.s32 s31, $0x2;
	s12 =	simm.s32 $0x0;
	p0 =	seq.s32 s21, $0xC8;
	v0 =	vld [tilespmem:s25+$0x180]  }
0x305: {  	s0 =	simm.s32 $0x6E00;
	s21 =	simm.s32 @p0 $0x0;
	s3 =	simm.s32 $0xEE00;
	v1 =	vld [tilespmem:s7+$0x800]  }
.LBB2_8:
0x306: {  	_ =	sdelay $0x1  }
0x307: {  	s12 =	sadd.s32 $0x8, s12;
	s25 =	sadd.s32 $0x400, s25;
	s26 =	sadd.s32 $0x400, s26  }
0x308: {  	p0 =	slt.u32 s12, $0x78  }
0x309: {  	v0 =	vadd.f32 v1, v0;
	_ =	sdelay $0x1  }
0x30a: {  	[tilespmem:s3+$0x180] =	vst v0  }
0x30b: {  	v0 =	vld [tilespmem:s0+$0x190]  }
0x30c: {  	v1 =	vld [tilespmem:s7+$0x810];
	_ =	sdelay $0x4  }
0x30d: {  	v0 =	vadd.f32 v1, v0;
	_ =	sdelay $0x1  }
0x30e: {  	[tilespmem:s3+$0x190] =	vst v0  }
0x30f: {  	v0 =	vld [tilespmem:s0+$0x1A0]  }
0x310: {  	v1 =	vld [tilespmem:s7+$0x820];
	_ =	sdelay $0x4  }
0x311: {  	v0 =	vadd.f32 v1, v0;
	_ =	sdelay $0x1  }
0x312: {  	[tilespmem:s3+$0x1A0] =	vst v0  }
0x313: {  	v0 =	vld [tilespmem:s0+$0x1B0];
	s0 =	smov.u32 s25  }
0x314: {  	v1 =	vld [tilespmem:s7+$0x830];
	_ =	sdelay $0x4  }
0x315: {  	v0 =	vadd.f32 v1, v0;
	_ =	sdelay $0x1  }
0x316: {  	s7 =	sshll.u32 s21, $0x9;
	[tilespmem:s3+$0x1B0] =	vst v0;
	s3 =	smov.u32 s26  }
0x317: {  	s7 =	sshra.s32 s7, $0x2;
	v0 =	vld [tilespmem:s25+$0xFFFFFE00]  }
0x318: {  	v1 =	vld [tilespmem:s7+$0x800];
	_ =	sdelay $0x4  }
0x319: {  	v0 =	vadd.f32 v1, v0;
	_ =	sdelay $0x1  }
0x31a: {  	[tilespmem:s26+$0xFFFFFE00] =	vst v0  }
0x31b: {  	v0 =	vld [tilespmem:s25+$0xFFFFFE10]  }
0x31c: {  	v1 =	vld [tilespmem:s7+$0x810];
	_ =	sdelay $0x4  }
0x31d: {  	v0 =	vadd.f32 v1, v0;
	_ =	sdelay $0x1  }
0x31e: {  	[tilespmem:s26+$0xFFFFFE10] =	vst v0  }
0x31f: {  	v0 =	vld [tilespmem:s25+$0xFFFFFE20]  }
0x320: {  	v1 =	vld [tilespmem:s7+$0x820];
	_ =	sdelay $0x4  }
0x321: {  	v0 =	vadd.f32 v1, v0;
	_ =	sdelay $0x1  }
0x322: {  	[tilespmem:s26+$0xFFFFFE20] =	vst v0  }
0x323: {  	v0 =	vld [tilespmem:s25+$0xFFFFFE30]  }
0x324: {  	v1 =	vld [tilespmem:s7+$0x830];
	_ =	sdelay $0x3  }
0x325: {  	s7 =	sadd.s32 $0x1, s21  }
0x326: {  	p1 =	seq.s32 s7, $0xC8;
	v0 =	vadd.f32 v1, v0  }
0x327: {  	s7 =	simm.s32 @p1 $0x0  }
0x328: {  	s8 =	sshll.u32 s7, $0x9;
	s7 =	sadd.s32 $0x1, s7;
	[tilespmem:s26+$0xFFFFFE30] =	vst v0  }
0x329: {  	s22 =	sshra.s32 s8, $0x2;
	p1 =	seq.s32 s7, $0xC8;
	v0 =	vld [tilespmem:s25+$0xFFFFFE80]  }
0x32a: {  	s7 =	simm.s32 @p1 $0x0;
	v1 =	vld [tilespmem:s22+$0x800]  }
0x32b: {  	s13 =	sshll.u32 s7, $0x9;
	s7 =	sadd.s32 $0x1, s7  }
0x32c: {  	p1 =	seq.s32 s7, $0xC8  }
0x32d: {  	s7 =	simm.s32 @p1 $0x0  }
0x32e: {  	s11 =	sshll.u32 s7, $0x9;
	s7 =	sadd.s32 $0x1, s7  }
0x32f: {  	p1 =	seq.s32 s7, $0xC8;
	v0 =	vadd.f32 v1, v0  }
0x330: {  	s7 =	simm.s32 @p1 $0x0  }
0x331: {  	s10 =	sshll.u32 s7, $0x9;
	s7 =	sadd.s32 $0x1, s7;
	[tilespmem:s26+$0xFFFFFE80] =	vst v0  }
0x332: {  	p1 =	seq.s32 s7, $0xC8;
	v0 =	vld [tilespmem:s25+$0xFFFFFE90]  }
0x333: {  	s7 =	simm.s32 @p1 $0x0;
	v1 =	vld [tilespmem:s22+$0x810]  }
0x334: {  	s9 =	sshll.u32 s7, $0x9;
	s7 =	sadd.s32 $0x1, s7  }
0x335: {  	p1 =	seq.s32 s7, $0xC8  }
0x336: {  	s7 =	simm.s32 @p1 $0x0  }
0x337: {  	s8 =	sshll.u32 s7, $0x9;
	s21 =	sadd.s32 $0x1, s7  }
0x338: {  	p1 =	seq.s32 s21, $0xC8;
	v0 =	vadd.f32 v1, v0  }
0x339: {  	s21 =	simm.s32 @p1 $0x0  }
0x33a: {  	s7 =	sshll.u32 s21, $0x9;
	s21 =	sadd.s32 $0x1, s21;
	[tilespmem:s26+$0xFFFFFE90] =	vst v0  }
0x33b: {  	p1 =	seq.s32 s21, $0xC8;
	v0 =	vld [tilespmem:s25+$0xFFFFFEA0]  }
0x33c: {  	s21 =	simm.s32 @p1 $0x0;
	v1 =	vld [tilespmem:s22+$0x820];
	_ =	sdelay $0x4  }
0x33d: {  	v0 =	vadd.f32 v1, v0;
	_ =	sdelay $0x1  }
0x33e: {  	[tilespmem:s26+$0xFFFFFEA0] =	vst v0  }
0x33f: {  	v0 =	vld [tilespmem:s25+$0xFFFFFEB0]  }
0x340: {  	v1 =	vld [tilespmem:s22+$0x830];
	_ =	sdelay $0x4  }
0x341: {  	v0 =	vadd.f32 v1, v0;
	_ =	sdelay $0x1  }
0x342: {  	[tilespmem:s26+$0xFFFFFEB0] =	vst v0  }
0x343: {  	s13 =	sshra.s32 s13, $0x2;
	v0 =	vld [tilespmem:s25+$0xFFFFFF00]  }
0x344: {  	v1 =	vld [tilespmem:s13+$0x800];
	_ =	sdelay $0x4  }
0x345: {  	v0 =	vadd.f32 v1, v0;
	_ =	sdelay $0x1  }
0x346: {  	[tilespmem:s26+$0xFFFFFF00] =	vst v0  }
0x347: {  	v0 =	vld [tilespmem:s25+$0xFFFFFF10]  }
0x348: {  	v1 =	vld [tilespmem:s13+$0x810];
	_ =	sdelay $0x4  }
0x349: {  	v0 =	vadd.f32 v1, v0;
	_ =	sdelay $0x1  }
0x34a: {  	[tilespmem:s26+$0xFFFFFF10] =	vst v0  }
0x34b: {  	v0 =	vld [tilespmem:s25+$0xFFFFFF20]  }
0x34c: {  	v1 =	vld [tilespmem:s13+$0x820];
	_ =	sdelay $0x4  }
0x34d: {  	v0 =	vadd.f32 v1, v0;
	_ =	sdelay $0x1  }
0x34e: {  	[tilespmem:s26+$0xFFFFFF20] =	vst v0  }
0x34f: {  	v0 =	vld [tilespmem:s25+$0xFFFFFF30]  }
0x350: {  	v1 =	vld [tilespmem:s13+$0x830];
	_ =	sdelay $0x4  }
0x351: {  	v0 =	vadd.f32 v1, v0;
	_ =	sdelay $0x1  }
0x352: {  	[tilespmem:s26+$0xFFFFFF30] =	vst v0  }
0x353: {  	s11 =	sshra.s32 s11, $0x2;
	v0 =	vld [tilespmem:s25+$0xFFFFFF80]  }
0x354: {  	v1 =	vld [tilespmem:s11+$0x800];
	_ =	sdelay $0x4  }
0x355: {  	v0 =	vadd.f32 v1, v0;
	_ =	sdelay $0x1  }
0x356: {  	[tilespmem:s26+$0xFFFFFF80] =	vst v0  }
0x357: {  	v0 =	vld [tilespmem:s25+$0xFFFFFF90]  }
0x358: {  	v1 =	vld [tilespmem:s11+$0x810];
	_ =	sdelay $0x4  }
0x359: {  	v0 =	vadd.f32 v1, v0;
	_ =	sdelay $0x1  }
0x35a: {  	[tilespmem:s26+$0xFFFFFF90] =	vst v0  }
0x35b: {  	v0 =	vld [tilespmem:s25+$0xFFFFFFA0]  }
0x35c: {  	v1 =	vld [tilespmem:s11+$0x820];
	_ =	sdelay $0x4  }
0x35d: {  	v0 =	vadd.f32 v1, v0;
	_ =	sdelay $0x1  }
0x35e: {  	[tilespmem:s26+$0xFFFFFFA0] =	vst v0  }
0x35f: {  	v0 =	vld [tilespmem:s25+$0xFFFFFFB0]  }
0x360: {  	v1 =	vld [tilespmem:s11+$0x830];
	_ =	sdelay $0x4  }
0x361: {  	v0 =	vadd.f32 v1, v0;
	_ =	sdelay $0x1  }
0x362: {  	[tilespmem:s26+$0xFFFFFFB0] =	vst v0  }
0x363: {  	s10 =	sshra.s32 s10, $0x2;
	v0 =	vld [tilespmem:s25+$0x0]  }
0x364: {  	v1 =	vld [tilespmem:s10+$0x800];
	_ =	sdelay $0x4  }
0x365: {  	v0 =	vadd.f32 v1, v0;
	_ =	sdelay $0x1  }
0x366: {  	[tilespmem:s26+$0x0] =	vst v0  }
0x367: {  	v0 =	vld [tilespmem:s25+$0x10]  }
0x368: {  	v1 =	vld [tilespmem:s10+$0x810];
	_ =	sdelay $0x4  }
0x369: {  	v0 =	vadd.f32 v1, v0;
	_ =	sdelay $0x1  }
0x36a: {  	[tilespmem:s26+$0x10] =	vst v0  }
0x36b: {  	v0 =	vld [tilespmem:s25+$0x20]  }
0x36c: {  	v1 =	vld [tilespmem:s10+$0x820];
	_ =	sdelay $0x4  }
0x36d: {  	v0 =	vadd.f32 v1, v0;
	_ =	sdelay $0x1  }
0x36e: {  	[tilespmem:s26+$0x20] =	vst v0  }
0x36f: {  	v0 =	vld [tilespmem:s25+$0x30]  }
0x370: {  	v1 =	vld [tilespmem:s10+$0x830];
	_ =	sdelay $0x4  }
0x371: {  	v0 =	vadd.f32 v1, v0;
	_ =	sdelay $0x1  }
0x372: {  	[tilespmem:s26+$0x30] =	vst v0  }
0x373: {  	s9 =	sshra.s32 s9, $0x2;
	v0 =	vld [tilespmem:s25+$0x80]  }
0x374: {  	v1 =	vld [tilespmem:s9+$0x800];
	_ =	sdelay $0x4  }
0x375: {  	v0 =	vadd.f32 v1, v0;
	_ =	sdelay $0x1  }
0x376: {  	[tilespmem:s26+$0x80] =	vst v0  }
0x377: {  	v0 =	vld [tilespmem:s25+$0x90]  }
0x378: {  	v1 =	vld [tilespmem:s9+$0x810];
	_ =	sdelay $0x4  }
0x379: {  	v0 =	vadd.f32 v1, v0;
	_ =	sdelay $0x1  }
0x37a: {  	[tilespmem:s26+$0x90] =	vst v0  }
0x37b: {  	v0 =	vld [tilespmem:s25+$0xA0]  }
0x37c: {  	v1 =	vld [tilespmem:s9+$0x820];
	_ =	sdelay $0x4  }
0x37d: {  	v0 =	vadd.f32 v1, v0;
	_ =	sdelay $0x1  }
0x37e: {  	[tilespmem:s26+$0xA0] =	vst v0  }
0x37f: {  	v0 =	vld [tilespmem:s25+$0xB0]  }
0x380: {  	v1 =	vld [tilespmem:s9+$0x830];
	_ =	sdelay $0x4  }
0x381: {  	v0 =	vadd.f32 v1, v0;
	_ =	sdelay $0x1  }
0x382: {  	[tilespmem:s26+$0xB0] =	vst v0  }
0x383: {  	s8 =	sshra.s32 s8, $0x2;
	v0 =	vld [tilespmem:s25+$0x100]  }
0x384: {  	v1 =	vld [tilespmem:s8+$0x800];
	_ =	sdelay $0x4  }
0x385: {  	v0 =	vadd.f32 v1, v0;
	_ =	sdelay $0x1  }
0x386: {  	[tilespmem:s26+$0x100] =	vst v0  }
0x387: {  	v0 =	vld [tilespmem:s25+$0x110]  }
0x388: {  	v1 =	vld [tilespmem:s8+$0x810];
	_ =	sdelay $0x4  }
0x389: {  	v0 =	vadd.f32 v1, v0;
	_ =	sdelay $0x1  }
0x38a: {  	[tilespmem:s26+$0x110] =	vst v0  }
0x38b: {  	v0 =	vld [tilespmem:s25+$0x120]  }
0x38c: {  	v1 =	vld [tilespmem:s8+$0x820];
	_ =	sdelay $0x4  }
0x38d: {  	v0 =	vadd.f32 v1, v0;
	_ =	sdelay $0x1  }
0x38e: {  	[tilespmem:s26+$0x120] =	vst v0  }
0x38f: {  	v0 =	vld [tilespmem:s25+$0x130]  }
0x390: {  	v1 =	vld [tilespmem:s8+$0x830];
	_ =	sdelay $0x4  }
.Ltmp3:
0x391: {  	v0 =	vadd.f32 v1, v0;
	(pc) =	sbr.rel @p0 .LBB2_8-.Ltmp3, $4  }
0x392: {  	_ = 	snop  }
0x393: {  	[tilespmem:s26+$0x130] =	vst v0  }
0x394: {  	s7 =	sshra.s32 s7, $0x2;
	v0 =	vld [tilespmem:s25+$0x180]  }
0x395: {  	v1 =	vld [tilespmem:s7+$0x800]  }
0x396: {  	_ =	sdelay $0x3  }
0x397: {  	v0 =	vadd.f32 v1, v0;
	_ =	sdelay $0x1  }
0x398: {  	[tilespmem:s3+$0x180] =	vst v0  }
0x399: {  	v0 =	vld [tilespmem:s0+$0x190]  }
0x39a: {  	v1 =	vld [tilespmem:s7+$0x810];
	_ =	sdelay $0x4  }
0x39b: {  	v0 =	vadd.f32 v1, v0;
	_ =	sdelay $0x1  }
0x39c: {  	[tilespmem:s3+$0x190] =	vst v0  }
0x39d: {  	v0 =	vld [tilespmem:s0+$0x1A0]  }
0x39e: {  	v1 =	vld [tilespmem:s7+$0x820];
	_ =	sdelay $0x4  }
0x39f: {  	v0 =	vadd.f32 v1, v0;
	_ =	sdelay $0x1  }
0x3a0: {  	[tilespmem:s3+$0x1A0] =	vst v0  }
0x3a1: {  	v0 =	vld [tilespmem:s0+$0x1B0]  }
0x3a2: {  	v1 =	vld [tilespmem:s7+$0x830];
	_ =	sdelay $0x4  }
0x3a3: {  	v0 =	vadd.f32 v1, v0;
	_ =	sdelay $0x1  }
0x3a4: {  	s10 =	rddreg [dreg:$0x7];
	[tilespmem:s3+$0x1B0] =	vst v0  }
0x3a5: {  	[hbm4b:s10+s5] =	stream.linear.scatter [tilespmem:s18], [sflag:$0x3], $0x4000, $0x38;
	[tilespmem:$0x16C00] =	vst v63  }
0x3a6: {  	_ =	swait.ge [sflag:s19], $0x4000  }
0x3a7: {  	[sflag:s19] =	ssyncset.done $0x0  }
0x3a8: {  	[sflag:s19] =	ssyncadd.s32 $0xFFFFC000  }
0x3a9: {  	_ =	swait.ge [sflag:s23], $0x4000  }
0x3aa: {  	[sflag:s23] =	ssyncset.done $0x0  }
0x3ab: {  	s25 =	simm.s32 $0xAE00;
	[sflag:s23] =	ssyncadd.s32 $0xFFFFC000  }
0x3ac: {  	s11 =	simm.s32 $0x2400;
	v0 =	vld [tilespmem:s25+$0xFFFFFE00]  }
0x3ad: {  	v1 =	vld [tilespmem:s11+$0x800];
	_ =	sdelay $0x4  }
0x3ae: {  	v0 =	vadd.f32 v1, v0  }
0x3af: {  	s26 =	simm.s32 $0x12E00  }
0x3b0: {  	[tilespmem:s26+$0xFFFFFE00] =	vst v0  }
0x3b1: {  	v0 =	vld [tilespmem:s25+$0xFFFFFE10]  }
0x3b2: {  	v1 =	vld [tilespmem:s11+$0x810];
	_ =	sdelay $0x4  }
0x3b3: {  	v0 =	vadd.f32 v1, v0;
	_ =	sdelay $0x1  }
0x3b4: {  	[tilespmem:s26+$0xFFFFFE10] =	vst v0  }
0x3b5: {  	v0 =	vld [tilespmem:s25+$0xFFFFFE20]  }
0x3b6: {  	v1 =	vld [tilespmem:s11+$0x820];
	_ =	sdelay $0x4  }
0x3b7: {  	v0 =	vadd.f32 v1, v0;
	_ =	sdelay $0x1  }
0x3b8: {  	[tilespmem:s26+$0xFFFFFE20] =	vst v0  }
0x3b9: {  	v0 =	vld [tilespmem:s25+$0xFFFFFE30]  }
0x3ba: {  	v1 =	vld [tilespmem:s11+$0x830];
	_ =	sdelay $0x4  }
0x3bb: {  	p0 =	por $0x0, $0x0;
	s0 =	simm.s32 $0x49;
	v0 =	vadd.f32 v1, v0  }
0x3bc: {  	s0 =	simm.s32 @p0 $0x0  }
0x3bd: {  	s12 =	sshll.u32 s0, $0x9;
	[tilespmem:s26+$0xFFFFFE30] =	vst v0  }
0x3be: {  	s3 =	sshra.s32 s12, $0x2;
	v0 =	vld [tilespmem:s25+$0xFFFFFE80]  }
0x3bf: {  	v1 =	vld [tilespmem:s3+$0x800];
	_ =	sdelay $0x4  }
0x3c0: {  	v0 =	vadd.f32 v1, v0;
	_ =	sdelay $0x1  }
0x3c1: {  	[tilespmem:s26+$0xFFFFFE80] =	vst v0  }
0x3c2: {  	v0 =	vld [tilespmem:s25+$0xFFFFFE90]  }
0x3c3: {  	v1 =	vld [tilespmem:s3+$0x810];
	_ =	sdelay $0x4  }
0x3c4: {  	v0 =	vadd.f32 v1, v0;
	_ =	sdelay $0x1  }
0x3c5: {  	[tilespmem:s26+$0xFFFFFE90] =	vst v0  }
0x3c6: {  	v0 =	vld [tilespmem:s25+$0xFFFFFEA0]  }
0x3c7: {  	v1 =	vld [tilespmem:s3+$0x820];
	_ =	sdelay $0x4  }
0x3c8: {  	v0 =	vadd.f32 v1, v0;
	_ =	sdelay $0x1  }
0x3c9: {  	[tilespmem:s26+$0xFFFFFEA0] =	vst v0  }
0x3ca: {  	v0 =	vld [tilespmem:s25+$0xFFFFFEB0]  }
0x3cb: {  	v1 =	vld [tilespmem:s3+$0x830];
	_ =	sdelay $0x3  }
0x3cc: {  	s0 =	sadd.s32 $0x1, s0  }
0x3cd: {  	p0 =	seq.s32 s0, $0xC8;
	v0 =	vadd.f32 v1, v0  }
0x3ce: {  	s0 =	simm.s32 @p0 $0x0  }
0x3cf: {  	s13 =	sshll.u32 s0, $0x9;
	[tilespmem:s26+$0xFFFFFEB0] =	vst v0  }
0x3d0: {  	s3 =	sshra.s32 s13, $0x2;
	v0 =	vld [tilespmem:s25+$0xFFFFFF00]  }
0x3d1: {  	v1 =	vld [tilespmem:s3+$0x800];
	_ =	sdelay $0x4  }
0x3d2: {  	v0 =	vadd.f32 v1, v0;
	_ =	sdelay $0x1  }
0x3d3: {  	[tilespmem:s26+$0xFFFFFF00] =	vst v0  }
0x3d4: {  	v0 =	vld [tilespmem:s25+$0xFFFFFF10]  }
0x3d5: {  	v1 =	vld [tilespmem:s3+$0x810];
	_ =	sdelay $0x4  }
0x3d6: {  	v0 =	vadd.f32 v1, v0;
	_ =	sdelay $0x1  }
0x3d7: {  	[tilespmem:s26+$0xFFFFFF10] =	vst v0  }
0x3d8: {  	v0 =	vld [tilespmem:s25+$0xFFFFFF20]  }
0x3d9: {  	v1 =	vld [tilespmem:s3+$0x820];
	_ =	sdelay $0x4  }
0x3da: {  	v0 =	vadd.f32 v1, v0;
	_ =	sdelay $0x1  }
0x3db: {  	[tilespmem:s26+$0xFFFFFF20] =	vst v0  }
0x3dc: {  	v0 =	vld [tilespmem:s25+$0xFFFFFF30]  }
0x3dd: {  	v1 =	vld [tilespmem:s3+$0x830];
	_ =	sdelay $0x3  }
0x3de: {  	s0 =	sadd.s32 $0x1, s0  }
0x3df: {  	p0 =	seq.s32 s0, $0xC8;
	v0 =	vadd.f32 v1, v0  }
0x3e0: {  	s0 =	simm.s32 @p0 $0x0  }
0x3e1: {  	s21 =	sshll.u32 s0, $0x9;
	[tilespmem:s26+$0xFFFFFF30] =	vst v0  }
0x3e2: {  	s3 =	sshra.s32 s21, $0x2;
	v0 =	vld [tilespmem:s25+$0xFFFFFF80]  }
0x3e3: {  	v1 =	vld [tilespmem:s3+$0x800];
	_ =	sdelay $0x4  }
0x3e4: {  	v0 =	vadd.f32 v1, v0;
	_ =	sdelay $0x1  }
0x3e5: {  	[tilespmem:s26+$0xFFFFFF80] =	vst v0  }
0x3e6: {  	v0 =	vld [tilespmem:s25+$0xFFFFFF90]  }
0x3e7: {  	v1 =	vld [tilespmem:s3+$0x810];
	_ =	sdelay $0x4  }
0x3e8: {  	v0 =	vadd.f32 v1, v0;
	_ =	sdelay $0x1  }
0x3e9: {  	[tilespmem:s26+$0xFFFFFF90] =	vst v0  }
0x3ea: {  	v0 =	vld [tilespmem:s25+$0xFFFFFFA0]  }
0x3eb: {  	v1 =	vld [tilespmem:s3+$0x820];
	_ =	sdelay $0x4  }
0x3ec: {  	v0 =	vadd.f32 v1, v0;
	_ =	sdelay $0x1  }
0x3ed: {  	[tilespmem:s26+$0xFFFFFFA0] =	vst v0  }
0x3ee: {  	v0 =	vld [tilespmem:s25+$0xFFFFFFB0]  }
0x3ef: {  	v1 =	vld [tilespmem:s3+$0x830];
	_ =	sdelay $0x3  }
0x3f0: {  	s0 =	sadd.s32 $0x1, s0  }
0x3f1: {  	p0 =	seq.s32 s0, $0xC8;
	v0 =	vadd.f32 v1, v0  }
0x3f2: {  	s0 =	simm.s32 @p0 $0x0  }
0x3f3: {  	s22 =	sshll.u32 s0, $0x9;
	[tilespmem:s26+$0xFFFFFFB0] =	vst v0  }
0x3f4: {  	s3 =	sshra.s32 s22, $0x2;
	v0 =	vld [tilespmem:s25+$0x0]  }
0x3f5: {  	v1 =	vld [tilespmem:s3+$0x800];
	_ =	sdelay $0x4  }
0x3f6: {  	v0 =	vadd.f32 v1, v0;
	_ =	sdelay $0x1  }
0x3f7: {  	[tilespmem:s26+$0x0] =	vst v0  }
0x3f8: {  	v0 =	vld [tilespmem:s25+$0x10]  }
0x3f9: {  	v1 =	vld [tilespmem:s3+$0x810];
	_ =	sdelay $0x4  }
0x3fa: {  	v0 =	vadd.f32 v1, v0;
	_ =	sdelay $0x1  }
0x3fb: {  	[tilespmem:s26+$0x10] =	vst v0  }
0x3fc: {  	v0 =	vld [tilespmem:s25+$0x20]  }
0x3fd: {  	v1 =	vld [tilespmem:s3+$0x820];
	_ =	sdelay $0x4  }
0x3fe: {  	v0 =	vadd.f32 v1, v0;
	_ =	sdelay $0x1  }
0x3ff: {  	[tilespmem:s26+$0x20] =	vst v0  }
0x400: {  	v0 =	vld [tilespmem:s25+$0x30]  }
0x401: {  	v1 =	vld [tilespmem:s3+$0x830];
	_ =	sdelay $0x3  }
0x402: {  	s0 =	sadd.s32 $0x1, s0  }
0x403: {  	p0 =	seq.s32 s0, $0xC8;
	v0 =	vadd.f32 v1, v0  }
0x404: {  	s0 =	simm.s32 @p0 $0x0  }
0x405: {  	s29 =	sshll.u32 s0, $0x9;
	[tilespmem:s26+$0x30] =	vst v0  }
0x406: {  	s3 =	sshra.s32 s29, $0x2;
	v0 =	vld [tilespmem:s25+$0x80]  }
0x407: {  	v1 =	vld [tilespmem:s3+$0x800];
	_ =	sdelay $0x4  }
0x408: {  	v0 =	vadd.f32 v1, v0;
	_ =	sdelay $0x1  }
0x409: {  	[tilespmem:s26+$0x80] =	vst v0  }
0x40a: {  	v0 =	vld [tilespmem:s25+$0x90]  }
0x40b: {  	v1 =	vld [tilespmem:s3+$0x810];
	_ =	sdelay $0x4  }
0x40c: {  	v0 =	vadd.f32 v1, v0;
	_ =	sdelay $0x1  }
0x40d: {  	[tilespmem:s26+$0x90] =	vst v0  }
0x40e: {  	v0 =	vld [tilespmem:s25+$0xA0]  }
0x40f: {  	v1 =	vld [tilespmem:s3+$0x820];
	_ =	sdelay $0x4  }
0x410: {  	v0 =	vadd.f32 v1, v0;
	_ =	sdelay $0x1  }
0x411: {  	[tilespmem:s26+$0xA0] =	vst v0  }
0x412: {  	v0 =	vld [tilespmem:s25+$0xB0]  }
0x413: {  	v1 =	vld [tilespmem:s3+$0x830];
	_ =	sdelay $0x3  }
0x414: {  	s0 =	sadd.s32 $0x1, s0  }
0x415: {  	p0 =	seq.s32 s0, $0xC8;
	v0 =	vadd.f32 v1, v0  }
0x416: {  	s0 =	simm.s32 @p0 $0x0  }
0x417: {  	s30 =	sshll.u32 s0, $0x9;
	[tilespmem:s26+$0xB0] =	vst v0  }
0x418: {  	s3 =	sshra.s32 s30, $0x2;
	v0 =	vld [tilespmem:s25+$0x100]  }
0x419: {  	v1 =	vld [tilespmem:s3+$0x800];
	_ =	sdelay $0x4  }
0x41a: {  	v0 =	vadd.f32 v1, v0;
	_ =	sdelay $0x1  }
0x41b: {  	[tilespmem:s26+$0x100] =	vst v0  }
0x41c: {  	v0 =	vld [tilespmem:s25+$0x110]  }
0x41d: {  	v1 =	vld [tilespmem:s3+$0x810];
	_ =	sdelay $0x4  }
0x41e: {  	v0 =	vadd.f32 v1, v0;
	_ =	sdelay $0x1  }
0x41f: {  	[tilespmem:s26+$0x110] =	vst v0  }
0x420: {  	v0 =	vld [tilespmem:s25+$0x120]  }
0x421: {  	v1 =	vld [tilespmem:s3+$0x820];
	_ =	sdelay $0x4  }
0x422: {  	v0 =	vadd.f32 v1, v0;
	_ =	sdelay $0x1  }
0x423: {  	[tilespmem:s26+$0x120] =	vst v0  }
0x424: {  	v0 =	vld [tilespmem:s25+$0x130]  }
0x425: {  	v1 =	vld [tilespmem:s3+$0x830];
	_ =	sdelay $0x3  }
0x426: {  	s0 =	sadd.s32 $0x1, s0  }
0x427: {  	p0 =	seq.s32 s0, $0xC8;
	v0 =	vadd.f32 v1, v0  }
0x428: {  	s0 =	simm.s32 @p0 $0x0  }
0x429: {  	s31 =	sshll.u32 s0, $0x9;
	s21 =	sadd.s32 $0x1, s0;
	[tilespmem:s26+$0x130] =	vst v0  }
0x42a: {  	s12 =	simm.s32 $0x0;
	s7 =	sshra.s32 s31, $0x2;
	p0 =	seq.s32 s21, $0xC8;
	v0 =	vld [tilespmem:s25+$0x180]  }
0x42b: {  	s0 =	simm.s32 $0xAE00;
	s21 =	simm.s32 @p0 $0x0;
	s3 =	simm.s32 $0x12E00;
	v1 =	vld [tilespmem:s7+$0x800]  }
.LBB2_10:
0x42c: {  	_ =	sdelay $0x1  }
0x42d: {  	s12 =	sadd.s32 $0x8, s12;
	s25 =	sadd.s32 $0x400, s25;
	s26 =	sadd.s32 $0x400, s26  }
0x42e: {  	p0 =	slt.u32 s12, $0x78  }
0x42f: {  	v0 =	vadd.f32 v1, v0;
	_ =	sdelay $0x1  }
0x430: {  	[tilespmem:s3+$0x180] =	vst v0  }
0x431: {  	v0 =	vld [tilespmem:s0+$0x190]  }
0x432: {  	v1 =	vld [tilespmem:s7+$0x810];
	_ =	sdelay $0x4  }
0x433: {  	v0 =	vadd.f32 v1, v0;
	_ =	sdelay $0x1  }
0x434: {  	[tilespmem:s3+$0x190] =	vst v0  }
0x435: {  	v0 =	vld [tilespmem:s0+$0x1A0]  }
0x436: {  	v1 =	vld [tilespmem:s7+$0x820];
	_ =	sdelay $0x4  }
0x437: {  	v0 =	vadd.f32 v1, v0;
	_ =	sdelay $0x1  }
0x438: {  	[tilespmem:s3+$0x1A0] =	vst v0  }
0x439: {  	v0 =	vld [tilespmem:s0+$0x1B0];
	s0 =	smov.u32 s25  }
0x43a: {  	v1 =	vld [tilespmem:s7+$0x830];
	_ =	sdelay $0x4  }
0x43b: {  	v0 =	vadd.f32 v1, v0;
	_ =	sdelay $0x1  }
0x43c: {  	s7 =	sshll.u32 s21, $0x9;
	[tilespmem:s3+$0x1B0] =	vst v0;
	s3 =	smov.u32 s26  }
0x43d: {  	s7 =	sshra.s32 s7, $0x2;
	v0 =	vld [tilespmem:s25+$0xFFFFFE00]  }
0x43e: {  	v1 =	vld [tilespmem:s7+$0x800];
	_ =	sdelay $0x4  }
0x43f: {  	v0 =	vadd.f32 v1, v0;
	_ =	sdelay $0x1  }
0x440: {  	[tilespmem:s26+$0xFFFFFE00] =	vst v0  }
0x441: {  	v0 =	vld [tilespmem:s25+$0xFFFFFE10]  }
0x442: {  	v1 =	vld [tilespmem:s7+$0x810];
	_ =	sdelay $0x4  }
0x443: {  	v0 =	vadd.f32 v1, v0;
	_ =	sdelay $0x1  }
0x444: {  	[tilespmem:s26+$0xFFFFFE10] =	vst v0  }
0x445: {  	v0 =	vld [tilespmem:s25+$0xFFFFFE20]  }
0x446: {  	v1 =	vld [tilespmem:s7+$0x820];
	_ =	sdelay $0x4  }
0x447: {  	v0 =	vadd.f32 v1, v0;
	_ =	sdelay $0x1  }
0x448: {  	[tilespmem:s26+$0xFFFFFE20] =	vst v0  }
0x449: {  	v0 =	vld [tilespmem:s25+$0xFFFFFE30]  }
0x44a: {  	v1 =	vld [tilespmem:s7+$0x830];
	_ =	sdelay $0x3  }
0x44b: {  	s7 =	sadd.s32 $0x1, s21  }
0x44c: {  	p1 =	seq.s32 s7, $0xC8;
	v0 =	vadd.f32 v1, v0  }
0x44d: {  	s7 =	simm.s32 @p1 $0x0  }
0x44e: {  	s8 =	sshll.u32 s7, $0x9;
	s7 =	sadd.s32 $0x1, s7;
	[tilespmem:s26+$0xFFFFFE30] =	vst v0  }
0x44f: {  	s22 =	sshra.s32 s8, $0x2;
	p1 =	seq.s32 s7, $0xC8;
	v0 =	vld [tilespmem:s25+$0xFFFFFE80]  }
0x450: {  	s7 =	simm.s32 @p1 $0x0;
	v1 =	vld [tilespmem:s22+$0x800]  }
0x451: {  	s13 =	sshll.u32 s7, $0x9;
	s7 =	sadd.s32 $0x1, s7  }
0x452: {  	p1 =	seq.s32 s7, $0xC8  }
0x453: {  	s7 =	simm.s32 @p1 $0x0  }
0x454: {  	s11 =	sshll.u32 s7, $0x9;
	s7 =	sadd.s32 $0x1, s7  }
0x455: {  	p1 =	seq.s32 s7, $0xC8;
	v0 =	vadd.f32 v1, v0  }
0x456: {  	s7 =	simm.s32 @p1 $0x0  }
0x457: {  	s10 =	sshll.u32 s7, $0x9;
	s7 =	sadd.s32 $0x1, s7;
	[tilespmem:s26+$0xFFFFFE80] =	vst v0  }
0x458: {  	p1 =	seq.s32 s7, $0xC8;
	v0 =	vld [tilespmem:s25+$0xFFFFFE90]  }
0x459: {  	s7 =	simm.s32 @p1 $0x0;
	v1 =	vld [tilespmem:s22+$0x810]  }
0x45a: {  	s9 =	sshll.u32 s7, $0x9;
	s7 =	sadd.s32 $0x1, s7  }
0x45b: {  	p1 =	seq.s32 s7, $0xC8  }
0x45c: {  	s7 =	simm.s32 @p1 $0x0  }
0x45d: {  	s8 =	sshll.u32 s7, $0x9;
	s21 =	sadd.s32 $0x1, s7  }
0x45e: {  	p1 =	seq.s32 s21, $0xC8;
	v0 =	vadd.f32 v1, v0  }
0x45f: {  	s21 =	simm.s32 @p1 $0x0  }
0x460: {  	s7 =	sshll.u32 s21, $0x9;
	s21 =	sadd.s32 $0x1, s21;
	[tilespmem:s26+$0xFFFFFE90] =	vst v0  }
0x461: {  	p1 =	seq.s32 s21, $0xC8;
	v0 =	vld [tilespmem:s25+$0xFFFFFEA0]  }
0x462: {  	s21 =	simm.s32 @p1 $0x0;
	v1 =	vld [tilespmem:s22+$0x820];
	_ =	sdelay $0x4  }
0x463: {  	v0 =	vadd.f32 v1, v0;
	_ =	sdelay $0x1  }
0x464: {  	[tilespmem:s26+$0xFFFFFEA0] =	vst v0  }
0x465: {  	v0 =	vld [tilespmem:s25+$0xFFFFFEB0]  }
0x466: {  	v1 =	vld [tilespmem:s22+$0x830];
	_ =	sdelay $0x4  }
0x467: {  	v0 =	vadd.f32 v1, v0;
	_ =	sdelay $0x1  }
0x468: {  	[tilespmem:s26+$0xFFFFFEB0] =	vst v0  }
0x469: {  	s13 =	sshra.s32 s13, $0x2;
	v0 =	vld [tilespmem:s25+$0xFFFFFF00]  }
0x46a: {  	v1 =	vld [tilespmem:s13+$0x800];
	_ =	sdelay $0x4  }
0x46b: {  	v0 =	vadd.f32 v1, v0;
	_ =	sdelay $0x1  }
0x46c: {  	[tilespmem:s26+$0xFFFFFF00] =	vst v0  }
0x46d: {  	v0 =	vld [tilespmem:s25+$0xFFFFFF10]  }
0x46e: {  	v1 =	vld [tilespmem:s13+$0x810];
	_ =	sdelay $0x4  }
0x46f: {  	v0 =	vadd.f32 v1, v0;
	_ =	sdelay $0x1  }
0x470: {  	[tilespmem:s26+$0xFFFFFF10] =	vst v0  }
0x471: {  	v0 =	vld [tilespmem:s25+$0xFFFFFF20]  }
0x472: {  	v1 =	vld [tilespmem:s13+$0x820];
	_ =	sdelay $0x4  }
0x473: {  	v0 =	vadd.f32 v1, v0;
	_ =	sdelay $0x1  }
0x474: {  	[tilespmem:s26+$0xFFFFFF20] =	vst v0  }
0x475: {  	v0 =	vld [tilespmem:s25+$0xFFFFFF30]  }
0x476: {  	v1 =	vld [tilespmem:s13+$0x830];
	_ =	sdelay $0x4  }
0x477: {  	v0 =	vadd.f32 v1, v0;
	_ =	sdelay $0x1  }
0x478: {  	[tilespmem:s26+$0xFFFFFF30] =	vst v0  }
0x479: {  	s11 =	sshra.s32 s11, $0x2;
	v0 =	vld [tilespmem:s25+$0xFFFFFF80]  }
0x47a: {  	v1 =	vld [tilespmem:s11+$0x800];
	_ =	sdelay $0x4  }
0x47b: {  	v0 =	vadd.f32 v1, v0;
	_ =	sdelay $0x1  }
0x47c: {  	[tilespmem:s26+$0xFFFFFF80] =	vst v0  }
0x47d: {  	v0 =	vld [tilespmem:s25+$0xFFFFFF90]  }
0x47e: {  	v1 =	vld [tilespmem:s11+$0x810];
	_ =	sdelay $0x4  }
0x47f: {  	v0 =	vadd.f32 v1, v0;
	_ =	sdelay $0x1  }
0x480: {  	[tilespmem:s26+$0xFFFFFF90] =	vst v0  }
0x481: {  	v0 =	vld [tilespmem:s25+$0xFFFFFFA0]  }
0x482: {  	v1 =	vld [tilespmem:s11+$0x820];
	_ =	sdelay $0x4  }
0x483: {  	v0 =	vadd.f32 v1, v0;
	_ =	sdelay $0x1  }
0x484: {  	[tilespmem:s26+$0xFFFFFFA0] =	vst v0  }
0x485: {  	v0 =	vld [tilespmem:s25+$0xFFFFFFB0]  }
0x486: {  	v1 =	vld [tilespmem:s11+$0x830];
	_ =	sdelay $0x4  }
0x487: {  	v0 =	vadd.f32 v1, v0;
	_ =	sdelay $0x1  }
0x488: {  	[tilespmem:s26+$0xFFFFFFB0] =	vst v0  }
0x489: {  	s10 =	sshra.s32 s10, $0x2;
	v0 =	vld [tilespmem:s25+$0x0]  }
0x48a: {  	v1 =	vld [tilespmem:s10+$0x800];
	_ =	sdelay $0x4  }
0x48b: {  	v0 =	vadd.f32 v1, v0;
	_ =	sdelay $0x1  }
0x48c: {  	[tilespmem:s26+$0x0] =	vst v0  }
0x48d: {  	v0 =	vld [tilespmem:s25+$0x10]  }
0x48e: {  	v1 =	vld [tilespmem:s10+$0x810];
	_ =	sdelay $0x4  }
0x48f: {  	v0 =	vadd.f32 v1, v0;
	_ =	sdelay $0x1  }
0x490: {  	[tilespmem:s26+$0x10] =	vst v0  }
0x491: {  	v0 =	vld [tilespmem:s25+$0x20]  }
0x492: {  	v1 =	vld [tilespmem:s10+$0x820];
	_ =	sdelay $0x4  }
0x493: {  	v0 =	vadd.f32 v1, v0;
	_ =	sdelay $0x1  }
0x494: {  	[tilespmem:s26+$0x20] =	vst v0  }
0x495: {  	v0 =	vld [tilespmem:s25+$0x30]  }
0x496: {  	v1 =	vld [tilespmem:s10+$0x830];
	_ =	sdelay $0x4  }
0x497: {  	v0 =	vadd.f32 v1, v0;
	_ =	sdelay $0x1  }
0x498: {  	[tilespmem:s26+$0x30] =	vst v0  }
0x499: {  	s9 =	sshra.s32 s9, $0x2;
	v0 =	vld [tilespmem:s25+$0x80]  }
0x49a: {  	v1 =	vld [tilespmem:s9+$0x800];
	_ =	sdelay $0x4  }
0x49b: {  	v0 =	vadd.f32 v1, v0;
	_ =	sdelay $0x1  }
0x49c: {  	[tilespmem:s26+$0x80] =	vst v0  }
0x49d: {  	v0 =	vld [tilespmem:s25+$0x90]  }
0x49e: {  	v1 =	vld [tilespmem:s9+$0x810];
	_ =	sdelay $0x4  }
0x49f: {  	v0 =	vadd.f32 v1, v0;
	_ =	sdelay $0x1  }
0x4a0: {  	[tilespmem:s26+$0x90] =	vst v0  }
0x4a1: {  	v0 =	vld [tilespmem:s25+$0xA0]  }
0x4a2: {  	v1 =	vld [tilespmem:s9+$0x820];
	_ =	sdelay $0x4  }
0x4a3: {  	v0 =	vadd.f32 v1, v0;
	_ =	sdelay $0x1  }
0x4a4: {  	[tilespmem:s26+$0xA0] =	vst v0  }
0x4a5: {  	v0 =	vld [tilespmem:s25+$0xB0]  }
0x4a6: {  	v1 =	vld [tilespmem:s9+$0x830];
	_ =	sdelay $0x4  }
0x4a7: {  	v0 =	vadd.f32 v1, v0;
	_ =	sdelay $0x1  }
0x4a8: {  	[tilespmem:s26+$0xB0] =	vst v0  }
0x4a9: {  	s8 =	sshra.s32 s8, $0x2;
	v0 =	vld [tilespmem:s25+$0x100]  }
0x4aa: {  	v1 =	vld [tilespmem:s8+$0x800];
	_ =	sdelay $0x4  }
0x4ab: {  	v0 =	vadd.f32 v1, v0;
	_ =	sdelay $0x1  }
0x4ac: {  	[tilespmem:s26+$0x100] =	vst v0  }
0x4ad: {  	v0 =	vld [tilespmem:s25+$0x110]  }
0x4ae: {  	v1 =	vld [tilespmem:s8+$0x810];
	_ =	sdelay $0x4  }
0x4af: {  	v0 =	vadd.f32 v1, v0;
	_ =	sdelay $0x1  }
0x4b0: {  	[tilespmem:s26+$0x110] =	vst v0  }
0x4b1: {  	v0 =	vld [tilespmem:s25+$0x120]  }
0x4b2: {  	v1 =	vld [tilespmem:s8+$0x820];
	_ =	sdelay $0x4  }
0x4b3: {  	v0 =	vadd.f32 v1, v0;
	_ =	sdelay $0x1  }
0x4b4: {  	[tilespmem:s26+$0x120] =	vst v0  }
0x4b5: {  	v0 =	vld [tilespmem:s25+$0x130]  }
0x4b6: {  	v1 =	vld [tilespmem:s8+$0x830];
	_ =	sdelay $0x4  }
.Ltmp4:
0x4b7: {  	v0 =	vadd.f32 v1, v0;
	(pc) =	sbr.rel @p0 .LBB2_10-.Ltmp4, $4  }
0x4b8: {  	_ = 	snop  }
0x4b9: {  	[tilespmem:s26+$0x130] =	vst v0  }
0x4ba: {  	s7 =	sshra.s32 s7, $0x2;
	v0 =	vld [tilespmem:s25+$0x180]  }
0x4bb: {  	v1 =	vld [tilespmem:s7+$0x800]  }
0x4bc: {  	_ =	sdelay $0x3  }
0x4bd: {  	v0 =	vadd.f32 v1, v0;
	_ =	sdelay $0x1  }
0x4be: {  	[tilespmem:s3+$0x180] =	vst v0  }
0x4bf: {  	v0 =	vld [tilespmem:s0+$0x190]  }
0x4c0: {  	v61 =	vld [tilespmem:s7+$0x810];
	_ =	sdelay $0x4  }
0x4c1: {  	v0 =	vadd.f32 v61, v0;
	_ =	sdelay $0x1  }
0x4c2: {  	[tilespmem:s3+$0x190] =	vst v0  }
0x4c3: {  	v0 =	vld [tilespmem:s0+$0x1A0]  }
0x4c4: {  	v62 =	vld [tilespmem:s7+$0x820];
	_ =	sdelay $0x4  }
0x4c5: {  	v0 =	vadd.f32 v62, v0;
	_ =	sdelay $0x1  }
0x4c6: {  	[tilespmem:s3+$0x1A0] =	vst v0  }
0x4c7: {  	v0 =	vld [tilespmem:s0+$0x1B0]  }
0x4c8: {  	v63 =	vld [tilespmem:s7+$0x830];
	_ =	sdelay $0x4  }
0x4c9: {  	v0 =	vadd.f32 v63, v0;
	_ =	sdelay $0x1  }
0x4ca: {  	s30 =	rddreg [dreg:$0x8];
	[tilespmem:s3+$0x1B0] =	vst v0  }
0x4cb: {  	[hbm4b:s30+s5] =	stream.linear.scatter [tilespmem:s20], [sflag:$0x4], $0x4000, $0x38;
	[tilespmem:$0x16C00] =	vst v63  }
0x4cc: {  	_ =	swait.ge [sflag:s28], $0x4000  }
0x4cd: {  	[sflag:s28] =	ssyncset.done $0x0  }
0x4ce: {  	[sflag:s28] =	ssyncadd.s32 $0xFFFFC000  }
0x4cf: {  	_ =	swait.ge [sflag:s23], $0x4000  }
0x4d0: {  	s24 =	sadd.s32 $0x1, s24;
	s31 =	rddreg [dreg:$0x9]  }
0x4d1: {  	p0 =	sne.s32 s24, s31  }
.Ltmp5:
0x4d2: {  	_ = 	snop;
	(pc) =	sbr.rel @p0 .LBB2_1-.Ltmp5, $3  }
0x4d3: {  	_ =	sdelay $0x1  }
0x4d4: {  	[sflag:s23] =	ssyncset.done $0x0  }
0x4d5: {  	[sflag:s23] =	ssyncadd.s32 $0xFFFFC000  }
0x4d6: {  	_ =	sfence.sel $0x180000  }
0x4d7: {  	[bflag:$0x0] =	sbarrier.arrive $0xFFFF  }
0x4d8: {  	_ =	strace $0x90000047  }
0x4d9: {  	s0 =	stileid.u32;
	[bflag:$0x2] =	sbarrier.arrive $0xFFFF  }
0x4da: {  	p0 =	sne.s32 s0, $0x0;
	s0 =	rddreg [dreg:$0x4]  }
0x4db: {  	s0 =	sadd.s32 @!p0 $0x100000, s0  }
0x4dc: {  	[sflag:s0] =	ssyncadd.tile.s32 @!p0 $0x1;
	_ =	shalt  }
.Lfunc_end2:
_tile_overlayer_lowered:
.L_overlay_start_2:
0x4dd: {  	(tag) =	ssettag $0x2  }
0x4de: {  	s0 =	rddreg [dreg:$0x0];
	s2 =	stileid.u32  }
0x4df: {  	s1 =	rddreg [dreg:$0x1];
	p0 =	sne.s32 s2, $0x0  }
0x4e0: {  	s3 =	rddreg [dreg:$0x2];
	[bflag:$0x3] =	sbarrier.arrive $0xFFFF;
	s2 =	simm.s32 @!p0 $0x1C05  }
0x4e1: {  	[timem:s3], [sflag:s2] =	dma.local @!p0 [hbm:s0], s1  }
0x4e2: {  	s0 =	simm.s32 @!p0 $0x5  }
0x4e3: {  	_ =	swait.ge @!p0 [sflag:s0], s1  }
0x4e4: {  	s1 =	ssub.s32 @!p0 $0x0, s1;
	[sflag:s0] =	ssyncset.done @!p0 $0x0  }
0x4e5: {  	[sflag:s0] =	ssyncadd.s32 @!p0 s1  }
0x4e6: {  	[bflag:$0x3] =	sbarrier.arrive $0xFFFF  }
0x4e7: {  	_ =	shalt  }

</sc_bundles>
